<compile_context>
chip_gen: v7x
topology: tpu7x:2x2x1
jax: 0.10.2.dev20260603
libtpu: 0.0.44.dev20260713+nightly
codegen_flags: <defaults>
</compile_context>

<pallas_src>
import functools

import jax
import jax.numpy as jnp
from jax import lax
from jax.experimental import pallas as pl
from jax.experimental.pallas import tpu as pltpu
from jax.experimental.pallas import tpu_sc as plsc

N = 10000
D = 128
E = 320000

NC = 2
NS = 16
NW = NC * NS
B = 64
R = 160
EP = NW * R * B
NP = 10240
RT = NP // NS

@functools.cache
def _sc_mesh():
    return plsc.VectorSubcoreMesh(
        core_axis_name="c", subcore_axis_name="s",
        num_cores=NC, num_subcores=NS)


@functools.cache
def _deg_kernel_fn():
    return functools.partial(
        pl.kernel,
        out_type=jax.ShapeDtypeStruct((2 * NP, D), jnp.float32),
        mesh=_sc_mesh(),
    scratch_types=[
        pltpu.VMEM((B,), jnp.int32),
        pltpu.VMEM((B,), jnp.int32),
        pltpu.VMEM((B, D), jnp.float32),
        pltpu.VMEM_SHARED((NP, D), jnp.float32),
        pltpu.SemaphoreType.DMA,
        pltpu.SemaphoreType.DMA,
        pltpu.SemaphoreType.DMA,
        pltpu.SemaphoreType.DMA,
        ],
    )(_deg_body)


def _deg_body(dst, zerosf, onesf, out,
              id0, id1, ones_v, acc, di0, di1, ss0, ss1):
    cid = lax.axis_index("c")
    sid = lax.axis_index("s")
    wid = sid * NC + cid
    r0 = sid * RT
    e0 = wid * R * B
    pltpu.sync_copy(zerosf.at[pl.ds(r0, RT)], acc.at[pl.ds(r0, RT)])
    pltpu.sync_copy(onesf, ones_v)
    plsc.subcore_barrier()

    pltpu.async_copy(dst.at[pl.ds(e0, B)], id0, di0)
    pltpu.async_copy(dst.at[pl.ds(e0 + B, B)], id1, di1)

    def body(i, carry):
        j0 = 2 * i
        j1 = 2 * i + 1
        pltpu.make_async_copy(dst.at[pl.ds(e0, B)], id0, di0).wait()
        pltpu.async_copy(ones_v, acc.at[id0], ss0, add=True)
        pltpu.make_async_copy(dst.at[pl.ds(e0, B)], id1, di1).wait()
        pltpu.async_copy(ones_v, acc.at[id1], ss1, add=True)
        pltpu.make_async_copy(ones_v, acc.at[id0], ss0).wait()

        @pl.when(j0 + 2 < R)
        def _s0():
            pltpu.async_copy(dst.at[pl.ds(e0 + (j0 + 2) * B, B)], id0, di0)

        pltpu.make_async_copy(ones_v, acc.at[id1], ss1).wait()

        @pl.when(j1 + 2 < R)
        def _s1():
            pltpu.async_copy(dst.at[pl.ds(e0 + (j1 + 2) * B, B)], id1, di1)

        return carry

    lax.fori_loop(0, R // 2, body, 0)
    plsc.subcore_barrier()
    pltpu.sync_copy(acc.at[pl.ds(r0, RT)], out.at[pl.ds(cid * NP + r0, RT)])


QN = NP // 4
QT = QN // NS
C2 = EP // NS // B


@functools.cache
def _edge_kernel_fn():
    return functools.partial(
        pl.kernel,
        out_type=jax.ShapeDtypeStruct((NP, D), jnp.float32),
        mesh=_sc_mesh(),
    scratch_types=[
        [pltpu.VMEM((B,), jnp.int32)] * 4,
        [pltpu.VMEM((B,), jnp.int32)] * 4,
        [pltpu.VMEM((B, D), jnp.float32)] * 2,
        pltpu.VMEM_SHARED((NP, D), jnp.float32),
        pltpu.VMEM_SHARED((QN, D), jnp.float32),
        [pltpu.SemaphoreType.DMA] * 4,
        [pltpu.SemaphoreType.DMA] * 4,
        [pltpu.SemaphoreType.DMA] * 2,
        [pltpu.SemaphoreType.DMA] * 2,
        ],
    )(_edge_body)


def _edge_body(table, src, dst, zerosf, out,
               isv, idv, m, tabs, acc, si, di, gs, ss):
    cid = lax.axis_index("c")
    sid = lax.axis_index("s")
    r0 = sid * RT
    e0 = sid * (EP // NS)
    pltpu.sync_copy(table.at[pl.ds(r0, RT)], tabs.at[pl.ds(r0, RT)])

    def stage(j, k):
        pltpu.async_copy(src.at[pl.ds(e0 + j * B, B)], isv[k], si[k])
        pltpu.async_copy(dst.at[pl.ds(e0 + j * B, B)], idv[k], di[k])

    def wait_stage(k):
        pltpu.make_async_copy(src.at[pl.ds(e0, B)], isv[k], si[k]).wait()
        pltpu.make_async_copy(dst.at[pl.ds(e0, B)], idv[k], di[k]).wait()

    for p in range(2):
        base = (2 * p + cid) * QN
        pltpu.sync_copy(zerosf.at[pl.ds(sid * QT, QT)],
                        acc.at[pl.ds(sid * QT, QT)])
        plsc.subcore_barrier()

        def mask(k, base=base):
            for t in range(B // 16):
                sl = pl.ds(t * 16, 16)
                s16 = isv[k][sl]
                d16 = idv[k][sl]
                keep = (d16 >= base) & (d16 < base + QN)
                isv[k][sl] = jnp.where(keep, s16, -1)
                idv[k][sl] = jnp.where(keep, d16 - base, -1)

        stage(0, 0)
        stage(1, 1)

        def quad(i, carry, base=base):
            for u in range(4):
                j = 4 * i + u
                a = u % 2
                k = u
                kf = (u + 2) % 4

                @pl.when(j >= 2)
                def _drain():
                    pltpu.make_async_copy(m[a], acc.at[
                        plsc.Indices(idv[kf], ignored_value=-1)], ss[a]).wait()

                @pl.when(j + 2 < C2)
                def _restage():
                    stage(j + 2, kf)

                wait_stage(k)
                mask(k)
                pltpu.async_copy(
                    tabs.at[plsc.Indices(isv[k], ignored_value=-1)], m[a],
                    gs[a])
                pltpu.make_async_copy(
                    tabs.at[plsc.Indices(isv[k], ignored_value=-1)], m[a],
                    gs[a]).wait()
                pltpu.async_copy(
                    m[a], acc.at[plsc.Indices(idv[k], ignored_value=-1)],
                    ss[a], add=True)
            return carry

        lax.fori_loop(0, C2 // 4, quad, 0)
        pltpu.make_async_copy(m[0], acc.at[
            plsc.Indices(idv[2], ignored_value=-1)], ss[0]).wait()
        pltpu.make_async_copy(m[1], acc.at[
            plsc.Indices(idv[3], ignored_value=-1)], ss[1]).wait()
        plsc.subcore_barrier()
        pltpu.sync_copy(acc.at[pl.ds(sid * QT, QT)],
                        out.at[pl.ds(base + sid * QT, QT)])



BM = 640


def _dinv(d0_ref, d1_ref):
    deg = d0_ref[:, 0:1] + d1_ref[:, 0:1] + 1.0
    return lax.rsqrt(deg)


def _tc1_body(x_ref, w1_ref, d0_ref, d1_ref, t1_ref):
    t1_ref[:, :] = _dinv(d0_ref, d1_ref) * jnp.dot(
        x_ref[:, :], w1_ref[:, :], preferred_element_type=jnp.float32)


def _tc2_body(s_ref, t1_ref, d0_ref, d1_ref, b1_ref, w2_ref, t2_ref):
    dinv = _dinv(d0_ref, d1_ref)
    h1 = jnp.maximum(
        dinv * (s_ref[:, :] + t1_ref[:, :]) + b1_ref[:, :], 0.0)
    t2_ref[:, :] = dinv * jnp.dot(
        h1, w2_ref[:, :], preferred_element_type=jnp.float32)


def _tc3_body(s_ref, t2_ref, d0_ref, d1_ref, b2_ref, wf_ref, bf_ref,
              x_ref, ws_ref, bs_ref, out_ref):
    dinv = _dinv(d0_ref, d1_ref)
    h2 = jnp.maximum(
        dinv * (s_ref[:, :] + t2_ref[:, :]) + b2_ref[:, :], 0.0)
    out_ref[:, :] = (
        jnp.dot(h2, wf_ref[:, :], preferred_element_type=jnp.float32)
        + bf_ref[:, :]
        + jnp.dot(x_ref[:, :], ws_ref[:, :], preferred_element_type=jnp.float32)
        + bs_ref[:, :])


_feat_spec = pl.BlockSpec((BM, D), lambda i: (i, 0))
_deg_spec = pl.BlockSpec((BM, D), lambda i: (i, 0))
_w_spec = pl.BlockSpec((D, D), lambda i: (0, 0))
_b_spec = pl.BlockSpec((1, D), lambda i: (0, 0))
_GRID = (NP // BM,)
_OUT_F32 = jax.ShapeDtypeStruct((NP, D), jnp.float32)

_tc1 = pl.pallas_call(
    _tc1_body, grid=_GRID,
    in_specs=[_feat_spec, _w_spec, _deg_spec, _deg_spec],
    out_specs=_feat_spec, out_shape=_OUT_F32)

_tc2 = pl.pallas_call(
    _tc2_body, grid=_GRID,
    in_specs=[_feat_spec, _feat_spec, _deg_spec, _deg_spec,
              _b_spec, _w_spec],
    out_specs=_feat_spec, out_shape=_OUT_F32)

_tc3 = pl.pallas_call(
    _tc3_body, grid=_GRID,
    in_specs=[_feat_spec, _feat_spec, _deg_spec, _deg_spec,
              _b_spec, _w_spec, _b_spec, _feat_spec, _w_spec, _b_spec],
    out_specs=_feat_spec, out_shape=_OUT_F32)


def kernel(x, edge_index, W1, b1, W2, b2, W_skip, b_skip, W_final, b_final):
    f32 = jnp.float32
    src = edge_index[0].astype(jnp.int32)
    dst = edge_index[1].astype(jnp.int32)
    pad = EP - E
    src = jnp.concatenate([src, jnp.full((pad,), N, jnp.int32)])
    dst = jnp.concatenate([dst, jnp.full((pad,), N, jnp.int32)])
    xp = jnp.zeros((NP, D), f32).at[:N, :].set(x)
    onesf = jnp.ones((B, D), f32)
    zerosf = jnp.zeros((NP, D), f32)
    b1r = b1.reshape(1, D)
    b2r = b2.reshape(1, D)
    bfr = b_final.reshape(1, D)
    bsr = b_skip.reshape(1, D)

    dd = _deg_kernel_fn()(dst, zerosf, onesf)
    d0, d1 = dd[:NP], dd[NP:]
    t1 = _tc1(xp, W1, d0, d1)
    s1 = _edge_kernel_fn()(t1, src, dst, zerosf)
    t2 = _tc2(s1, t1, d0, d1, b1r, W2)
    s2 = _edge_kernel_fn()(t2, src, dst, zerosf)
    outp = _tc3(s2, t2, d0, d1, b2r, W_final, bfr, xp, W_skip, bsr)
    return outp[:N]

# --- scband reference (transcript-rebuilt; emitter-appended) ---
"""Pipeline reference for scband-traffic-gnn-12893491822880 (READ-ONLY COPY).

The authoritative reference and input builder live on the scoring server;
editing this copy changes nothing except your own understanding.
"""

import jax, jax.numpy as jnp
import numpy as np

N = 10000
E = 320000
DIN = 128
DH = 128
DOUT = 128


def setup_inputs(seed: int = 0) -> dict:
    key = jax.random.key(seed)
    ks = jax.random.split(key, 12)
    x = jax.random.normal(ks[0], (N, DIN), dtype=jnp.float32)
    edge_index = jax.random.randint(ks[1], (2, E), 0, N, dtype=jnp.int64)
    W1 = jax.random.normal(ks[2], (DIN, DH), dtype=jnp.float32) * 0.05
    b1 = jnp.zeros((DH,), dtype=jnp.float32)
    W2 = jax.random.normal(ks[3], (DH, DH), dtype=jnp.float32) * 0.05
    b2 = jnp.zeros((DH,), dtype=jnp.float32)
    W_skip = jax.random.normal(ks[4], (DIN, DOUT), dtype=jnp.float32) * 0.05
    b_skip = jnp.zeros((DOUT,), dtype=jnp.float32)
    W_final = jax.random.normal(ks[5], (DH, DOUT), dtype=jnp.float32) * 0.05
    b_final = jnp.zeros((DOUT,), dtype=jnp.float32)
    return {"x": x, "edge_index": edge_index, "W1": W1, "b1": b1, "W2": W2,
            "b2": b2, "W_skip": W_skip, "b_skip": b_skip, "W_final": W_final,
            "b_final": b_final}


def _gcn_conv(x, src, dst, W, b, num_nodes):
    # GCNConv semantics: h = x @ W; add self loops; symmetric normalization;
    # scatter-add messages to dst; add bias.
    h = x @ W
    ones = jnp.ones_like(dst, dtype=h.dtype)
    deg = jnp.zeros((num_nodes,), dtype=h.dtype).at[dst].add(ones)
    dinv = jnp.where(deg > 0, jax.lax.rsqrt(jnp.maximum(deg, 1e-12)), 0.0)
    norm = dinv[src] * dinv[dst]
    msg = h[src] * norm[:, None]
    out = jnp.zeros((num_nodes, h.shape[1]), dtype=h.dtype).at[dst].add(msg)
    return out + b


def reference(x, edge_index, W1, b1, W2, b2, W_skip, b_skip, W_final, b_final):
    # add self loops once (shared by both conv layers)
    loop = jnp.arange(N, dtype=edge_index.dtype)
    src = jnp.concatenate([edge_index[0], loop])
    dst = jnp.concatenate([edge_index[1], loop])
    h = _gcn_conv(x, src, dst, W1, b1, N)
    h = jax.nn.relu(h)
    # dropout p=0.2 is identity in eval mode (training=False)
    h = _gcn_conv(h, src, dst, W2, b2, N)
    h = jax.nn.relu(h)
    graph_out = h @ W_final + b_final
    skip_out = x @ W_skip + b_skip
    return graph_out + skip_out

if __name__ == "__main__":
    import jax
    _d = setup_inputs()
    print(jax.jit(kernel)(*tuple(_d.values())))

</pallas_src>

<mosaic_0001>
#map = affine_map<(d0, d1) -> (0)>
#map1 = affine_map<(d0, d1) -> (0, 0)>
module attributes {stable_mosaic.version = 14 : i64} {
  func.func @_deg_body(%arg0: i32, %arg1: i32, %arg2: memref<327680xi32, #tpu.memory_space<hbm>>, %arg3: memref<10240x128xf32, #tpu.memory_space<hbm>>, %arg4: memref<64x128xf32, #tpu.memory_space<hbm>>, %arg5: memref<20480x128xf32, #tpu.memory_space<hbm>>, %arg6: memref<64xi32, #tpu.memory_space<vmem>>, %arg7: memref<64xi32, #tpu.memory_space<vmem>>, %arg8: memref<64x128xf32, #tpu.memory_space<vmem>>, %arg9: memref<10240x128xf32, #tpu.memory_space<vmem_shared>>, %arg10: memref<!tpu.dma_semaphore, #tpu.memory_space<semaphore_mem>>, %arg11: memref<!tpu.dma_semaphore, #tpu.memory_space<semaphore_mem>>, %arg12: memref<!tpu.dma_semaphore, #tpu.memory_space<semaphore_mem>>, %arg13: memref<!tpu.dma_semaphore, #tpu.memory_space<semaphore_mem>>) attributes {dimension_semantics = [#tpu.dimension_semantics<core_parallel>, #tpu.dimension_semantics<subcore_parallel>], iteration_bounds = array<i64: 2, 16>, scalar_prefetch = 0 : i64, scratch_operands = 8 : i64, tpu.core_type = #tpu.core_type<sc_vector_subcore>, window_params = [{transform_indices = #map}, {transform_indices = #map1}, {transform_indices = #map1}, {transform_indices = #map1}]} {
    %mul3A = arith.constant 2 : i32
    %mul3A_0 = arith.muli %arg1, %mul3A : i32
    %add3A = arith.addi %mul3A_0, %arg0 : i32
    %mul3A_1 = arith.constant 640 : i32
    %mul3A_2 = arith.muli %arg1, %mul3A_1 : i32
    %mul3A_3 = arith.constant 160 : i32
    %mul3A_4 = arith.muli %add3A, %mul3A_3 : i32
    %mul3A_5 = arith.constant 64 : i32
    %mul3A_6 = arith.muli %mul3A_4, %mul3A_5 : i32
    "tpu.region"() ({
      %run_scoped3A = tpu.sem_alloc : memref<!tpu.dma_semaphore, #tpu.memory_space<semaphore_mem>>
      %dma_start3A_21 = arith.constant 0 : i32
      %dma_start3A_22 = tpu.memref_slice %arg9[%mul3A_2, %dma_start3A_21] : memref<10240x128xf32, #tpu.memory_space<vmem_shared>> -> memref<640x128xf32, #tpu.memory_space<vmem_shared>>
      %dma_start3A_23 = arith.constant 0 : i32
      %dma_start3A_24 = tpu.memref_slice %arg3[%mul3A_2, %dma_start3A_23] : memref<10240x128xf32, #tpu.memory_space<hbm>> -> memref<640x128xf32, #tpu.memory_space<hbm>>
      tpu.enqueue_dma source(%dma_start3A_24 : memref<640x128xf32, #tpu.memory_space<hbm>>) target(%dma_start3A_22 : memref<640x128xf32, #tpu.memory_space<vmem_shared>>) target_semaphore(%run_scoped3A : memref<!tpu.dma_semaphore, #tpu.memory_space<semaphore_mem>>)
      %dma_wait3A = arith.constant 0 : i32
      %dma_wait3A_25 = tpu.memref_slice %arg9[%mul3A_2, %dma_wait3A] : memref<10240x128xf32, #tpu.memory_space<vmem_shared>> -> memref<640x128xf32, #tpu.memory_space<vmem_shared>>
      %dma_wait3A_26 = arith.constant 0 : i32
      %dma_wait3A_27 = tpu.memref_slice %arg3[%mul3A_2, %dma_wait3A_26] : memref<10240x128xf32, #tpu.memory_space<hbm>> -> memref<640x128xf32, #tpu.memory_space<hbm>>
      tpu.wait_dma2 semaphore(%run_scoped3A : memref<!tpu.dma_semaphore, #tpu.memory_space<semaphore_mem>>) src(%dma_wait3A_27 : memref<640x128xf32, #tpu.memory_space<hbm>>) dst(%dma_wait3A_25 : memref<640x128xf32, #tpu.memory_space<vmem_shared>>)
      tpu.yield
    }) : () -> ()
    "tpu.region"() ({
      %run_scoped3A = tpu.sem_alloc : memref<!tpu.dma_semaphore, #tpu.memory_space<semaphore_mem>>
      tpu.enqueue_dma source(%arg4 : memref<64x128xf32, #tpu.memory_space<hbm>>) target(%arg8 : memref<64x128xf32, #tpu.memory_space<vmem>>) target_semaphore(%run_scoped3A : memref<!tpu.dma_semaphore, #tpu.memory_space<semaphore_mem>>)
      tpu.wait_dma2 semaphore(%run_scoped3A : memref<!tpu.dma_semaphore, #tpu.memory_space<semaphore_mem>>) src(%arg4 : memref<64x128xf32, #tpu.memory_space<hbm>>) dst(%arg8 : memref<64x128xf32, #tpu.memory_space<vmem>>)
      tpu.yield
    }) : () -> ()
    %barrier3A = arith.constant 0 : index
    tpu.barrier barrier_id(%barrier3A)
    %dma_start3A = tpu.memref_slice %arg2[%mul3A_6] : memref<327680xi32, #tpu.memory_space<hbm>> -> memref<64xi32, #tpu.memory_space<hbm>>
    %dma_start3A_7 = tpu.memref_slice %arg2[%mul3A_6] : memref<327680xi32, #tpu.memory_space<hbm>> -> memref<64xi32, #tpu.memory_space<hbm>>
    tpu.enqueue_dma source(%dma_start3A_7 : memref<64xi32, #tpu.memory_space<hbm>>) target(%arg6 : memref<64xi32, #tpu.memory_space<vmem>>) target_semaphore(%arg10 : memref<!tpu.dma_semaphore, #tpu.memory_space<semaphore_mem>>)
    %add3A_8 = arith.constant 64 : i32
    %add3A_9 = arith.addi %mul3A_6, %add3A_8 : i32
    %dma_start3A_10 = tpu.memref_slice %arg2[%add3A_9] : memref<327680xi32, #tpu.memory_space<hbm>> -> memref<64xi32, #tpu.memory_space<hbm>>
    %dma_start3A_11 = tpu.memref_slice %arg2[%add3A_9] : memref<327680xi32, #tpu.memory_space<hbm>> -> memref<64xi32, #tpu.memory_space<hbm>>
    tpu.enqueue_dma source(%dma_start3A_11 : memref<64xi32, #tpu.memory_space<hbm>>) target(%arg7 : memref<64xi32, #tpu.memory_space<vmem>>) target_semaphore(%arg11 : memref<!tpu.dma_semaphore, #tpu.memory_space<semaphore_mem>>)
    %scan3A = arith.constant 0 : i32
    %scan3A_12 = arith.constant 0 : i32
    %scan3A_13 = arith.constant 80 : i32
    %scan3A_14 = arith.addi %scan3A_12, %scan3A_13 : i32
    %scan3A_15 = arith.constant 1 : i32
    scf.for %scan3A_21 = %scan3A_12 to %scan3A_14 step %scan3A_15  : i32 {
      %mul3A_22 = arith.constant 2 : i32
      %mul3A_23 = arith.muli %mul3A_22, %scan3A_21 : i32
      %mul3A_24 = arith.constant 2 : i32
      %mul3A_25 = arith.muli %mul3A_24, %scan3A_21 : i32
      %add3A_26 = arith.constant 1 : i32
      %add3A_27 = arith.addi %mul3A_25, %add3A_26 : i32
      %dma_wait3A = tpu.memref_slice %arg2[%mul3A_6] : memref<327680xi32, #tpu.memory_space<hbm>> -> memref<64xi32, #tpu.memory_space<hbm>>
      %dma_wait3A_28 = tpu.memref_slice %arg2[%mul3A_6] : memref<327680xi32, #tpu.memory_space<hbm>> -> memref<64xi32, #tpu.memory_space<hbm>>
      tpu.wait_dma2 semaphore(%arg10 : memref<!tpu.dma_semaphore, #tpu.memory_space<semaphore_mem>>) src(%dma_wait3A_28 : memref<64xi32, #tpu.memory_space<hbm>>) dst(%arg6 : memref<64xi32, #tpu.memory_space<vmem>>)
      %dma_start3A_29 = arith.constant 0 : i32
      %dma_start3A_30 = arith.constant 0 : i32
      %dma_start3A_31 = tpu.memref_slice %arg9[%dma_start3A_29, %dma_start3A_30] : memref<10240x128xf32, #tpu.memory_space<vmem_shared>> -> memref<10240x128xf32, #tpu.memory_space<vmem_shared>>
      tpu.enqueue_indirect_dma source(%arg8 : memref<64x128xf32, #tpu.memory_space<vmem>>) target(%dma_start3A_31 : memref<10240x128xf32, #tpu.memory_space<vmem_shared>>) offsets(%arg6 : memref<64xi32, #tpu.memory_space<vmem>>) semaphore(%arg12 : memref<!tpu.dma_semaphore, #tpu.memory_space<semaphore_mem>>) {add = true}
      %dma_wait3A_32 = tpu.memref_slice %arg2[%mul3A_6] : memref<327680xi32, #tpu.memory_space<hbm>> -> memref<64xi32, #tpu.memory_space<hbm>>
      %dma_wait3A_33 = tpu.memref_slice %arg2[%mul3A_6] : memref<327680xi32, #tpu.memory_space<hbm>> -> memref<64xi32, #tpu.memory_space<hbm>>
      tpu.wait_dma2 semaphore(%arg11 : memref<!tpu.dma_semaphore, #tpu.memory_space<semaphore_mem>>) src(%dma_wait3A_33 : memref<64xi32, #tpu.memory_space<hbm>>) dst(%arg7 : memref<64xi32, #tpu.memory_space<vmem>>)
      %dma_start3A_34 = arith.constant 0 : i32
      %dma_start3A_35 = arith.constant 0 : i32
      %dma_start3A_36 = tpu.memref_slice %arg9[%dma_start3A_34, %dma_start3A_35] : memref<10240x128xf32, #tpu.memory_space<vmem_shared>> -> memref<10240x128xf32, #tpu.memory_space<vmem_shared>>
      tpu.enqueue_indirect_dma source(%arg8 : memref<64x128xf32, #tpu.memory_space<vmem>>) target(%dma_start3A_36 : memref<10240x128xf32, #tpu.memory_space<vmem_shared>>) offsets(%arg7 : memref<64xi32, #tpu.memory_space<vmem>>) semaphore(%arg13 : memref<!tpu.dma_semaphore, #tpu.memory_space<semaphore_mem>>) {add = true}
      %dma_wait3A_37 = arith.constant 0 : i32
      %dma_wait3A_38 = arith.constant 0 : i32
      %dma_wait3A_39 = tpu.memref_slice %arg9[%dma_wait3A_37, %dma_wait3A_38] : memref<10240x128xf32, #tpu.memory_space<vmem_shared>> -> memref<10240x128xf32, #tpu.memory_space<vmem_shared>>
      tpu.wait_indirect_dma semaphore(%arg12 : memref<!tpu.dma_semaphore, #tpu.memory_space<semaphore_mem>>) src(%arg8 : memref<64x128xf32, #tpu.memory_space<vmem>>) dst(%dma_wait3A_39 : memref<10240x128xf32, #tpu.memory_space<vmem_shared>>)
      %add3A_40 = arith.constant 2 : i32
      %add3A_41 = arith.addi %mul3A_23, %add3A_40 : i32
      %lt3A = arith.constant 160 : i32
      %lt3A_42 = arith.cmpi slt, %add3A_41, %lt3A : i32
      %convert_element_type3A = arith.extui %lt3A_42 : i1 to i32
      %cond3A = arith.constant 0 : i32
      %cond3A_43 = arith.cmpi ne, %convert_element_type3A, %cond3A : i32
      scf.if %cond3A_43 {
        %add3A_54 = arith.constant 2 : i32
        %add3A_55 = arith.addi %mul3A_23, %add3A_54 : i32
        %mul3A_56 = arith.constant 64 : i32
        %mul3A_57 = arith.muli %add3A_55, %mul3A_56 : i32
        %add3A_58 = arith.addi %mul3A_6, %mul3A_57 : i32
        %dma_start3A_59 = tpu.memref_slice %arg2[%add3A_58] : memref<327680xi32, #tpu.memory_space<hbm>> -> memref<64xi32, #tpu.memory_space<hbm>>
        %dma_start3A_60 = tpu.memref_slice %arg2[%add3A_58] : memref<327680xi32, #tpu.memory_space<hbm>> -> memref<64xi32, #tpu.memory_space<hbm>>
        tpu.enqueue_dma source(%dma_start3A_60 : memref<64xi32, #tpu.memory_space<hbm>>) target(%arg6 : memref<64xi32, #tpu.memory_space<vmem>>) target_semaphore(%arg10 : memref<!tpu.dma_semaphore, #tpu.memory_space<semaphore_mem>>)
      } else {
      }
      %dma_wait3A_44 = arith.constant 0 : i32
      %dma_wait3A_45 = arith.constant 0 : i32
      %dma_wait3A_46 = tpu.memref_slice %arg9[%dma_wait3A_44, %dma_wait3A_45] : memref<10240x128xf32, #tpu.memory_space<vmem_shared>> -> memref<10240x128xf32, #tpu.memory_space<vmem_shared>>
      tpu.wait_indirect_dma semaphore(%arg13 : memref<!tpu.dma_semaphore, #tpu.memory_space<semaphore_mem>>) src(%arg8 : memref<64x128xf32, #tpu.memory_space<vmem>>) dst(%dma_wait3A_46 : memref<10240x128xf32, #tpu.memory_space<vmem_shared>>)
      %add3A_47 = arith.constant 2 : i32
      %add3A_48 = arith.addi %add3A_27, %add3A_47 : i32
      %lt3A_49 = arith.constant 160 : i32
      %lt3A_50 = arith.cmpi slt, %add3A_48, %lt3A_49 : i32
      %convert_element_type3A_51 = arith.extui %lt3A_50 : i1 to i32
      %cond3A_52 = arith.constant 0 : i32
      %cond3A_53 = arith.cmpi ne, %convert_element_type3A_51, %cond3A_52 : i32
      scf.if %cond3A_53 {
        %add3A_54 = arith.constant 2 : i32
        %add3A_55 = arith.addi %add3A_27, %add3A_54 : i32
        %mul3A_56 = arith.constant 64 : i32
        %mul3A_57 = arith.muli %add3A_55, %mul3A_56 : i32
        %add3A_58 = arith.addi %mul3A_6, %mul3A_57 : i32
        %dma_start3A_59 = tpu.memref_slice %arg2[%add3A_58] : memref<327680xi32, #tpu.memory_space<hbm>> -> memref<64xi32, #tpu.memory_space<hbm>>
        %dma_start3A_60 = tpu.memref_slice %arg2[%add3A_58] : memref<327680xi32, #tpu.memory_space<hbm>> -> memref<64xi32, #tpu.memory_space<hbm>>
        tpu.enqueue_dma source(%dma_start3A_60 : memref<64xi32, #tpu.memory_space<hbm>>) target(%arg7 : memref<64xi32, #tpu.memory_space<vmem>>) target_semaphore(%arg11 : memref<!tpu.dma_semaphore, #tpu.memory_space<semaphore_mem>>)
      } else {
      }
    }
    %scan3A_16 = arith.constant 80 : i32
    %barrier3A_17 = arith.constant 0 : index
    tpu.barrier barrier_id(%barrier3A_17)
    %mul3A_18 = arith.constant 10240 : i32
    %mul3A_19 = arith.muli %arg0, %mul3A_18 : i32
    %add3A_20 = arith.addi %mul3A_19, %mul3A_2 : i32
    "tpu.region"() ({
      %run_scoped3A = tpu.sem_alloc : memref<!tpu.dma_semaphore, #tpu.memory_space<semaphore_mem>>
      %dma_start3A_21 = arith.constant 0 : i32
      %dma_start3A_22 = tpu.memref_slice %arg5[%add3A_20, %dma_start3A_21] : memref<20480x128xf32, #tpu.memory_space<hbm>> -> memref<640x128xf32, #tpu.memory_space<hbm>>
      %dma_start3A_23 = arith.constant 0 : i32
      %dma_start3A_24 = tpu.memref_slice %arg9[%mul3A_2, %dma_start3A_23] : memref<10240x128xf32, #tpu.memory_space<vmem_shared>> -> memref<640x128xf32, #tpu.memory_space<vmem_shared>>
      tpu.enqueue_dma source(%dma_start3A_24 : memref<640x128xf32, #tpu.memory_space<vmem_shared>>) target(%dma_start3A_22 : memref<640x128xf32, #tpu.memory_space<hbm>>) target_semaphore(%run_scoped3A : memref<!tpu.dma_semaphore, #tpu.memory_space<semaphore_mem>>)
      %dma_wait3A = arith.constant 0 : i32
      %dma_wait3A_25 = tpu.memref_slice %arg5[%add3A_20, %dma_wait3A] : memref<20480x128xf32, #tpu.memory_space<hbm>> -> memref<640x128xf32, #tpu.memory_space<hbm>>
      %dma_wait3A_26 = arith.constant 0 : i32
      %dma_wait3A_27 = tpu.memref_slice %arg9[%mul3A_2, %dma_wait3A_26] : memref<10240x128xf32, #tpu.memory_space<vmem_shared>> -> memref<640x128xf32, #tpu.memory_space<vmem_shared>>
      tpu.wait_dma2 semaphore(%run_scoped3A : memref<!tpu.dma_semaphore, #tpu.memory_space<semaphore_mem>>) src(%dma_wait3A_27 : memref<640x128xf32, #tpu.memory_space<vmem_shared>>) dst(%dma_wait3A_25 : memref<640x128xf32, #tpu.memory_space<hbm>>)
      tpu.yield
    }) : () -> ()
    return
  }
}

#map = affine_map<(d0, d1) -> (0, 0)>
#map1 = affine_map<(d0, d1) -> (0)>
module attributes {stable_mosaic.version = 14 : i64} {
  func.func @_edge_body(%arg0: i32, %arg1: i32, %arg2: memref<10240x128xf32, #tpu.memory_space<hbm>>, %arg3: memref<327680xi32, #tpu.memory_space<hbm>>, %arg4: memref<327680xi32, #tpu.memory_space<hbm>>, %arg5: memref<10240x128xf32, #tpu.memory_space<hbm>>, %arg6: memref<10240x128xf32, #tpu.memory_space<hbm>>, %arg7: memref<64xi32, #tpu.memory_space<vmem>>, %arg8: memref<64xi32, #tpu.memory_space<vmem>>, %arg9: memref<64xi32, #tpu.memory_space<vmem>>, %arg10: memref<64xi32, #tpu.memory_space<vmem>>, %arg11: memref<64xi32, #tpu.memory_space<vmem>>, %arg12: memref<64xi32, #tpu.memory_space<vmem>>, %arg13: memref<64xi32, #tpu.memory_space<vmem>>, %arg14: memref<64xi32, #tpu.memory_space<vmem>>, %arg15: memref<64x128xf32, #tpu.memory_space<vmem>>, %arg16: memref<64x128xf32, #tpu.memory_space<vmem>>, %arg17: memref<10240x128xf32, #tpu.memory_space<vmem_shared>>, %arg18: memref<2560x128xf32, #tpu.memory_space<vmem_shared>>, %arg19: memref<!tpu.dma_semaphore, #tpu.memory_space<semaphore_mem>>, %arg20: memref<!tpu.dma_semaphore, #tpu.memory_space<semaphore_mem>>, %arg21: memref<!tpu.dma_semaphore, #tpu.memory_space<semaphore_mem>>, %arg22: memref<!tpu.dma_semaphore, #tpu.memory_space<semaphore_mem>>, %arg23: memref<!tpu.dma_semaphore, #tpu.memory_space<semaphore_mem>>, %arg24: memref<!tpu.dma_semaphore, #tpu.memory_space<semaphore_mem>>, %arg25: memref<!tpu.dma_semaphore, #tpu.memory_space<semaphore_mem>>, %arg26: memref<!tpu.dma_semaphore, #tpu.memory_space<semaphore_mem>>, %arg27: memref<!tpu.dma_semaphore, #tpu.memory_space<semaphore_mem>>, %arg28: memref<!tpu.dma_semaphore, #tpu.memory_space<semaphore_mem>>, %arg29: memref<!tpu.dma_semaphore, #tpu.memory_space<semaphore_mem>>, %arg30: memref<!tpu.dma_semaphore, #tpu.memory_space<semaphore_mem>>) attributes {dimension_semantics = [#tpu.dimension_semantics<core_parallel>, #tpu.dimension_semantics<subcore_parallel>], iteration_bounds = array<i64: 2, 16>, scalar_prefetch = 0 : i64, scratch_operands = 24 : i64, tpu.core_type = #tpu.core_type<sc_vector_subcore>, window_params = [{transform_indices = #map}, {transform_indices = #map1}, {transform_indices = #map1}, {transform_indices = #map}, {transform_indices = #map}]} {
    %mul3A = arith.constant 640 : i32
    %mul3A_0 = arith.muli %arg1, %mul3A : i32
    %mul3A_1 = arith.constant 20480 : i32
    %mul3A_2 = arith.muli %arg1, %mul3A_1 : i32
    "tpu.region"() ({
      %run_scoped3A = tpu.sem_alloc : memref<!tpu.dma_semaphore, #tpu.memory_space<semaphore_mem>>
      %dma_start3A_84 = arith.constant 0 : i32
      %dma_start3A_85 = tpu.memref_slice %arg17[%mul3A_0, %dma_start3A_84] : memref<10240x128xf32, #tpu.memory_space<vmem_shared>> -> memref<640x128xf32, #tpu.memory_space<vmem_shared>>
      %dma_start3A_86 = arith.constant 0 : i32
      %dma_start3A_87 = tpu.memref_slice %arg2[%mul3A_0, %dma_start3A_86] : memref<10240x128xf32, #tpu.memory_space<hbm>> -> memref<640x128xf32, #tpu.memory_space<hbm>>
      tpu.enqueue_dma source(%dma_start3A_87 : memref<640x128xf32, #tpu.memory_space<hbm>>) target(%dma_start3A_85 : memref<640x128xf32, #tpu.memory_space<vmem_shared>>) target_semaphore(%run_scoped3A : memref<!tpu.dma_semaphore, #tpu.memory_space<semaphore_mem>>)
      %dma_wait3A_88 = arith.constant 0 : i32
      %dma_wait3A_89 = tpu.memref_slice %arg17[%mul3A_0, %dma_wait3A_88] : memref<10240x128xf32, #tpu.memory_space<vmem_shared>> -> memref<640x128xf32, #tpu.memory_space<vmem_shared>>
      %dma_wait3A_90 = arith.constant 0 : i32
      %dma_wait3A_91 = tpu.memref_slice %arg2[%mul3A_0, %dma_wait3A_90] : memref<10240x128xf32, #tpu.memory_space<hbm>> -> memref<640x128xf32, #tpu.memory_space<hbm>>
      tpu.wait_dma2 semaphore(%run_scoped3A : memref<!tpu.dma_semaphore, #tpu.memory_space<semaphore_mem>>) src(%dma_wait3A_91 : memref<640x128xf32, #tpu.memory_space<hbm>>) dst(%dma_wait3A_89 : memref<640x128xf32, #tpu.memory_space<vmem_shared>>)
      tpu.yield
    }) : () -> ()
    %add3A = arith.constant 0 : i32
    %add3A_3 = arith.addi %add3A, %arg0 : i32
    %mul3A_4 = arith.constant 2560 : i32
    %mul3A_5 = arith.muli %add3A_3, %mul3A_4 : i32
    %mul3A_6 = arith.constant 160 : i32
    %mul3A_7 = arith.muli %arg1, %mul3A_6 : i32
    %mul3A_8 = arith.constant 160 : i32
    %mul3A_9 = arith.muli %arg1, %mul3A_8 : i32
    "tpu.region"() ({
      %run_scoped3A = tpu.sem_alloc : memref<!tpu.dma_semaphore, #tpu.memory_space<semaphore_mem>>
      %dma_start3A_84 = arith.constant 0 : i32
      %dma_start3A_85 = tpu.memref_slice %arg18[%mul3A_9, %dma_start3A_84] : memref<2560x128xf32, #tpu.memory_space<vmem_shared>> -> memref<160x128xf32, #tpu.memory_space<vmem_shared>>
      %dma_start3A_86 = arith.constant 0 : i32
      %dma_start3A_87 = tpu.memref_slice %arg5[%mul3A_7, %dma_start3A_86] : memref<10240x128xf32, #tpu.memory_space<hbm>> -> memref<160x128xf32, #tpu.memory_space<hbm>>
      tpu.enqueue_dma source(%dma_start3A_87 : memref<160x128xf32, #tpu.memory_space<hbm>>) target(%dma_start3A_85 : memref<160x128xf32, #tpu.memory_space<vmem_shared>>) target_semaphore(%run_scoped3A : memref<!tpu.dma_semaphore, #tpu.memory_space<semaphore_mem>>)
      %dma_wait3A_88 = arith.constant 0 : i32
      %dma_wait3A_89 = tpu.memref_slice %arg18[%mul3A_9, %dma_wait3A_88] : memref<2560x128xf32, #tpu.memory_space<vmem_shared>> -> memref<160x128xf32, #tpu.memory_space<vmem_shared>>
      %dma_wait3A_90 = arith.constant 0 : i32
      %dma_wait3A_91 = tpu.memref_slice %arg5[%mul3A_7, %dma_wait3A_90] : memref<10240x128xf32, #tpu.memory_space<hbm>> -> memref<160x128xf32, #tpu.memory_space<hbm>>
      tpu.wait_dma2 semaphore(%run_scoped3A : memref<!tpu.dma_semaphore, #tpu.memory_space<semaphore_mem>>) src(%dma_wait3A_91 : memref<160x128xf32, #tpu.memory_space<hbm>>) dst(%dma_wait3A_89 : memref<160x128xf32, #tpu.memory_space<vmem_shared>>)
      tpu.yield
    }) : () -> ()
    %barrier3A = arith.constant 0 : index
    tpu.barrier barrier_id(%barrier3A)
    %add3A_10 = arith.constant 0 : i32
    %add3A_11 = arith.addi %mul3A_2, %add3A_10 : i32
    %dma_start3A = tpu.memref_slice %arg3[%add3A_11] : memref<327680xi32, #tpu.memory_space<hbm>> -> memref<64xi32, #tpu.memory_space<hbm>>
    %dma_start3A_12 = tpu.memref_slice %arg3[%add3A_11] : memref<327680xi32, #tpu.memory_space<hbm>> -> memref<64xi32, #tpu.memory_space<hbm>>
    tpu.enqueue_dma source(%dma_start3A_12 : memref<64xi32, #tpu.memory_space<hbm>>) target(%arg7 : memref<64xi32, #tpu.memory_space<vmem>>) target_semaphore(%arg19 : memref<!tpu.dma_semaphore, #tpu.memory_space<semaphore_mem>>)
    %add3A_13 = arith.constant 0 : i32
    %add3A_14 = arith.addi %mul3A_2, %add3A_13 : i32
    %dma_start3A_15 = tpu.memref_slice %arg4[%add3A_14] : memref<327680xi32, #tpu.memory_space<hbm>> -> memref<64xi32, #tpu.memory_space<hbm>>
    %dma_start3A_16 = tpu.memref_slice %arg4[%add3A_14] : memref<327680xi32, #tpu.memory_space<hbm>> -> memref<64xi32, #tpu.memory_space<hbm>>
    tpu.enqueue_dma source(%dma_start3A_16 : memref<64xi32, #tpu.memory_space<hbm>>) target(%arg11 : memref<64xi32, #tpu.memory_space<vmem>>) target_semaphore(%arg23 : memref<!tpu.dma_semaphore, #tpu.memory_space<semaphore_mem>>)
    %add3A_17 = arith.constant 64 : i32
    %add3A_18 = arith.addi %mul3A_2, %add3A_17 : i32
    %dma_start3A_19 = tpu.memref_slice %arg3[%add3A_18] : memref<327680xi32, #tpu.memory_space<hbm>> -> memref<64xi32, #tpu.memory_space<hbm>>
    %dma_start3A_20 = tpu.memref_slice %arg3[%add3A_18] : memref<327680xi32, #tpu.memory_space<hbm>> -> memref<64xi32, #tpu.memory_space<hbm>>
    tpu.enqueue_dma source(%dma_start3A_20 : memref<64xi32, #tpu.memory_space<hbm>>) target(%arg8 : memref<64xi32, #tpu.memory_space<vmem>>) target_semaphore(%arg20 : memref<!tpu.dma_semaphore, #tpu.memory_space<semaphore_mem>>)
    %add3A_21 = arith.constant 64 : i32
    %add3A_22 = arith.addi %mul3A_2, %add3A_21 : i32
    %dma_start3A_23 = tpu.memref_slice %arg4[%add3A_22] : memref<327680xi32, #tpu.memory_space<hbm>> -> memref<64xi32, #tpu.memory_space<hbm>>
    %dma_start3A_24 = tpu.memref_slice %arg4[%add3A_22] : memref<327680xi32, #tpu.memory_space<hbm>> -> memref<64xi32, #tpu.memory_space<hbm>>
    tpu.enqueue_dma source(%dma_start3A_24 : memref<64xi32, #tpu.memory_space<hbm>>) target(%arg12 : memref<64xi32, #tpu.memory_space<vmem>>) target_semaphore(%arg24 : memref<!tpu.dma_semaphore, #tpu.memory_space<semaphore_mem>>)
    %scan3A = arith.constant 0 : i32
    %scan3A_25 = arith.constant 0 : i32
    %scan3A_26 = arith.constant 80 : i32
    %scan3A_27 = arith.addi %scan3A_25, %scan3A_26 : i32
    %scan3A_28 = arith.constant 1 : i32
    scf.for %scan3A_84 = %scan3A_25 to %scan3A_27 step %scan3A_28  : i32 {
      %mul3A_85 = arith.constant 4 : i32
      %mul3A_86 = arith.muli %mul3A_85, %scan3A_84 : i32
      %add3A_87 = arith.constant 0 : i32
      %add3A_88 = arith.addi %mul3A_86, %add3A_87 : i32
      %ge3A = arith.constant 2 : i32
      %ge3A_89 = arith.cmpi sge, %add3A_88, %ge3A : i32
      %convert_element_type3A = arith.extui %ge3A_89 : i1 to i32
      %cond3A = arith.constant 0 : i32
      %cond3A_90 = arith.cmpi ne, %convert_element_type3A, %cond3A : i32
      scf.if %cond3A_90 {
        %dma_wait3A_662 = arith.constant 0 : i32
        %dma_wait3A_663 = arith.constant 0 : i32
        %dma_wait3A_664 = tpu.memref_slice %arg18[%dma_wait3A_662, %dma_wait3A_663] : memref<2560x128xf32, #tpu.memory_space<vmem_shared>> -> memref<2560x128xf32, #tpu.memory_space<vmem_shared>>
        tpu.wait_indirect_dma semaphore(%arg29 : memref<!tpu.dma_semaphore, #tpu.memory_space<semaphore_mem>>) src(%arg15 : memref<64x128xf32, #tpu.memory_space<vmem>>) dst(%dma_wait3A_664 : memref<2560x128xf32, #tpu.memory_space<vmem_shared>>)
      } else {
      }
      %add3A_91 = arith.constant 2 : i32
      %add3A_92 = arith.addi %add3A_88, %add3A_91 : i32
      %lt3A = arith.constant 320 : i32
      %lt3A_93 = arith.cmpi slt, %add3A_92, %lt3A : i32
      %convert_element_type3A_94 = arith.extui %lt3A_93 : i1 to i32
      %cond3A_95 = arith.constant 0 : i32
      %cond3A_96 = arith.cmpi ne, %convert_element_type3A_94, %cond3A_95 : i32
      scf.if %cond3A_96 {
        %add3A_662 = arith.constant 2 : i32
        %add3A_663 = arith.addi %add3A_88, %add3A_662 : i32
        %mul3A_664 = arith.constant 64 : i32
        %mul3A_665 = arith.muli %add3A_663, %mul3A_664 : i32
        %add3A_666 = arith.addi %mul3A_2, %mul3A_665 : i32
        %dma_start3A_667 = tpu.memref_slice %arg3[%add3A_666] : memref<327680xi32, #tpu.memory_space<hbm>> -> memref<64xi32, #tpu.memory_space<hbm>>
        %dma_start3A_668 = tpu.memref_slice %arg3[%add3A_666] : memref<327680xi32, #tpu.memory_space<hbm>> -> memref<64xi32, #tpu.memory_space<hbm>>
        tpu.enqueue_dma source(%dma_start3A_668 : memref<64xi32, #tpu.memory_space<hbm>>) target(%arg9 : memref<64xi32, #tpu.memory_space<vmem>>) target_semaphore(%arg21 : memref<!tpu.dma_semaphore, #tpu.memory_space<semaphore_mem>>)
        %mul3A_669 = arith.constant 64 : i32
        %mul3A_670 = arith.muli %add3A_663, %mul3A_669 : i32
        %add3A_671 = arith.addi %mul3A_2, %mul3A_670 : i32
        %dma_start3A_672 = tpu.memref_slice %arg4[%add3A_671] : memref<327680xi32, #tpu.memory_space<hbm>> -> memref<64xi32, #tpu.memory_space<hbm>>
        %dma_start3A_673 = tpu.memref_slice %arg4[%add3A_671] : memref<327680xi32, #tpu.memory_space<hbm>> -> memref<64xi32, #tpu.memory_space<hbm>>
        tpu.enqueue_dma source(%dma_start3A_673 : memref<64xi32, #tpu.memory_space<hbm>>) target(%arg13 : memref<64xi32, #tpu.memory_space<vmem>>) target_semaphore(%arg25 : memref<!tpu.dma_semaphore, #tpu.memory_space<semaphore_mem>>)
      } else {
      }
      %dma_wait3A_97 = tpu.memref_slice %arg3[%mul3A_2] : memref<327680xi32, #tpu.memory_space<hbm>> -> memref<64xi32, #tpu.memory_space<hbm>>
      %dma_wait3A_98 = tpu.memref_slice %arg3[%mul3A_2] : memref<327680xi32, #tpu.memory_space<hbm>> -> memref<64xi32, #tpu.memory_space<hbm>>
      tpu.wait_dma2 semaphore(%arg19 : memref<!tpu.dma_semaphore, #tpu.memory_space<semaphore_mem>>) src(%dma_wait3A_98 : memref<64xi32, #tpu.memory_space<hbm>>) dst(%arg7 : memref<64xi32, #tpu.memory_space<vmem>>)
      %dma_wait3A_99 = tpu.memref_slice %arg4[%mul3A_2] : memref<327680xi32, #tpu.memory_space<hbm>> -> memref<64xi32, #tpu.memory_space<hbm>>
      %dma_wait3A_100 = tpu.memref_slice %arg4[%mul3A_2] : memref<327680xi32, #tpu.memory_space<hbm>> -> memref<64xi32, #tpu.memory_space<hbm>>
      tpu.wait_dma2 semaphore(%arg23 : memref<!tpu.dma_semaphore, #tpu.memory_space<semaphore_mem>>) src(%dma_wait3A_100 : memref<64xi32, #tpu.memory_space<hbm>>) dst(%arg11 : memref<64xi32, #tpu.memory_space<vmem>>)
      %get3A = arith.constant 0 : index
      %get3A_101 = tpu.vector_load %arg7[%get3A] {strides = array<i32>} : memref<64xi32, #tpu.memory_space<vmem>>, vector<16xi32>,
      %get3A_102 = vector.shape_cast %get3A_101 : vector<16xi32> to vector<16xi32>
      %get3A_103 = arith.constant 0 : index
      %get3A_104 = tpu.vector_load %arg11[%get3A_103] {strides = array<i32>} : memref<64xi32, #tpu.memory_space<vmem>>, vector<16xi32>,
      %get3A_105 = vector.shape_cast %get3A_104 : vector<16xi32> to vector<16xi32>
      %ge3A_106 = vector.broadcast %mul3A_5 : i32 to vector<16xi32>
      %ge3A_107 = arith.cmpi sge, %get3A_105, %ge3A_106 : vector<16xi32>
      %add3A_108 = arith.constant 2560 : i32
      %add3A_109 = arith.addi %mul3A_5, %add3A_108 : i32
      %lt3A_110 = vector.broadcast %add3A_109 : i32 to vector<16xi32>
      %lt3A_111 = arith.cmpi slt, %get3A_105, %lt3A_110 : vector<16xi32>
      %and3A = arith.andi %ge3A_107, %lt3A_111 : vector<16xi1>
      %jit3A = arith.constant -1 : i32
      %broadcast_in_dim3A = vector.broadcast %jit3A : i32 to vector<16xi32>
      %select_n3A = arith.select %and3A, %get3A_102, %broadcast_in_dim3A : vector<16xi1>, vector<16xi32>
      %swap3A = arith.constant 0 : index
      %swap3A_112 = tpu.vector_load %arg7[%swap3A] {strides = array<i32>} : memref<64xi32, #tpu.memory_space<vmem>>, vector<16xi32>,
      %swap3A_113 = vector.shape_cast %swap3A_112 : vector<16xi32> to vector<16xi32>
      %swap3A_114 = vector.shape_cast %select_n3A : vector<16xi32> to vector<16xi32>
      tpu.vector_store %arg7[%swap3A], %swap3A_114 {strides = array<i32>} : memref<64xi32, #tpu.memory_space<vmem>>, vector<16xi32>,
      %sub3A = vector.broadcast %mul3A_5 : i32 to vector<16xi32>
      %sub3A_115 = arith.subi %get3A_105, %sub3A : vector<16xi32>
      %jit3A_116 = arith.constant -1 : i32
      %broadcast_in_dim3A_117 = vector.broadcast %jit3A_116 : i32 to vector<16xi32>
      %select_n3A_118 = arith.select %and3A, %sub3A_115, %broadcast_in_dim3A_117 : vector<16xi1>, vector<16xi32>
      %swap3A_119 = arith.constant 0 : index
      %swap3A_120 = tpu.vector_load %arg11[%swap3A_119] {strides = array<i32>} : memref<64xi32, #tpu.memory_space<vmem>>, vector<16xi32>,
      %swap3A_121 = vector.shape_cast %swap3A_120 : vector<16xi32> to vector<16xi32>
      %swap3A_122 = vector.shape_cast %select_n3A_118 : vector<16xi32> to vector<16xi32>
      tpu.vector_store %arg11[%swap3A_119], %swap3A_122 {strides = array<i32>} : memref<64xi32, #tpu.memory_space<vmem>>, vector<16xi32>,
      %get3A_123 = arith.constant 16 : index
      %get3A_124 = tpu.vector_load %arg7[%get3A_123] {strides = array<i32>} : memref<64xi32, #tpu.memory_space<vmem>>, vector<16xi32>,
      %get3A_125 = vector.shape_cast %get3A_124 : vector<16xi32> to vector<16xi32>
      %get3A_126 = arith.constant 16 : index
      %get3A_127 = tpu.vector_load %arg11[%get3A_126] {strides = array<i32>} : memref<64xi32, #tpu.memory_space<vmem>>, vector<16xi32>,
      %get3A_128 = vector.shape_cast %get3A_127 : vector<16xi32> to vector<16xi32>
      %ge3A_129 = vector.broadcast %mul3A_5 : i32 to vector<16xi32>
      %ge3A_130 = arith.cmpi sge, %get3A_128, %ge3A_129 : vector<16xi32>
      %add3A_131 = arith.constant 2560 : i32
      %add3A_132 = arith.addi %mul3A_5, %add3A_131 : i32
      %lt3A_133 = vector.broadcast %add3A_132 : i32 to vector<16xi32>
      %lt3A_134 = arith.cmpi slt, %get3A_128, %lt3A_133 : vector<16xi32>
      %and3A_135 = arith.andi %ge3A_130, %lt3A_134 : vector<16xi1>
      %jit3A_136 = arith.constant -1 : i32
      %broadcast_in_dim3A_137 = vector.broadcast %jit3A_136 : i32 to vector<16xi32>
      %select_n3A_138 = arith.select %and3A_135, %get3A_125, %broadcast_in_dim3A_137 : vector<16xi1>, vector<16xi32>
      %swap3A_139 = arith.constant 16 : index
      %swap3A_140 = tpu.vector_load %arg7[%swap3A_139] {strides = array<i32>} : memref<64xi32, #tpu.memory_space<vmem>>, vector<16xi32>,
      %swap3A_141 = vector.shape_cast %swap3A_140 : vector<16xi32> to vector<16xi32>
      %swap3A_142 = vector.shape_cast %select_n3A_138 : vector<16xi32> to vector<16xi32>
      tpu.vector_store %arg7[%swap3A_139], %swap3A_142 {strides = array<i32>} : memref<64xi32, #tpu.memory_space<vmem>>, vector<16xi32>,
      %sub3A_143 = vector.broadcast %mul3A_5 : i32 to vector<16xi32>
      %sub3A_144 = arith.subi %get3A_128, %sub3A_143 : vector<16xi32>
      %jit3A_145 = arith.constant -1 : i32
      %broadcast_in_dim3A_146 = vector.broadcast %jit3A_145 : i32 to vector<16xi32>
      %select_n3A_147 = arith.select %and3A_135, %sub3A_144, %broadcast_in_dim3A_146 : vector<16xi1>, vector<16xi32>
      %swap3A_148 = arith.constant 16 : index
      %swap3A_149 = tpu.vector_load %arg11[%swap3A_148] {strides = array<i32>} : memref<64xi32, #tpu.memory_space<vmem>>, vector<16xi32>,
      %swap3A_150 = vector.shape_cast %swap3A_149 : vector<16xi32> to vector<16xi32>
      %swap3A_151 = vector.shape_cast %select_n3A_147 : vector<16xi32> to vector<16xi32>
      tpu.vector_store %arg11[%swap3A_148], %swap3A_151 {strides = array<i32>} : memref<64xi32, #tpu.memory_space<vmem>>, vector<16xi32>,
      %get3A_152 = arith.constant 32 : index
      %get3A_153 = tpu.vector_load %arg7[%get3A_152] {strides = array<i32>} : memref<64xi32, #tpu.memory_space<vmem>>, vector<16xi32>,
      %get3A_154 = vector.shape_cast %get3A_153 : vector<16xi32> to vector<16xi32>
      %get3A_155 = arith.constant 32 : index
      %get3A_156 = tpu.vector_load %arg11[%get3A_155] {strides = array<i32>} : memref<64xi32, #tpu.memory_space<vmem>>, vector<16xi32>,
      %get3A_157 = vector.shape_cast %get3A_156 : vector<16xi32> to vector<16xi32>
      %ge3A_158 = vector.broadcast %mul3A_5 : i32 to vector<16xi32>
      %ge3A_159 = arith.cmpi sge, %get3A_157, %ge3A_158 : vector<16xi32>
      %add3A_160 = arith.constant 2560 : i32
      %add3A_161 = arith.addi %mul3A_5, %add3A_160 : i32
      %lt3A_162 = vector.broadcast %add3A_161 : i32 to vector<16xi32>
      %lt3A_163 = arith.cmpi slt, %get3A_157, %lt3A_162 : vector<16xi32>
      %and3A_164 = arith.andi %ge3A_159, %lt3A_163 : vector<16xi1>
      %jit3A_165 = arith.constant -1 : i32
      %broadcast_in_dim3A_166 = vector.broadcast %jit3A_165 : i32 to vector<16xi32>
      %select_n3A_167 = arith.select %and3A_164, %get3A_154, %broadcast_in_dim3A_166 : vector<16xi1>, vector<16xi32>
      %swap3A_168 = arith.constant 32 : index
      %swap3A_169 = tpu.vector_load %arg7[%swap3A_168] {strides = array<i32>} : memref<64xi32, #tpu.memory_space<vmem>>, vector<16xi32>,
      %swap3A_170 = vector.shape_cast %swap3A_169 : vector<16xi32> to vector<16xi32>
      %swap3A_171 = vector.shape_cast %select_n3A_167 : vector<16xi32> to vector<16xi32>
      tpu.vector_store %arg7[%swap3A_168], %swap3A_171 {strides = array<i32>} : memref<64xi32, #tpu.memory_space<vmem>>, vector<16xi32>,
      %sub3A_172 = vector.broadcast %mul3A_5 : i32 to vector<16xi32>
      %sub3A_173 = arith.subi %get3A_157, %sub3A_172 : vector<16xi32>
      %jit3A_174 = arith.constant -1 : i32
      %broadcast_in_dim3A_175 = vector.broadcast %jit3A_174 : i32 to vector<16xi32>
      %select_n3A_176 = arith.select %and3A_164, %sub3A_173, %broadcast_in_dim3A_175 : vector<16xi1>, vector<16xi32>
      %swap3A_177 = arith.constant 32 : index
      %swap3A_178 = tpu.vector_load %arg11[%swap3A_177] {strides = array<i32>} : memref<64xi32, #tpu.memory_space<vmem>>, vector<16xi32>,
      %swap3A_179 = vector.shape_cast %swap3A_178 : vector<16xi32> to vector<16xi32>
      %swap3A_180 = vector.shape_cast %select_n3A_176 : vector<16xi32> to vector<16xi32>
      tpu.vector_store %arg11[%swap3A_177], %swap3A_180 {strides = array<i32>} : memref<64xi32, #tpu.memory_space<vmem>>, vector<16xi32>,
      %get3A_181 = arith.constant 48 : index
      %get3A_182 = tpu.vector_load %arg7[%get3A_181] {strides = array<i32>} : memref<64xi32, #tpu.memory_space<vmem>>, vector<16xi32>,
      %get3A_183 = vector.shape_cast %get3A_182 : vector<16xi32> to vector<16xi32>
      %get3A_184 = arith.constant 48 : index
      %get3A_185 = tpu.vector_load %arg11[%get3A_184] {strides = array<i32>} : memref<64xi32, #tpu.memory_space<vmem>>, vector<16xi32>,
      %get3A_186 = vector.shape_cast %get3A_185 : vector<16xi32> to vector<16xi32>
      %ge3A_187 = vector.broadcast %mul3A_5 : i32 to vector<16xi32>
      %ge3A_188 = arith.cmpi sge, %get3A_186, %ge3A_187 : vector<16xi32>
      %add3A_189 = arith.constant 2560 : i32
      %add3A_190 = arith.addi %mul3A_5, %add3A_189 : i32
      %lt3A_191 = vector.broadcast %add3A_190 : i32 to vector<16xi32>
      %lt3A_192 = arith.cmpi slt, %get3A_186, %lt3A_191 : vector<16xi32>
      %and3A_193 = arith.andi %ge3A_188, %lt3A_192 : vector<16xi1>
      %jit3A_194 = arith.constant -1 : i32
      %broadcast_in_dim3A_195 = vector.broadcast %jit3A_194 : i32 to vector<16xi32>
      %select_n3A_196 = arith.select %and3A_193, %get3A_183, %broadcast_in_dim3A_195 : vector<16xi1>, vector<16xi32>
      %swap3A_197 = arith.constant 48 : index
      %swap3A_198 = tpu.vector_load %arg7[%swap3A_197] {strides = array<i32>} : memref<64xi32, #tpu.memory_space<vmem>>, vector<16xi32>,
      %swap3A_199 = vector.shape_cast %swap3A_198 : vector<16xi32> to vector<16xi32>
      %swap3A_200 = vector.shape_cast %select_n3A_196 : vector<16xi32> to vector<16xi32>
      tpu.vector_store %arg7[%swap3A_197], %swap3A_200 {strides = array<i32>} : memref<64xi32, #tpu.memory_space<vmem>>, vector<16xi32>,
      %sub3A_201 = vector.broadcast %mul3A_5 : i32 to vector<16xi32>
      %sub3A_202 = arith.subi %get3A_186, %sub3A_201 : vector<16xi32>
      %jit3A_203 = arith.constant -1 : i32
      %broadcast_in_dim3A_204 = vector.broadcast %jit3A_203 : i32 to vector<16xi32>
      %select_n3A_205 = arith.select %and3A_193, %sub3A_202, %broadcast_in_dim3A_204 : vector<16xi1>, vector<16xi32>
      %swap3A_206 = arith.constant 48 : index
      %swap3A_207 = tpu.vector_load %arg11[%swap3A_206] {strides = array<i32>} : memref<64xi32, #tpu.memory_space<vmem>>, vector<16xi32>,
      %swap3A_208 = vector.shape_cast %swap3A_207 : vector<16xi32> to vector<16xi32>
      %swap3A_209 = vector.shape_cast %select_n3A_205 : vector<16xi32> to vector<16xi32>
      tpu.vector_store %arg11[%swap3A_206], %swap3A_209 {strides = array<i32>} : memref<64xi32, #tpu.memory_space<vmem>>, vector<16xi32>,
      %dma_start3A_210 = arith.constant 0 : i32
      %dma_start3A_211 = arith.constant 0 : i32
      %dma_start3A_212 = tpu.memref_slice %arg17[%dma_start3A_210, %dma_start3A_211] : memref<10240x128xf32, #tpu.memory_space<vmem_shared>> -> memref<10240x128xf32, #tpu.memory_space<vmem_shared>>
      %dma_start3A_213 = arith.constant -1 : i32
      tpu.enqueue_indirect_dma source(%dma_start3A_212 : memref<10240x128xf32, #tpu.memory_space<vmem_shared>>) target(%arg15 : memref<64x128xf32, #tpu.memory_space<vmem>>) offsets(%arg7 : memref<64xi32, #tpu.memory_space<vmem>>) offset_filter(%dma_start3A_213) semaphore(%arg27 : memref<!tpu.dma_semaphore, #tpu.memory_space<semaphore_mem>>)
      %dma_wait3A_214 = arith.constant 0 : i32
      %dma_wait3A_215 = arith.constant 0 : i32
      %dma_wait3A_216 = tpu.memref_slice %arg17[%dma_wait3A_214, %dma_wait3A_215] : memref<10240x128xf32, #tpu.memory_space<vmem_shared>> -> memref<10240x128xf32, #tpu.memory_space<vmem_shared>>
      tpu.wait_indirect_dma semaphore(%arg27 : memref<!tpu.dma_semaphore, #tpu.memory_space<semaphore_mem>>) src(%dma_wait3A_216 : memref<10240x128xf32, #tpu.memory_space<vmem_shared>>) dst(%arg15 : memref<64x128xf32, #tpu.memory_space<vmem>>)
      %dma_start3A_217 = arith.constant 0 : i32
      %dma_start3A_218 = arith.constant 0 : i32
      %dma_start3A_219 = tpu.memref_slice %arg18[%dma_start3A_217, %dma_start3A_218] : memref<2560x128xf32, #tpu.memory_space<vmem_shared>> -> memref<2560x128xf32, #tpu.memory_space<vmem_shared>>
      %dma_start3A_220 = arith.constant -1 : i32
      tpu.enqueue_indirect_dma source(%arg15 : memref<64x128xf32, #tpu.memory_space<vmem>>) target(%dma_start3A_219 : memref<2560x128xf32, #tpu.memory_space<vmem_shared>>) offsets(%arg11 : memref<64xi32, #tpu.memory_space<vmem>>) offset_filter(%dma_start3A_220) semaphore(%arg29 : memref<!tpu.dma_semaphore, #tpu.memory_space<semaphore_mem>>) {add = true}
      %mul3A_221 = arith.constant 4 : i32
      %mul3A_222 = arith.muli %mul3A_221, %scan3A_84 : i32
      %add3A_223 = arith.constant 1 : i32
      %add3A_224 = arith.addi %mul3A_222, %add3A_223 : i32
      %ge3A_225 = arith.constant 2 : i32
      %ge3A_226 = arith.cmpi sge, %add3A_224, %ge3A_225 : i32
      %convert_element_type3A_227 = arith.extui %ge3A_226 : i1 to i32
      %cond3A_228 = arith.constant 0 : i32
      %cond3A_229 = arith.cmpi ne, %convert_element_type3A_227, %cond3A_228 : i32
      scf.if %cond3A_229 {
        %dma_wait3A_662 = arith.constant 0 : i32
        %dma_wait3A_663 = arith.constant 0 : i32
        %dma_wait3A_664 = tpu.memref_slice %arg18[%dma_wait3A_662, %dma_wait3A_663] : memref<2560x128xf32, #tpu.memory_space<vmem_shared>> -> memref<2560x128xf32, #tpu.memory_space<vmem_shared>>
        tpu.wait_indirect_dma semaphore(%arg30 : memref<!tpu.dma_semaphore, #tpu.memory_space<semaphore_mem>>) src(%arg16 : memref<64x128xf32, #tpu.memory_space<vmem>>) dst(%dma_wait3A_664 : memref<2560x128xf32, #tpu.memory_space<vmem_shared>>)
      } else {
      }
      %add3A_230 = arith.constant 2 : i32
      %add3A_231 = arith.addi %add3A_224, %add3A_230 : i32
      %lt3A_232 = arith.constant 320 : i32
      %lt3A_233 = arith.cmpi slt, %add3A_231, %lt3A_232 : i32
      %convert_element_type3A_234 = arith.extui %lt3A_233 : i1 to i32
      %cond3A_235 = arith.constant 0 : i32
      %cond3A_236 = arith.cmpi ne, %convert_element_type3A_234, %cond3A_235 : i32
      scf.if %cond3A_236 {
        %add3A_662 = arith.constant 2 : i32
        %add3A_663 = arith.addi %add3A_224, %add3A_662 : i32
        %mul3A_664 = arith.constant 64 : i32
        %mul3A_665 = arith.muli %add3A_663, %mul3A_664 : i32
        %add3A_666 = arith.addi %mul3A_2, %mul3A_665 : i32
        %dma_start3A_667 = tpu.memref_slice %arg3[%add3A_666] : memref<327680xi32, #tpu.memory_space<hbm>> -> memref<64xi32, #tpu.memory_space<hbm>>
        %dma_start3A_668 = tpu.memref_slice %arg3[%add3A_666] : memref<327680xi32, #tpu.memory_space<hbm>> -> memref<64xi32, #tpu.memory_space<hbm>>
        tpu.enqueue_dma source(%dma_start3A_668 : memref<64xi32, #tpu.memory_space<hbm>>) target(%arg10 : memref<64xi32, #tpu.memory_space<vmem>>) target_semaphore(%arg22 : memref<!tpu.dma_semaphore, #tpu.memory_space<semaphore_mem>>)
        %mul3A_669 = arith.constant 64 : i32
        %mul3A_670 = arith.muli %add3A_663, %mul3A_669 : i32
        %add3A_671 = arith.addi %mul3A_2, %mul3A_670 : i32
        %dma_start3A_672 = tpu.memref_slice %arg4[%add3A_671] : memref<327680xi32, #tpu.memory_space<hbm>> -> memref<64xi32, #tpu.memory_space<hbm>>
        %dma_start3A_673 = tpu.memref_slice %arg4[%add3A_671] : memref<327680xi32, #tpu.memory_space<hbm>> -> memref<64xi32, #tpu.memory_space<hbm>>
        tpu.enqueue_dma source(%dma_start3A_673 : memref<64xi32, #tpu.memory_space<hbm>>) target(%arg14 : memref<64xi32, #tpu.memory_space<vmem>>) target_semaphore(%arg26 : memref<!tpu.dma_semaphore, #tpu.memory_space<semaphore_mem>>)
      } else {
      }
      %dma_wait3A_237 = tpu.memref_slice %arg3[%mul3A_2] : memref<327680xi32, #tpu.memory_space<hbm>> -> memref<64xi32, #tpu.memory_space<hbm>>
      %dma_wait3A_238 = tpu.memref_slice %arg3[%mul3A_2] : memref<327680xi32, #tpu.memory_space<hbm>> -> memref<64xi32, #tpu.memory_space<hbm>>
      tpu.wait_dma2 semaphore(%arg20 : memref<!tpu.dma_semaphore, #tpu.memory_space<semaphore_mem>>) src(%dma_wait3A_238 : memref<64xi32, #tpu.memory_space<hbm>>) dst(%arg8 : memref<64xi32, #tpu.memory_space<vmem>>)
      %dma_wait3A_239 = tpu.memref_slice %arg4[%mul3A_2] : memref<327680xi32, #tpu.memory_space<hbm>> -> memref<64xi32, #tpu.memory_space<hbm>>
      %dma_wait3A_240 = tpu.memref_slice %arg4[%mul3A_2] : memref<327680xi32, #tpu.memory_space<hbm>> -> memref<64xi32, #tpu.memory_space<hbm>>
      tpu.wait_dma2 semaphore(%arg24 : memref<!tpu.dma_semaphore, #tpu.memory_space<semaphore_mem>>) src(%dma_wait3A_240 : memref<64xi32, #tpu.memory_space<hbm>>) dst(%arg12 : memref<64xi32, #tpu.memory_space<vmem>>)
      %get3A_241 = arith.constant 0 : index
      %get3A_242 = tpu.vector_load %arg8[%get3A_241] {strides = array<i32>} : memref<64xi32, #tpu.memory_space<vmem>>, vector<16xi32>,
      %get3A_243 = vector.shape_cast %get3A_242 : vector<16xi32> to vector<16xi32>
      %get3A_244 = arith.constant 0 : index
      %get3A_245 = tpu.vector_load %arg12[%get3A_244] {strides = array<i32>} : memref<64xi32, #tpu.memory_space<vmem>>, vector<16xi32>,
      %get3A_246 = vector.shape_cast %get3A_245 : vector<16xi32> to vector<16xi32>
      %ge3A_247 = vector.broadcast %mul3A_5 : i32 to vector<16xi32>
      %ge3A_248 = arith.cmpi sge, %get3A_246, %ge3A_247 : vector<16xi32>
      %add3A_249 = arith.constant 2560 : i32
      %add3A_250 = arith.addi %mul3A_5, %add3A_249 : i32
      %lt3A_251 = vector.broadcast %add3A_250 : i32 to vector<16xi32>
      %lt3A_252 = arith.cmpi slt, %get3A_246, %lt3A_251 : vector<16xi32>
      %and3A_253 = arith.andi %ge3A_248, %lt3A_252 : vector<16xi1>
      %jit3A_254 = arith.constant -1 : i32
      %broadcast_in_dim3A_255 = vector.broadcast %jit3A_254 : i32 to vector<16xi32>
      %select_n3A_256 = arith.select %and3A_253, %get3A_243, %broadcast_in_dim3A_255 : vector<16xi1>, vector<16xi32>
      %swap3A_257 = arith.constant 0 : index
      %swap3A_258 = tpu.vector_load %arg8[%swap3A_257] {strides = array<i32>} : memref<64xi32, #tpu.memory_space<vmem>>, vector<16xi32>,
      %swap3A_259 = vector.shape_cast %swap3A_258 : vector<16xi32> to vector<16xi32>
      %swap3A_260 = vector.shape_cast %select_n3A_256 : vector<16xi32> to vector<16xi32>
      tpu.vector_store %arg8[%swap3A_257], %swap3A_260 {strides = array<i32>} : memref<64xi32, #tpu.memory_space<vmem>>, vector<16xi32>,
      %sub3A_261 = vector.broadcast %mul3A_5 : i32 to vector<16xi32>
      %sub3A_262 = arith.subi %get3A_246, %sub3A_261 : vector<16xi32>
      %jit3A_263 = arith.constant -1 : i32
      %broadcast_in_dim3A_264 = vector.broadcast %jit3A_263 : i32 to vector<16xi32>
      %select_n3A_265 = arith.select %and3A_253, %sub3A_262, %broadcast_in_dim3A_264 : vector<16xi1>, vector<16xi32>
      %swap3A_266 = arith.constant 0 : index
      %swap3A_267 = tpu.vector_load %arg12[%swap3A_266] {strides = array<i32>} : memref<64xi32, #tpu.memory_space<vmem>>, vector<16xi32>,
      %swap3A_268 = vector.shape_cast %swap3A_267 : vector<16xi32> to vector<16xi32>
      %swap3A_269 = vector.shape_cast %select_n3A_265 : vector<16xi32> to vector<16xi32>
      tpu.vector_store %arg12[%swap3A_266], %swap3A_269 {strides = array<i32>} : memref<64xi32, #tpu.memory_space<vmem>>, vector<16xi32>,
      %get3A_270 = arith.constant 16 : index
      %get3A_271 = tpu.vector_load %arg8[%get3A_270] {strides = array<i32>} : memref<64xi32, #tpu.memory_space<vmem>>, vector<16xi32>,
      %get3A_272 = vector.shape_cast %get3A_271 : vector<16xi32> to vector<16xi32>
      %get3A_273 = arith.constant 16 : index
      %get3A_274 = tpu.vector_load %arg12[%get3A_273] {strides = array<i32>} : memref<64xi32, #tpu.memory_space<vmem>>, vector<16xi32>,
      %get3A_275 = vector.shape_cast %get3A_274 : vector<16xi32> to vector<16xi32>
      %ge3A_276 = vector.broadcast %mul3A_5 : i32 to vector<16xi32>
      %ge3A_277 = arith.cmpi sge, %get3A_275, %ge3A_276 : vector<16xi32>
      %add3A_278 = arith.constant 2560 : i32
      %add3A_279 = arith.addi %mul3A_5, %add3A_278 : i32
      %lt3A_280 = vector.broadcast %add3A_279 : i32 to vector<16xi32>
      %lt3A_281 = arith.cmpi slt, %get3A_275, %lt3A_280 : vector<16xi32>
      %and3A_282 = arith.andi %ge3A_277, %lt3A_281 : vector<16xi1>
      %jit3A_283 = arith.constant -1 : i32
      %broadcast_in_dim3A_284 = vector.broadcast %jit3A_283 : i32 to vector<16xi32>
      %select_n3A_285 = arith.select %and3A_282, %get3A_272, %broadcast_in_dim3A_284 : vector<16xi1>, vector<16xi32>
      %swap3A_286 = arith.constant 16 : index
      %swap3A_287 = tpu.vector_load %arg8[%swap3A_286] {strides = array<i32>} : memref<64xi32, #tpu.memory_space<vmem>>, vector<16xi32>,
      %swap3A_288 = vector.shape_cast %swap3A_287 : vector<16xi32> to vector<16xi32>
      %swap3A_289 = vector.shape_cast %select_n3A_285 : vector<16xi32> to vector<16xi32>
      tpu.vector_store %arg8[%swap3A_286], %swap3A_289 {strides = array<i32>} : memref<64xi32, #tpu.memory_space<vmem>>, vector<16xi32>,
      %sub3A_290 = vector.broadcast %mul3A_5 : i32 to vector<16xi32>
      %sub3A_291 = arith.subi %get3A_275, %sub3A_290 : vector<16xi32>
      %jit3A_292 = arith.constant -1 : i32
      %broadcast_in_dim3A_293 = vector.broadcast %jit3A_292 : i32 to vector<16xi32>
      %select_n3A_294 = arith.select %and3A_282, %sub3A_291, %broadcast_in_dim3A_293 : vector<16xi1>, vector<16xi32>
      %swap3A_295 = arith.constant 16 : index
      %swap3A_296 = tpu.vector_load %arg12[%swap3A_295] {strides = array<i32>} : memref<64xi32, #tpu.memory_space<vmem>>, vector<16xi32>,
      %swap3A_297 = vector.shape_cast %swap3A_296 : vector<16xi32> to vector<16xi32>
      %swap3A_298 = vector.shape_cast %select_n3A_294 : vector<16xi32> to vector<16xi32>
      tpu.vector_store %arg12[%swap3A_295], %swap3A_298 {strides = array<i32>} : memref<64xi32, #tpu.memory_space<vmem>>, vector<16xi32>,
      %get3A_299 = arith.constant 32 : index
      %get3A_300 = tpu.vector_load %arg8[%get3A_299] {strides = array<i32>} : memref<64xi32, #tpu.memory_space<vmem>>, vector<16xi32>,
      %get3A_301 = vector.shape_cast %get3A_300 : vector<16xi32> to vector<16xi32>
      %get3A_302 = arith.constant 32 : index
      %get3A_303 = tpu.vector_load %arg12[%get3A_302] {strides = array<i32>} : memref<64xi32, #tpu.memory_space<vmem>>, vector<16xi32>,
      %get3A_304 = vector.shape_cast %get3A_303 : vector<16xi32> to vector<16xi32>
      %ge3A_305 = vector.broadcast %mul3A_5 : i32 to vector<16xi32>
      %ge3A_306 = arith.cmpi sge, %get3A_304, %ge3A_305 : vector<16xi32>
      %add3A_307 = arith.constant 2560 : i32
      %add3A_308 = arith.addi %mul3A_5, %add3A_307 : i32
      %lt3A_309 = vector.broadcast %add3A_308 : i32 to vector<16xi32>
      %lt3A_310 = arith.cmpi slt, %get3A_304, %lt3A_309 : vector<16xi32>
      %and3A_311 = arith.andi %ge3A_306, %lt3A_310 : vector<16xi1>
      %jit3A_312 = arith.constant -1 : i32
      %broadcast_in_dim3A_313 = vector.broadcast %jit3A_312 : i32 to vector<16xi32>
      %select_n3A_314 = arith.select %and3A_311, %get3A_301, %broadcast_in_dim3A_313 : vector<16xi1>, vector<16xi32>
      %swap3A_315 = arith.constant 32 : index
      %swap3A_316 = tpu.vector_load %arg8[%swap3A_315] {strides = array<i32>} : memref<64xi32, #tpu.memory_space<vmem>>, vector<16xi32>,
      %swap3A_317 = vector.shape_cast %swap3A_316 : vector<16xi32> to vector<16xi32>
      %swap3A_318 = vector.shape_cast %select_n3A_314 : vector<16xi32> to vector<16xi32>
      tpu.vector_store %arg8[%swap3A_315], %swap3A_318 {strides = array<i32>} : memref<64xi32, #tpu.memory_space<vmem>>, vector<16xi32>,
      %sub3A_319 = vector.broadcast %mul3A_5 : i32 to vector<16xi32>
      %sub3A_320 = arith.subi %get3A_304, %sub3A_319 : vector<16xi32>
      %jit3A_321 = arith.constant -1 : i32
      %broadcast_in_dim3A_322 = vector.broadcast %jit3A_321 : i32 to vector<16xi32>
      %select_n3A_323 = arith.select %and3A_311, %sub3A_320, %broadcast_in_dim3A_322 : vector<16xi1>, vector<16xi32>
      %swap3A_324 = arith.constant 32 : index
      %swap3A_325 = tpu.vector_load %arg12[%swap3A_324] {strides = array<i32>} : memref<64xi32, #tpu.memory_space<vmem>>, vector<16xi32>,
      %swap3A_326 = vector.shape_cast %swap3A_325 : vector<16xi32> to vector<16xi32>
      %swap3A_327 = vector.shape_cast %select_n3A_323 : vector<16xi32> to vector<16xi32>
      tpu.vector_store %arg12[%swap3A_324], %swap3A_327 {strides = array<i32>} : memref<64xi32, #tpu.memory_space<vmem>>, vector<16xi32>,
      %get3A_328 = arith.constant 48 : index
      %get3A_329 = tpu.vector_load %arg8[%get3A_328] {strides = array<i32>} : memref<64xi32, #tpu.memory_space<vmem>>, vector<16xi32>,
      %get3A_330 = vector.shape_cast %get3A_329 : vector<16xi32> to vector<16xi32>
      %get3A_331 = arith.constant 48 : index
      %get3A_332 = tpu.vector_load %arg12[%get3A_331] {strides = array<i32>} : memref<64xi32, #tpu.memory_space<vmem>>, vector<16xi32>,
      %get3A_333 = vector.shape_cast %get3A_332 : vector<16xi32> to vector<16xi32>
      %ge3A_334 = vector.broadcast %mul3A_5 : i32 to vector<16xi32>
      %ge3A_335 = arith.cmpi sge, %get3A_333, %ge3A_334 : vector<16xi32>
      %add3A_336 = arith.constant 2560 : i32
      %add3A_337 = arith.addi %mul3A_5, %add3A_336 : i32
      %lt3A_338 = vector.broadcast %add3A_337 : i32 to vector<16xi32>
      %lt3A_339 = arith.cmpi slt, %get3A_333, %lt3A_338 : vector<16xi32>
      %and3A_340 = arith.andi %ge3A_335, %lt3A_339 : vector<16xi1>
      %jit3A_341 = arith.constant -1 : i32
      %broadcast_in_dim3A_342 = vector.broadcast %jit3A_341 : i32 to vector<16xi32>
      %select_n3A_343 = arith.select %and3A_340, %get3A_330, %broadcast_in_dim3A_342 : vector<16xi1>, vector<16xi32>
      %swap3A_344 = arith.constant 48 : index
      %swap3A_345 = tpu.vector_load %arg8[%swap3A_344] {strides = array<i32>} : memref<64xi32, #tpu.memory_space<vmem>>, vector<16xi32>,
      %swap3A_346 = vector.shape_cast %swap3A_345 : vector<16xi32> to vector<16xi32>
      %swap3A_347 = vector.shape_cast %select_n3A_343 : vector<16xi32> to vector<16xi32>
      tpu.vector_store %arg8[%swap3A_344], %swap3A_347 {strides = array<i32>} : memref<64xi32, #tpu.memory_space<vmem>>, vector<16xi32>,
      %sub3A_348 = vector.broadcast %mul3A_5 : i32 to vector<16xi32>
      %sub3A_349 = arith.subi %get3A_333, %sub3A_348 : vector<16xi32>
      %jit3A_350 = arith.constant -1 : i32
      %broadcast_in_dim3A_351 = vector.broadcast %jit3A_350 : i32 to vector<16xi32>
      %select_n3A_352 = arith.select %and3A_340, %sub3A_349, %broadcast_in_dim3A_351 : vector<16xi1>, vector<16xi32>
      %swap3A_353 = arith.constant 48 : index
      %swap3A_354 = tpu.vector_load %arg12[%swap3A_353] {strides = array<i32>} : memref<64xi32, #tpu.memory_space<vmem>>, vector<16xi32>,
      %swap3A_355 = vector.shape_cast %swap3A_354 : vector<16xi32> to vector<16xi32>
      %swap3A_356 = vector.shape_cast %select_n3A_352 : vector<16xi32> to vector<16xi32>
      tpu.vector_store %arg12[%swap3A_353], %swap3A_356 {strides = array<i32>} : memref<64xi32, #tpu.memory_space<vmem>>, vector<16xi32>,
      %dma_start3A_357 = arith.constant 0 : i32
      %dma_start3A_358 = arith.constant 0 : i32
      %dma_start3A_359 = tpu.memref_slice %arg17[%dma_start3A_357, %dma_start3A_358] : memref<10240x128xf32, #tpu.memory_space<vmem_shared>> -> memref<10240x128xf32, #tpu.memory_space<vmem_shared>>
      %dma_start3A_360 = arith.constant -1 : i32
      tpu.enqueue_indirect_dma source(%dma_start3A_359 : memref<10240x128xf32, #tpu.memory_space<vmem_shared>>) target(%arg16 : memref<64x128xf32, #tpu.memory_space<vmem>>) offsets(%arg8 : memref<64xi32, #tpu.memory_space<vmem>>) offset_filter(%dma_start3A_360) semaphore(%arg28 : memref<!tpu.dma_semaphore, #tpu.memory_space<semaphore_mem>>)
      %dma_wait3A_361 = arith.constant 0 : i32
      %dma_wait3A_362 = arith.constant 0 : i32
      %dma_wait3A_363 = tpu.memref_slice %arg17[%dma_wait3A_361, %dma_wait3A_362] : memref<10240x128xf32, #tpu.memory_space<vmem_shared>> -> memref<10240x128xf32, #tpu.memory_space<vmem_shared>>
      tpu.wait_indirect_dma semaphore(%arg28 : memref<!tpu.dma_semaphore, #tpu.memory_space<semaphore_mem>>) src(%dma_wait3A_363 : memref<10240x128xf32, #tpu.memory_space<vmem_shared>>) dst(%arg16 : memref<64x128xf32, #tpu.memory_space<vmem>>)
      %dma_start3A_364 = arith.constant 0 : i32
      %dma_start3A_365 = arith.constant 0 : i32
      %dma_start3A_366 = tpu.memref_slice %arg18[%dma_start3A_364, %dma_start3A_365] : memref<2560x128xf32, #tpu.memory_space<vmem_shared>> -> memref<2560x128xf32, #tpu.memory_space<vmem_shared>>
      %dma_start3A_367 = arith.constant -1 : i32
      tpu.enqueue_indirect_dma source(%arg16 : memref<64x128xf32, #tpu.memory_space<vmem>>) target(%dma_start3A_366 : memref<2560x128xf32, #tpu.memory_space<vmem_shared>>) offsets(%arg12 : memref<64xi32, #tpu.memory_space<vmem>>) offset_filter(%dma_start3A_367) semaphore(%arg30 : memref<!tpu.dma_semaphore, #tpu.memory_space<semaphore_mem>>) {add = true}
      %mul3A_368 = arith.constant 4 : i32
      %mul3A_369 = arith.muli %mul3A_368, %scan3A_84 : i32
      %add3A_370 = arith.constant 2 : i32
      %add3A_371 = arith.addi %mul3A_369, %add3A_370 : i32
      %ge3A_372 = arith.constant 2 : i32
      %ge3A_373 = arith.cmpi sge, %add3A_371, %ge3A_372 : i32
      %convert_element_type3A_374 = arith.extui %ge3A_373 : i1 to i32
      %cond3A_375 = arith.constant 0 : i32
      %cond3A_376 = arith.cmpi ne, %convert_element_type3A_374, %cond3A_375 : i32
      scf.if %cond3A_376 {
        %dma_wait3A_662 = arith.constant 0 : i32
        %dma_wait3A_663 = arith.constant 0 : i32
        %dma_wait3A_664 = tpu.memref_slice %arg18[%dma_wait3A_662, %dma_wait3A_663] : memref<2560x128xf32, #tpu.memory_space<vmem_shared>> -> memref<2560x128xf32, #tpu.memory_space<vmem_shared>>
        tpu.wait_indirect_dma semaphore(%arg29 : memref<!tpu.dma_semaphore, #tpu.memory_space<semaphore_mem>>) src(%arg15 : memref<64x128xf32, #tpu.memory_space<vmem>>) dst(%dma_wait3A_664 : memref<2560x128xf32, #tpu.memory_space<vmem_shared>>)
      } else {
      }
      %add3A_377 = arith.constant 2 : i32
      %add3A_378 = arith.addi %add3A_371, %add3A_377 : i32
      %lt3A_379 = arith.constant 320 : i32
      %lt3A_380 = arith.cmpi slt, %add3A_378, %lt3A_379 : i32
      %convert_element_type3A_381 = arith.extui %lt3A_380 : i1 to i32
      %cond3A_382 = arith.constant 0 : i32
      %cond3A_383 = arith.cmpi ne, %convert_element_type3A_381, %cond3A_382 : i32
      scf.if %cond3A_383 {
        %add3A_662 = arith.constant 2 : i32
        %add3A_663 = arith.addi %add3A_371, %add3A_662 : i32
        %mul3A_664 = arith.constant 64 : i32
        %mul3A_665 = arith.muli %add3A_663, %mul3A_664 : i32
        %add3A_666 = arith.addi %mul3A_2, %mul3A_665 : i32
        %dma_start3A_667 = tpu.memref_slice %arg3[%add3A_666] : memref<327680xi32, #tpu.memory_space<hbm>> -> memref<64xi32, #tpu.memory_space<hbm>>
        %dma_start3A_668 = tpu.memref_slice %arg3[%add3A_666] : memref<327680xi32, #tpu.memory_space<hbm>> -> memref<64xi32, #tpu.memory_space<hbm>>
        tpu.enqueue_dma source(%dma_start3A_668 : memref<64xi32, #tpu.memory_space<hbm>>) target(%arg7 : memref<64xi32, #tpu.memory_space<vmem>>) target_semaphore(%arg19 : memref<!tpu.dma_semaphore, #tpu.memory_space<semaphore_mem>>)
        %mul3A_669 = arith.constant 64 : i32
        %mul3A_670 = arith.muli %add3A_663, %mul3A_669 : i32
        %add3A_671 = arith.addi %mul3A_2, %mul3A_670 : i32
        %dma_start3A_672 = tpu.memref_slice %arg4[%add3A_671] : memref<327680xi32, #tpu.memory_space<hbm>> -> memref<64xi32, #tpu.memory_space<hbm>>
        %dma_start3A_673 = tpu.memref_slice %arg4[%add3A_671] : memref<327680xi32, #tpu.memory_space<hbm>> -> memref<64xi32, #tpu.memory_space<hbm>>
        tpu.enqueue_dma source(%dma_start3A_673 : memref<64xi32, #tpu.memory_space<hbm>>) target(%arg11 : memref<64xi32, #tpu.memory_space<vmem>>) target_semaphore(%arg23 : memref<!tpu.dma_semaphore, #tpu.memory_space<semaphore_mem>>)
      } else {
      }
      %dma_wait3A_384 = tpu.memref_slice %arg3[%mul3A_2] : memref<327680xi32, #tpu.memory_space<hbm>> -> memref<64xi32, #tpu.memory_space<hbm>>
      %dma_wait3A_385 = tpu.memref_slice %arg3[%mul3A_2] : memref<327680xi32, #tpu.memory_space<hbm>> -> memref<64xi32, #tpu.memory_space<hbm>>
      tpu.wait_dma2 semaphore(%arg21 : memref<!tpu.dma_semaphore, #tpu.memory_space<semaphore_mem>>) src(%dma_wait3A_385 : memref<64xi32, #tpu.memory_space<hbm>>) dst(%arg9 : memref<64xi32, #tpu.memory_space<vmem>>)
      %dma_wait3A_386 = tpu.memref_slice %arg4[%mul3A_2] : memref<327680xi32, #tpu.memory_space<hbm>> -> memref<64xi32, #tpu.memory_space<hbm>>
      %dma_wait3A_387 = tpu.memref_slice %arg4[%mul3A_2] : memref<327680xi32, #tpu.memory_space<hbm>> -> memref<64xi32, #tpu.memory_space<hbm>>
      tpu.wait_dma2 semaphore(%arg25 : memref<!tpu.dma_semaphore, #tpu.memory_space<semaphore_mem>>) src(%dma_wait3A_387 : memref<64xi32, #tpu.memory_space<hbm>>) dst(%arg13 : memref<64xi32, #tpu.memory_space<vmem>>)
      %get3A_388 = arith.constant 0 : index
      %get3A_389 = tpu.vector_load %arg9[%get3A_388] {strides = array<i32>} : memref<64xi32, #tpu.memory_space<vmem>>, vector<16xi32>,
      %get3A_390 = vector.shape_cast %get3A_389 : vector<16xi32> to vector<16xi32>
      %get3A_391 = arith.constant 0 : index
      %get3A_392 = tpu.vector_load %arg13[%get3A_391] {strides = array<i32>} : memref<64xi32, #tpu.memory_space<vmem>>, vector<16xi32>,
      %get3A_393 = vector.shape_cast %get3A_392 : vector<16xi32> to vector<16xi32>
      %ge3A_394 = vector.broadcast %mul3A_5 : i32 to vector<16xi32>
      %ge3A_395 = arith.cmpi sge, %get3A_393, %ge3A_394 : vector<16xi32>
      %add3A_396 = arith.constant 2560 : i32
      %add3A_397 = arith.addi %mul3A_5, %add3A_396 : i32
      %lt3A_398 = vector.broadcast %add3A_397 : i32 to vector<16xi32>
      %lt3A_399 = arith.cmpi slt, %get3A_393, %lt3A_398 : vector<16xi32>
      %and3A_400 = arith.andi %ge3A_395, %lt3A_399 : vector<16xi1>
      %jit3A_401 = arith.constant -1 : i32
      %broadcast_in_dim3A_402 = vector.broadcast %jit3A_401 : i32 to vector<16xi32>
      %select_n3A_403 = arith.select %and3A_400, %get3A_390, %broadcast_in_dim3A_402 : vector<16xi1>, vector<16xi32>
      %swap3A_404 = arith.constant 0 : index
      %swap3A_405 = tpu.vector_load %arg9[%swap3A_404] {strides = array<i32>} : memref<64xi32, #tpu.memory_space<vmem>>, vector<16xi32>,
      %swap3A_406 = vector.shape_cast %swap3A_405 : vector<16xi32> to vector<16xi32>
      %swap3A_407 = vector.shape_cast %select_n3A_403 : vector<16xi32> to vector<16xi32>
      tpu.vector_store %arg9[%swap3A_404], %swap3A_407 {strides = array<i32>} : memref<64xi32, #tpu.memory_space<vmem>>, vector<16xi32>,
      %sub3A_408 = vector.broadcast %mul3A_5 : i32 to vector<16xi32>
      %sub3A_409 = arith.subi %get3A_393, %sub3A_408 : vector<16xi32>
      %jit3A_410 = arith.constant -1 : i32
      %broadcast_in_dim3A_411 = vector.broadcast %jit3A_410 : i32 to vector<16xi32>
      %select_n3A_412 = arith.select %and3A_400, %sub3A_409, %broadcast_in_dim3A_411 : vector<16xi1>, vector<16xi32>
      %swap3A_413 = arith.constant 0 : index
      %swap3A_414 = tpu.vector_load %arg13[%swap3A_413] {strides = array<i32>} : memref<64xi32, #tpu.memory_space<vmem>>, vector<16xi32>,
      %swap3A_415 = vector.shape_cast %swap3A_414 : vector<16xi32> to vector<16xi32>
      %swap3A_416 = vector.shape_cast %select_n3A_412 : vector<16xi32> to vector<16xi32>
      tpu.vector_store %arg13[%swap3A_413], %swap3A_416 {strides = array<i32>} : memref<64xi32, #tpu.memory_space<vmem>>, vector<16xi32>,
      %get3A_417 = arith.constant 16 : index
      %get3A_418 = tpu.vector_load %arg9[%get3A_417] {strides = array<i32>} : memref<64xi32, #tpu.memory_space<vmem>>, vector<16xi32>,
      %get3A_419 = vector.shape_cast %get3A_418 : vector<16xi32> to vector<16xi32>
      %get3A_420 = arith.constant 16 : index
      %get3A_421 = tpu.vector_load %arg13[%get3A_420] {strides = array<i32>} : memref<64xi32, #tpu.memory_space<vmem>>, vector<16xi32>,
      %get3A_422 = vector.shape_cast %get3A_421 : vector<16xi32> to vector<16xi32>
      %ge3A_423 = vector.broadcast %mul3A_5 : i32 to vector<16xi32>
      %ge3A_424 = arith.cmpi sge, %get3A_422, %ge3A_423 : vector<16xi32>
      %add3A_425 = arith.constant 2560 : i32
      %add3A_426 = arith.addi %mul3A_5, %add3A_425 : i32
      %lt3A_427 = vector.broadcast %add3A_426 : i32 to vector<16xi32>
      %lt3A_428 = arith.cmpi slt, %get3A_422, %lt3A_427 : vector<16xi32>
      %and3A_429 = arith.andi %ge3A_424, %lt3A_428 : vector<16xi1>
      %jit3A_430 = arith.constant -1 : i32
      %broadcast_in_dim3A_431 = vector.broadcast %jit3A_430 : i32 to vector<16xi32>
      %select_n3A_432 = arith.select %and3A_429, %get3A_419, %broadcast_in_dim3A_431 : vector<16xi1>, vector<16xi32>
      %swap3A_433 = arith.constant 16 : index
      %swap3A_434 = tpu.vector_load %arg9[%swap3A_433] {strides = array<i32>} : memref<64xi32, #tpu.memory_space<vmem>>, vector<16xi32>,
      %swap3A_435 = vector.shape_cast %swap3A_434 : vector<16xi32> to vector<16xi32>
      %swap3A_436 = vector.shape_cast %select_n3A_432 : vector<16xi32> to vector<16xi32>
      tpu.vector_store %arg9[%swap3A_433], %swap3A_436 {strides = array<i32>} : memref<64xi32, #tpu.memory_space<vmem>>, vector<16xi32>,
      %sub3A_437 = vector.broadcast %mul3A_5 : i32 to vector<16xi32>
      %sub3A_438 = arith.subi %get3A_422, %sub3A_437 : vector<16xi32>
      %jit3A_439 = arith.constant -1 : i32
      %broadcast_in_dim3A_440 = vector.broadcast %jit3A_439 : i32 to vector<16xi32>
      %select_n3A_441 = arith.select %and3A_429, %sub3A_438, %broadcast_in_dim3A_440 : vector<16xi1>, vector<16xi32>
      %swap3A_442 = arith.constant 16 : index
      %swap3A_443 = tpu.vector_load %arg13[%swap3A_442] {strides = array<i32>} : memref<64xi32, #tpu.memory_space<vmem>>, vector<16xi32>,
      %swap3A_444 = vector.shape_cast %swap3A_443 : vector<16xi32> to vector<16xi32>
      %swap3A_445 = vector.shape_cast %select_n3A_441 : vector<16xi32> to vector<16xi32>
      tpu.vector_store %arg13[%swap3A_442], %swap3A_445 {strides = array<i32>} : memref<64xi32, #tpu.memory_space<vmem>>, vector<16xi32>,
      %get3A_446 = arith.constant 32 : index
      %get3A_447 = tpu.vector_load %arg9[%get3A_446] {strides = array<i32>} : memref<64xi32, #tpu.memory_space<vmem>>, vector<16xi32>,
      %get3A_448 = vector.shape_cast %get3A_447 : vector<16xi32> to vector<16xi32>
      %get3A_449 = arith.constant 32 : index
      %get3A_450 = tpu.vector_load %arg13[%get3A_449] {strides = array<i32>} : memref<64xi32, #tpu.memory_space<vmem>>, vector<16xi32>,
      %get3A_451 = vector.shape_cast %get3A_450 : vector<16xi32> to vector<16xi32>
      %ge3A_452 = vector.broadcast %mul3A_5 : i32 to vector<16xi32>
      %ge3A_453 = arith.cmpi sge, %get3A_451, %ge3A_452 : vector<16xi32>
      %add3A_454 = arith.constant 2560 : i32
      %add3A_455 = arith.addi %mul3A_5, %add3A_454 : i32
      %lt3A_456 = vector.broadcast %add3A_455 : i32 to vector<16xi32>
      %lt3A_457 = arith.cmpi slt, %get3A_451, %lt3A_456 : vector<16xi32>
      %and3A_458 = arith.andi %ge3A_453, %lt3A_457 : vector<16xi1>
      %jit3A_459 = arith.constant -1 : i32
      %broadcast_in_dim3A_460 = vector.broadcast %jit3A_459 : i32 to vector<16xi32>
      %select_n3A_461 = arith.select %and3A_458, %get3A_448, %broadcast_in_dim3A_460 : vector<16xi1>, vector<16xi32>
      %swap3A_462 = arith.constant 32 : index
      %swap3A_463 = tpu.vector_load %arg9[%swap3A_462] {strides = array<i32>} : memref<64xi32, #tpu.memory_space<vmem>>, vector<16xi32>,
      %swap3A_464 = vector.shape_cast %swap3A_463 : vector<16xi32> to vector<16xi32>
      %swap3A_465 = vector.shape_cast %select_n3A_461 : vector<16xi32> to vector<16xi32>
      tpu.vector_store %arg9[%swap3A_462], %swap3A_465 {strides = array<i32>} : memref<64xi32, #tpu.memory_space<vmem>>, vector<16xi32>,
      %sub3A_466 = vector.broadcast %mul3A_5 : i32 to vector<16xi32>
      %sub3A_467 = arith.subi %get3A_451, %sub3A_466 : vector<16xi32>
      %jit3A_468 = arith.constant -1 : i32
      %broadcast_in_dim3A_469 = vector.broadcast %jit3A_468 : i32 to vector<16xi32>
      %select_n3A_470 = arith.select %and3A_458, %sub3A_467, %broadcast_in_dim3A_469 : vector<16xi1>, vector<16xi32>
      %swap3A_471 = arith.constant 32 : index
      %swap3A_472 = tpu.vector_load %arg13[%swap3A_471] {strides = array<i32>} : memref<64xi32, #tpu.memory_space<vmem>>, vector<16xi32>,
      %swap3A_473 = vector.shape_cast %swap3A_472 : vector<16xi32> to vector<16xi32>
      %swap3A_474 = vector.shape_cast %select_n3A_470 : vector<16xi32> to vector<16xi32>
      tpu.vector_store %arg13[%swap3A_471], %swap3A_474 {strides = array<i32>} : memref<64xi32, #tpu.memory_space<vmem>>, vector<16xi32>,
      %get3A_475 = arith.constant 48 : index
      %get3A_476 = tpu.vector_load %arg9[%get3A_475] {strides = array<i32>} : memref<64xi32, #tpu.memory_space<vmem>>, vector<16xi32>,
      %get3A_477 = vector.shape_cast %get3A_476 : vector<16xi32> to vector<16xi32>
      %get3A_478 = arith.constant 48 : index
      %get3A_479 = tpu.vector_load %arg13[%get3A_478] {strides = array<i32>} : memref<64xi32, #tpu.memory_space<vmem>>, vector<16xi32>,
      %get3A_480 = vector.shape_cast %get3A_479 : vector<16xi32> to vector<16xi32>
      %ge3A_481 = vector.broadcast %mul3A_5 : i32 to vector<16xi32>
      %ge3A_482 = arith.cmpi sge, %get3A_480, %ge3A_481 : vector<16xi32>
      %add3A_483 = arith.constant 2560 : i32
      %add3A_484 = arith.addi %mul3A_5, %add3A_483 : i32
      %lt3A_485 = vector.broadcast %add3A_484 : i32 to vector<16xi32>
      %lt3A_486 = arith.cmpi slt, %get3A_480, %lt3A_485 : vector<16xi32>
      %and3A_487 = arith.andi %ge3A_482, %lt3A_486 : vector<16xi1>
      %jit3A_488 = arith.constant -1 : i32
      %broadcast_in_dim3A_489 = vector.broadcast %jit3A_488 : i32 to vector<16xi32>
      %select_n3A_490 = arith.select %and3A_487, %get3A_477, %broadcast_in_dim3A_489 : vector<16xi1>, vector<16xi32>
      %swap3A_491 = arith.constant 48 : index
      %swap3A_492 = tpu.vector_load %arg9[%swap3A_491] {strides = array<i32>} : memref<64xi32, #tpu.memory_space<vmem>>, vector<16xi32>,
      %swap3A_493 = vector.shape_cast %swap3A_492 : vector<16xi32> to vector<16xi32>
      %swap3A_494 = vector.shape_cast %select_n3A_490 : vector<16xi32> to vector<16xi32>
      tpu.vector_store %arg9[%swap3A_491], %swap3A_494 {strides = array<i32>} : memref<64xi32, #tpu.memory_space<vmem>>, vector<16xi32>,
      %sub3A_495 = vector.broadcast %mul3A_5 : i32 to vector<16xi32>
      %sub3A_496 = arith.subi %get3A_480, %sub3A_495 : vector<16xi32>
      %jit3A_497 = arith.constant -1 : i32
      %broadcast_in_dim3A_498 = vector.broadcast %jit3A_497 : i32 to vector<16xi32>
      %select_n3A_499 = arith.select %and3A_487, %sub3A_496, %broadcast_in_dim3A_498 : vector<16xi1>, vector<16xi32>
      %swap3A_500 = arith.constant 48 : index
      %swap3A_501 = tpu.vector_load %arg13[%swap3A_500] {strides = array<i32>} : memref<64xi32, #tpu.memory_space<vmem>>, vector<16xi32>,
      %swap3A_502 = vector.shape_cast %swap3A_501 : vector<16xi32> to vector<16xi32>
      %swap3A_503 = vector.shape_cast %select_n3A_499 : vector<16xi32> to vector<16xi32>
      tpu.vector_store %arg13[%swap3A_500], %swap3A_503 {strides = array<i32>} : memref<64xi32, #tpu.memory_space<vmem>>, vector<16xi32>,
      %dma_start3A_504 = arith.constant 0 : i32
      %dma_start3A_505 = arith.constant 0 : i32
      %dma_start3A_506 = tpu.memref_slice %arg17[%dma_start3A_504, %dma_start3A_505] : memref<10240x128xf32, #tpu.memory_space<vmem_shared>> -> memref<10240x128xf32, #tpu.memory_space<vmem_shared>>
      %dma_start3A_507 = arith.constant -1 : i32
      tpu.enqueue_indirect_dma source(%dma_start3A_506 : memref<10240x128xf32, #tpu.memory_space<vmem_shared>>) target(%arg15 : memref<64x128xf32, #tpu.memory_space<vmem>>) offsets(%arg9 : memref<64xi32, #tpu.memory_space<vmem>>) offset_filter(%dma_start3A_507) semaphore(%arg27 : memref<!tpu.dma_semaphore, #tpu.memory_space<semaphore_mem>>)
      %dma_wait3A_508 = arith.constant 0 : i32
      %dma_wait3A_509 = arith.constant 0 : i32
      %dma_wait3A_510 = tpu.memref_slice %arg17[%dma_wait3A_508, %dma_wait3A_509] : memref<10240x128xf32, #tpu.memory_space<vmem_shared>> -> memref<10240x128xf32, #tpu.memory_space<vmem_shared>>
      tpu.wait_indirect_dma semaphore(%arg27 : memref<!tpu.dma_semaphore, #tpu.memory_space<semaphore_mem>>) src(%dma_wait3A_510 : memref<10240x128xf32, #tpu.memory_space<vmem_shared>>) dst(%arg15 : memref<64x128xf32, #tpu.memory_space<vmem>>)
      %dma_start3A_511 = arith.constant 0 : i32
      %dma_start3A_512 = arith.constant 0 : i32
      %dma_start3A_513 = tpu.memref_slice %arg18[%dma_start3A_511, %dma_start3A_512] : memref<2560x128xf32, #tpu.memory_space<vmem_shared>> -> memref<2560x128xf32, #tpu.memory_space<vmem_shared>>
      %dma_start3A_514 = arith.constant -1 : i32
      tpu.enqueue_indirect_dma source(%arg15 : memref<64x128xf32, #tpu.memory_space<vmem>>) target(%dma_start3A_513 : memref<2560x128xf32, #tpu.memory_space<vmem_shared>>) offsets(%arg13 : memref<64xi32, #tpu.memory_space<vmem>>) offset_filter(%dma_start3A_514) semaphore(%arg29 : memref<!tpu.dma_semaphore, #tpu.memory_space<semaphore_mem>>) {add = true}
      %mul3A_515 = arith.constant 4 : i32
      %mul3A_516 = arith.muli %mul3A_515, %scan3A_84 : i32
      %add3A_517 = arith.constant 3 : i32
      %add3A_518 = arith.addi %mul3A_516, %add3A_517 : i32
      %ge3A_519 = arith.constant 2 : i32
      %ge3A_520 = arith.cmpi sge, %add3A_518, %ge3A_519 : i32
      %convert_element_type3A_521 = arith.extui %ge3A_520 : i1 to i32
      %cond3A_522 = arith.constant 0 : i32
      %cond3A_523 = arith.cmpi ne, %convert_element_type3A_521, %cond3A_522 : i32
      scf.if %cond3A_523 {
        %dma_wait3A_662 = arith.constant 0 : i32
        %dma_wait3A_663 = arith.constant 0 : i32
        %dma_wait3A_664 = tpu.memref_slice %arg18[%dma_wait3A_662, %dma_wait3A_663] : memref<2560x128xf32, #tpu.memory_space<vmem_shared>> -> memref<2560x128xf32, #tpu.memory_space<vmem_shared>>
        tpu.wait_indirect_dma semaphore(%arg30 : memref<!tpu.dma_semaphore, #tpu.memory_space<semaphore_mem>>) src(%arg16 : memref<64x128xf32, #tpu.memory_space<vmem>>) dst(%dma_wait3A_664 : memref<2560x128xf32, #tpu.memory_space<vmem_shared>>)
      } else {
      }
      %add3A_524 = arith.constant 2 : i32
      %add3A_525 = arith.addi %add3A_518, %add3A_524 : i32
      %lt3A_526 = arith.constant 320 : i32
      %lt3A_527 = arith.cmpi slt, %add3A_525, %lt3A_526 : i32
      %convert_element_type3A_528 = arith.extui %lt3A_527 : i1 to i32
      %cond3A_529 = arith.constant 0 : i32
      %cond3A_530 = arith.cmpi ne, %convert_element_type3A_528, %cond3A_529 : i32
      scf.if %cond3A_530 {
        %add3A_662 = arith.constant 2 : i32
        %add3A_663 = arith.addi %add3A_518, %add3A_662 : i32
        %mul3A_664 = arith.constant 64 : i32
        %mul3A_665 = arith.muli %add3A_663, %mul3A_664 : i32
        %add3A_666 = arith.addi %mul3A_2, %mul3A_665 : i32
        %dma_start3A_667 = tpu.memref_slice %arg3[%add3A_666] : memref<327680xi32, #tpu.memory_space<hbm>> -> memref<64xi32, #tpu.memory_space<hbm>>
        %dma_start3A_668 = tpu.memref_slice %arg3[%add3A_666] : memref<327680xi32, #tpu.memory_space<hbm>> -> memref<64xi32, #tpu.memory_space<hbm>>
        tpu.enqueue_dma source(%dma_start3A_668 : memref<64xi32, #tpu.memory_space<hbm>>) target(%arg8 : memref<64xi32, #tpu.memory_space<vmem>>) target_semaphore(%arg20 : memref<!tpu.dma_semaphore, #tpu.memory_space<semaphore_mem>>)
        %mul3A_669 = arith.constant 64 : i32
        %mul3A_670 = arith.muli %add3A_663, %mul3A_669 : i32
        %add3A_671 = arith.addi %mul3A_2, %mul3A_670 : i32
        %dma_start3A_672 = tpu.memref_slice %arg4[%add3A_671] : memref<327680xi32, #tpu.memory_space<hbm>> -> memref<64xi32, #tpu.memory_space<hbm>>
        %dma_start3A_673 = tpu.memref_slice %arg4[%add3A_671] : memref<327680xi32, #tpu.memory_space<hbm>> -> memref<64xi32, #tpu.memory_space<hbm>>
        tpu.enqueue_dma source(%dma_start3A_673 : memref<64xi32, #tpu.memory_space<hbm>>) target(%arg12 : memref<64xi32, #tpu.memory_space<vmem>>) target_semaphore(%arg24 : memref<!tpu.dma_semaphore, #tpu.memory_space<semaphore_mem>>)
      } else {
      }
      %dma_wait3A_531 = tpu.memref_slice %arg3[%mul3A_2] : memref<327680xi32, #tpu.memory_space<hbm>> -> memref<64xi32, #tpu.memory_space<hbm>>
      %dma_wait3A_532 = tpu.memref_slice %arg3[%mul3A_2] : memref<327680xi32, #tpu.memory_space<hbm>> -> memref<64xi32, #tpu.memory_space<hbm>>
      tpu.wait_dma2 semaphore(%arg22 : memref<!tpu.dma_semaphore, #tpu.memory_space<semaphore_mem>>) src(%dma_wait3A_532 : memref<64xi32, #tpu.memory_space<hbm>>) dst(%arg10 : memref<64xi32, #tpu.memory_space<vmem>>)
      %dma_wait3A_533 = tpu.memref_slice %arg4[%mul3A_2] : memref<327680xi32, #tpu.memory_space<hbm>> -> memref<64xi32, #tpu.memory_space<hbm>>
      %dma_wait3A_534 = tpu.memref_slice %arg4[%mul3A_2] : memref<327680xi32, #tpu.memory_space<hbm>> -> memref<64xi32, #tpu.memory_space<hbm>>
      tpu.wait_dma2 semaphore(%arg26 : memref<!tpu.dma_semaphore, #tpu.memory_space<semaphore_mem>>) src(%dma_wait3A_534 : memref<64xi32, #tpu.memory_space<hbm>>) dst(%arg14 : memref<64xi32, #tpu.memory_space<vmem>>)
      %get3A_535 = arith.constant 0 : index
      %get3A_536 = tpu.vector_load %arg10[%get3A_535] {strides = array<i32>} : memref<64xi32, #tpu.memory_space<vmem>>, vector<16xi32>,
      %get3A_537 = vector.shape_cast %get3A_536 : vector<16xi32> to vector<16xi32>
      %get3A_538 = arith.constant 0 : index
      %get3A_539 = tpu.vector_load %arg14[%get3A_538] {strides = array<i32>} : memref<64xi32, #tpu.memory_space<vmem>>, vector<16xi32>,
      %get3A_540 = vector.shape_cast %get3A_539 : vector<16xi32> to vector<16xi32>
      %ge3A_541 = vector.broadcast %mul3A_5 : i32 to vector<16xi32>
      %ge3A_542 = arith.cmpi sge, %get3A_540, %ge3A_541 : vector<16xi32>
      %add3A_543 = arith.constant 2560 : i32
      %add3A_544 = arith.addi %mul3A_5, %add3A_543 : i32
      %lt3A_545 = vector.broadcast %add3A_544 : i32 to vector<16xi32>
      %lt3A_546 = arith.cmpi slt, %get3A_540, %lt3A_545 : vector<16xi32>
      %and3A_547 = arith.andi %ge3A_542, %lt3A_546 : vector<16xi1>
      %jit3A_548 = arith.constant -1 : i32
      %broadcast_in_dim3A_549 = vector.broadcast %jit3A_548 : i32 to vector<16xi32>
      %select_n3A_550 = arith.select %and3A_547, %get3A_537, %broadcast_in_dim3A_549 : vector<16xi1>, vector<16xi32>
      %swap3A_551 = arith.constant 0 : index
      %swap3A_552 = tpu.vector_load %arg10[%swap3A_551] {strides = array<i32>} : memref<64xi32, #tpu.memory_space<vmem>>, vector<16xi32>,
      %swap3A_553 = vector.shape_cast %swap3A_552 : vector<16xi32> to vector<16xi32>
      %swap3A_554 = vector.shape_cast %select_n3A_550 : vector<16xi32> to vector<16xi32>
      tpu.vector_store %arg10[%swap3A_551], %swap3A_554 {strides = array<i32>} : memref<64xi32, #tpu.memory_space<vmem>>, vector<16xi32>,
      %sub3A_555 = vector.broadcast %mul3A_5 : i32 to vector<16xi32>
      %sub3A_556 = arith.subi %get3A_540, %sub3A_555 : vector<16xi32>
      %jit3A_557 = arith.constant -1 : i32
      %broadcast_in_dim3A_558 = vector.broadcast %jit3A_557 : i32 to vector<16xi32>
      %select_n3A_559 = arith.select %and3A_547, %sub3A_556, %broadcast_in_dim3A_558 : vector<16xi1>, vector<16xi32>
      %swap3A_560 = arith.constant 0 : index
      %swap3A_561 = tpu.vector_load %arg14[%swap3A_560] {strides = array<i32>} : memref<64xi32, #tpu.memory_space<vmem>>, vector<16xi32>,
      %swap3A_562 = vector.shape_cast %swap3A_561 : vector<16xi32> to vector<16xi32>
      %swap3A_563 = vector.shape_cast %select_n3A_559 : vector<16xi32> to vector<16xi32>
      tpu.vector_store %arg14[%swap3A_560], %swap3A_563 {strides = array<i32>} : memref<64xi32, #tpu.memory_space<vmem>>, vector<16xi32>,
      %get3A_564 = arith.constant 16 : index
      %get3A_565 = tpu.vector_load %arg10[%get3A_564] {strides = array<i32>} : memref<64xi32, #tpu.memory_space<vmem>>, vector<16xi32>,
      %get3A_566 = vector.shape_cast %get3A_565 : vector<16xi32> to vector<16xi32>
      %get3A_567 = arith.constant 16 : index
      %get3A_568 = tpu.vector_load %arg14[%get3A_567] {strides = array<i32>} : memref<64xi32, #tpu.memory_space<vmem>>, vector<16xi32>,
      %get3A_569 = vector.shape_cast %get3A_568 : vector<16xi32> to vector<16xi32>
      %ge3A_570 = vector.broadcast %mul3A_5 : i32 to vector<16xi32>
      %ge3A_571 = arith.cmpi sge, %get3A_569, %ge3A_570 : vector<16xi32>
      %add3A_572 = arith.constant 2560 : i32
      %add3A_573 = arith.addi %mul3A_5, %add3A_572 : i32
      %lt3A_574 = vector.broadcast %add3A_573 : i32 to vector<16xi32>
      %lt3A_575 = arith.cmpi slt, %get3A_569, %lt3A_574 : vector<16xi32>
      %and3A_576 = arith.andi %ge3A_571, %lt3A_575 : vector<16xi1>
      %jit3A_577 = arith.constant -1 : i32
      %broadcast_in_dim3A_578 = vector.broadcast %jit3A_577 : i32 to vector<16xi32>
      %select_n3A_579 = arith.select %and3A_576, %get3A_566, %broadcast_in_dim3A_578 : vector<16xi1>, vector<16xi32>
      %swap3A_580 = arith.constant 16 : index
      %swap3A_581 = tpu.vector_load %arg10[%swap3A_580] {strides = array<i32>} : memref<64xi32, #tpu.memory_space<vmem>>, vector<16xi32>,
      %swap3A_582 = vector.shape_cast %swap3A_581 : vector<16xi32> to vector<16xi32>
      %swap3A_583 = vector.shape_cast %select_n3A_579 : vector<16xi32> to vector<16xi32>
      tpu.vector_store %arg10[%swap3A_580], %swap3A_583 {strides = array<i32>} : memref<64xi32, #tpu.memory_space<vmem>>, vector<16xi32>,
      %sub3A_584 = vector.broadcast %mul3A_5 : i32 to vector<16xi32>
      %sub3A_585 = arith.subi %get3A_569, %sub3A_584 : vector<16xi32>
      %jit3A_586 = arith.constant -1 : i32
      %broadcast_in_dim3A_587 = vector.broadcast %jit3A_586 : i32 to vector<16xi32>
      %select_n3A_588 = arith.select %and3A_576, %sub3A_585, %broadcast_in_dim3A_587 : vector<16xi1>, vector<16xi32>
      %swap3A_589 = arith.constant 16 : index
      %swap3A_590 = tpu.vector_load %arg14[%swap3A_589] {strides = array<i32>} : memref<64xi32, #tpu.memory_space<vmem>>, vector<16xi32>,
      %swap3A_591 = vector.shape_cast %swap3A_590 : vector<16xi32> to vector<16xi32>
      %swap3A_592 = vector.shape_cast %select_n3A_588 : vector<16xi32> to vector<16xi32>
      tpu.vector_store %arg14[%swap3A_589], %swap3A_592 {strides = array<i32>} : memref<64xi32, #tpu.memory_space<vmem>>, vector<16xi32>,
      %get3A_593 = arith.constant 32 : index
      %get3A_594 = tpu.vector_load %arg10[%get3A_593] {strides = array<i32>} : memref<64xi32, #tpu.memory_space<vmem>>, vector<16xi32>,
      %get3A_595 = vector.shape_cast %get3A_594 : vector<16xi32> to vector<16xi32>
      %get3A_596 = arith.constant 32 : index
      %get3A_597 = tpu.vector_load %arg14[%get3A_596] {strides = array<i32>} : memref<64xi32, #tpu.memory_space<vmem>>, vector<16xi32>,
      %get3A_598 = vector.shape_cast %get3A_597 : vector<16xi32> to vector<16xi32>
      %ge3A_599 = vector.broadcast %mul3A_5 : i32 to vector<16xi32>
      %ge3A_600 = arith.cmpi sge, %get3A_598, %ge3A_599 : vector<16xi32>
      %add3A_601 = arith.constant 2560 : i32
      %add3A_602 = arith.addi %mul3A_5, %add3A_601 : i32
      %lt3A_603 = vector.broadcast %add3A_602 : i32 to vector<16xi32>
      %lt3A_604 = arith.cmpi slt, %get3A_598, %lt3A_603 : vector<16xi32>
      %and3A_605 = arith.andi %ge3A_600, %lt3A_604 : vector<16xi1>
      %jit3A_606 = arith.constant -1 : i32
      %broadcast_in_dim3A_607 = vector.broadcast %jit3A_606 : i32 to vector<16xi32>
      %select_n3A_608 = arith.select %and3A_605, %get3A_595, %broadcast_in_dim3A_607 : vector<16xi1>, vector<16xi32>
      %swap3A_609 = arith.constant 32 : index
      %swap3A_610 = tpu.vector_load %arg10[%swap3A_609] {strides = array<i32>} : memref<64xi32, #tpu.memory_space<vmem>>, vector<16xi32>,
      %swap3A_611 = vector.shape_cast %swap3A_610 : vector<16xi32> to vector<16xi32>
      %swap3A_612 = vector.shape_cast %select_n3A_608 : vector<16xi32> to vector<16xi32>
      tpu.vector_store %arg10[%swap3A_609], %swap3A_612 {strides = array<i32>} : memref<64xi32, #tpu.memory_space<vmem>>, vector<16xi32>,
      %sub3A_613 = vector.broadcast %mul3A_5 : i32 to vector<16xi32>
      %sub3A_614 = arith.subi %get3A_598, %sub3A_613 : vector<16xi32>
      %jit3A_615 = arith.constant -1 : i32
      %broadcast_in_dim3A_616 = vector.broadcast %jit3A_615 : i32 to vector<16xi32>
      %select_n3A_617 = arith.select %and3A_605, %sub3A_614, %broadcast_in_dim3A_616 : vector<16xi1>, vector<16xi32>
      %swap3A_618 = arith.constant 32 : index
      %swap3A_619 = tpu.vector_load %arg14[%swap3A_618] {strides = array<i32>} : memref<64xi32, #tpu.memory_space<vmem>>, vector<16xi32>,
      %swap3A_620 = vector.shape_cast %swap3A_619 : vector<16xi32> to vector<16xi32>
      %swap3A_621 = vector.shape_cast %select_n3A_617 : vector<16xi32> to vector<16xi32>
      tpu.vector_store %arg14[%swap3A_618], %swap3A_621 {strides = array<i32>} : memref<64xi32, #tpu.memory_space<vmem>>, vector<16xi32>,
      %get3A_622 = arith.constant 48 : index
      %get3A_623 = tpu.vector_load %arg10[%get3A_622] {strides = array<i32>} : memref<64xi32, #tpu.memory_space<vmem>>, vector<16xi32>,
      %get3A_624 = vector.shape_cast %get3A_623 : vector<16xi32> to vector<16xi32>
      %get3A_625 = arith.constant 48 : index
      %get3A_626 = tpu.vector_load %arg14[%get3A_625] {strides = array<i32>} : memref<64xi32, #tpu.memory_space<vmem>>, vector<16xi32>,
      %get3A_627 = vector.shape_cast %get3A_626 : vector<16xi32> to vector<16xi32>
      %ge3A_628 = vector.broadcast %mul3A_5 : i32 to vector<16xi32>
      %ge3A_629 = arith.cmpi sge, %get3A_627, %ge3A_628 : vector<16xi32>
      %add3A_630 = arith.constant 2560 : i32
      %add3A_631 = arith.addi %mul3A_5, %add3A_630 : i32
      %lt3A_632 = vector.broadcast %add3A_631 : i32 to vector<16xi32>
      %lt3A_633 = arith.cmpi slt, %get3A_627, %lt3A_632 : vector<16xi32>
      %and3A_634 = arith.andi %ge3A_629, %lt3A_633 : vector<16xi1>
      %jit3A_635 = arith.constant -1 : i32
      %broadcast_in_dim3A_636 = vector.broadcast %jit3A_635 : i32 to vector<16xi32>
      %select_n3A_637 = arith.select %and3A_634, %get3A_624, %broadcast_in_dim3A_636 : vector<16xi1>, vector<16xi32>
      %swap3A_638 = arith.constant 48 : index
      %swap3A_639 = tpu.vector_load %arg10[%swap3A_638] {strides = array<i32>} : memref<64xi32, #tpu.memory_space<vmem>>, vector<16xi32>,
      %swap3A_640 = vector.shape_cast %swap3A_639 : vector<16xi32> to vector<16xi32>
      %swap3A_641 = vector.shape_cast %select_n3A_637 : vector<16xi32> to vector<16xi32>
      tpu.vector_store %arg10[%swap3A_638], %swap3A_641 {strides = array<i32>} : memref<64xi32, #tpu.memory_space<vmem>>, vector<16xi32>,
      %sub3A_642 = vector.broadcast %mul3A_5 : i32 to vector<16xi32>
      %sub3A_643 = arith.subi %get3A_627, %sub3A_642 : vector<16xi32>
      %jit3A_644 = arith.constant -1 : i32
      %broadcast_in_dim3A_645 = vector.broadcast %jit3A_644 : i32 to vector<16xi32>
      %select_n3A_646 = arith.select %and3A_634, %sub3A_643, %broadcast_in_dim3A_645 : vector<16xi1>, vector<16xi32>
      %swap3A_647 = arith.constant 48 : index
      %swap3A_648 = tpu.vector_load %arg14[%swap3A_647] {strides = array<i32>} : memref<64xi32, #tpu.memory_space<vmem>>, vector<16xi32>,
      %swap3A_649 = vector.shape_cast %swap3A_648 : vector<16xi32> to vector<16xi32>
      %swap3A_650 = vector.shape_cast %select_n3A_646 : vector<16xi32> to vector<16xi32>
      tpu.vector_store %arg14[%swap3A_647], %swap3A_650 {strides = array<i32>} : memref<64xi32, #tpu.memory_space<vmem>>, vector<16xi32>,
      %dma_start3A_651 = arith.constant 0 : i32
      %dma_start3A_652 = arith.constant 0 : i32
      %dma_start3A_653 = tpu.memref_slice %arg17[%dma_start3A_651, %dma_start3A_652] : memref<10240x128xf32, #tpu.memory_space<vmem_shared>> -> memref<10240x128xf32, #tpu.memory_space<vmem_shared>>
      %dma_start3A_654 = arith.constant -1 : i32
      tpu.enqueue_indirect_dma source(%dma_start3A_653 : memref<10240x128xf32, #tpu.memory_space<vmem_shared>>) target(%arg16 : memref<64x128xf32, #tpu.memory_space<vmem>>) offsets(%arg10 : memref<64xi32, #tpu.memory_space<vmem>>) offset_filter(%dma_start3A_654) semaphore(%arg28 : memref<!tpu.dma_semaphore, #tpu.memory_space<semaphore_mem>>)
      %dma_wait3A_655 = arith.constant 0 : i32
      %dma_wait3A_656 = arith.constant 0 : i32
      %dma_wait3A_657 = tpu.memref_slice %arg17[%dma_wait3A_655, %dma_wait3A_656] : memref<10240x128xf32, #tpu.memory_space<vmem_shared>> -> memref<10240x128xf32, #tpu.memory_space<vmem_shared>>
      tpu.wait_indirect_dma semaphore(%arg28 : memref<!tpu.dma_semaphore, #tpu.memory_space<semaphore_mem>>) src(%dma_wait3A_657 : memref<10240x128xf32, #tpu.memory_space<vmem_shared>>) dst(%arg16 : memref<64x128xf32, #tpu.memory_space<vmem>>)
      %dma_start3A_658 = arith.constant 0 : i32
      %dma_start3A_659 = arith.constant 0 : i32
      %dma_start3A_660 = tpu.memref_slice %arg18[%dma_start3A_658, %dma_start3A_659] : memref<2560x128xf32, #tpu.memory_space<vmem_shared>> -> memref<2560x128xf32, #tpu.memory_space<vmem_shared>>
      %dma_start3A_661 = arith.constant -1 : i32
      tpu.enqueue_indirect_dma source(%arg16 : memref<64x128xf32, #tpu.memory_space<vmem>>) target(%dma_start3A_660 : memref<2560x128xf32, #tpu.memory_space<vmem_shared>>) offsets(%arg14 : memref<64xi32, #tpu.memory_space<vmem>>) offset_filter(%dma_start3A_661) semaphore(%arg30 : memref<!tpu.dma_semaphore, #tpu.memory_space<semaphore_mem>>) {add = true}
    }
    %scan3A_29 = arith.constant 80 : i32
    %dma_wait3A = arith.constant 0 : i32
    %dma_wait3A_30 = arith.constant 0 : i32
    %dma_wait3A_31 = tpu.memref_slice %arg18[%dma_wait3A, %dma_wait3A_30] : memref<2560x128xf32, #tpu.memory_space<vmem_shared>> -> memref<2560x128xf32, #tpu.memory_space<vmem_shared>>
    tpu.wait_indirect_dma semaphore(%arg29 : memref<!tpu.dma_semaphore, #tpu.memory_space<semaphore_mem>>) src(%arg15 : memref<64x128xf32, #tpu.memory_space<vmem>>) dst(%dma_wait3A_31 : memref<2560x128xf32, #tpu.memory_space<vmem_shared>>)
    %dma_wait3A_32 = arith.constant 0 : i32
    %dma_wait3A_33 = arith.constant 0 : i32
    %dma_wait3A_34 = tpu.memref_slice %arg18[%dma_wait3A_32, %dma_wait3A_33] : memref<2560x128xf32, #tpu.memory_space<vmem_shared>> -> memref<2560x128xf32, #tpu.memory_space<vmem_shared>>
    tpu.wait_indirect_dma semaphore(%arg30 : memref<!tpu.dma_semaphore, #tpu.memory_space<semaphore_mem>>) src(%arg16 : memref<64x128xf32, #tpu.memory_space<vmem>>) dst(%dma_wait3A_34 : memref<2560x128xf32, #tpu.memory_space<vmem_shared>>)
    %barrier3A_35 = arith.constant 0 : index
    tpu.barrier barrier_id(%barrier3A_35)
    %mul3A_36 = arith.constant 160 : i32
    %mul3A_37 = arith.muli %arg1, %mul3A_36 : i32
    %mul3A_38 = arith.constant 160 : i32
    %mul3A_39 = arith.muli %arg1, %mul3A_38 : i32
    %add3A_40 = arith.addi %mul3A_5, %mul3A_39 : i32
    "tpu.region"() ({
      %run_scoped3A = tpu.sem_alloc : memref<!tpu.dma_semaphore, #tpu.memory_space<semaphore_mem>>
      %dma_start3A_84 = arith.constant 0 : i32
      %dma_start3A_85 = tpu.memref_slice %arg6[%add3A_40, %dma_start3A_84] : memref<10240x128xf32, #tpu.memory_space<hbm>> -> memref<160x128xf32, #tpu.memory_space<hbm>>
      %dma_start3A_86 = arith.constant 0 : i32
      %dma_start3A_87 = tpu.memref_slice %arg18[%mul3A_37, %dma_start3A_86] : memref<2560x128xf32, #tpu.memory_space<vmem_shared>> -> memref<160x128xf32, #tpu.memory_space<vmem_shared>>
      tpu.enqueue_dma source(%dma_start3A_87 : memref<160x128xf32, #tpu.memory_space<vmem_shared>>) target(%dma_start3A_85 : memref<160x128xf32, #tpu.memory_space<hbm>>) target_semaphore(%run_scoped3A : memref<!tpu.dma_semaphore, #tpu.memory_space<semaphore_mem>>)
      %dma_wait3A_88 = arith.constant 0 : i32
      %dma_wait3A_89 = tpu.memref_slice %arg6[%add3A_40, %dma_wait3A_88] : memref<10240x128xf32, #tpu.memory_space<hbm>> -> memref<160x128xf32, #tpu.memory_space<hbm>>
      %dma_wait3A_90 = arith.constant 0 : i32
      %dma_wait3A_91 = tpu.memref_slice %arg18[%mul3A_37, %dma_wait3A_90] : memref<2560x128xf32, #tpu.memory_space<vmem_shared>> -> memref<160x128xf32, #tpu.memory_space<vmem_shared>>
      tpu.wait_dma2 semaphore(%run_scoped3A : memref<!tpu.dma_semaphore, #tpu.memory_space<semaphore_mem>>) src(%dma_wait3A_91 : memref<160x128xf32, #tpu.memory_space<vmem_shared>>) dst(%dma_wait3A_89 : memref<160x128xf32, #tpu.memory_space<hbm>>)
      tpu.yield
    }) : () -> ()
    %add3A_41 = arith.constant 2 : i32
    %add3A_42 = arith.addi %add3A_41, %arg0 : i32
    %mul3A_43 = arith.constant 2560 : i32
    %mul3A_44 = arith.muli %add3A_42, %mul3A_43 : i32
    %mul3A_45 = arith.constant 160 : i32
    %mul3A_46 = arith.muli %arg1, %mul3A_45 : i32
    %mul3A_47 = arith.constant 160 : i32
    %mul3A_48 = arith.muli %arg1, %mul3A_47 : i32
    "tpu.region"() ({
      %run_scoped3A = tpu.sem_alloc : memref<!tpu.dma_semaphore, #tpu.memory_space<semaphore_mem>>
      %dma_start3A_84 = arith.constant 0 : i32
      %dma_start3A_85 = tpu.memref_slice %arg18[%mul3A_48, %dma_start3A_84] : memref<2560x128xf32, #tpu.memory_space<vmem_shared>> -> memref<160x128xf32, #tpu.memory_space<vmem_shared>>
      %dma_start3A_86 = arith.constant 0 : i32
      %dma_start3A_87 = tpu.memref_slice %arg5[%mul3A_46, %dma_start3A_86] : memref<10240x128xf32, #tpu.memory_space<hbm>> -> memref<160x128xf32, #tpu.memory_space<hbm>>
      tpu.enqueue_dma source(%dma_start3A_87 : memref<160x128xf32, #tpu.memory_space<hbm>>) target(%dma_start3A_85 : memref<160x128xf32, #tpu.memory_space<vmem_shared>>) target_semaphore(%run_scoped3A : memref<!tpu.dma_semaphore, #tpu.memory_space<semaphore_mem>>)
      %dma_wait3A_88 = arith.constant 0 : i32
      %dma_wait3A_89 = tpu.memref_slice %arg18[%mul3A_48, %dma_wait3A_88] : memref<2560x128xf32, #tpu.memory_space<vmem_shared>> -> memref<160x128xf32, #tpu.memory_space<vmem_shared>>
      %dma_wait3A_90 = arith.constant 0 : i32
      %dma_wait3A_91 = tpu.memref_slice %arg5[%mul3A_46, %dma_wait3A_90] : memref<10240x128xf32, #tpu.memory_space<hbm>> -> memref<160x128xf32, #tpu.memory_space<hbm>>
      tpu.wait_dma2 semaphore(%run_scoped3A : memref<!tpu.dma_semaphore, #tpu.memory_space<semaphore_mem>>) src(%dma_wait3A_91 : memref<160x128xf32, #tpu.memory_space<hbm>>) dst(%dma_wait3A_89 : memref<160x128xf32, #tpu.memory_space<vmem_shared>>)
      tpu.yield
    }) : () -> ()
    %barrier3A_49 = arith.constant 0 : index
    tpu.barrier barrier_id(%barrier3A_49)
    %add3A_50 = arith.constant 0 : i32
    %add3A_51 = arith.addi %mul3A_2, %add3A_50 : i32
    %dma_start3A_52 = tpu.memref_slice %arg3[%add3A_51] : memref<327680xi32, #tpu.memory_space<hbm>> -> memref<64xi32, #tpu.memory_space<hbm>>
    %dma_start3A_53 = tpu.memref_slice %arg3[%add3A_51] : memref<327680xi32, #tpu.memory_space<hbm>> -> memref<64xi32, #tpu.memory_space<hbm>>
    tpu.enqueue_dma source(%dma_start3A_53 : memref<64xi32, #tpu.memory_space<hbm>>) target(%arg7 : memref<64xi32, #tpu.memory_space<vmem>>) target_semaphore(%arg19 : memref<!tpu.dma_semaphore, #tpu.memory_space<semaphore_mem>>)
    %add3A_54 = arith.constant 0 : i32
    %add3A_55 = arith.addi %mul3A_2, %add3A_54 : i32
    %dma_start3A_56 = tpu.memref_slice %arg4[%add3A_55] : memref<327680xi32, #tpu.memory_space<hbm>> -> memref<64xi32, #tpu.memory_space<hbm>>
    %dma_start3A_57 = tpu.memref_slice %arg4[%add3A_55] : memref<327680xi32, #tpu.memory_space<hbm>> -> memref<64xi32, #tpu.memory_space<hbm>>
    tpu.enqueue_dma source(%dma_start3A_57 : memref<64xi32, #tpu.memory_space<hbm>>) target(%arg11 : memref<64xi32, #tpu.memory_space<vmem>>) target_semaphore(%arg23 : memref<!tpu.dma_semaphore, #tpu.memory_space<semaphore_mem>>)
    %add3A_58 = arith.constant 64 : i32
    %add3A_59 = arith.addi %mul3A_2, %add3A_58 : i32
    %dma_start3A_60 = tpu.memref_slice %arg3[%add3A_59] : memref<327680xi32, #tpu.memory_space<hbm>> -> memref<64xi32, #tpu.memory_space<hbm>>
    %dma_start3A_61 = tpu.memref_slice %arg3[%add3A_59] : memref<327680xi32, #tpu.memory_space<hbm>> -> memref<64xi32, #tpu.memory_space<hbm>>
    tpu.enqueue_dma source(%dma_start3A_61 : memref<64xi32, #tpu.memory_space<hbm>>) target(%arg8 : memref<64xi32, #tpu.memory_space<vmem>>) target_semaphore(%arg20 : memref<!tpu.dma_semaphore, #tpu.memory_space<semaphore_mem>>)
    %add3A_62 = arith.constant 64 : i32
    %add3A_63 = arith.addi %mul3A_2, %add3A_62 : i32
    %dma_start3A_64 = tpu.memref_slice %arg4[%add3A_63] : memref<327680xi32, #tpu.memory_space<hbm>> -> memref<64xi32, #tpu.memory_space<hbm>>
    %dma_start3A_65 = tpu.memref_slice %arg4[%add3A_63] : memref<327680xi32, #tpu.memory_space<hbm>> -> memref<64xi32, #tpu.memory_space<hbm>>
    tpu.enqueue_dma source(%dma_start3A_65 : memref<64xi32, #tpu.memory_space<hbm>>) target(%arg12 : memref<64xi32, #tpu.memory_space<vmem>>) target_semaphore(%arg24 : memref<!tpu.dma_semaphore, #tpu.memory_space<semaphore_mem>>)
    %scan3A_66 = arith.constant 0 : i32
    %scan3A_67 = arith.constant 0 : i32
    %scan3A_68 = arith.constant 80 : i32
    %scan3A_69 = arith.addi %scan3A_67, %scan3A_68 : i32
    %scan3A_70 = arith.constant 1 : i32
    scf.for %scan3A_84 = %scan3A_67 to %scan3A_69 step %scan3A_70  : i32 {
      %mul3A_85 = arith.constant 4 : i32
      %mul3A_86 = arith.muli %mul3A_85, %scan3A_84 : i32
      %add3A_87 = arith.constant 0 : i32
      %add3A_88 = arith.addi %mul3A_86, %add3A_87 : i32
      %ge3A = arith.constant 2 : i32
      %ge3A_89 = arith.cmpi sge, %add3A_88, %ge3A : i32
      %convert_element_type3A = arith.extui %ge3A_89 : i1 to i32
      %cond3A = arith.constant 0 : i32
      %cond3A_90 = arith.cmpi ne, %convert_element_type3A, %cond3A : i32
      scf.if %cond3A_90 {
        %dma_wait3A_662 = arith.constant 0 : i32
        %dma_wait3A_663 = arith.constant 0 : i32
        %dma_wait3A_664 = tpu.memref_slice %arg18[%dma_wait3A_662, %dma_wait3A_663] : memref<2560x128xf32, #tpu.memory_space<vmem_shared>> -> memref<2560x128xf32, #tpu.memory_space<vmem_shared>>
        tpu.wait_indirect_dma semaphore(%arg29 : memref<!tpu.dma_semaphore, #tpu.memory_space<semaphore_mem>>) src(%arg15 : memref<64x128xf32, #tpu.memory_space<vmem>>) dst(%dma_wait3A_664 : memref<2560x128xf32, #tpu.memory_space<vmem_shared>>)
      } else {
      }
      %add3A_91 = arith.constant 2 : i32
      %add3A_92 = arith.addi %add3A_88, %add3A_91 : i32
      %lt3A = arith.constant 320 : i32
      %lt3A_93 = arith.cmpi slt, %add3A_92, %lt3A : i32
      %convert_element_type3A_94 = arith.extui %lt3A_93 : i1 to i32
      %cond3A_95 = arith.constant 0 : i32
      %cond3A_96 = arith.cmpi ne, %convert_element_type3A_94, %cond3A_95 : i32
      scf.if %cond3A_96 {
        %add3A_662 = arith.constant 2 : i32
        %add3A_663 = arith.addi %add3A_88, %add3A_662 : i32
        %mul3A_664 = arith.constant 64 : i32
        %mul3A_665 = arith.muli %add3A_663, %mul3A_664 : i32
        %add3A_666 = arith.addi %mul3A_2, %mul3A_665 : i32
        %dma_start3A_667 = tpu.memref_slice %arg3[%add3A_666] : memref<327680xi32, #tpu.memory_space<hbm>> -> memref<64xi32, #tpu.memory_space<hbm>>
        %dma_start3A_668 = tpu.memref_slice %arg3[%add3A_666] : memref<327680xi32, #tpu.memory_space<hbm>> -> memref<64xi32, #tpu.memory_space<hbm>>
        tpu.enqueue_dma source(%dma_start3A_668 : memref<64xi32, #tpu.memory_space<hbm>>) target(%arg9 : memref<64xi32, #tpu.memory_space<vmem>>) target_semaphore(%arg21 : memref<!tpu.dma_semaphore, #tpu.memory_space<semaphore_mem>>)
        %mul3A_669 = arith.constant 64 : i32
        %mul3A_670 = arith.muli %add3A_663, %mul3A_669 : i32
        %add3A_671 = arith.addi %mul3A_2, %mul3A_670 : i32
        %dma_start3A_672 = tpu.memref_slice %arg4[%add3A_671] : memref<327680xi32, #tpu.memory_space<hbm>> -> memref<64xi32, #tpu.memory_space<hbm>>
        %dma_start3A_673 = tpu.memref_slice %arg4[%add3A_671] : memref<327680xi32, #tpu.memory_space<hbm>> -> memref<64xi32, #tpu.memory_space<hbm>>
        tpu.enqueue_dma source(%dma_start3A_673 : memref<64xi32, #tpu.memory_space<hbm>>) target(%arg13 : memref<64xi32, #tpu.memory_space<vmem>>) target_semaphore(%arg25 : memref<!tpu.dma_semaphore, #tpu.memory_space<semaphore_mem>>)
      } else {
      }
      %dma_wait3A_97 = tpu.memref_slice %arg3[%mul3A_2] : memref<327680xi32, #tpu.memory_space<hbm>> -> memref<64xi32, #tpu.memory_space<hbm>>
      %dma_wait3A_98 = tpu.memref_slice %arg3[%mul3A_2] : memref<327680xi32, #tpu.memory_space<hbm>> -> memref<64xi32, #tpu.memory_space<hbm>>
      tpu.wait_dma2 semaphore(%arg19 : memref<!tpu.dma_semaphore, #tpu.memory_space<semaphore_mem>>) src(%dma_wait3A_98 : memref<64xi32, #tpu.memory_space<hbm>>) dst(%arg7 : memref<64xi32, #tpu.memory_space<vmem>>)
      %dma_wait3A_99 = tpu.memref_slice %arg4[%mul3A_2] : memref<327680xi32, #tpu.memory_space<hbm>> -> memref<64xi32, #tpu.memory_space<hbm>>
      %dma_wait3A_100 = tpu.memref_slice %arg4[%mul3A_2] : memref<327680xi32, #tpu.memory_space<hbm>> -> memref<64xi32, #tpu.memory_space<hbm>>
      tpu.wait_dma2 semaphore(%arg23 : memref<!tpu.dma_semaphore, #tpu.memory_space<semaphore_mem>>) src(%dma_wait3A_100 : memref<64xi32, #tpu.memory_space<hbm>>) dst(%arg11 : memref<64xi32, #tpu.memory_space<vmem>>)
      %get3A = arith.constant 0 : index
      %get3A_101 = tpu.vector_load %arg7[%get3A] {strides = array<i32>} : memref<64xi32, #tpu.memory_space<vmem>>, vector<16xi32>,
      %get3A_102 = vector.shape_cast %get3A_101 : vector<16xi32> to vector<16xi32>
      %get3A_103 = arith.constant 0 : index
      %get3A_104 = tpu.vector_load %arg11[%get3A_103] {strides = array<i32>} : memref<64xi32, #tpu.memory_space<vmem>>, vector<16xi32>,
      %get3A_105 = vector.shape_cast %get3A_104 : vector<16xi32> to vector<16xi32>
      %ge3A_106 = vector.broadcast %mul3A_44 : i32 to vector<16xi32>
      %ge3A_107 = arith.cmpi sge, %get3A_105, %ge3A_106 : vector<16xi32>
      %add3A_108 = arith.constant 2560 : i32
      %add3A_109 = arith.addi %mul3A_44, %add3A_108 : i32
      %lt3A_110 = vector.broadcast %add3A_109 : i32 to vector<16xi32>
      %lt3A_111 = arith.cmpi slt, %get3A_105, %lt3A_110 : vector<16xi32>
      %and3A = arith.andi %ge3A_107, %lt3A_111 : vector<16xi1>
      %jit3A = arith.constant -1 : i32
      %broadcast_in_dim3A = vector.broadcast %jit3A : i32 to vector<16xi32>
      %select_n3A = arith.select %and3A, %get3A_102, %broadcast_in_dim3A : vector<16xi1>, vector<16xi32>
      %swap3A = arith.constant 0 : index
      %swap3A_112 = tpu.vector_load %arg7[%swap3A] {strides = array<i32>} : memref<64xi32, #tpu.memory_space<vmem>>, vector<16xi32>,
      %swap3A_113 = vector.shape_cast %swap3A_112 : vector<16xi32> to vector<16xi32>
      %swap3A_114 = vector.shape_cast %select_n3A : vector<16xi32> to vector<16xi32>
      tpu.vector_store %arg7[%swap3A], %swap3A_114 {strides = array<i32>} : memref<64xi32, #tpu.memory_space<vmem>>, vector<16xi32>,
      %sub3A = vector.broadcast %mul3A_44 : i32 to vector<16xi32>
      %sub3A_115 = arith.subi %get3A_105, %sub3A : vector<16xi32>
      %jit3A_116 = arith.constant -1 : i32
      %broadcast_in_dim3A_117 = vector.broadcast %jit3A_116 : i32 to vector<16xi32>
      %select_n3A_118 = arith.select %and3A, %sub3A_115, %broadcast_in_dim3A_117 : vector<16xi1>, vector<16xi32>
      %swap3A_119 = arith.constant 0 : index
      %swap3A_120 = tpu.vector_load %arg11[%swap3A_119] {strides = array<i32>} : memref<64xi32, #tpu.memory_space<vmem>>, vector<16xi32>,
      %swap3A_121 = vector.shape_cast %swap3A_120 : vector<16xi32> to vector<16xi32>
      %swap3A_122 = vector.shape_cast %select_n3A_118 : vector<16xi32> to vector<16xi32>
      tpu.vector_store %arg11[%swap3A_119], %swap3A_122 {strides = array<i32>} : memref<64xi32, #tpu.memory_space<vmem>>, vector<16xi32>,
      %get3A_123 = arith.constant 16 : index
      %get3A_124 = tpu.vector_load %arg7[%get3A_123] {strides = array<i32>} : memref<64xi32, #tpu.memory_space<vmem>>, vector<16xi32>,
      %get3A_125 = vector.shape_cast %get3A_124 : vector<16xi32> to vector<16xi32>
      %get3A_126 = arith.constant 16 : index
      %get3A_127 = tpu.vector_load %arg11[%get3A_126] {strides = array<i32>} : memref<64xi32, #tpu.memory_space<vmem>>, vector<16xi32>,
      %get3A_128 = vector.shape_cast %get3A_127 : vector<16xi32> to vector<16xi32>
      %ge3A_129 = vector.broadcast %mul3A_44 : i32 to vector<16xi32>
      %ge3A_130 = arith.cmpi sge, %get3A_128, %ge3A_129 : vector<16xi32>
      %add3A_131 = arith.constant 2560 : i32
      %add3A_132 = arith.addi %mul3A_44, %add3A_131 : i32
      %lt3A_133 = vector.broadcast %add3A_132 : i32 to vector<16xi32>
      %lt3A_134 = arith.cmpi slt, %get3A_128, %lt3A_133 : vector<16xi32>
      %and3A_135 = arith.andi %ge3A_130, %lt3A_134 : vector<16xi1>
      %jit3A_136 = arith.constant -1 : i32
      %broadcast_in_dim3A_137 = vector.broadcast %jit3A_136 : i32 to vector<16xi32>
      %select_n3A_138 = arith.select %and3A_135, %get3A_125, %broadcast_in_dim3A_137 : vector<16xi1>, vector<16xi32>
      %swap3A_139 = arith.constant 16 : index
      %swap3A_140 = tpu.vector_load %arg7[%swap3A_139] {strides = array<i32>} : memref<64xi32, #tpu.memory_space<vmem>>, vector<16xi32>,
      %swap3A_141 = vector.shape_cast %swap3A_140 : vector<16xi32> to vector<16xi32>
      %swap3A_142 = vector.shape_cast %select_n3A_138 : vector<16xi32> to vector<16xi32>
      tpu.vector_store %arg7[%swap3A_139], %swap3A_142 {strides = array<i32>} : memref<64xi32, #tpu.memory_space<vmem>>, vector<16xi32>,
      %sub3A_143 = vector.broadcast %mul3A_44 : i32 to vector<16xi32>
      %sub3A_144 = arith.subi %get3A_128, %sub3A_143 : vector<16xi32>
      %jit3A_145 = arith.constant -1 : i32
      %broadcast_in_dim3A_146 = vector.broadcast %jit3A_145 : i32 to vector<16xi32>
      %select_n3A_147 = arith.select %and3A_135, %sub3A_144, %broadcast_in_dim3A_146 : vector<16xi1>, vector<16xi32>
      %swap3A_148 = arith.constant 16 : index
      %swap3A_149 = tpu.vector_load %arg11[%swap3A_148] {strides = array<i32>} : memref<64xi32, #tpu.memory_space<vmem>>, vector<16xi32>,
      %swap3A_150 = vector.shape_cast %swap3A_149 : vector<16xi32> to vector<16xi32>
      %swap3A_151 = vector.shape_cast %select_n3A_147 : vector<16xi32> to vector<16xi32>
      tpu.vector_store %arg11[%swap3A_148], %swap3A_151 {strides = array<i32>} : memref<64xi32, #tpu.memory_space<vmem>>, vector<16xi32>,
      %get3A_152 = arith.constant 32 : index
      %get3A_153 = tpu.vector_load %arg7[%get3A_152] {strides = array<i32>} : memref<64xi32, #tpu.memory_space<vmem>>, vector<16xi32>,
      %get3A_154 = vector.shape_cast %get3A_153 : vector<16xi32> to vector<16xi32>
      %get3A_155 = arith.constant 32 : index
      %get3A_156 = tpu.vector_load %arg11[%get3A_155] {strides = array<i32>} : memref<64xi32, #tpu.memory_space<vmem>>, vector<16xi32>,
      %get3A_157 = vector.shape_cast %get3A_156 : vector<16xi32> to vector<16xi32>
      %ge3A_158 = vector.broadcast %mul3A_44 : i32 to vector<16xi32>
      %ge3A_159 = arith.cmpi sge, %get3A_157, %ge3A_158 : vector<16xi32>
      %add3A_160 = arith.constant 2560 : i32
      %add3A_161 = arith.addi %mul3A_44, %add3A_160 : i32
      %lt3A_162 = vector.broadcast %add3A_161 : i32 to vector<16xi32>
      %lt3A_163 = arith.cmpi slt, %get3A_157, %lt3A_162 : vector<16xi32>
      %and3A_164 = arith.andi %ge3A_159, %lt3A_163 : vector<16xi1>
      %jit3A_165 = arith.constant -1 : i32
      %broadcast_in_dim3A_166 = vector.broadcast %jit3A_165 : i32 to vector<16xi32>
      %select_n3A_167 = arith.select %and3A_164, %get3A_154, %broadcast_in_dim3A_166 : vector<16xi1>, vector<16xi32>
      %swap3A_168 = arith.constant 32 : index
      %swap3A_169 = tpu.vector_load %arg7[%swap3A_168] {strides = array<i32>} : memref<64xi32, #tpu.memory_space<vmem>>, vector<16xi32>,
      %swap3A_170 = vector.shape_cast %swap3A_169 : vector<16xi32> to vector<16xi32>
      %swap3A_171 = vector.shape_cast %select_n3A_167 : vector<16xi32> to vector<16xi32>
      tpu.vector_store %arg7[%swap3A_168], %swap3A_171 {strides = array<i32>} : memref<64xi32, #tpu.memory_space<vmem>>, vector<16xi32>,
      %sub3A_172 = vector.broadcast %mul3A_44 : i32 to vector<16xi32>
      %sub3A_173 = arith.subi %get3A_157, %sub3A_172 : vector<16xi32>
      %jit3A_174 = arith.constant -1 : i32
      %broadcast_in_dim3A_175 = vector.broadcast %jit3A_174 : i32 to vector<16xi32>
      %select_n3A_176 = arith.select %and3A_164, %sub3A_173, %broadcast_in_dim3A_175 : vector<16xi1>, vector<16xi32>
      %swap3A_177 = arith.constant 32 : index
      %swap3A_178 = tpu.vector_load %arg11[%swap3A_177] {strides = array<i32>} : memref<64xi32, #tpu.memory_space<vmem>>, vector<16xi32>,
      %swap3A_179 = vector.shape_cast %swap3A_178 : vector<16xi32> to vector<16xi32>
      %swap3A_180 = vector.shape_cast %select_n3A_176 : vector<16xi32> to vector<16xi32>
      tpu.vector_store %arg11[%swap3A_177], %swap3A_180 {strides = array<i32>} : memref<64xi32, #tpu.memory_space<vmem>>, vector<16xi32>,
      %get3A_181 = arith.constant 48 : index
      %get3A_182 = tpu.vector_load %arg7[%get3A_181] {strides = array<i32>} : memref<64xi32, #tpu.memory_space<vmem>>, vector<16xi32>,
      %get3A_183 = vector.shape_cast %get3A_182 : vector<16xi32> to vector<16xi32>
      %get3A_184 = arith.constant 48 : index
      %get3A_185 = tpu.vector_load %arg11[%get3A_184] {strides = array<i32>} : memref<64xi32, #tpu.memory_space<vmem>>, vector<16xi32>,
      %get3A_186 = vector.shape_cast %get3A_185 : vector<16xi32> to vector<16xi32>
      %ge3A_187 = vector.broadcast %mul3A_44 : i32 to vector<16xi32>
      %ge3A_188 = arith.cmpi sge, %get3A_186, %ge3A_187 : vector<16xi32>
      %add3A_189 = arith.constant 2560 : i32
      %add3A_190 = arith.addi %mul3A_44, %add3A_189 : i32
      %lt3A_191 = vector.broadcast %add3A_190 : i32 to vector<16xi32>
      %lt3A_192 = arith.cmpi slt, %get3A_186, %lt3A_191 : vector<16xi32>
      %and3A_193 = arith.andi %ge3A_188, %lt3A_192 : vector<16xi1>
      %jit3A_194 = arith.constant -1 : i32
      %broadcast_in_dim3A_195 = vector.broadcast %jit3A_194 : i32 to vector<16xi32>
      %select_n3A_196 = arith.select %and3A_193, %get3A_183, %broadcast_in_dim3A_195 : vector<16xi1>, vector<16xi32>
      %swap3A_197 = arith.constant 48 : index
      %swap3A_198 = tpu.vector_load %arg7[%swap3A_197] {strides = array<i32>} : memref<64xi32, #tpu.memory_space<vmem>>, vector<16xi32>,
      %swap3A_199 = vector.shape_cast %swap3A_198 : vector<16xi32> to vector<16xi32>
      %swap3A_200 = vector.shape_cast %select_n3A_196 : vector<16xi32> to vector<16xi32>
      tpu.vector_store %arg7[%swap3A_197], %swap3A_200 {strides = array<i32>} : memref<64xi32, #tpu.memory_space<vmem>>, vector<16xi32>,
      %sub3A_201 = vector.broadcast %mul3A_44 : i32 to vector<16xi32>
      %sub3A_202 = arith.subi %get3A_186, %sub3A_201 : vector<16xi32>
      %jit3A_203 = arith.constant -1 : i32
      %broadcast_in_dim3A_204 = vector.broadcast %jit3A_203 : i32 to vector<16xi32>
      %select_n3A_205 = arith.select %and3A_193, %sub3A_202, %broadcast_in_dim3A_204 : vector<16xi1>, vector<16xi32>
      %swap3A_206 = arith.constant 48 : index
      %swap3A_207 = tpu.vector_load %arg11[%swap3A_206] {strides = array<i32>} : memref<64xi32, #tpu.memory_space<vmem>>, vector<16xi32>,
      %swap3A_208 = vector.shape_cast %swap3A_207 : vector<16xi32> to vector<16xi32>
      %swap3A_209 = vector.shape_cast %select_n3A_205 : vector<16xi32> to vector<16xi32>
      tpu.vector_store %arg11[%swap3A_206], %swap3A_209 {strides = array<i32>} : memref<64xi32, #tpu.memory_space<vmem>>, vector<16xi32>,
      %dma_start3A_210 = arith.constant 0 : i32
      %dma_start3A_211 = arith.constant 0 : i32
      %dma_start3A_212 = tpu.memref_slice %arg17[%dma_start3A_210, %dma_start3A_211] : memref<10240x128xf32, #tpu.memory_space<vmem_shared>> -> memref<10240x128xf32, #tpu.memory_space<vmem_shared>>
      %dma_start3A_213 = arith.constant -1 : i32
      tpu.enqueue_indirect_dma source(%dma_start3A_212 : memref<10240x128xf32, #tpu.memory_space<vmem_shared>>) target(%arg15 : memref<64x128xf32, #tpu.memory_space<vmem>>) offsets(%arg7 : memref<64xi32, #tpu.memory_space<vmem>>) offset_filter(%dma_start3A_213) semaphore(%arg27 : memref<!tpu.dma_semaphore, #tpu.memory_space<semaphore_mem>>)
      %dma_wait3A_214 = arith.constant 0 : i32
      %dma_wait3A_215 = arith.constant 0 : i32
      %dma_wait3A_216 = tpu.memref_slice %arg17[%dma_wait3A_214, %dma_wait3A_215] : memref<10240x128xf32, #tpu.memory_space<vmem_shared>> -> memref<10240x128xf32, #tpu.memory_space<vmem_shared>>
      tpu.wait_indirect_dma semaphore(%arg27 : memref<!tpu.dma_semaphore, #tpu.memory_space<semaphore_mem>>) src(%dma_wait3A_216 : memref<10240x128xf32, #tpu.memory_space<vmem_shared>>) dst(%arg15 : memref<64x128xf32, #tpu.memory_space<vmem>>)
      %dma_start3A_217 = arith.constant 0 : i32
      %dma_start3A_218 = arith.constant 0 : i32
      %dma_start3A_219 = tpu.memref_slice %arg18[%dma_start3A_217, %dma_start3A_218] : memref<2560x128xf32, #tpu.memory_space<vmem_shared>> -> memref<2560x128xf32, #tpu.memory_space<vmem_shared>>
      %dma_start3A_220 = arith.constant -1 : i32
      tpu.enqueue_indirect_dma source(%arg15 : memref<64x128xf32, #tpu.memory_space<vmem>>) target(%dma_start3A_219 : memref<2560x128xf32, #tpu.memory_space<vmem_shared>>) offsets(%arg11 : memref<64xi32, #tpu.memory_space<vmem>>) offset_filter(%dma_start3A_220) semaphore(%arg29 : memref<!tpu.dma_semaphore, #tpu.memory_space<semaphore_mem>>) {add = true}
      %mul3A_221 = arith.constant 4 : i32
      %mul3A_222 = arith.muli %mul3A_221, %scan3A_84 : i32
      %add3A_223 = arith.constant 1 : i32
      %add3A_224 = arith.addi %mul3A_222, %add3A_223 : i32
      %ge3A_225 = arith.constant 2 : i32
      %ge3A_226 = arith.cmpi sge, %add3A_224, %ge3A_225 : i32
      %convert_element_type3A_227 = arith.extui %ge3A_226 : i1 to i32
      %cond3A_228 = arith.constant 0 : i32
      %cond3A_229 = arith.cmpi ne, %convert_element_type3A_227, %cond3A_228 : i32
      scf.if %cond3A_229 {
        %dma_wait3A_662 = arith.constant 0 : i32
        %dma_wait3A_663 = arith.constant 0 : i32
        %dma_wait3A_664 = tpu.memref_slice %arg18[%dma_wait3A_662, %dma_wait3A_663] : memref<2560x128xf32, #tpu.memory_space<vmem_shared>> -> memref<2560x128xf32, #tpu.memory_space<vmem_shared>>
        tpu.wait_indirect_dma semaphore(%arg30 : memref<!tpu.dma_semaphore, #tpu.memory_space<semaphore_mem>>) src(%arg16 : memref<64x128xf32, #tpu.memory_space<vmem>>) dst(%dma_wait3A_664 : memref<2560x128xf32, #tpu.memory_space<vmem_shared>>)
      } else {
      }
      %add3A_230 = arith.constant 2 : i32
      %add3A_231 = arith.addi %add3A_224, %add3A_230 : i32
      %lt3A_232 = arith.constant 320 : i32
      %lt3A_233 = arith.cmpi slt, %add3A_231, %lt3A_232 : i32
      %convert_element_type3A_234 = arith.extui %lt3A_233 : i1 to i32
      %cond3A_235 = arith.constant 0 : i32
      %cond3A_236 = arith.cmpi ne, %convert_element_type3A_234, %cond3A_235 : i32
      scf.if %cond3A_236 {
        %add3A_662 = arith.constant 2 : i32
        %add3A_663 = arith.addi %add3A_224, %add3A_662 : i32
        %mul3A_664 = arith.constant 64 : i32
        %mul3A_665 = arith.muli %add3A_663, %mul3A_664 : i32
        %add3A_666 = arith.addi %mul3A_2, %mul3A_665 : i32
        %dma_start3A_667 = tpu.memref_slice %arg3[%add3A_666] : memref<327680xi32, #tpu.memory_space<hbm>> -> memref<64xi32, #tpu.memory_space<hbm>>
        %dma_start3A_668 = tpu.memref_slice %arg3[%add3A_666] : memref<327680xi32, #tpu.memory_space<hbm>> -> memref<64xi32, #tpu.memory_space<hbm>>
        tpu.enqueue_dma source(%dma_start3A_668 : memref<64xi32, #tpu.memory_space<hbm>>) target(%arg10 : memref<64xi32, #tpu.memory_space<vmem>>) target_semaphore(%arg22 : memref<!tpu.dma_semaphore, #tpu.memory_space<semaphore_mem>>)
        %mul3A_669 = arith.constant 64 : i32
        %mul3A_670 = arith.muli %add3A_663, %mul3A_669 : i32
        %add3A_671 = arith.addi %mul3A_2, %mul3A_670 : i32
        %dma_start3A_672 = tpu.memref_slice %arg4[%add3A_671] : memref<327680xi32, #tpu.memory_space<hbm>> -> memref<64xi32, #tpu.memory_space<hbm>>
        %dma_start3A_673 = tpu.memref_slice %arg4[%add3A_671] : memref<327680xi32, #tpu.memory_space<hbm>> -> memref<64xi32, #tpu.memory_space<hbm>>
        tpu.enqueue_dma source(%dma_start3A_673 : memref<64xi32, #tpu.memory_space<hbm>>) target(%arg14 : memref<64xi32, #tpu.memory_space<vmem>>) target_semaphore(%arg26 : memref<!tpu.dma_semaphore, #tpu.memory_space<semaphore_mem>>)
      } else {
      }
      %dma_wait3A_237 = tpu.memref_slice %arg3[%mul3A_2] : memref<327680xi32, #tpu.memory_space<hbm>> -> memref<64xi32, #tpu.memory_space<hbm>>
      %dma_wait3A_238 = tpu.memref_slice %arg3[%mul3A_2] : memref<327680xi32, #tpu.memory_space<hbm>> -> memref<64xi32, #tpu.memory_space<hbm>>
      tpu.wait_dma2 semaphore(%arg20 : memref<!tpu.dma_semaphore, #tpu.memory_space<semaphore_mem>>) src(%dma_wait3A_238 : memref<64xi32, #tpu.memory_space<hbm>>) dst(%arg8 : memref<64xi32, #tpu.memory_space<vmem>>)
      %dma_wait3A_239 = tpu.memref_slice %arg4[%mul3A_2] : memref<327680xi32, #tpu.memory_space<hbm>> -> memref<64xi32, #tpu.memory_space<hbm>>
      %dma_wait3A_240 = tpu.memref_slice %arg4[%mul3A_2] : memref<327680xi32, #tpu.memory_space<hbm>> -> memref<64xi32, #tpu.memory_space<hbm>>
      tpu.wait_dma2 semaphore(%arg24 : memref<!tpu.dma_semaphore, #tpu.memory_space<semaphore_mem>>) src(%dma_wait3A_240 : memref<64xi32, #tpu.memory_space<hbm>>) dst(%arg12 : memref<64xi32, #tpu.memory_space<vmem>>)
      %get3A_241 = arith.constant 0 : index
      %get3A_242 = tpu.vector_load %arg8[%get3A_241] {strides = array<i32>} : memref<64xi32, #tpu.memory_space<vmem>>, vector<16xi32>,
      %get3A_243 = vector.shape_cast %get3A_242 : vector<16xi32> to vector<16xi32>
      %get3A_244 = arith.constant 0 : index
      %get3A_245 = tpu.vector_load %arg12[%get3A_244] {strides = array<i32>} : memref<64xi32, #tpu.memory_space<vmem>>, vector<16xi32>,
      %get3A_246 = vector.shape_cast %get3A_245 : vector<16xi32> to vector<16xi32>
      %ge3A_247 = vector.broadcast %mul3A_44 : i32 to vector<16xi32>
      %ge3A_248 = arith.cmpi sge, %get3A_246, %ge3A_247 : vector<16xi32>
      %add3A_249 = arith.constant 2560 : i32
      %add3A_250 = arith.addi %mul3A_44, %add3A_249 : i32
      %lt3A_251 = vector.broadcast %add3A_250 : i32 to vector<16xi32>
      %lt3A_252 = arith.cmpi slt, %get3A_246, %lt3A_251 : vector<16xi32>
      %and3A_253 = arith.andi %ge3A_248, %lt3A_252 : vector<16xi1>
      %jit3A_254 = arith.constant -1 : i32
      %broadcast_in_dim3A_255 = vector.broadcast %jit3A_254 : i32 to vector<16xi32>
      %select_n3A_256 = arith.select %and3A_253, %get3A_243, %broadcast_in_dim3A_255 : vector<16xi1>, vector<16xi32>
      %swap3A_257 = arith.constant 0 : index
      %swap3A_258 = tpu.vector_load %arg8[%swap3A_257] {strides = array<i32>} : memref<64xi32, #tpu.memory_space<vmem>>, vector<16xi32>,
      %swap3A_259 = vector.shape_cast %swap3A_258 : vector<16xi32> to vector<16xi32>
      %swap3A_260 = vector.shape_cast %select_n3A_256 : vector<16xi32> to vector<16xi32>
      tpu.vector_store %arg8[%swap3A_257], %swap3A_260 {strides = array<i32>} : memref<64xi32, #tpu.memory_space<vmem>>, vector<16xi32>,
      %sub3A_261 = vector.broadcast %mul3A_44 : i32 to vector<16xi32>
      %sub3A_262 = arith.subi %get3A_246, %sub3A_261 : vector<16xi32>
      %jit3A_263 = arith.constant -1 : i32
      %broadcast_in_dim3A_264 = vector.broadcast %jit3A_263 : i32 to vector<16xi32>
      %select_n3A_265 = arith.select %and3A_253, %sub3A_262, %broadcast_in_dim3A_264 : vector<16xi1>, vector<16xi32>
      %swap3A_266 = arith.constant 0 : index
      %swap3A_267 = tpu.vector_load %arg12[%swap3A_266] {strides = array<i32>} : memref<64xi32, #tpu.memory_space<vmem>>, vector<16xi32>,
      %swap3A_268 = vector.shape_cast %swap3A_267 : vector<16xi32> to vector<16xi32>
      %swap3A_269 = vector.shape_cast %select_n3A_265 : vector<16xi32> to vector<16xi32>
      tpu.vector_store %arg12[%swap3A_266], %swap3A_269 {strides = array<i32>} : memref<64xi32, #tpu.memory_space<vmem>>, vector<16xi32>,
      %get3A_270 = arith.constant 16 : index
      %get3A_271 = tpu.vector_load %arg8[%get3A_270] {strides = array<i32>} : memref<64xi32, #tpu.memory_space<vmem>>, vector<16xi32>,
      %get3A_272 = vector.shape_cast %get3A_271 : vector<16xi32> to vector<16xi32>
      %get3A_273 = arith.constant 16 : index
      %get3A_274 = tpu.vector_load %arg12[%get3A_273] {strides = array<i32>} : memref<64xi32, #tpu.memory_space<vmem>>, vector<16xi32>,
      %get3A_275 = vector.shape_cast %get3A_274 : vector<16xi32> to vector<16xi32>
      %ge3A_276 = vector.broadcast %mul3A_44 : i32 to vector<16xi32>
      %ge3A_277 = arith.cmpi sge, %get3A_275, %ge3A_276 : vector<16xi32>
      %add3A_278 = arith.constant 2560 : i32
      %add3A_279 = arith.addi %mul3A_44, %add3A_278 : i32
      %lt3A_280 = vector.broadcast %add3A_279 : i32 to vector<16xi32>
      %lt3A_281 = arith.cmpi slt, %get3A_275, %lt3A_280 : vector<16xi32>
      %and3A_282 = arith.andi %ge3A_277, %lt3A_281 : vector<16xi1>
      %jit3A_283 = arith.constant -1 : i32
      %broadcast_in_dim3A_284 = vector.broadcast %jit3A_283 : i32 to vector<16xi32>
      %select_n3A_285 = arith.select %and3A_282, %get3A_272, %broadcast_in_dim3A_284 : vector<16xi1>, vector<16xi32>
      %swap3A_286 = arith.constant 16 : index
      %swap3A_287 = tpu.vector_load %arg8[%swap3A_286] {strides = array<i32>} : memref<64xi32, #tpu.memory_space<vmem>>, vector<16xi32>,
      %swap3A_288 = vector.shape_cast %swap3A_287 : vector<16xi32> to vector<16xi32>
      %swap3A_289 = vector.shape_cast %select_n3A_285 : vector<16xi32> to vector<16xi32>
      tpu.vector_store %arg8[%swap3A_286], %swap3A_289 {strides = array<i32>} : memref<64xi32, #tpu.memory_space<vmem>>, vector<16xi32>,
      %sub3A_290 = vector.broadcast %mul3A_44 : i32 to vector<16xi32>
      %sub3A_291 = arith.subi %get3A_275, %sub3A_290 : vector<16xi32>
      %jit3A_292 = arith.constant -1 : i32
      %broadcast_in_dim3A_293 = vector.broadcast %jit3A_292 : i32 to vector<16xi32>
      %select_n3A_294 = arith.select %and3A_282, %sub3A_291, %broadcast_in_dim3A_293 : vector<16xi1>, vector<16xi32>
      %swap3A_295 = arith.constant 16 : index
      %swap3A_296 = tpu.vector_load %arg12[%swap3A_295] {strides = array<i32>} : memref<64xi32, #tpu.memory_space<vmem>>, vector<16xi32>,
      %swap3A_297 = vector.shape_cast %swap3A_296 : vector<16xi32> to vector<16xi32>
      %swap3A_298 = vector.shape_cast %select_n3A_294 : vector<16xi32> to vector<16xi32>
      tpu.vector_store %arg12[%swap3A_295], %swap3A_298 {strides = array<i32>} : memref<64xi32, #tpu.memory_space<vmem>>, vector<16xi32>,
      %get3A_299 = arith.constant 32 : index
      %get3A_300 = tpu.vector_load %arg8[%get3A_299] {strides = array<i32>} : memref<64xi32, #tpu.memory_space<vmem>>, vector<16xi32>,
      %get3A_301 = vector.shape_cast %get3A_300 : vector<16xi32> to vector<16xi32>
      %get3A_302 = arith.constant 32 : index
      %get3A_303 = tpu.vector_load %arg12[%get3A_302] {strides = array<i32>} : memref<64xi32, #tpu.memory_space<vmem>>, vector<16xi32>,
      %get3A_304 = vector.shape_cast %get3A_303 : vector<16xi32> to vector<16xi32>
      %ge3A_305 = vector.broadcast %mul3A_44 : i32 to vector<16xi32>
      %ge3A_306 = arith.cmpi sge, %get3A_304, %ge3A_305 : vector<16xi32>
      %add3A_307 = arith.constant 2560 : i32
      %add3A_308 = arith.addi %mul3A_44, %add3A_307 : i32
      %lt3A_309 = vector.broadcast %add3A_308 : i32 to vector<16xi32>
      %lt3A_310 = arith.cmpi slt, %get3A_304, %lt3A_309 : vector<16xi32>
      %and3A_311 = arith.andi %ge3A_306, %lt3A_310 : vector<16xi1>
      %jit3A_312 = arith.constant -1 : i32
      %broadcast_in_dim3A_313 = vector.broadcast %jit3A_312 : i32 to vector<16xi32>
      %select_n3A_314 = arith.select %and3A_311, %get3A_301, %broadcast_in_dim3A_313 : vector<16xi1>, vector<16xi32>
      %swap3A_315 = arith.constant 32 : index
      %swap3A_316 = tpu.vector_load %arg8[%swap3A_315] {strides = array<i32>} : memref<64xi32, #tpu.memory_space<vmem>>, vector<16xi32>,
      %swap3A_317 = vector.shape_cast %swap3A_316 : vector<16xi32> to vector<16xi32>
      %swap3A_318 = vector.shape_cast %select_n3A_314 : vector<16xi32> to vector<16xi32>
      tpu.vector_store %arg8[%swap3A_315], %swap3A_318 {strides = array<i32>} : memref<64xi32, #tpu.memory_space<vmem>>, vector<16xi32>,
      %sub3A_319 = vector.broadcast %mul3A_44 : i32 to vector<16xi32>
      %sub3A_320 = arith.subi %get3A_304, %sub3A_319 : vector<16xi32>
      %jit3A_321 = arith.constant -1 : i32
      %broadcast_in_dim3A_322 = vector.broadcast %jit3A_321 : i32 to vector<16xi32>
      %select_n3A_323 = arith.select %and3A_311, %sub3A_320, %broadcast_in_dim3A_322 : vector<16xi1>, vector<16xi32>
      %swap3A_324 = arith.constant 32 : index
      %swap3A_325 = tpu.vector_load %arg12[%swap3A_324] {strides = array<i32>} : memref<64xi32, #tpu.memory_space<vmem>>, vector<16xi32>,
      %swap3A_326 = vector.shape_cast %swap3A_325 : vector<16xi32> to vector<16xi32>
      %swap3A_327 = vector.shape_cast %select_n3A_323 : vector<16xi32> to vector<16xi32>
      tpu.vector_store %arg12[%swap3A_324], %swap3A_327 {strides = array<i32>} : memref<64xi32, #tpu.memory_space<vmem>>, vector<16xi32>,
      %get3A_328 = arith.constant 48 : index
      %get3A_329 = tpu.vector_load %arg8[%get3A_328] {strides = array<i32>} : memref<64xi32, #tpu.memory_space<vmem>>, vector<16xi32>,
      %get3A_330 = vector.shape_cast %get3A_329 : vector<16xi32> to vector<16xi32>
      %get3A_331 = arith.constant 48 : index
      %get3A_332 = tpu.vector_load %arg12[%get3A_331] {strides = array<i32>} : memref<64xi32, #tpu.memory_space<vmem>>, vector<16xi32>,
      %get3A_333 = vector.shape_cast %get3A_332 : vector<16xi32> to vector<16xi32>
      %ge3A_334 = vector.broadcast %mul3A_44 : i32 to vector<16xi32>
      %ge3A_335 = arith.cmpi sge, %get3A_333, %ge3A_334 : vector<16xi32>
      %add3A_336 = arith.constant 2560 : i32
      %add3A_337 = arith.addi %mul3A_44, %add3A_336 : i32
      %lt3A_338 = vector.broadcast %add3A_337 : i32 to vector<16xi32>
      %lt3A_339 = arith.cmpi slt, %get3A_333, %lt3A_338 : vector<16xi32>
      %and3A_340 = arith.andi %ge3A_335, %lt3A_339 : vector<16xi1>
      %jit3A_341 = arith.constant -1 : i32
      %broadcast_in_dim3A_342 = vector.broadcast %jit3A_341 : i32 to vector<16xi32>
      %select_n3A_343 = arith.select %and3A_340, %get3A_330, %broadcast_in_dim3A_342 : vector<16xi1>, vector<16xi32>
      %swap3A_344 = arith.constant 48 : index
      %swap3A_345 = tpu.vector_load %arg8[%swap3A_344] {strides = array<i32>} : memref<64xi32, #tpu.memory_space<vmem>>, vector<16xi32>,
      %swap3A_346 = vector.shape_cast %swap3A_345 : vector<16xi32> to vector<16xi32>
      %swap3A_347 = vector.shape_cast %select_n3A_343 : vector<16xi32> to vector<16xi32>
      tpu.vector_store %arg8[%swap3A_344], %swap3A_347 {strides = array<i32>} : memref<64xi32, #tpu.memory_space<vmem>>, vector<16xi32>,
      %sub3A_348 = vector.broadcast %mul3A_44 : i32 to vector<16xi32>
      %sub3A_349 = arith.subi %get3A_333, %sub3A_348 : vector<16xi32>
      %jit3A_350 = arith.constant -1 : i32
      %broadcast_in_dim3A_351 = vector.broadcast %jit3A_350 : i32 to vector<16xi32>
      %select_n3A_352 = arith.select %and3A_340, %sub3A_349, %broadcast_in_dim3A_351 : vector<16xi1>, vector<16xi32>
      %swap3A_353 = arith.constant 48 : index
      %swap3A_354 = tpu.vector_load %arg12[%swap3A_353] {strides = array<i32>} : memref<64xi32, #tpu.memory_space<vmem>>, vector<16xi32>,
      %swap3A_355 = vector.shape_cast %swap3A_354 : vector<16xi32> to vector<16xi32>
      %swap3A_356 = vector.shape_cast %select_n3A_352 : vector<16xi32> to vector<16xi32>
      tpu.vector_store %arg12[%swap3A_353], %swap3A_356 {strides = array<i32>} : memref<64xi32, #tpu.memory_space<vmem>>, vector<16xi32>,
      %dma_start3A_357 = arith.constant 0 : i32
      %dma_start3A_358 = arith.constant 0 : i32
      %dma_start3A_359 = tpu.memref_slice %arg17[%dma_start3A_357, %dma_start3A_358] : memref<10240x128xf32, #tpu.memory_space<vmem_shared>> -> memref<10240x128xf32, #tpu.memory_space<vmem_shared>>
      %dma_start3A_360 = arith.constant -1 : i32
      tpu.enqueue_indirect_dma source(%dma_start3A_359 : memref<10240x128xf32, #tpu.memory_space<vmem_shared>>) target(%arg16 : memref<64x128xf32, #tpu.memory_space<vmem>>) offsets(%arg8 : memref<64xi32, #tpu.memory_space<vmem>>) offset_filter(%dma_start3A_360) semaphore(%arg28 : memref<!tpu.dma_semaphore, #tpu.memory_space<semaphore_mem>>)
      %dma_wait3A_361 = arith.constant 0 : i32
      %dma_wait3A_362 = arith.constant 0 : i32
      %dma_wait3A_363 = tpu.memref_slice %arg17[%dma_wait3A_361, %dma_wait3A_362] : memref<10240x128xf32, #tpu.memory_space<vmem_shared>> -> memref<10240x128xf32, #tpu.memory_space<vmem_shared>>
      tpu.wait_indirect_dma semaphore(%arg28 : memref<!tpu.dma_semaphore, #tpu.memory_space<semaphore_mem>>) src(%dma_wait3A_363 : memref<10240x128xf32, #tpu.memory_space<vmem_shared>>) dst(%arg16 : memref<64x128xf32, #tpu.memory_space<vmem>>)
      %dma_start3A_364 = arith.constant 0 : i32
      %dma_start3A_365 = arith.constant 0 : i32
      %dma_start3A_366 = tpu.memref_slice %arg18[%dma_start3A_364, %dma_start3A_365] : memref<2560x128xf32, #tpu.memory_space<vmem_shared>> -> memref<2560x128xf32, #tpu.memory_space<vmem_shared>>
      %dma_start3A_367 = arith.constant -1 : i32
      tpu.enqueue_indirect_dma source(%arg16 : memref<64x128xf32, #tpu.memory_space<vmem>>) target(%dma_start3A_366 : memref<2560x128xf32, #tpu.memory_space<vmem_shared>>) offsets(%arg12 : memref<64xi32, #tpu.memory_space<vmem>>) offset_filter(%dma_start3A_367) semaphore(%arg30 : memref<!tpu.dma_semaphore, #tpu.memory_space<semaphore_mem>>) {add = true}
      %mul3A_368 = arith.constant 4 : i32
      %mul3A_369 = arith.muli %mul3A_368, %scan3A_84 : i32
      %add3A_370 = arith.constant 2 : i32
      %add3A_371 = arith.addi %mul3A_369, %add3A_370 : i32
      %ge3A_372 = arith.constant 2 : i32
      %ge3A_373 = arith.cmpi sge, %add3A_371, %ge3A_372 : i32
      %convert_element_type3A_374 = arith.extui %ge3A_373 : i1 to i32
      %cond3A_375 = arith.constant 0 : i32
      %cond3A_376 = arith.cmpi ne, %convert_element_type3A_374, %cond3A_375 : i32
      scf.if %cond3A_376 {
        %dma_wait3A_662 = arith.constant 0 : i32
        %dma_wait3A_663 = arith.constant 0 : i32
        %dma_wait3A_664 = tpu.memref_slice %arg18[%dma_wait3A_662, %dma_wait3A_663] : memref<2560x128xf32, #tpu.memory_space<vmem_shared>> -> memref<2560x128xf32, #tpu.memory_space<vmem_shared>>
        tpu.wait_indirect_dma semaphore(%arg29 : memref<!tpu.dma_semaphore, #tpu.memory_space<semaphore_mem>>) src(%arg15 : memref<64x128xf32, #tpu.memory_space<vmem>>) dst(%dma_wait3A_664 : memref<2560x128xf32, #tpu.memory_space<vmem_shared>>)
      } else {
      }
      %add3A_377 = arith.constant 2 : i32
      %add3A_378 = arith.addi %add3A_371, %add3A_377 : i32
      %lt3A_379 = arith.constant 320 : i32
      %lt3A_380 = arith.cmpi slt, %add3A_378, %lt3A_379 : i32
      %convert_element_type3A_381 = arith.extui %lt3A_380 : i1 to i32
      %cond3A_382 = arith.constant 0 : i32
      %cond3A_383 = arith.cmpi ne, %convert_element_type3A_381, %cond3A_382 : i32
      scf.if %cond3A_383 {
        %add3A_662 = arith.constant 2 : i32
        %add3A_663 = arith.addi %add3A_371, %add3A_662 : i32
        %mul3A_664 = arith.constant 64 : i32
        %mul3A_665 = arith.muli %add3A_663, %mul3A_664 : i32
        %add3A_666 = arith.addi %mul3A_2, %mul3A_665 : i32
        %dma_start3A_667 = tpu.memref_slice %arg3[%add3A_666] : memref<327680xi32, #tpu.memory_space<hbm>> -> memref<64xi32, #tpu.memory_space<hbm>>
        %dma_start3A_668 = tpu.memref_slice %arg3[%add3A_666] : memref<327680xi32, #tpu.memory_space<hbm>> -> memref<64xi32, #tpu.memory_space<hbm>>
        tpu.enqueue_dma source(%dma_start3A_668 : memref<64xi32, #tpu.memory_space<hbm>>) target(%arg7 : memref<64xi32, #tpu.memory_space<vmem>>) target_semaphore(%arg19 : memref<!tpu.dma_semaphore, #tpu.memory_space<semaphore_mem>>)
        %mul3A_669 = arith.constant 64 : i32
        %mul3A_670 = arith.muli %add3A_663, %mul3A_669 : i32
        %add3A_671 = arith.addi %mul3A_2, %mul3A_670 : i32
        %dma_start3A_672 = tpu.memref_slice %arg4[%add3A_671] : memref<327680xi32, #tpu.memory_space<hbm>> -> memref<64xi32, #tpu.memory_space<hbm>>
        %dma_start3A_673 = tpu.memref_slice %arg4[%add3A_671] : memref<327680xi32, #tpu.memory_space<hbm>> -> memref<64xi32, #tpu.memory_space<hbm>>
        tpu.enqueue_dma source(%dma_start3A_673 : memref<64xi32, #tpu.memory_space<hbm>>) target(%arg11 : memref<64xi32, #tpu.memory_space<vmem>>) target_semaphore(%arg23 : memref<!tpu.dma_semaphore, #tpu.memory_space<semaphore_mem>>)
      } else {
      }
      %dma_wait3A_384 = tpu.memref_slice %arg3[%mul3A_2] : memref<327680xi32, #tpu.memory_space<hbm>> -> memref<64xi32, #tpu.memory_space<hbm>>
      %dma_wait3A_385 = tpu.memref_slice %arg3[%mul3A_2] : memref<327680xi32, #tpu.memory_space<hbm>> -> memref<64xi32, #tpu.memory_space<hbm>>
      tpu.wait_dma2 semaphore(%arg21 : memref<!tpu.dma_semaphore, #tpu.memory_space<semaphore_mem>>) src(%dma_wait3A_385 : memref<64xi32, #tpu.memory_space<hbm>>) dst(%arg9 : memref<64xi32, #tpu.memory_space<vmem>>)
      %dma_wait3A_386 = tpu.memref_slice %arg4[%mul3A_2] : memref<327680xi32, #tpu.memory_space<hbm>> -> memref<64xi32, #tpu.memory_space<hbm>>
      %dma_wait3A_387 = tpu.memref_slice %arg4[%mul3A_2] : memref<327680xi32, #tpu.memory_space<hbm>> -> memref<64xi32, #tpu.memory_space<hbm>>
      tpu.wait_dma2 semaphore(%arg25 : memref<!tpu.dma_semaphore, #tpu.memory_space<semaphore_mem>>) src(%dma_wait3A_387 : memref<64xi32, #tpu.memory_space<hbm>>) dst(%arg13 : memref<64xi32, #tpu.memory_space<vmem>>)
      %get3A_388 = arith.constant 0 : index
      %get3A_389 = tpu.vector_load %arg9[%get3A_388] {strides = array<i32>} : memref<64xi32, #tpu.memory_space<vmem>>, vector<16xi32>,
      %get3A_390 = vector.shape_cast %get3A_389 : vector<16xi32> to vector<16xi32>
      %get3A_391 = arith.constant 0 : index
      %get3A_392 = tpu.vector_load %arg13[%get3A_391] {strides = array<i32>} : memref<64xi32, #tpu.memory_space<vmem>>, vector<16xi32>,
      %get3A_393 = vector.shape_cast %get3A_392 : vector<16xi32> to vector<16xi32>
      %ge3A_394 = vector.broadcast %mul3A_44 : i32 to vector<16xi32>
      %ge3A_395 = arith.cmpi sge, %get3A_393, %ge3A_394 : vector<16xi32>
      %add3A_396 = arith.constant 2560 : i32
      %add3A_397 = arith.addi %mul3A_44, %add3A_396 : i32
      %lt3A_398 = vector.broadcast %add3A_397 : i32 to vector<16xi32>
      %lt3A_399 = arith.cmpi slt, %get3A_393, %lt3A_398 : vector<16xi32>
      %and3A_400 = arith.andi %ge3A_395, %lt3A_399 : vector<16xi1>
      %jit3A_401 = arith.constant -1 : i32
      %broadcast_in_dim3A_402 = vector.broadcast %jit3A_401 : i32 to vector<16xi32>
      %select_n3A_403 = arith.select %and3A_400, %get3A_390, %broadcast_in_dim3A_402 : vector<16xi1>, vector<16xi32>
      %swap3A_404 = arith.constant 0 : index
      %swap3A_405 = tpu.vector_load %arg9[%swap3A_404] {strides = array<i32>} : memref<64xi32, #tpu.memory_space<vmem>>, vector<16xi32>,
      %swap3A_406 = vector.shape_cast %swap3A_405 : vector<16xi32> to vector<16xi32>
      %swap3A_407 = vector.shape_cast %select_n3A_403 : vector<16xi32> to vector<16xi32>
      tpu.vector_store %arg9[%swap3A_404], %swap3A_407 {strides = array<i32>} : memref<64xi32, #tpu.memory_space<vmem>>, vector<16xi32>,
      %sub3A_408 = vector.broadcast %mul3A_44 : i32 to vector<16xi32>
      %sub3A_409 = arith.subi %get3A_393, %sub3A_408 : vector<16xi32>
      %jit3A_410 = arith.constant -1 : i32
      %broadcast_in_dim3A_411 = vector.broadcast %jit3A_410 : i32 to vector<16xi32>
      %select_n3A_412 = arith.select %and3A_400, %sub3A_409, %broadcast_in_dim3A_411 : vector<16xi1>, vector<16xi32>
      %swap3A_413 = arith.constant 0 : index
      %swap3A_414 = tpu.vector_load %arg13[%swap3A_413] {strides = array<i32>} : memref<64xi32, #tpu.memory_space<vmem>>, vector<16xi32>,
      %swap3A_415 = vector.shape_cast %swap3A_414 : vector<16xi32> to vector<16xi32>
      %swap3A_416 = vector.shape_cast %select_n3A_412 : vector<16xi32> to vector<16xi32>
      tpu.vector_store %arg13[%swap3A_413], %swap3A_416 {strides = array<i32>} : memref<64xi32, #tpu.memory_space<vmem>>, vector<16xi32>,
      %get3A_417 = arith.constant 16 : index
      %get3A_418 = tpu.vector_load %arg9[%get3A_417] {strides = array<i32>} : memref<64xi32, #tpu.memory_space<vmem>>, vector<16xi32>,
      %get3A_419 = vector.shape_cast %get3A_418 : vector<16xi32> to vector<16xi32>
      %get3A_420 = arith.constant 16 : index
      %get3A_421 = tpu.vector_load %arg13[%get3A_420] {strides = array<i32>} : memref<64xi32, #tpu.memory_space<vmem>>, vector<16xi32>,
      %get3A_422 = vector.shape_cast %get3A_421 : vector<16xi32> to vector<16xi32>
      %ge3A_423 = vector.broadcast %mul3A_44 : i32 to vector<16xi32>
      %ge3A_424 = arith.cmpi sge, %get3A_422, %ge3A_423 : vector<16xi32>
      %add3A_425 = arith.constant 2560 : i32
      %add3A_426 = arith.addi %mul3A_44, %add3A_425 : i32
      %lt3A_427 = vector.broadcast %add3A_426 : i32 to vector<16xi32>
      %lt3A_428 = arith.cmpi slt, %get3A_422, %lt3A_427 : vector<16xi32>
      %and3A_429 = arith.andi %ge3A_424, %lt3A_428 : vector<16xi1>
      %jit3A_430 = arith.constant -1 : i32
      %broadcast_in_dim3A_431 = vector.broadcast %jit3A_430 : i32 to vector<16xi32>
      %select_n3A_432 = arith.select %and3A_429, %get3A_419, %broadcast_in_dim3A_431 : vector<16xi1>, vector<16xi32>
      %swap3A_433 = arith.constant 16 : index
      %swap3A_434 = tpu.vector_load %arg9[%swap3A_433] {strides = array<i32>} : memref<64xi32, #tpu.memory_space<vmem>>, vector<16xi32>,
      %swap3A_435 = vector.shape_cast %swap3A_434 : vector<16xi32> to vector<16xi32>
      %swap3A_436 = vector.shape_cast %select_n3A_432 : vector<16xi32> to vector<16xi32>
      tpu.vector_store %arg9[%swap3A_433], %swap3A_436 {strides = array<i32>} : memref<64xi32, #tpu.memory_space<vmem>>, vector<16xi32>,
      %sub3A_437 = vector.broadcast %mul3A_44 : i32 to vector<16xi32>
      %sub3A_438 = arith.subi %get3A_422, %sub3A_437 : vector<16xi32>
      %jit3A_439 = arith.constant -1 : i32
      %broadcast_in_dim3A_440 = vector.broadcast %jit3A_439 : i32 to vector<16xi32>
      %select_n3A_441 = arith.select %and3A_429, %sub3A_438, %broadcast_in_dim3A_440 : vector<16xi1>, vector<16xi32>
      %swap3A_442 = arith.constant 16 : index
      %swap3A_443 = tpu.vector_load %arg13[%swap3A_442] {strides = array<i32>} : memref<64xi32, #tpu.memory_space<vmem>>, vector<16xi32>,
      %swap3A_444 = vector.shape_cast %swap3A_443 : vector<16xi32> to vector<16xi32>
      %swap3A_445 = vector.shape_cast %select_n3A_441 : vector<16xi32> to vector<16xi32>
      tpu.vector_store %arg13[%swap3A_442], %swap3A_445 {strides = array<i32>} : memref<64xi32, #tpu.memory_space<vmem>>, vector<16xi32>,
      %get3A_446 = arith.constant 32 : index
      %get3A_447 = tpu.vector_load %arg9[%get3A_446] {strides = array<i32>} : memref<64xi32, #tpu.memory_space<vmem>>, vector<16xi32>,
      %get3A_448 = vector.shape_cast %get3A_447 : vector<16xi32> to vector<16xi32>
      %get3A_449 = arith.constant 32 : index
      %get3A_450 = tpu.vector_load %arg13[%get3A_449] {strides = array<i32>} : memref<64xi32, #tpu.memory_space<vmem>>, vector<16xi32>,
      %get3A_451 = vector.shape_cast %get3A_450 : vector<16xi32> to vector<16xi32>
      %ge3A_452 = vector.broadcast %mul3A_44 : i32 to vector<16xi32>
      %ge3A_453 = arith.cmpi sge, %get3A_451, %ge3A_452 : vector<16xi32>
      %add3A_454 = arith.constant 2560 : i32
      %add3A_455 = arith.addi %mul3A_44, %add3A_454 : i32
      %lt3A_456 = vector.broadcast %add3A_455 : i32 to vector<16xi32>
      %lt3A_457 = arith.cmpi slt, %get3A_451, %lt3A_456 : vector<16xi32>
      %and3A_458 = arith.andi %ge3A_453, %lt3A_457 : vector<16xi1>
      %jit3A_459 = arith.constant -1 : i32
      %broadcast_in_dim3A_460 = vector.broadcast %jit3A_459 : i32 to vector<16xi32>
      %select_n3A_461 = arith.select %and3A_458, %get3A_448, %broadcast_in_dim3A_460 : vector<16xi1>, vector<16xi32>
      %swap3A_462 = arith.constant 32 : index
      %swap3A_463 = tpu.vector_load %arg9[%swap3A_462] {strides = array<i32>} : memref<64xi32, #tpu.memory_space<vmem>>, vector<16xi32>,
      %swap3A_464 = vector.shape_cast %swap3A_463 : vector<16xi32> to vector<16xi32>
      %swap3A_465 = vector.shape_cast %select_n3A_461 : vector<16xi32> to vector<16xi32>
      tpu.vector_store %arg9[%swap3A_462], %swap3A_465 {strides = array<i32>} : memref<64xi32, #tpu.memory_space<vmem>>, vector<16xi32>,
      %sub3A_466 = vector.broadcast %mul3A_44 : i32 to vector<16xi32>
      %sub3A_467 = arith.subi %get3A_451, %sub3A_466 : vector<16xi32>
      %jit3A_468 = arith.constant -1 : i32
      %broadcast_in_dim3A_469 = vector.broadcast %jit3A_468 : i32 to vector<16xi32>
      %select_n3A_470 = arith.select %and3A_458, %sub3A_467, %broadcast_in_dim3A_469 : vector<16xi1>, vector<16xi32>
      %swap3A_471 = arith.constant 32 : index
      %swap3A_472 = tpu.vector_load %arg13[%swap3A_471] {strides = array<i32>} : memref<64xi32, #tpu.memory_space<vmem>>, vector<16xi32>,
      %swap3A_473 = vector.shape_cast %swap3A_472 : vector<16xi32> to vector<16xi32>
      %swap3A_474 = vector.shape_cast %select_n3A_470 : vector<16xi32> to vector<16xi32>
      tpu.vector_store %arg13[%swap3A_471], %swap3A_474 {strides = array<i32>} : memref<64xi32, #tpu.memory_space<vmem>>, vector<16xi32>,
      %get3A_475 = arith.constant 48 : index
      %get3A_476 = tpu.vector_load %arg9[%get3A_475] {strides = array<i32>} : memref<64xi32, #tpu.memory_space<vmem>>, vector<16xi32>,
      %get3A_477 = vector.shape_cast %get3A_476 : vector<16xi32> to vector<16xi32>
      %get3A_478 = arith.constant 48 : index
      %get3A_479 = tpu.vector_load %arg13[%get3A_478] {strides = array<i32>} : memref<64xi32, #tpu.memory_space<vmem>>, vector<16xi32>,
      %get3A_480 = vector.shape_cast %get3A_479 : vector<16xi32> to vector<16xi32>
      %ge3A_481 = vector.broadcast %mul3A_44 : i32 to vector<16xi32>
      %ge3A_482 = arith.cmpi sge, %get3A_480, %ge3A_481 : vector<16xi32>
      %add3A_483 = arith.constant 2560 : i32
      %add3A_484 = arith.addi %mul3A_44, %add3A_483 : i32
      %lt3A_485 = vector.broadcast %add3A_484 : i32 to vector<16xi32>
      %lt3A_486 = arith.cmpi slt, %get3A_480, %lt3A_485 : vector<16xi32>
      %and3A_487 = arith.andi %ge3A_482, %lt3A_486 : vector<16xi1>
      %jit3A_488 = arith.constant -1 : i32
      %broadcast_in_dim3A_489 = vector.broadcast %jit3A_488 : i32 to vector<16xi32>
      %select_n3A_490 = arith.select %and3A_487, %get3A_477, %broadcast_in_dim3A_489 : vector<16xi1>, vector<16xi32>
      %swap3A_491 = arith.constant 48 : index
      %swap3A_492 = tpu.vector_load %arg9[%swap3A_491] {strides = array<i32>} : memref<64xi32, #tpu.memory_space<vmem>>, vector<16xi32>,
      %swap3A_493 = vector.shape_cast %swap3A_492 : vector<16xi32> to vector<16xi32>
      %swap3A_494 = vector.shape_cast %select_n3A_490 : vector<16xi32> to vector<16xi32>
      tpu.vector_store %arg9[%swap3A_491], %swap3A_494 {strides = array<i32>} : memref<64xi32, #tpu.memory_space<vmem>>, vector<16xi32>,
      %sub3A_495 = vector.broadcast %mul3A_44 : i32 to vector<16xi32>
      %sub3A_496 = arith.subi %get3A_480, %sub3A_495 : vector<16xi32>
      %jit3A_497 = arith.constant -1 : i32
      %broadcast_in_dim3A_498 = vector.broadcast %jit3A_497 : i32 to vector<16xi32>
      %select_n3A_499 = arith.select %and3A_487, %sub3A_496, %broadcast_in_dim3A_498 : vector<16xi1>, vector<16xi32>
      %swap3A_500 = arith.constant 48 : index
      %swap3A_501 = tpu.vector_load %arg13[%swap3A_500] {strides = array<i32>} : memref<64xi32, #tpu.memory_space<vmem>>, vector<16xi32>,
      %swap3A_502 = vector.shape_cast %swap3A_501 : vector<16xi32> to vector<16xi32>
      %swap3A_503 = vector.shape_cast %select_n3A_499 : vector<16xi32> to vector<16xi32>
      tpu.vector_store %arg13[%swap3A_500], %swap3A_503 {strides = array<i32>} : memref<64xi32, #tpu.memory_space<vmem>>, vector<16xi32>,
      %dma_start3A_504 = arith.constant 0 : i32
      %dma_start3A_505 = arith.constant 0 : i32
      %dma_start3A_506 = tpu.memref_slice %arg17[%dma_start3A_504, %dma_start3A_505] : memref<10240x128xf32, #tpu.memory_space<vmem_shared>> -> memref<10240x128xf32, #tpu.memory_space<vmem_shared>>
      %dma_start3A_507 = arith.constant -1 : i32
      tpu.enqueue_indirect_dma source(%dma_start3A_506 : memref<10240x128xf32, #tpu.memory_space<vmem_shared>>) target(%arg15 : memref<64x128xf32, #tpu.memory_space<vmem>>) offsets(%arg9 : memref<64xi32, #tpu.memory_space<vmem>>) offset_filter(%dma_start3A_507) semaphore(%arg27 : memref<!tpu.dma_semaphore, #tpu.memory_space<semaphore_mem>>)
      %dma_wait3A_508 = arith.constant 0 : i32
      %dma_wait3A_509 = arith.constant 0 : i32
      %dma_wait3A_510 = tpu.memref_slice %arg17[%dma_wait3A_508, %dma_wait3A_509] : memref<10240x128xf32, #tpu.memory_space<vmem_shared>> -> memref<10240x128xf32, #tpu.memory_space<vmem_shared>>
      tpu.wait_indirect_dma semaphore(%arg27 : memref<!tpu.dma_semaphore, #tpu.memory_space<semaphore_mem>>) src(%dma_wait3A_510 : memref<10240x128xf32, #tpu.memory_space<vmem_shared>>) dst(%arg15 : memref<64x128xf32, #tpu.memory_space<vmem>>)
      %dma_start3A_511 = arith.constant 0 : i32
      %dma_start3A_512 = arith.constant 0 : i32
      %dma_start3A_513 = tpu.memref_slice %arg18[%dma_start3A_511, %dma_start3A_512] : memref<2560x128xf32, #tpu.memory_space<vmem_shared>> -> memref<2560x128xf32, #tpu.memory_space<vmem_shared>>
      %dma_start3A_514 = arith.constant -1 : i32
      tpu.enqueue_indirect_dma source(%arg15 : memref<64x128xf32, #tpu.memory_space<vmem>>) target(%dma_start3A_513 : memref<2560x128xf32, #tpu.memory_space<vmem_shared>>) offsets(%arg13 : memref<64xi32, #tpu.memory_space<vmem>>) offset_filter(%dma_start3A_514) semaphore(%arg29 : memref<!tpu.dma_semaphore, #tpu.memory_space<semaphore_mem>>) {add = true}
      %mul3A_515 = arith.constant 4 : i32
      %mul3A_516 = arith.muli %mul3A_515, %scan3A_84 : i32
      %add3A_517 = arith.constant 3 : i32
      %add3A_518 = arith.addi %mul3A_516, %add3A_517 : i32
      %ge3A_519 = arith.constant 2 : i32
      %ge3A_520 = arith.cmpi sge, %add3A_518, %ge3A_519 : i32
      %convert_element_type3A_521 = arith.extui %ge3A_520 : i1 to i32
      %cond3A_522 = arith.constant 0 : i32
      %cond3A_523 = arith.cmpi ne, %convert_element_type3A_521, %cond3A_522 : i32
      scf.if %cond3A_523 {
        %dma_wait3A_662 = arith.constant 0 : i32
        %dma_wait3A_663 = arith.constant 0 : i32
        %dma_wait3A_664 = tpu.memref_slice %arg18[%dma_wait3A_662, %dma_wait3A_663] : memref<2560x128xf32, #tpu.memory_space<vmem_shared>> -> memref<2560x128xf32, #tpu.memory_space<vmem_shared>>
        tpu.wait_indirect_dma semaphore(%arg30 : memref<!tpu.dma_semaphore, #tpu.memory_space<semaphore_mem>>) src(%arg16 : memref<64x128xf32, #tpu.memory_space<vmem>>) dst(%dma_wait3A_664 : memref<2560x128xf32, #tpu.memory_space<vmem_shared>>)
      } else {
      }
      %add3A_524 = arith.constant 2 : i32
      %add3A_525 = arith.addi %add3A_518, %add3A_524 : i32
      %lt3A_526 = arith.constant 320 : i32
      %lt3A_527 = arith.cmpi slt, %add3A_525, %lt3A_526 : i32
      %convert_element_type3A_528 = arith.extui %lt3A_527 : i1 to i32
      %cond3A_529 = arith.constant 0 : i32
      %cond3A_530 = arith.cmpi ne, %convert_element_type3A_528, %cond3A_529 : i32
      scf.if %cond3A_530 {
        %add3A_662 = arith.constant 2 : i32
        %add3A_663 = arith.addi %add3A_518, %add3A_662 : i32
        %mul3A_664 = arith.constant 64 : i32
        %mul3A_665 = arith.muli %add3A_663, %mul3A_664 : i32
        %add3A_666 = arith.addi %mul3A_2, %mul3A_665 : i32
        %dma_start3A_667 = tpu.memref_slice %arg3[%add3A_666] : memref<327680xi32, #tpu.memory_space<hbm>> -> memref<64xi32, #tpu.memory_space<hbm>>
        %dma_start3A_668 = tpu.memref_slice %arg3[%add3A_666] : memref<327680xi32, #tpu.memory_space<hbm>> -> memref<64xi32, #tpu.memory_space<hbm>>
        tpu.enqueue_dma source(%dma_start3A_668 : memref<64xi32, #tpu.memory_space<hbm>>) target(%arg8 : memref<64xi32, #tpu.memory_space<vmem>>) target_semaphore(%arg20 : memref<!tpu.dma_semaphore, #tpu.memory_space<semaphore_mem>>)
        %mul3A_669 = arith.constant 64 : i32
        %mul3A_670 = arith.muli %add3A_663, %mul3A_669 : i32
        %add3A_671 = arith.addi %mul3A_2, %mul3A_670 : i32
        %dma_start3A_672 = tpu.memref_slice %arg4[%add3A_671] : memref<327680xi32, #tpu.memory_space<hbm>> -> memref<64xi32, #tpu.memory_space<hbm>>
        %dma_start3A_673 = tpu.memref_slice %arg4[%add3A_671] : memref<327680xi32, #tpu.memory_space<hbm>> -> memref<64xi32, #tpu.memory_space<hbm>>
        tpu.enqueue_dma source(%dma_start3A_673 : memref<64xi32, #tpu.memory_space<hbm>>) target(%arg12 : memref<64xi32, #tpu.memory_space<vmem>>) target_semaphore(%arg24 : memref<!tpu.dma_semaphore, #tpu.memory_space<semaphore_mem>>)
      } else {
      }
      %dma_wait3A_531 = tpu.memref_slice %arg3[%mul3A_2] : memref<327680xi32, #tpu.memory_space<hbm>> -> memref<64xi32, #tpu.memory_space<hbm>>
      %dma_wait3A_532 = tpu.memref_slice %arg3[%mul3A_2] : memref<327680xi32, #tpu.memory_space<hbm>> -> memref<64xi32, #tpu.memory_space<hbm>>
      tpu.wait_dma2 semaphore(%arg22 : memref<!tpu.dma_semaphore, #tpu.memory_space<semaphore_mem>>) src(%dma_wait3A_532 : memref<64xi32, #tpu.memory_space<hbm>>) dst(%arg10 : memref<64xi32, #tpu.memory_space<vmem>>)
      %dma_wait3A_533 = tpu.memref_slice %arg4[%mul3A_2] : memref<327680xi32, #tpu.memory_space<hbm>> -> memref<64xi32, #tpu.memory_space<hbm>>
      %dma_wait3A_534 = tpu.memref_slice %arg4[%mul3A_2] : memref<327680xi32, #tpu.memory_space<hbm>> -> memref<64xi32, #tpu.memory_space<hbm>>
      tpu.wait_dma2 semaphore(%arg26 : memref<!tpu.dma_semaphore, #tpu.memory_space<semaphore_mem>>) src(%dma_wait3A_534 : memref<64xi32, #tpu.memory_space<hbm>>) dst(%arg14 : memref<64xi32, #tpu.memory_space<vmem>>)
      %get3A_535 = arith.constant 0 : index
      %get3A_536 = tpu.vector_load %arg10[%get3A_535] {strides = array<i32>} : memref<64xi32, #tpu.memory_space<vmem>>, vector<16xi32>,
      %get3A_537 = vector.shape_cast %get3A_536 : vector<16xi32> to vector<16xi32>
      %get3A_538 = arith.constant 0 : index
      %get3A_539 = tpu.vector_load %arg14[%get3A_538] {strides = array<i32>} : memref<64xi32, #tpu.memory_space<vmem>>, vector<16xi32>,
      %get3A_540 = vector.shape_cast %get3A_539 : vector<16xi32> to vector<16xi32>
      %ge3A_541 = vector.broadcast %mul3A_44 : i32 to vector<16xi32>
      %ge3A_542 = arith.cmpi sge, %get3A_540, %ge3A_541 : vector<16xi32>
      %add3A_543 = arith.constant 2560 : i32
      %add3A_544 = arith.addi %mul3A_44, %add3A_543 : i32
      %lt3A_545 = vector.broadcast %add3A_544 : i32 to vector<16xi32>
      %lt3A_546 = arith.cmpi slt, %get3A_540, %lt3A_545 : vector<16xi32>
      %and3A_547 = arith.andi %ge3A_542, %lt3A_546 : vector<16xi1>
      %jit3A_548 = arith.constant -1 : i32
      %broadcast_in_dim3A_549 = vector.broadcast %jit3A_548 : i32 to vector<16xi32>
      %select_n3A_550 = arith.select %and3A_547, %get3A_537, %broadcast_in_dim3A_549 : vector<16xi1>, vector<16xi32>
      %swap3A_551 = arith.constant 0 : index
      %swap3A_552 = tpu.vector_load %arg10[%swap3A_551] {strides = array<i32>} : memref<64xi32, #tpu.memory_space<vmem>>, vector<16xi32>,
      %swap3A_553 = vector.shape_cast %swap3A_552 : vector<16xi32> to vector<16xi32>
      %swap3A_554 = vector.shape_cast %select_n3A_550 : vector<16xi32> to vector<16xi32>
      tpu.vector_store %arg10[%swap3A_551], %swap3A_554 {strides = array<i32>} : memref<64xi32, #tpu.memory_space<vmem>>, vector<16xi32>,
      %sub3A_555 = vector.broadcast %mul3A_44 : i32 to vector<16xi32>
      %sub3A_556 = arith.subi %get3A_540, %sub3A_555 : vector<16xi32>
      %jit3A_557 = arith.constant -1 : i32
      %broadcast_in_dim3A_558 = vector.broadcast %jit3A_557 : i32 to vector<16xi32>
      %select_n3A_559 = arith.select %and3A_547, %sub3A_556, %broadcast_in_dim3A_558 : vector<16xi1>, vector<16xi32>
      %swap3A_560 = arith.constant 0 : index
      %swap3A_561 = tpu.vector_load %arg14[%swap3A_560] {strides = array<i32>} : memref<64xi32, #tpu.memory_space<vmem>>, vector<16xi32>,
      %swap3A_562 = vector.shape_cast %swap3A_561 : vector<16xi32> to vector<16xi32>
      %swap3A_563 = vector.shape_cast %select_n3A_559 : vector<16xi32> to vector<16xi32>
      tpu.vector_store %arg14[%swap3A_560], %swap3A_563 {strides = array<i32>} : memref<64xi32, #tpu.memory_space<vmem>>, vector<16xi32>,
      %get3A_564 = arith.constant 16 : index
      %get3A_565 = tpu.vector_load %arg10[%get3A_564] {strides = array<i32>} : memref<64xi32, #tpu.memory_space<vmem>>, vector<16xi32>,
      %get3A_566 = vector.shape_cast %get3A_565 : vector<16xi32> to vector<16xi32>
      %get3A_567 = arith.constant 16 : index
      %get3A_568 = tpu.vector_load %arg14[%get3A_567] {strides = array<i32>} : memref<64xi32, #tpu.memory_space<vmem>>, vector<16xi32>,
      %get3A_569 = vector.shape_cast %get3A_568 : vector<16xi32> to vector<16xi32>
      %ge3A_570 = vector.broadcast %mul3A_44 : i32 to vector<16xi32>
      %ge3A_571 = arith.cmpi sge, %get3A_569, %ge3A_570 : vector<16xi32>
      %add3A_572 = arith.constant 2560 : i32
      %add3A_573 = arith.addi %mul3A_44, %add3A_572 : i32
      %lt3A_574 = vector.broadcast %add3A_573 : i32 to vector<16xi32>
      %lt3A_575 = arith.cmpi slt, %get3A_569, %lt3A_574 : vector<16xi32>
      %and3A_576 = arith.andi %ge3A_571, %lt3A_575 : vector<16xi1>
      %jit3A_577 = arith.constant -1 : i32
      %broadcast_in_dim3A_578 = vector.broadcast %jit3A_577 : i32 to vector<16xi32>
      %select_n3A_579 = arith.select %and3A_576, %get3A_566, %broadcast_in_dim3A_578 : vector<16xi1>, vector<16xi32>
      %swap3A_580 = arith.constant 16 : index
      %swap3A_581 = tpu.vector_load %arg10[%swap3A_580] {strides = array<i32>} : memref<64xi32, #tpu.memory_space<vmem>>, vector<16xi32>,
      %swap3A_582 = vector.shape_cast %swap3A_581 : vector<16xi32> to vector<16xi32>
      %swap3A_583 = vector.shape_cast %select_n3A_579 : vector<16xi32> to vector<16xi32>
      tpu.vector_store %arg10[%swap3A_580], %swap3A_583 {strides = array<i32>} : memref<64xi32, #tpu.memory_space<vmem>>, vector<16xi32>,
      %sub3A_584 = vector.broadcast %mul3A_44 : i32 to vector<16xi32>
      %sub3A_585 = arith.subi %get3A_569, %sub3A_584 : vector<16xi32>
      %jit3A_586 = arith.constant -1 : i32
      %broadcast_in_dim3A_587 = vector.broadcast %jit3A_586 : i32 to vector<16xi32>
      %select_n3A_588 = arith.select %and3A_576, %sub3A_585, %broadcast_in_dim3A_587 : vector<16xi1>, vector<16xi32>
      %swap3A_589 = arith.constant 16 : index
      %swap3A_590 = tpu.vector_load %arg14[%swap3A_589] {strides = array<i32>} : memref<64xi32, #tpu.memory_space<vmem>>, vector<16xi32>,
      %swap3A_591 = vector.shape_cast %swap3A_590 : vector<16xi32> to vector<16xi32>
      %swap3A_592 = vector.shape_cast %select_n3A_588 : vector<16xi32> to vector<16xi32>
      tpu.vector_store %arg14[%swap3A_589], %swap3A_592 {strides = array<i32>} : memref<64xi32, #tpu.memory_space<vmem>>, vector<16xi32>,
      %get3A_593 = arith.constant 32 : index
      %get3A_594 = tpu.vector_load %arg10[%get3A_593] {strides = array<i32>} : memref<64xi32, #tpu.memory_space<vmem>>, vector<16xi32>,
      %get3A_595 = vector.shape_cast %get3A_594 : vector<16xi32> to vector<16xi32>
      %get3A_596 = arith.constant 32 : index
      %get3A_597 = tpu.vector_load %arg14[%get3A_596] {strides = array<i32>} : memref<64xi32, #tpu.memory_space<vmem>>, vector<16xi32>,
      %get3A_598 = vector.shape_cast %get3A_597 : vector<16xi32> to vector<16xi32>
      %ge3A_599 = vector.broadcast %mul3A_44 : i32 to vector<16xi32>
      %ge3A_600 = arith.cmpi sge, %get3A_598, %ge3A_599 : vector<16xi32>
      %add3A_601 = arith.constant 2560 : i32
      %add3A_602 = arith.addi %mul3A_44, %add3A_601 : i32
      %lt3A_603 = vector.broadcast %add3A_602 : i32 to vector<16xi32>
      %lt3A_604 = arith.cmpi slt, %get3A_598, %lt3A_603 : vector<16xi32>
      %and3A_605 = arith.andi %ge3A_600, %lt3A_604 : vector<16xi1>
      %jit3A_606 = arith.constant -1 : i32
      %broadcast_in_dim3A_607 = vector.broadcast %jit3A_606 : i32 to vector<16xi32>
      %select_n3A_608 = arith.select %and3A_605, %get3A_595, %broadcast_in_dim3A_607 : vector<16xi1>, vector<16xi32>
      %swap3A_609 = arith.constant 32 : index
      %swap3A_610 = tpu.vector_load %arg10[%swap3A_609] {strides = array<i32>} : memref<64xi32, #tpu.memory_space<vmem>>, vector<16xi32>,
      %swap3A_611 = vector.shape_cast %swap3A_610 : vector<16xi32> to vector<16xi32>
      %swap3A_612 = vector.shape_cast %select_n3A_608 : vector<16xi32> to vector<16xi32>
      tpu.vector_store %arg10[%swap3A_609], %swap3A_612 {strides = array<i32>} : memref<64xi32, #tpu.memory_space<vmem>>, vector<16xi32>,
      %sub3A_613 = vector.broadcast %mul3A_44 : i32 to vector<16xi32>
      %sub3A_614 = arith.subi %get3A_598, %sub3A_613 : vector<16xi32>
      %jit3A_615 = arith.constant -1 : i32
      %broadcast_in_dim3A_616 = vector.broadcast %jit3A_615 : i32 to vector<16xi32>
      %select_n3A_617 = arith.select %and3A_605, %sub3A_614, %broadcast_in_dim3A_616 : vector<16xi1>, vector<16xi32>
      %swap3A_618 = arith.constant 32 : index
      %swap3A_619 = tpu.vector_load %arg14[%swap3A_618] {strides = array<i32>} : memref<64xi32, #tpu.memory_space<vmem>>, vector<16xi32>,
      %swap3A_620 = vector.shape_cast %swap3A_619 : vector<16xi32> to vector<16xi32>
      %swap3A_621 = vector.shape_cast %select_n3A_617 : vector<16xi32> to vector<16xi32>
      tpu.vector_store %arg14[%swap3A_618], %swap3A_621 {strides = array<i32>} : memref<64xi32, #tpu.memory_space<vmem>>, vector<16xi32>,
      %get3A_622 = arith.constant 48 : index
      %get3A_623 = tpu.vector_load %arg10[%get3A_622] {strides = array<i32>} : memref<64xi32, #tpu.memory_space<vmem>>, vector<16xi32>,
      %get3A_624 = vector.shape_cast %get3A_623 : vector<16xi32> to vector<16xi32>
      %get3A_625 = arith.constant 48 : index
      %get3A_626 = tpu.vector_load %arg14[%get3A_625] {strides = array<i32>} : memref<64xi32, #tpu.memory_space<vmem>>, vector<16xi32>,
      %get3A_627 = vector.shape_cast %get3A_626 : vector<16xi32> to vector<16xi32>
      %ge3A_628 = vector.broadcast %mul3A_44 : i32 to vector<16xi32>
      %ge3A_629 = arith.cmpi sge, %get3A_627, %ge3A_628 : vector<16xi32>
      %add3A_630 = arith.constant 2560 : i32
      %add3A_631 = arith.addi %mul3A_44, %add3A_630 : i32
      %lt3A_632 = vector.broadcast %add3A_631 : i32 to vector<16xi32>
      %lt3A_633 = arith.cmpi slt, %get3A_627, %lt3A_632 : vector<16xi32>
      %and3A_634 = arith.andi %ge3A_629, %lt3A_633 : vector<16xi1>
      %jit3A_635 = arith.constant -1 : i32
      %broadcast_in_dim3A_636 = vector.broadcast %jit3A_635 : i32 to vector<16xi32>
      %select_n3A_637 = arith.select %and3A_634, %get3A_624, %broadcast_in_dim3A_636 : vector<16xi1>, vector<16xi32>
      %swap3A_638 = arith.constant 48 : index
      %swap3A_639 = tpu.vector_load %arg10[%swap3A_638] {strides = array<i32>} : memref<64xi32, #tpu.memory_space<vmem>>, vector<16xi32>,
      %swap3A_640 = vector.shape_cast %swap3A_639 : vector<16xi32> to vector<16xi32>
      %swap3A_641 = vector.shape_cast %select_n3A_637 : vector<16xi32> to vector<16xi32>
      tpu.vector_store %arg10[%swap3A_638], %swap3A_641 {strides = array<i32>} : memref<64xi32, #tpu.memory_space<vmem>>, vector<16xi32>,
      %sub3A_642 = vector.broadcast %mul3A_44 : i32 to vector<16xi32>
      %sub3A_643 = arith.subi %get3A_627, %sub3A_642 : vector<16xi32>
      %jit3A_644 = arith.constant -1 : i32
      %broadcast_in_dim3A_645 = vector.broadcast %jit3A_644 : i32 to vector<16xi32>
      %select_n3A_646 = arith.select %and3A_634, %sub3A_643, %broadcast_in_dim3A_645 : vector<16xi1>, vector<16xi32>
      %swap3A_647 = arith.constant 48 : index
      %swap3A_648 = tpu.vector_load %arg14[%swap3A_647] {strides = array<i32>} : memref<64xi32, #tpu.memory_space<vmem>>, vector<16xi32>,
      %swap3A_649 = vector.shape_cast %swap3A_648 : vector<16xi32> to vector<16xi32>
      %swap3A_650 = vector.shape_cast %select_n3A_646 : vector<16xi32> to vector<16xi32>
      tpu.vector_store %arg14[%swap3A_647], %swap3A_650 {strides = array<i32>} : memref<64xi32, #tpu.memory_space<vmem>>, vector<16xi32>,
      %dma_start3A_651 = arith.constant 0 : i32
      %dma_start3A_652 = arith.constant 0 : i32
      %dma_start3A_653 = tpu.memref_slice %arg17[%dma_start3A_651, %dma_start3A_652] : memref<10240x128xf32, #tpu.memory_space<vmem_shared>> -> memref<10240x128xf32, #tpu.memory_space<vmem_shared>>
      %dma_start3A_654 = arith.constant -1 : i32
      tpu.enqueue_indirect_dma source(%dma_start3A_653 : memref<10240x128xf32, #tpu.memory_space<vmem_shared>>) target(%arg16 : memref<64x128xf32, #tpu.memory_space<vmem>>) offsets(%arg10 : memref<64xi32, #tpu.memory_space<vmem>>) offset_filter(%dma_start3A_654) semaphore(%arg28 : memref<!tpu.dma_semaphore, #tpu.memory_space<semaphore_mem>>)
      %dma_wait3A_655 = arith.constant 0 : i32
      %dma_wait3A_656 = arith.constant 0 : i32
      %dma_wait3A_657 = tpu.memref_slice %arg17[%dma_wait3A_655, %dma_wait3A_656] : memref<10240x128xf32, #tpu.memory_space<vmem_shared>> -> memref<10240x128xf32, #tpu.memory_space<vmem_shared>>
      tpu.wait_indirect_dma semaphore(%arg28 : memref<!tpu.dma_semaphore, #tpu.memory_space<semaphore_mem>>) src(%dma_wait3A_657 : memref<10240x128xf32, #tpu.memory_space<vmem_shared>>) dst(%arg16 : memref<64x128xf32, #tpu.memory_space<vmem>>)
      %dma_start3A_658 = arith.constant 0 : i32
      %dma_start3A_659 = arith.constant 0 : i32
      %dma_start3A_660 = tpu.memref_slice %arg18[%dma_start3A_658, %dma_start3A_659] : memref<2560x128xf32, #tpu.memory_space<vmem_shared>> -> memref<2560x128xf32, #tpu.memory_space<vmem_shared>>
      %dma_start3A_661 = arith.constant -1 : i32
      tpu.enqueue_indirect_dma source(%arg16 : memref<64x128xf32, #tpu.memory_space<vmem>>) target(%dma_start3A_660 : memref<2560x128xf32, #tpu.memory_space<vmem_shared>>) offsets(%arg14 : memref<64xi32, #tpu.memory_space<vmem>>) offset_filter(%dma_start3A_661) semaphore(%arg30 : memref<!tpu.dma_semaphore, #tpu.memory_space<semaphore_mem>>) {add = true}
    }
    %scan3A_71 = arith.constant 80 : i32
    %dma_wait3A_72 = arith.constant 0 : i32
    %dma_wait3A_73 = arith.constant 0 : i32
    %dma_wait3A_74 = tpu.memref_slice %arg18[%dma_wait3A_72, %dma_wait3A_73] : memref<2560x128xf32, #tpu.memory_space<vmem_shared>> -> memref<2560x128xf32, #tpu.memory_space<vmem_shared>>
    tpu.wait_indirect_dma semaphore(%arg29 : memref<!tpu.dma_semaphore, #tpu.memory_space<semaphore_mem>>) src(%arg15 : memref<64x128xf32, #tpu.memory_space<vmem>>) dst(%dma_wait3A_74 : memref<2560x128xf32, #tpu.memory_space<vmem_shared>>)
    %dma_wait3A_75 = arith.constant 0 : i32
    %dma_wait3A_76 = arith.constant 0 : i32
    %dma_wait3A_77 = tpu.memref_slice %arg18[%dma_wait3A_75, %dma_wait3A_76] : memref<2560x128xf32, #tpu.memory_space<vmem_shared>> -> memref<2560x128xf32, #tpu.memory_space<vmem_shared>>
    tpu.wait_indirect_dma semaphore(%arg30 : memref<!tpu.dma_semaphore, #tpu.memory_space<semaphore_mem>>) src(%arg16 : memref<64x128xf32, #tpu.memory_space<vmem>>) dst(%dma_wait3A_77 : memref<2560x128xf32, #tpu.memory_space<vmem_shared>>)
    %barrier3A_78 = arith.constant 0 : index
    tpu.barrier barrier_id(%barrier3A_78)
    %mul3A_79 = arith.constant 160 : i32
    %mul3A_80 = arith.muli %arg1, %mul3A_79 : i32
    %mul3A_81 = arith.constant 160 : i32
    %mul3A_82 = arith.muli %arg1, %mul3A_81 : i32
    %add3A_83 = arith.addi %mul3A_44, %mul3A_82 : i32
    "tpu.region"() ({
      %run_scoped3A = tpu.sem_alloc : memref<!tpu.dma_semaphore, #tpu.memory_space<semaphore_mem>>
      %dma_start3A_84 = arith.constant 0 : i32
      %dma_start3A_85 = tpu.memref_slice %arg6[%add3A_83, %dma_start3A_84] : memref<10240x128xf32, #tpu.memory_space<hbm>> -> memref<160x128xf32, #tpu.memory_space<hbm>>
      %dma_start3A_86 = arith.constant 0 : i32
      %dma_start3A_87 = tpu.memref_slice %arg18[%mul3A_80, %dma_start3A_86] : memref<2560x128xf32, #tpu.memory_space<vmem_shared>> -> memref<160x128xf32, #tpu.memory_space<vmem_shared>>
      tpu.enqueue_dma source(%dma_start3A_87 : memref<160x128xf32, #tpu.memory_space<vmem_shared>>) target(%dma_start3A_85 : memref<160x128xf32, #tpu.memory_space<hbm>>) target_semaphore(%run_scoped3A : memref<!tpu.dma_semaphore, #tpu.memory_space<semaphore_mem>>)
      %dma_wait3A_88 = arith.constant 0 : i32
      %dma_wait3A_89 = tpu.memref_slice %arg6[%add3A_83, %dma_wait3A_88] : memref<10240x128xf32, #tpu.memory_space<hbm>> -> memref<160x128xf32, #tpu.memory_space<hbm>>
      %dma_wait3A_90 = arith.constant 0 : i32
      %dma_wait3A_91 = tpu.memref_slice %arg18[%mul3A_80, %dma_wait3A_90] : memref<2560x128xf32, #tpu.memory_space<vmem_shared>> -> memref<160x128xf32, #tpu.memory_space<vmem_shared>>
      tpu.wait_dma2 semaphore(%run_scoped3A : memref<!tpu.dma_semaphore, #tpu.memory_space<semaphore_mem>>) src(%dma_wait3A_91 : memref<160x128xf32, #tpu.memory_space<vmem_shared>>) dst(%dma_wait3A_89 : memref<160x128xf32, #tpu.memory_space<hbm>>)
      tpu.yield
    }) : () -> ()
    return
  }
}

#map = affine_map<(d0, d1) -> (0, 0)>
#map1 = affine_map<(d0, d1) -> (0)>
module attributes {stable_mosaic.version = 14 : i64} {
  func.func @_edge_body(%arg0: i32, %arg1: i32, %arg2: memref<10240x128xf32, #tpu.memory_space<hbm>>, %arg3: memref<327680xi32, #tpu.memory_space<hbm>>, %arg4: memref<327680xi32, #tpu.memory_space<hbm>>, %arg5: memref<10240x128xf32, #tpu.memory_space<hbm>>, %arg6: memref<10240x128xf32, #tpu.memory_space<hbm>>, %arg7: memref<64xi32, #tpu.memory_space<vmem>>, %arg8: memref<64xi32, #tpu.memory_space<vmem>>, %arg9: memref<64xi32, #tpu.memory_space<vmem>>, %arg10: memref<64xi32, #tpu.memory_space<vmem>>, %arg11: memref<64xi32, #tpu.memory_space<vmem>>, %arg12: memref<64xi32, #tpu.memory_space<vmem>>, %arg13: memref<64xi32, #tpu.memory_space<vmem>>, %arg14: memref<64xi32, #tpu.memory_space<vmem>>, %arg15: memref<64x128xf32, #tpu.memory_space<vmem>>, %arg16: memref<64x128xf32, #tpu.memory_space<vmem>>, %arg17: memref<10240x128xf32, #tpu.memory_space<vmem_shared>>, %arg18: memref<2560x128xf32, #tpu.memory_space<vmem_shared>>, %arg19: memref<!tpu.dma_semaphore, #tpu.memory_space<semaphore_mem>>, %arg20: memref<!tpu.dma_semaphore, #tpu.memory_space<semaphore_mem>>, %arg21: memref<!tpu.dma_semaphore, #tpu.memory_space<semaphore_mem>>, %arg22: memref<!tpu.dma_semaphore, #tpu.memory_space<semaphore_mem>>, %arg23: memref<!tpu.dma_semaphore, #tpu.memory_space<semaphore_mem>>, %arg24: memref<!tpu.dma_semaphore, #tpu.memory_space<semaphore_mem>>, %arg25: memref<!tpu.dma_semaphore, #tpu.memory_space<semaphore_mem>>, %arg26: memref<!tpu.dma_semaphore, #tpu.memory_space<semaphore_mem>>, %arg27: memref<!tpu.dma_semaphore, #tpu.memory_space<semaphore_mem>>, %arg28: memref<!tpu.dma_semaphore, #tpu.memory_space<semaphore_mem>>, %arg29: memref<!tpu.dma_semaphore, #tpu.memory_space<semaphore_mem>>, %arg30: memref<!tpu.dma_semaphore, #tpu.memory_space<semaphore_mem>>) attributes {dimension_semantics = [#tpu.dimension_semantics<core_parallel>, #tpu.dimension_semantics<subcore_parallel>], iteration_bounds = array<i64: 2, 16>, scalar_prefetch = 0 : i64, scratch_operands = 24 : i64, tpu.core_type = #tpu.core_type<sc_vector_subcore>, window_params = [{transform_indices = #map}, {transform_indices = #map1}, {transform_indices = #map1}, {transform_indices = #map}, {transform_indices = #map}]} {
    %mul3A = arith.constant 640 : i32
    %mul3A_0 = arith.muli %arg1, %mul3A : i32
    %mul3A_1 = arith.constant 20480 : i32
    %mul3A_2 = arith.muli %arg1, %mul3A_1 : i32
    "tpu.region"() ({
      %run_scoped3A = tpu.sem_alloc : memref<!tpu.dma_semaphore, #tpu.memory_space<semaphore_mem>>
      %dma_start3A_84 = arith.constant 0 : i32
      %dma_start3A_85 = tpu.memref_slice %arg17[%mul3A_0, %dma_start3A_84] : memref<10240x128xf32, #tpu.memory_space<vmem_shared>> -> memref<640x128xf32, #tpu.memory_space<vmem_shared>>
      %dma_start3A_86 = arith.constant 0 : i32
      %dma_start3A_87 = tpu.memref_slice %arg2[%mul3A_0, %dma_start3A_86] : memref<10240x128xf32, #tpu.memory_space<hbm>> -> memref<640x128xf32, #tpu.memory_space<hbm>>
      tpu.enqueue_dma source(%dma_start3A_87 : memref<640x128xf32, #tpu.memory_space<hbm>>) target(%dma_start3A_85 : memref<640x128xf32, #tpu.memory_space<vmem_shared>>) target_semaphore(%run_scoped3A : memref<!tpu.dma_semaphore, #tpu.memory_space<semaphore_mem>>)
      %dma_wait3A_88 = arith.constant 0 : i32
      %dma_wait3A_89 = tpu.memref_slice %arg17[%mul3A_0, %dma_wait3A_88] : memref<10240x128xf32, #tpu.memory_space<vmem_shared>> -> memref<640x128xf32, #tpu.memory_space<vmem_shared>>
      %dma_wait3A_90 = arith.constant 0 : i32
      %dma_wait3A_91 = tpu.memref_slice %arg2[%mul3A_0, %dma_wait3A_90] : memref<10240x128xf32, #tpu.memory_space<hbm>> -> memref<640x128xf32, #tpu.memory_space<hbm>>
      tpu.wait_dma2 semaphore(%run_scoped3A : memref<!tpu.dma_semaphore, #tpu.memory_space<semaphore_mem>>) src(%dma_wait3A_91 : memref<640x128xf32, #tpu.memory_space<hbm>>) dst(%dma_wait3A_89 : memref<640x128xf32, #tpu.memory_space<vmem_shared>>)
      tpu.yield
    }) : () -> ()
    %add3A = arith.constant 0 : i32
    %add3A_3 = arith.addi %add3A, %arg0 : i32
    %mul3A_4 = arith.constant 2560 : i32
    %mul3A_5 = arith.muli %add3A_3, %mul3A_4 : i32
    %mul3A_6 = arith.constant 160 : i32
    %mul3A_7 = arith.muli %arg1, %mul3A_6 : i32
    %mul3A_8 = arith.constant 160 : i32
    %mul3A_9 = arith.muli %arg1, %mul3A_8 : i32
    "tpu.region"() ({
      %run_scoped3A = tpu.sem_alloc : memref<!tpu.dma_semaphore, #tpu.memory_space<semaphore_mem>>
      %dma_start3A_84 = arith.constant 0 : i32
      %dma_start3A_85 = tpu.memref_slice %arg18[%mul3A_9, %dma_start3A_84] : memref<2560x128xf32, #tpu.memory_space<vmem_shared>> -> memref<160x128xf32, #tpu.memory_space<vmem_shared>>
      %dma_start3A_86 = arith.constant 0 : i32
      %dma_start3A_87 = tpu.memref_slice %arg5[%mul3A_7, %dma_start3A_86] : memref<10240x128xf32, #tpu.memory_space<hbm>> -> memref<160x128xf32, #tpu.memory_space<hbm>>
      tpu.enqueue_dma source(%dma_start3A_87 : memref<160x128xf32, #tpu.memory_space<hbm>>) target(%dma_start3A_85 : memref<160x128xf32, #tpu.memory_space<vmem_shared>>) target_semaphore(%run_scoped3A : memref<!tpu.dma_semaphore, #tpu.memory_space<semaphore_mem>>)
      %dma_wait3A_88 = arith.constant 0 : i32
      %dma_wait3A_89 = tpu.memref_slice %arg18[%mul3A_9, %dma_wait3A_88] : memref<2560x128xf32, #tpu.memory_space<vmem_shared>> -> memref<160x128xf32, #tpu.memory_space<vmem_shared>>
      %dma_wait3A_90 = arith.constant 0 : i32
      %dma_wait3A_91 = tpu.memref_slice %arg5[%mul3A_7, %dma_wait3A_90] : memref<10240x128xf32, #tpu.memory_space<hbm>> -> memref<160x128xf32, #tpu.memory_space<hbm>>
      tpu.wait_dma2 semaphore(%run_scoped3A : memref<!tpu.dma_semaphore, #tpu.memory_space<semaphore_mem>>) src(%dma_wait3A_91 : memref<160x128xf32, #tpu.memory_space<hbm>>) dst(%dma_wait3A_89 : memref<160x128xf32, #tpu.memory_space<vmem_shared>>)
      tpu.yield
    }) : () -> ()
    %barrier3A = arith.constant 0 : index
    tpu.barrier barrier_id(%barrier3A)
    %add3A_10 = arith.constant 0 : i32
    %add3A_11 = arith.addi %mul3A_2, %add3A_10 : i32
    %dma_start3A = tpu.memref_slice %arg3[%add3A_11] : memref<327680xi32, #tpu.memory_space<hbm>> -> memref<64xi32, #tpu.memory_space<hbm>>
    %dma_start3A_12 = tpu.memref_slice %arg3[%add3A_11] : memref<327680xi32, #tpu.memory_space<hbm>> -> memref<64xi32, #tpu.memory_space<hbm>>
    tpu.enqueue_dma source(%dma_start3A_12 : memref<64xi32, #tpu.memory_space<hbm>>) target(%arg7 : memref<64xi32, #tpu.memory_space<vmem>>) target_semaphore(%arg19 : memref<!tpu.dma_semaphore, #tpu.memory_space<semaphore_mem>>)
    %add3A_13 = arith.constant 0 : i32
    %add3A_14 = arith.addi %mul3A_2, %add3A_13 : i32
    %dma_start3A_15 = tpu.memref_slice %arg4[%add3A_14] : memref<327680xi32, #tpu.memory_space<hbm>> -> memref<64xi32, #tpu.memory_space<hbm>>
    %dma_start3A_16 = tpu.memref_slice %arg4[%add3A_14] : memref<327680xi32, #tpu.memory_space<hbm>> -> memref<64xi32, #tpu.memory_space<hbm>>
    tpu.enqueue_dma source(%dma_start3A_16 : memref<64xi32, #tpu.memory_space<hbm>>) target(%arg11 : memref<64xi32, #tpu.memory_space<vmem>>) target_semaphore(%arg23 : memref<!tpu.dma_semaphore, #tpu.memory_space<semaphore_mem>>)
    %add3A_17 = arith.constant 64 : i32
    %add3A_18 = arith.addi %mul3A_2, %add3A_17 : i32
    %dma_start3A_19 = tpu.memref_slice %arg3[%add3A_18] : memref<327680xi32, #tpu.memory_space<hbm>> -> memref<64xi32, #tpu.memory_space<hbm>>
    %dma_start3A_20 = tpu.memref_slice %arg3[%add3A_18] : memref<327680xi32, #tpu.memory_space<hbm>> -> memref<64xi32, #tpu.memory_space<hbm>>
    tpu.enqueue_dma source(%dma_start3A_20 : memref<64xi32, #tpu.memory_space<hbm>>) target(%arg8 : memref<64xi32, #tpu.memory_space<vmem>>) target_semaphore(%arg20 : memref<!tpu.dma_semaphore, #tpu.memory_space<semaphore_mem>>)
    %add3A_21 = arith.constant 64 : i32
    %add3A_22 = arith.addi %mul3A_2, %add3A_21 : i32
    %dma_start3A_23 = tpu.memref_slice %arg4[%add3A_22] : memref<327680xi32, #tpu.memory_space<hbm>> -> memref<64xi32, #tpu.memory_space<hbm>>
    %dma_start3A_24 = tpu.memref_slice %arg4[%add3A_22] : memref<327680xi32, #tpu.memory_space<hbm>> -> memref<64xi32, #tpu.memory_space<hbm>>
    tpu.enqueue_dma source(%dma_start3A_24 : memref<64xi32, #tpu.memory_space<hbm>>) target(%arg12 : memref<64xi32, #tpu.memory_space<vmem>>) target_semaphore(%arg24 : memref<!tpu.dma_semaphore, #tpu.memory_space<semaphore_mem>>)
    %scan3A = arith.constant 0 : i32
    %scan3A_25 = arith.constant 0 : i32
    %scan3A_26 = arith.constant 80 : i32
    %scan3A_27 = arith.addi %scan3A_25, %scan3A_26 : i32
    %scan3A_28 = arith.constant 1 : i32
    scf.for %scan3A_84 = %scan3A_25 to %scan3A_27 step %scan3A_28  : i32 {
      %mul3A_85 = arith.constant 4 : i32
      %mul3A_86 = arith.muli %mul3A_85, %scan3A_84 : i32
      %add3A_87 = arith.constant 0 : i32
      %add3A_88 = arith.addi %mul3A_86, %add3A_87 : i32
      %ge3A = arith.constant 2 : i32
      %ge3A_89 = arith.cmpi sge, %add3A_88, %ge3A : i32
      %convert_element_type3A = arith.extui %ge3A_89 : i1 to i32
      %cond3A = arith.constant 0 : i32
      %cond3A_90 = arith.cmpi ne, %convert_element_type3A, %cond3A : i32
      scf.if %cond3A_90 {
        %dma_wait3A_662 = arith.constant 0 : i32
        %dma_wait3A_663 = arith.constant 0 : i32
        %dma_wait3A_664 = tpu.memref_slice %arg18[%dma_wait3A_662, %dma_wait3A_663] : memref<2560x128xf32, #tpu.memory_space<vmem_shared>> -> memref<2560x128xf32, #tpu.memory_space<vmem_shared>>
        tpu.wait_indirect_dma semaphore(%arg29 : memref<!tpu.dma_semaphore, #tpu.memory_space<semaphore_mem>>) src(%arg15 : memref<64x128xf32, #tpu.memory_space<vmem>>) dst(%dma_wait3A_664 : memref<2560x128xf32, #tpu.memory_space<vmem_shared>>)
      } else {
      }
      %add3A_91 = arith.constant 2 : i32
      %add3A_92 = arith.addi %add3A_88, %add3A_91 : i32
      %lt3A = arith.constant 320 : i32
      %lt3A_93 = arith.cmpi slt, %add3A_92, %lt3A : i32
      %convert_element_type3A_94 = arith.extui %lt3A_93 : i1 to i32
      %cond3A_95 = arith.constant 0 : i32
      %cond3A_96 = arith.cmpi ne, %convert_element_type3A_94, %cond3A_95 : i32
      scf.if %cond3A_96 {
        %add3A_662 = arith.constant 2 : i32
        %add3A_663 = arith.addi %add3A_88, %add3A_662 : i32
        %mul3A_664 = arith.constant 64 : i32
        %mul3A_665 = arith.muli %add3A_663, %mul3A_664 : i32
        %add3A_666 = arith.addi %mul3A_2, %mul3A_665 : i32
        %dma_start3A_667 = tpu.memref_slice %arg3[%add3A_666] : memref<327680xi32, #tpu.memory_space<hbm>> -> memref<64xi32, #tpu.memory_space<hbm>>
        %dma_start3A_668 = tpu.memref_slice %arg3[%add3A_666] : memref<327680xi32, #tpu.memory_space<hbm>> -> memref<64xi32, #tpu.memory_space<hbm>>
        tpu.enqueue_dma source(%dma_start3A_668 : memref<64xi32, #tpu.memory_space<hbm>>) target(%arg9 : memref<64xi32, #tpu.memory_space<vmem>>) target_semaphore(%arg21 : memref<!tpu.dma_semaphore, #tpu.memory_space<semaphore_mem>>)
        %mul3A_669 = arith.constant 64 : i32
        %mul3A_670 = arith.muli %add3A_663, %mul3A_669 : i32
        %add3A_671 = arith.addi %mul3A_2, %mul3A_670 : i32
        %dma_start3A_672 = tpu.memref_slice %arg4[%add3A_671] : memref<327680xi32, #tpu.memory_space<hbm>> -> memref<64xi32, #tpu.memory_space<hbm>>
        %dma_start3A_673 = tpu.memref_slice %arg4[%add3A_671] : memref<327680xi32, #tpu.memory_space<hbm>> -> memref<64xi32, #tpu.memory_space<hbm>>
        tpu.enqueue_dma source(%dma_start3A_673 : memref<64xi32, #tpu.memory_space<hbm>>) target(%arg13 : memref<64xi32, #tpu.memory_space<vmem>>) target_semaphore(%arg25 : memref<!tpu.dma_semaphore, #tpu.memory_space<semaphore_mem>>)
      } else {
      }
      %dma_wait3A_97 = tpu.memref_slice %arg3[%mul3A_2] : memref<327680xi32, #tpu.memory_space<hbm>> -> memref<64xi32, #tpu.memory_space<hbm>>
      %dma_wait3A_98 = tpu.memref_slice %arg3[%mul3A_2] : memref<327680xi32, #tpu.memory_space<hbm>> -> memref<64xi32, #tpu.memory_space<hbm>>
      tpu.wait_dma2 semaphore(%arg19 : memref<!tpu.dma_semaphore, #tpu.memory_space<semaphore_mem>>) src(%dma_wait3A_98 : memref<64xi32, #tpu.memory_space<hbm>>) dst(%arg7 : memref<64xi32, #tpu.memory_space<vmem>>)
      %dma_wait3A_99 = tpu.memref_slice %arg4[%mul3A_2] : memref<327680xi32, #tpu.memory_space<hbm>> -> memref<64xi32, #tpu.memory_space<hbm>>
      %dma_wait3A_100 = tpu.memref_slice %arg4[%mul3A_2] : memref<327680xi32, #tpu.memory_space<hbm>> -> memref<64xi32, #tpu.memory_space<hbm>>
      tpu.wait_dma2 semaphore(%arg23 : memref<!tpu.dma_semaphore, #tpu.memory_space<semaphore_mem>>) src(%dma_wait3A_100 : memref<64xi32, #tpu.memory_space<hbm>>) dst(%arg11 : memref<64xi32, #tpu.memory_space<vmem>>)
      %get3A = arith.constant 0 : index
      %get3A_101 = tpu.vector_load %arg7[%get3A] {strides = array<i32>} : memref<64xi32, #tpu.memory_space<vmem>>, vector<16xi32>,
      %get3A_102 = vector.shape_cast %get3A_101 : vector<16xi32> to vector<16xi32>
      %get3A_103 = arith.constant 0 : index
      %get3A_104 = tpu.vector_load %arg11[%get3A_103] {strides = array<i32>} : memref<64xi32, #tpu.memory_space<vmem>>, vector<16xi32>,
      %get3A_105 = vector.shape_cast %get3A_104 : vector<16xi32> to vector<16xi32>
      %ge3A_106 = vector.broadcast %mul3A_5 : i32 to vector<16xi32>
      %ge3A_107 = arith.cmpi sge, %get3A_105, %ge3A_106 : vector<16xi32>
      %add3A_108 = arith.constant 2560 : i32
      %add3A_109 = arith.addi %mul3A_5, %add3A_108 : i32
      %lt3A_110 = vector.broadcast %add3A_109 : i32 to vector<16xi32>
      %lt3A_111 = arith.cmpi slt, %get3A_105, %lt3A_110 : vector<16xi32>
      %and3A = arith.andi %ge3A_107, %lt3A_111 : vector<16xi1>
      %jit3A = arith.constant -1 : i32
      %broadcast_in_dim3A = vector.broadcast %jit3A : i32 to vector<16xi32>
      %select_n3A = arith.select %and3A, %get3A_102, %broadcast_in_dim3A : vector<16xi1>, vector<16xi32>
      %swap3A = arith.constant 0 : index
      %swap3A_112 = tpu.vector_load %arg7[%swap3A] {strides = array<i32>} : memref<64xi32, #tpu.memory_space<vmem>>, vector<16xi32>,
      %swap3A_113 = vector.shape_cast %swap3A_112 : vector<16xi32> to vector<16xi32>
      %swap3A_114 = vector.shape_cast %select_n3A : vector<16xi32> to vector<16xi32>
      tpu.vector_store %arg7[%swap3A], %swap3A_114 {strides = array<i32>} : memref<64xi32, #tpu.memory_space<vmem>>, vector<16xi32>,
      %sub3A = vector.broadcast %mul3A_5 : i32 to vector<16xi32>
      %sub3A_115 = arith.subi %get3A_105, %sub3A : vector<16xi32>
      %jit3A_116 = arith.constant -1 : i32
      %broadcast_in_dim3A_117 = vector.broadcast %jit3A_116 : i32 to vector<16xi32>
      %select_n3A_118 = arith.select %and3A, %sub3A_115, %broadcast_in_dim3A_117 : vector<16xi1>, vector<16xi32>
      %swap3A_119 = arith.constant 0 : index
      %swap3A_120 = tpu.vector_load %arg11[%swap3A_119] {strides = array<i32>} : memref<64xi32, #tpu.memory_space<vmem>>, vector<16xi32>,
      %swap3A_121 = vector.shape_cast %swap3A_120 : vector<16xi32> to vector<16xi32>
      %swap3A_122 = vector.shape_cast %select_n3A_118 : vector<16xi32> to vector<16xi32>
      tpu.vector_store %arg11[%swap3A_119], %swap3A_122 {strides = array<i32>} : memref<64xi32, #tpu.memory_space<vmem>>, vector<16xi32>,
      %get3A_123 = arith.constant 16 : index
      %get3A_124 = tpu.vector_load %arg7[%get3A_123] {strides = array<i32>} : memref<64xi32, #tpu.memory_space<vmem>>, vector<16xi32>,
      %get3A_125 = vector.shape_cast %get3A_124 : vector<16xi32> to vector<16xi32>
      %get3A_126 = arith.constant 16 : index
      %get3A_127 = tpu.vector_load %arg11[%get3A_126] {strides = array<i32>} : memref<64xi32, #tpu.memory_space<vmem>>, vector<16xi32>,
      %get3A_128 = vector.shape_cast %get3A_127 : vector<16xi32> to vector<16xi32>
      %ge3A_129 = vector.broadcast %mul3A_5 : i32 to vector<16xi32>
      %ge3A_130 = arith.cmpi sge, %get3A_128, %ge3A_129 : vector<16xi32>
      %add3A_131 = arith.constant 2560 : i32
      %add3A_132 = arith.addi %mul3A_5, %add3A_131 : i32
      %lt3A_133 = vector.broadcast %add3A_132 : i32 to vector<16xi32>
      %lt3A_134 = arith.cmpi slt, %get3A_128, %lt3A_133 : vector<16xi32>
      %and3A_135 = arith.andi %ge3A_130, %lt3A_134 : vector<16xi1>
      %jit3A_136 = arith.constant -1 : i32
      %broadcast_in_dim3A_137 = vector.broadcast %jit3A_136 : i32 to vector<16xi32>
      %select_n3A_138 = arith.select %and3A_135, %get3A_125, %broadcast_in_dim3A_137 : vector<16xi1>, vector<16xi32>
      %swap3A_139 = arith.constant 16 : index
      %swap3A_140 = tpu.vector_load %arg7[%swap3A_139] {strides = array<i32>} : memref<64xi32, #tpu.memory_space<vmem>>, vector<16xi32>,
      %swap3A_141 = vector.shape_cast %swap3A_140 : vector<16xi32> to vector<16xi32>
      %swap3A_142 = vector.shape_cast %select_n3A_138 : vector<16xi32> to vector<16xi32>
      tpu.vector_store %arg7[%swap3A_139], %swap3A_142 {strides = array<i32>} : memref<64xi32, #tpu.memory_space<vmem>>, vector<16xi32>,
      %sub3A_143 = vector.broadcast %mul3A_5 : i32 to vector<16xi32>
      %sub3A_144 = arith.subi %get3A_128, %sub3A_143 : vector<16xi32>
      %jit3A_145 = arith.constant -1 : i32
      %broadcast_in_dim3A_146 = vector.broadcast %jit3A_145 : i32 to vector<16xi32>
      %select_n3A_147 = arith.select %and3A_135, %sub3A_144, %broadcast_in_dim3A_146 : vector<16xi1>, vector<16xi32>
      %swap3A_148 = arith.constant 16 : index
      %swap3A_149 = tpu.vector_load %arg11[%swap3A_148] {strides = array<i32>} : memref<64xi32, #tpu.memory_space<vmem>>, vector<16xi32>,
      %swap3A_150 = vector.shape_cast %swap3A_149 : vector<16xi32> to vector<16xi32>
      %swap3A_151 = vector.shape_cast %select_n3A_147 : vector<16xi32> to vector<16xi32>
      tpu.vector_store %arg11[%swap3A_148], %swap3A_151 {strides = array<i32>} : memref<64xi32, #tpu.memory_space<vmem>>, vector<16xi32>,
      %get3A_152 = arith.constant 32 : index
      %get3A_153 = tpu.vector_load %arg7[%get3A_152] {strides = array<i32>} : memref<64xi32, #tpu.memory_space<vmem>>, vector<16xi32>,
      %get3A_154 = vector.shape_cast %get3A_153 : vector<16xi32> to vector<16xi32>
      %get3A_155 = arith.constant 32 : index
      %get3A_156 = tpu.vector_load %arg11[%get3A_155] {strides = array<i32>} : memref<64xi32, #tpu.memory_space<vmem>>, vector<16xi32>,
      %get3A_157 = vector.shape_cast %get3A_156 : vector<16xi32> to vector<16xi32>
      %ge3A_158 = vector.broadcast %mul3A_5 : i32 to vector<16xi32>
      %ge3A_159 = arith.cmpi sge, %get3A_157, %ge3A_158 : vector<16xi32>
      %add3A_160 = arith.constant 2560 : i32
      %add3A_161 = arith.addi %mul3A_5, %add3A_160 : i32
      %lt3A_162 = vector.broadcast %add3A_161 : i32 to vector<16xi32>
      %lt3A_163 = arith.cmpi slt, %get3A_157, %lt3A_162 : vector<16xi32>
      %and3A_164 = arith.andi %ge3A_159, %lt3A_163 : vector<16xi1>
      %jit3A_165 = arith.constant -1 : i32
      %broadcast_in_dim3A_166 = vector.broadcast %jit3A_165 : i32 to vector<16xi32>
      %select_n3A_167 = arith.select %and3A_164, %get3A_154, %broadcast_in_dim3A_166 : vector<16xi1>, vector<16xi32>
      %swap3A_168 = arith.constant 32 : index
      %swap3A_169 = tpu.vector_load %arg7[%swap3A_168] {strides = array<i32>} : memref<64xi32, #tpu.memory_space<vmem>>, vector<16xi32>,
      %swap3A_170 = vector.shape_cast %swap3A_169 : vector<16xi32> to vector<16xi32>
      %swap3A_171 = vector.shape_cast %select_n3A_167 : vector<16xi32> to vector<16xi32>
      tpu.vector_store %arg7[%swap3A_168], %swap3A_171 {strides = array<i32>} : memref<64xi32, #tpu.memory_space<vmem>>, vector<16xi32>,
      %sub3A_172 = vector.broadcast %mul3A_5 : i32 to vector<16xi32>
      %sub3A_173 = arith.subi %get3A_157, %sub3A_172 : vector<16xi32>
      %jit3A_174 = arith.constant -1 : i32
      %broadcast_in_dim3A_175 = vector.broadcast %jit3A_174 : i32 to vector<16xi32>
      %select_n3A_176 = arith.select %and3A_164, %sub3A_173, %broadcast_in_dim3A_175 : vector<16xi1>, vector<16xi32>
      %swap3A_177 = arith.constant 32 : index
      %swap3A_178 = tpu.vector_load %arg11[%swap3A_177] {strides = array<i32>} : memref<64xi32, #tpu.memory_space<vmem>>, vector<16xi32>,
      %swap3A_179 = vector.shape_cast %swap3A_178 : vector<16xi32> to vector<16xi32>
      %swap3A_180 = vector.shape_cast %select_n3A_176 : vector<16xi32> to vector<16xi32>
      tpu.vector_store %arg11[%swap3A_177], %swap3A_180 {strides = array<i32>} : memref<64xi32, #tpu.memory_space<vmem>>, vector<16xi32>,
      %get3A_181 = arith.constant 48 : index
      %get3A_182 = tpu.vector_load %arg7[%get3A_181] {strides = array<i32>} : memref<64xi32, #tpu.memory_space<vmem>>, vector<16xi32>,
      %get3A_183 = vector.shape_cast %get3A_182 : vector<16xi32> to vector<16xi32>
      %get3A_184 = arith.constant 48 : index
      %get3A_185 = tpu.vector_load %arg11[%get3A_184] {strides = array<i32>} : memref<64xi32, #tpu.memory_space<vmem>>, vector<16xi32>,
      %get3A_186 = vector.shape_cast %get3A_185 : vector<16xi32> to vector<16xi32>
      %ge3A_187 = vector.broadcast %mul3A_5 : i32 to vector<16xi32>
      %ge3A_188 = arith.cmpi sge, %get3A_186, %ge3A_187 : vector<16xi32>
      %add3A_189 = arith.constant 2560 : i32
      %add3A_190 = arith.addi %mul3A_5, %add3A_189 : i32
      %lt3A_191 = vector.broadcast %add3A_190 : i32 to vector<16xi32>
      %lt3A_192 = arith.cmpi slt, %get3A_186, %lt3A_191 : vector<16xi32>
      %and3A_193 = arith.andi %ge3A_188, %lt3A_192 : vector<16xi1>
      %jit3A_194 = arith.constant -1 : i32
      %broadcast_in_dim3A_195 = vector.broadcast %jit3A_194 : i32 to vector<16xi32>
      %select_n3A_196 = arith.select %and3A_193, %get3A_183, %broadcast_in_dim3A_195 : vector<16xi1>, vector<16xi32>
      %swap3A_197 = arith.constant 48 : index
      %swap3A_198 = tpu.vector_load %arg7[%swap3A_197] {strides = array<i32>} : memref<64xi32, #tpu.memory_space<vmem>>, vector<16xi32>,
      %swap3A_199 = vector.shape_cast %swap3A_198 : vector<16xi32> to vector<16xi32>
      %swap3A_200 = vector.shape_cast %select_n3A_196 : vector<16xi32> to vector<16xi32>
      tpu.vector_store %arg7[%swap3A_197], %swap3A_200 {strides = array<i32>} : memref<64xi32, #tpu.memory_space<vmem>>, vector<16xi32>,
      %sub3A_201 = vector.broadcast %mul3A_5 : i32 to vector<16xi32>
      %sub3A_202 = arith.subi %get3A_186, %sub3A_201 : vector<16xi32>
      %jit3A_203 = arith.constant -1 : i32
      %broadcast_in_dim3A_204 = vector.broadcast %jit3A_203 : i32 to vector<16xi32>
      %select_n3A_205 = arith.select %and3A_193, %sub3A_202, %broadcast_in_dim3A_204 : vector<16xi1>, vector<16xi32>
      %swap3A_206 = arith.constant 48 : index
      %swap3A_207 = tpu.vector_load %arg11[%swap3A_206] {strides = array<i32>} : memref<64xi32, #tpu.memory_space<vmem>>, vector<16xi32>,
      %swap3A_208 = vector.shape_cast %swap3A_207 : vector<16xi32> to vector<16xi32>
      %swap3A_209 = vector.shape_cast %select_n3A_205 : vector<16xi32> to vector<16xi32>
      tpu.vector_store %arg11[%swap3A_206], %swap3A_209 {strides = array<i32>} : memref<64xi32, #tpu.memory_space<vmem>>, vector<16xi32>,
      %dma_start3A_210 = arith.constant 0 : i32
      %dma_start3A_211 = arith.constant 0 : i32
      %dma_start3A_212 = tpu.memref_slice %arg17[%dma_start3A_210, %dma_start3A_211] : memref<10240x128xf32, #tpu.memory_space<vmem_shared>> -> memref<10240x128xf32, #tpu.memory_space<vmem_shared>>
      %dma_start3A_213 = arith.constant -1 : i32
      tpu.enqueue_indirect_dma source(%dma_start3A_212 : memref<10240x128xf32, #tpu.memory_space<vmem_shared>>) target(%arg15 : memref<64x128xf32, #tpu.memory_space<vmem>>) offsets(%arg7 : memref<64xi32, #tpu.memory_space<vmem>>) offset_filter(%dma_start3A_213) semaphore(%arg27 : memref<!tpu.dma_semaphore, #tpu.memory_space<semaphore_mem>>)
      %dma_wait3A_214 = arith.constant 0 : i32
      %dma_wait3A_215 = arith.constant 0 : i32
      %dma_wait3A_216 = tpu.memref_slice %arg17[%dma_wait3A_214, %dma_wait3A_215] : memref<10240x128xf32, #tpu.memory_space<vmem_shared>> -> memref<10240x128xf32, #tpu.memory_space<vmem_shared>>
      tpu.wait_indirect_dma semaphore(%arg27 : memref<!tpu.dma_semaphore, #tpu.memory_space<semaphore_mem>>) src(%dma_wait3A_216 : memref<10240x128xf32, #tpu.memory_space<vmem_shared>>) dst(%arg15 : memref<64x128xf32, #tpu.memory_space<vmem>>)
      %dma_start3A_217 = arith.constant 0 : i32
      %dma_start3A_218 = arith.constant 0 : i32
      %dma_start3A_219 = tpu.memref_slice %arg18[%dma_start3A_217, %dma_start3A_218] : memref<2560x128xf32, #tpu.memory_space<vmem_shared>> -> memref<2560x128xf32, #tpu.memory_space<vmem_shared>>
      %dma_start3A_220 = arith.constant -1 : i32
      tpu.enqueue_indirect_dma source(%arg15 : memref<64x128xf32, #tpu.memory_space<vmem>>) target(%dma_start3A_219 : memref<2560x128xf32, #tpu.memory_space<vmem_shared>>) offsets(%arg11 : memref<64xi32, #tpu.memory_space<vmem>>) offset_filter(%dma_start3A_220) semaphore(%arg29 : memref<!tpu.dma_semaphore, #tpu.memory_space<semaphore_mem>>) {add = true}
      %mul3A_221 = arith.constant 4 : i32
      %mul3A_222 = arith.muli %mul3A_221, %scan3A_84 : i32
      %add3A_223 = arith.constant 1 : i32
      %add3A_224 = arith.addi %mul3A_222, %add3A_223 : i32
      %ge3A_225 = arith.constant 2 : i32
      %ge3A_226 = arith.cmpi sge, %add3A_224, %ge3A_225 : i32
      %convert_element_type3A_227 = arith.extui %ge3A_226 : i1 to i32
      %cond3A_228 = arith.constant 0 : i32
      %cond3A_229 = arith.cmpi ne, %convert_element_type3A_227, %cond3A_228 : i32
      scf.if %cond3A_229 {
        %dma_wait3A_662 = arith.constant 0 : i32
        %dma_wait3A_663 = arith.constant 0 : i32
        %dma_wait3A_664 = tpu.memref_slice %arg18[%dma_wait3A_662, %dma_wait3A_663] : memref<2560x128xf32, #tpu.memory_space<vmem_shared>> -> memref<2560x128xf32, #tpu.memory_space<vmem_shared>>
        tpu.wait_indirect_dma semaphore(%arg30 : memref<!tpu.dma_semaphore, #tpu.memory_space<semaphore_mem>>) src(%arg16 : memref<64x128xf32, #tpu.memory_space<vmem>>) dst(%dma_wait3A_664 : memref<2560x128xf32, #tpu.memory_space<vmem_shared>>)
      } else {
      }
      %add3A_230 = arith.constant 2 : i32
      %add3A_231 = arith.addi %add3A_224, %add3A_230 : i32
      %lt3A_232 = arith.constant 320 : i32
      %lt3A_233 = arith.cmpi slt, %add3A_231, %lt3A_232 : i32
      %convert_element_type3A_234 = arith.extui %lt3A_233 : i1 to i32
      %cond3A_235 = arith.constant 0 : i32
      %cond3A_236 = arith.cmpi ne, %convert_element_type3A_234, %cond3A_235 : i32
      scf.if %cond3A_236 {
        %add3A_662 = arith.constant 2 : i32
        %add3A_663 = arith.addi %add3A_224, %add3A_662 : i32
        %mul3A_664 = arith.constant 64 : i32
        %mul3A_665 = arith.muli %add3A_663, %mul3A_664 : i32
        %add3A_666 = arith.addi %mul3A_2, %mul3A_665 : i32
        %dma_start3A_667 = tpu.memref_slice %arg3[%add3A_666] : memref<327680xi32, #tpu.memory_space<hbm>> -> memref<64xi32, #tpu.memory_space<hbm>>
        %dma_start3A_668 = tpu.memref_slice %arg3[%add3A_666] : memref<327680xi32, #tpu.memory_space<hbm>> -> memref<64xi32, #tpu.memory_space<hbm>>
        tpu.enqueue_dma source(%dma_start3A_668 : memref<64xi32, #tpu.memory_space<hbm>>) target(%arg10 : memref<64xi32, #tpu.memory_space<vmem>>) target_semaphore(%arg22 : memref<!tpu.dma_semaphore, #tpu.memory_space<semaphore_mem>>)
        %mul3A_669 = arith.constant 64 : i32
        %mul3A_670 = arith.muli %add3A_663, %mul3A_669 : i32
        %add3A_671 = arith.addi %mul3A_2, %mul3A_670 : i32
        %dma_start3A_672 = tpu.memref_slice %arg4[%add3A_671] : memref<327680xi32, #tpu.memory_space<hbm>> -> memref<64xi32, #tpu.memory_space<hbm>>
        %dma_start3A_673 = tpu.memref_slice %arg4[%add3A_671] : memref<327680xi32, #tpu.memory_space<hbm>> -> memref<64xi32, #tpu.memory_space<hbm>>
        tpu.enqueue_dma source(%dma_start3A_673 : memref<64xi32, #tpu.memory_space<hbm>>) target(%arg14 : memref<64xi32, #tpu.memory_space<vmem>>) target_semaphore(%arg26 : memref<!tpu.dma_semaphore, #tpu.memory_space<semaphore_mem>>)
      } else {
      }
      %dma_wait3A_237 = tpu.memref_slice %arg3[%mul3A_2] : memref<327680xi32, #tpu.memory_space<hbm>> -> memref<64xi32, #tpu.memory_space<hbm>>
      %dma_wait3A_238 = tpu.memref_slice %arg3[%mul3A_2] : memref<327680xi32, #tpu.memory_space<hbm>> -> memref<64xi32, #tpu.memory_space<hbm>>
      tpu.wait_dma2 semaphore(%arg20 : memref<!tpu.dma_semaphore, #tpu.memory_space<semaphore_mem>>) src(%dma_wait3A_238 : memref<64xi32, #tpu.memory_space<hbm>>) dst(%arg8 : memref<64xi32, #tpu.memory_space<vmem>>)
      %dma_wait3A_239 = tpu.memref_slice %arg4[%mul3A_2] : memref<327680xi32, #tpu.memory_space<hbm>> -> memref<64xi32, #tpu.memory_space<hbm>>
      %dma_wait3A_240 = tpu.memref_slice %arg4[%mul3A_2] : memref<327680xi32, #tpu.memory_space<hbm>> -> memref<64xi32, #tpu.memory_space<hbm>>
      tpu.wait_dma2 semaphore(%arg24 : memref<!tpu.dma_semaphore, #tpu.memory_space<semaphore_mem>>) src(%dma_wait3A_240 : memref<64xi32, #tpu.memory_space<hbm>>) dst(%arg12 : memref<64xi32, #tpu.memory_space<vmem>>)
      %get3A_241 = arith.constant 0 : index
      %get3A_242 = tpu.vector_load %arg8[%get3A_241] {strides = array<i32>} : memref<64xi32, #tpu.memory_space<vmem>>, vector<16xi32>,
      %get3A_243 = vector.shape_cast %get3A_242 : vector<16xi32> to vector<16xi32>
      %get3A_244 = arith.constant 0 : index
      %get3A_245 = tpu.vector_load %arg12[%get3A_244] {strides = array<i32>} : memref<64xi32, #tpu.memory_space<vmem>>, vector<16xi32>,
      %get3A_246 = vector.shape_cast %get3A_245 : vector<16xi32> to vector<16xi32>
      %ge3A_247 = vector.broadcast %mul3A_5 : i32 to vector<16xi32>
      %ge3A_248 = arith.cmpi sge, %get3A_246, %ge3A_247 : vector<16xi32>
      %add3A_249 = arith.constant 2560 : i32
      %add3A_250 = arith.addi %mul3A_5, %add3A_249 : i32
      %lt3A_251 = vector.broadcast %add3A_250 : i32 to vector<16xi32>
      %lt3A_252 = arith.cmpi slt, %get3A_246, %lt3A_251 : vector<16xi32>
      %and3A_253 = arith.andi %ge3A_248, %lt3A_252 : vector<16xi1>
      %jit3A_254 = arith.constant -1 : i32
      %broadcast_in_dim3A_255 = vector.broadcast %jit3A_254 : i32 to vector<16xi32>
      %select_n3A_256 = arith.select %and3A_253, %get3A_243, %broadcast_in_dim3A_255 : vector<16xi1>, vector<16xi32>
      %swap3A_257 = arith.constant 0 : index
      %swap3A_258 = tpu.vector_load %arg8[%swap3A_257] {strides = array<i32>} : memref<64xi32, #tpu.memory_space<vmem>>, vector<16xi32>,
      %swap3A_259 = vector.shape_cast %swap3A_258 : vector<16xi32> to vector<16xi32>
      %swap3A_260 = vector.shape_cast %select_n3A_256 : vector<16xi32> to vector<16xi32>
      tpu.vector_store %arg8[%swap3A_257], %swap3A_260 {strides = array<i32>} : memref<64xi32, #tpu.memory_space<vmem>>, vector<16xi32>,
      %sub3A_261 = vector.broadcast %mul3A_5 : i32 to vector<16xi32>
      %sub3A_262 = arith.subi %get3A_246, %sub3A_261 : vector<16xi32>
      %jit3A_263 = arith.constant -1 : i32
      %broadcast_in_dim3A_264 = vector.broadcast %jit3A_263 : i32 to vector<16xi32>
      %select_n3A_265 = arith.select %and3A_253, %sub3A_262, %broadcast_in_dim3A_264 : vector<16xi1>, vector<16xi32>
      %swap3A_266 = arith.constant 0 : index
      %swap3A_267 = tpu.vector_load %arg12[%swap3A_266] {strides = array<i32>} : memref<64xi32, #tpu.memory_space<vmem>>, vector<16xi32>,
      %swap3A_268 = vector.shape_cast %swap3A_267 : vector<16xi32> to vector<16xi32>
      %swap3A_269 = vector.shape_cast %select_n3A_265 : vector<16xi32> to vector<16xi32>
      tpu.vector_store %arg12[%swap3A_266], %swap3A_269 {strides = array<i32>} : memref<64xi32, #tpu.memory_space<vmem>>, vector<16xi32>,
      %get3A_270 = arith.constant 16 : index
      %get3A_271 = tpu.vector_load %arg8[%get3A_270] {strides = array<i32>} : memref<64xi32, #tpu.memory_space<vmem>>, vector<16xi32>,
      %get3A_272 = vector.shape_cast %get3A_271 : vector<16xi32> to vector<16xi32>
      %get3A_273 = arith.constant 16 : index
      %get3A_274 = tpu.vector_load %arg12[%get3A_273] {strides = array<i32>} : memref<64xi32, #tpu.memory_space<vmem>>, vector<16xi32>,
      %get3A_275 = vector.shape_cast %get3A_274 : vector<16xi32> to vector<16xi32>
      %ge3A_276 = vector.broadcast %mul3A_5 : i32 to vector<16xi32>
      %ge3A_277 = arith.cmpi sge, %get3A_275, %ge3A_276 : vector<16xi32>
      %add3A_278 = arith.constant 2560 : i32
      %add3A_279 = arith.addi %mul3A_5, %add3A_278 : i32
      %lt3A_280 = vector.broadcast %add3A_279 : i32 to vector<16xi32>
      %lt3A_281 = arith.cmpi slt, %get3A_275, %lt3A_280 : vector<16xi32>
      %and3A_282 = arith.andi %ge3A_277, %lt3A_281 : vector<16xi1>
      %jit3A_283 = arith.constant -1 : i32
      %broadcast_in_dim3A_284 = vector.broadcast %jit3A_283 : i32 to vector<16xi32>
      %select_n3A_285 = arith.select %and3A_282, %get3A_272, %broadcast_in_dim3A_284 : vector<16xi1>, vector<16xi32>
      %swap3A_286 = arith.constant 16 : index
      %swap3A_287 = tpu.vector_load %arg8[%swap3A_286] {strides = array<i32>} : memref<64xi32, #tpu.memory_space<vmem>>, vector<16xi32>,
      %swap3A_288 = vector.shape_cast %swap3A_287 : vector<16xi32> to vector<16xi32>
      %swap3A_289 = vector.shape_cast %select_n3A_285 : vector<16xi32> to vector<16xi32>
      tpu.vector_store %arg8[%swap3A_286], %swap3A_289 {strides = array<i32>} : memref<64xi32, #tpu.memory_space<vmem>>, vector<16xi32>,
      %sub3A_290 = vector.broadcast %mul3A_5 : i32 to vector<16xi32>
      %sub3A_291 = arith.subi %get3A_275, %sub3A_290 : vector<16xi32>
      %jit3A_292 = arith.constant -1 : i32
      %broadcast_in_dim3A_293 = vector.broadcast %jit3A_292 : i32 to vector<16xi32>
      %select_n3A_294 = arith.select %and3A_282, %sub3A_291, %broadcast_in_dim3A_293 : vector<16xi1>, vector<16xi32>
      %swap3A_295 = arith.constant 16 : index
      %swap3A_296 = tpu.vector_load %arg12[%swap3A_295] {strides = array<i32>} : memref<64xi32, #tpu.memory_space<vmem>>, vector<16xi32>,
      %swap3A_297 = vector.shape_cast %swap3A_296 : vector<16xi32> to vector<16xi32>
      %swap3A_298 = vector.shape_cast %select_n3A_294 : vector<16xi32> to vector<16xi32>
      tpu.vector_store %arg12[%swap3A_295], %swap3A_298 {strides = array<i32>} : memref<64xi32, #tpu.memory_space<vmem>>, vector<16xi32>,
      %get3A_299 = arith.constant 32 : index
      %get3A_300 = tpu.vector_load %arg8[%get3A_299] {strides = array<i32>} : memref<64xi32, #tpu.memory_space<vmem>>, vector<16xi32>,
      %get3A_301 = vector.shape_cast %get3A_300 : vector<16xi32> to vector<16xi32>
      %get3A_302 = arith.constant 32 : index
      %get3A_303 = tpu.vector_load %arg12[%get3A_302] {strides = array<i32>} : memref<64xi32, #tpu.memory_space<vmem>>, vector<16xi32>,
      %get3A_304 = vector.shape_cast %get3A_303 : vector<16xi32> to vector<16xi32>
      %ge3A_305 = vector.broadcast %mul3A_5 : i32 to vector<16xi32>
      %ge3A_306 = arith.cmpi sge, %get3A_304, %ge3A_305 : vector<16xi32>
      %add3A_307 = arith.constant 2560 : i32
      %add3A_308 = arith.addi %mul3A_5, %add3A_307 : i32
      %lt3A_309 = vector.broadcast %add3A_308 : i32 to vector<16xi32>
      %lt3A_310 = arith.cmpi slt, %get3A_304, %lt3A_309 : vector<16xi32>
      %and3A_311 = arith.andi %ge3A_306, %lt3A_310 : vector<16xi1>
      %jit3A_312 = arith.constant -1 : i32
      %broadcast_in_dim3A_313 = vector.broadcast %jit3A_312 : i32 to vector<16xi32>
      %select_n3A_314 = arith.select %and3A_311, %get3A_301, %broadcast_in_dim3A_313 : vector<16xi1>, vector<16xi32>
      %swap3A_315 = arith.constant 32 : index
      %swap3A_316 = tpu.vector_load %arg8[%swap3A_315] {strides = array<i32>} : memref<64xi32, #tpu.memory_space<vmem>>, vector<16xi32>,
      %swap3A_317 = vector.shape_cast %swap3A_316 : vector<16xi32> to vector<16xi32>
      %swap3A_318 = vector.shape_cast %select_n3A_314 : vector<16xi32> to vector<16xi32>
      tpu.vector_store %arg8[%swap3A_315], %swap3A_318 {strides = array<i32>} : memref<64xi32, #tpu.memory_space<vmem>>, vector<16xi32>,
      %sub3A_319 = vector.broadcast %mul3A_5 : i32 to vector<16xi32>
      %sub3A_320 = arith.subi %get3A_304, %sub3A_319 : vector<16xi32>
      %jit3A_321 = arith.constant -1 : i32
      %broadcast_in_dim3A_322 = vector.broadcast %jit3A_321 : i32 to vector<16xi32>
      %select_n3A_323 = arith.select %and3A_311, %sub3A_320, %broadcast_in_dim3A_322 : vector<16xi1>, vector<16xi32>
      %swap3A_324 = arith.constant 32 : index
      %swap3A_325 = tpu.vector_load %arg12[%swap3A_324] {strides = array<i32>} : memref<64xi32, #tpu.memory_space<vmem>>, vector<16xi32>,
      %swap3A_326 = vector.shape_cast %swap3A_325 : vector<16xi32> to vector<16xi32>
      %swap3A_327 = vector.shape_cast %select_n3A_323 : vector<16xi32> to vector<16xi32>
      tpu.vector_store %arg12[%swap3A_324], %swap3A_327 {strides = array<i32>} : memref<64xi32, #tpu.memory_space<vmem>>, vector<16xi32>,
      %get3A_328 = arith.constant 48 : index
      %get3A_329 = tpu.vector_load %arg8[%get3A_328] {strides = array<i32>} : memref<64xi32, #tpu.memory_space<vmem>>, vector<16xi32>,
      %get3A_330 = vector.shape_cast %get3A_329 : vector<16xi32> to vector<16xi32>
      %get3A_331 = arith.constant 48 : index
      %get3A_332 = tpu.vector_load %arg12[%get3A_331] {strides = array<i32>} : memref<64xi32, #tpu.memory_space<vmem>>, vector<16xi32>,
      %get3A_333 = vector.shape_cast %get3A_332 : vector<16xi32> to vector<16xi32>
      %ge3A_334 = vector.broadcast %mul3A_5 : i32 to vector<16xi32>
      %ge3A_335 = arith.cmpi sge, %get3A_333, %ge3A_334 : vector<16xi32>
      %add3A_336 = arith.constant 2560 : i32
      %add3A_337 = arith.addi %mul3A_5, %add3A_336 : i32
      %lt3A_338 = vector.broadcast %add3A_337 : i32 to vector<16xi32>
      %lt3A_339 = arith.cmpi slt, %get3A_333, %lt3A_338 : vector<16xi32>
      %and3A_340 = arith.andi %ge3A_335, %lt3A_339 : vector<16xi1>
      %jit3A_341 = arith.constant -1 : i32
      %broadcast_in_dim3A_342 = vector.broadcast %jit3A_341 : i32 to vector<16xi32>
      %select_n3A_343 = arith.select %and3A_340, %get3A_330, %broadcast_in_dim3A_342 : vector<16xi1>, vector<16xi32>
      %swap3A_344 = arith.constant 48 : index
      %swap3A_345 = tpu.vector_load %arg8[%swap3A_344] {strides = array<i32>} : memref<64xi32, #tpu.memory_space<vmem>>, vector<16xi32>,
      %swap3A_346 = vector.shape_cast %swap3A_345 : vector<16xi32> to vector<16xi32>
      %swap3A_347 = vector.shape_cast %select_n3A_343 : vector<16xi32> to vector<16xi32>
      tpu.vector_store %arg8[%swap3A_344], %swap3A_347 {strides = array<i32>} : memref<64xi32, #tpu.memory_space<vmem>>, vector<16xi32>,
      %sub3A_348 = vector.broadcast %mul3A_5 : i32 to vector<16xi32>
      %sub3A_349 = arith.subi %get3A_333, %sub3A_348 : vector<16xi32>
      %jit3A_350 = arith.constant -1 : i32
      %broadcast_in_dim3A_351 = vector.broadcast %jit3A_350 : i32 to vector<16xi32>
      %select_n3A_352 = arith.select %and3A_340, %sub3A_349, %broadcast_in_dim3A_351 : vector<16xi1>, vector<16xi32>
      %swap3A_353 = arith.constant 48 : index
      %swap3A_354 = tpu.vector_load %arg12[%swap3A_353] {strides = array<i32>} : memref<64xi32, #tpu.memory_space<vmem>>, vector<16xi32>,
      %swap3A_355 = vector.shape_cast %swap3A_354 : vector<16xi32> to vector<16xi32>
      %swap3A_356 = vector.shape_cast %select_n3A_352 : vector<16xi32> to vector<16xi32>
      tpu.vector_store %arg12[%swap3A_353], %swap3A_356 {strides = array<i32>} : memref<64xi32, #tpu.memory_space<vmem>>, vector<16xi32>,
      %dma_start3A_357 = arith.constant 0 : i32
      %dma_start3A_358 = arith.constant 0 : i32
      %dma_start3A_359 = tpu.memref_slice %arg17[%dma_start3A_357, %dma_start3A_358] : memref<10240x128xf32, #tpu.memory_space<vmem_shared>> -> memref<10240x128xf32, #tpu.memory_space<vmem_shared>>
      %dma_start3A_360 = arith.constant -1 : i32
      tpu.enqueue_indirect_dma source(%dma_start3A_359 : memref<10240x128xf32, #tpu.memory_space<vmem_shared>>) target(%arg16 : memref<64x128xf32, #tpu.memory_space<vmem>>) offsets(%arg8 : memref<64xi32, #tpu.memory_space<vmem>>) offset_filter(%dma_start3A_360) semaphore(%arg28 : memref<!tpu.dma_semaphore, #tpu.memory_space<semaphore_mem>>)
      %dma_wait3A_361 = arith.constant 0 : i32
      %dma_wait3A_362 = arith.constant 0 : i32
      %dma_wait3A_363 = tpu.memref_slice %arg17[%dma_wait3A_361, %dma_wait3A_362] : memref<10240x128xf32, #tpu.memory_space<vmem_shared>> -> memref<10240x128xf32, #tpu.memory_space<vmem_shared>>
      tpu.wait_indirect_dma semaphore(%arg28 : memref<!tpu.dma_semaphore, #tpu.memory_space<semaphore_mem>>) src(%dma_wait3A_363 : memref<10240x128xf32, #tpu.memory_space<vmem_shared>>) dst(%arg16 : memref<64x128xf32, #tpu.memory_space<vmem>>)
      %dma_start3A_364 = arith.constant 0 : i32
      %dma_start3A_365 = arith.constant 0 : i32
      %dma_start3A_366 = tpu.memref_slice %arg18[%dma_start3A_364, %dma_start3A_365] : memref<2560x128xf32, #tpu.memory_space<vmem_shared>> -> memref<2560x128xf32, #tpu.memory_space<vmem_shared>>
      %dma_start3A_367 = arith.constant -1 : i32
      tpu.enqueue_indirect_dma source(%arg16 : memref<64x128xf32, #tpu.memory_space<vmem>>) target(%dma_start3A_366 : memref<2560x128xf32, #tpu.memory_space<vmem_shared>>) offsets(%arg12 : memref<64xi32, #tpu.memory_space<vmem>>) offset_filter(%dma_start3A_367) semaphore(%arg30 : memref<!tpu.dma_semaphore, #tpu.memory_space<semaphore_mem>>) {add = true}
      %mul3A_368 = arith.constant 4 : i32
      %mul3A_369 = arith.muli %mul3A_368, %scan3A_84 : i32
      %add3A_370 = arith.constant 2 : i32
      %add3A_371 = arith.addi %mul3A_369, %add3A_370 : i32
      %ge3A_372 = arith.constant 2 : i32
      %ge3A_373 = arith.cmpi sge, %add3A_371, %ge3A_372 : i32
      %convert_element_type3A_374 = arith.extui %ge3A_373 : i1 to i32
      %cond3A_375 = arith.constant 0 : i32
      %cond3A_376 = arith.cmpi ne, %convert_element_type3A_374, %cond3A_375 : i32
      scf.if %cond3A_376 {
        %dma_wait3A_662 = arith.constant 0 : i32
        %dma_wait3A_663 = arith.constant 0 : i32
        %dma_wait3A_664 = tpu.memref_slice %arg18[%dma_wait3A_662, %dma_wait3A_663] : memref<2560x128xf32, #tpu.memory_space<vmem_shared>> -> memref<2560x128xf32, #tpu.memory_space<vmem_shared>>
        tpu.wait_indirect_dma semaphore(%arg29 : memref<!tpu.dma_semaphore, #tpu.memory_space<semaphore_mem>>) src(%arg15 : memref<64x128xf32, #tpu.memory_space<vmem>>) dst(%dma_wait3A_664 : memref<2560x128xf32, #tpu.memory_space<vmem_shared>>)
      } else {
      }
      %add3A_377 = arith.constant 2 : i32
      %add3A_378 = arith.addi %add3A_371, %add3A_377 : i32
      %lt3A_379 = arith.constant 320 : i32
      %lt3A_380 = arith.cmpi slt, %add3A_378, %lt3A_379 : i32
      %convert_element_type3A_381 = arith.extui %lt3A_380 : i1 to i32
      %cond3A_382 = arith.constant 0 : i32
      %cond3A_383 = arith.cmpi ne, %convert_element_type3A_381, %cond3A_382 : i32
      scf.if %cond3A_383 {
        %add3A_662 = arith.constant 2 : i32
        %add3A_663 = arith.addi %add3A_371, %add3A_662 : i32
        %mul3A_664 = arith.constant 64 : i32
        %mul3A_665 = arith.muli %add3A_663, %mul3A_664 : i32
        %add3A_666 = arith.addi %mul3A_2, %mul3A_665 : i32
        %dma_start3A_667 = tpu.memref_slice %arg3[%add3A_666] : memref<327680xi32, #tpu.memory_space<hbm>> -> memref<64xi32, #tpu.memory_space<hbm>>
        %dma_start3A_668 = tpu.memref_slice %arg3[%add3A_666] : memref<327680xi32, #tpu.memory_space<hbm>> -> memref<64xi32, #tpu.memory_space<hbm>>
        tpu.enqueue_dma source(%dma_start3A_668 : memref<64xi32, #tpu.memory_space<hbm>>) target(%arg7 : memref<64xi32, #tpu.memory_space<vmem>>) target_semaphore(%arg19 : memref<!tpu.dma_semaphore, #tpu.memory_space<semaphore_mem>>)
        %mul3A_669 = arith.constant 64 : i32
        %mul3A_670 = arith.muli %add3A_663, %mul3A_669 : i32
        %add3A_671 = arith.addi %mul3A_2, %mul3A_670 : i32
        %dma_start3A_672 = tpu.memref_slice %arg4[%add3A_671] : memref<327680xi32, #tpu.memory_space<hbm>> -> memref<64xi32, #tpu.memory_space<hbm>>
        %dma_start3A_673 = tpu.memref_slice %arg4[%add3A_671] : memref<327680xi32, #tpu.memory_space<hbm>> -> memref<64xi32, #tpu.memory_space<hbm>>
        tpu.enqueue_dma source(%dma_start3A_673 : memref<64xi32, #tpu.memory_space<hbm>>) target(%arg11 : memref<64xi32, #tpu.memory_space<vmem>>) target_semaphore(%arg23 : memref<!tpu.dma_semaphore, #tpu.memory_space<semaphore_mem>>)
      } else {
      }
      %dma_wait3A_384 = tpu.memref_slice %arg3[%mul3A_2] : memref<327680xi32, #tpu.memory_space<hbm>> -> memref<64xi32, #tpu.memory_space<hbm>>
      %dma_wait3A_385 = tpu.memref_slice %arg3[%mul3A_2] : memref<327680xi32, #tpu.memory_space<hbm>> -> memref<64xi32, #tpu.memory_space<hbm>>
      tpu.wait_dma2 semaphore(%arg21 : memref<!tpu.dma_semaphore, #tpu.memory_space<semaphore_mem>>) src(%dma_wait3A_385 : memref<64xi32, #tpu.memory_space<hbm>>) dst(%arg9 : memref<64xi32, #tpu.memory_space<vmem>>)
      %dma_wait3A_386 = tpu.memref_slice %arg4[%mul3A_2] : memref<327680xi32, #tpu.memory_space<hbm>> -> memref<64xi32, #tpu.memory_space<hbm>>
      %dma_wait3A_387 = tpu.memref_slice %arg4[%mul3A_2] : memref<327680xi32, #tpu.memory_space<hbm>> -> memref<64xi32, #tpu.memory_space<hbm>>
      tpu.wait_dma2 semaphore(%arg25 : memref<!tpu.dma_semaphore, #tpu.memory_space<semaphore_mem>>) src(%dma_wait3A_387 : memref<64xi32, #tpu.memory_space<hbm>>) dst(%arg13 : memref<64xi32, #tpu.memory_space<vmem>>)
      %get3A_388 = arith.constant 0 : index
      %get3A_389 = tpu.vector_load %arg9[%get3A_388] {strides = array<i32>} : memref<64xi32, #tpu.memory_space<vmem>>, vector<16xi32>,
      %get3A_390 = vector.shape_cast %get3A_389 : vector<16xi32> to vector<16xi32>
      %get3A_391 = arith.constant 0 : index
      %get3A_392 = tpu.vector_load %arg13[%get3A_391] {strides = array<i32>} : memref<64xi32, #tpu.memory_space<vmem>>, vector<16xi32>,
      %get3A_393 = vector.shape_cast %get3A_392 : vector<16xi32> to vector<16xi32>
      %ge3A_394 = vector.broadcast %mul3A_5 : i32 to vector<16xi32>
      %ge3A_395 = arith.cmpi sge, %get3A_393, %ge3A_394 : vector<16xi32>
      %add3A_396 = arith.constant 2560 : i32
      %add3A_397 = arith.addi %mul3A_5, %add3A_396 : i32
      %lt3A_398 = vector.broadcast %add3A_397 : i32 to vector<16xi32>
      %lt3A_399 = arith.cmpi slt, %get3A_393, %lt3A_398 : vector<16xi32>
      %and3A_400 = arith.andi %ge3A_395, %lt3A_399 : vector<16xi1>
      %jit3A_401 = arith.constant -1 : i32
      %broadcast_in_dim3A_402 = vector.broadcast %jit3A_401 : i32 to vector<16xi32>
      %select_n3A_403 = arith.select %and3A_400, %get3A_390, %broadcast_in_dim3A_402 : vector<16xi1>, vector<16xi32>
      %swap3A_404 = arith.constant 0 : index
      %swap3A_405 = tpu.vector_load %arg9[%swap3A_404] {strides = array<i32>} : memref<64xi32, #tpu.memory_space<vmem>>, vector<16xi32>,
      %swap3A_406 = vector.shape_cast %swap3A_405 : vector<16xi32> to vector<16xi32>
      %swap3A_407 = vector.shape_cast %select_n3A_403 : vector<16xi32> to vector<16xi32>
      tpu.vector_store %arg9[%swap3A_404], %swap3A_407 {strides = array<i32>} : memref<64xi32, #tpu.memory_space<vmem>>, vector<16xi32>,
      %sub3A_408 = vector.broadcast %mul3A_5 : i32 to vector<16xi32>
      %sub3A_409 = arith.subi %get3A_393, %sub3A_408 : vector<16xi32>
      %jit3A_410 = arith.constant -1 : i32
      %broadcast_in_dim3A_411 = vector.broadcast %jit3A_410 : i32 to vector<16xi32>
      %select_n3A_412 = arith.select %and3A_400, %sub3A_409, %broadcast_in_dim3A_411 : vector<16xi1>, vector<16xi32>
      %swap3A_413 = arith.constant 0 : index
      %swap3A_414 = tpu.vector_load %arg13[%swap3A_413] {strides = array<i32>} : memref<64xi32, #tpu.memory_space<vmem>>, vector<16xi32>,
      %swap3A_415 = vector.shape_cast %swap3A_414 : vector<16xi32> to vector<16xi32>
      %swap3A_416 = vector.shape_cast %select_n3A_412 : vector<16xi32> to vector<16xi32>
      tpu.vector_store %arg13[%swap3A_413], %swap3A_416 {strides = array<i32>} : memref<64xi32, #tpu.memory_space<vmem>>, vector<16xi32>,
      %get3A_417 = arith.constant 16 : index
      %get3A_418 = tpu.vector_load %arg9[%get3A_417] {strides = array<i32>} : memref<64xi32, #tpu.memory_space<vmem>>, vector<16xi32>,
      %get3A_419 = vector.shape_cast %get3A_418 : vector<16xi32> to vector<16xi32>
      %get3A_420 = arith.constant 16 : index
      %get3A_421 = tpu.vector_load %arg13[%get3A_420] {strides = array<i32>} : memref<64xi32, #tpu.memory_space<vmem>>, vector<16xi32>,
      %get3A_422 = vector.shape_cast %get3A_421 : vector<16xi32> to vector<16xi32>
      %ge3A_423 = vector.broadcast %mul3A_5 : i32 to vector<16xi32>
      %ge3A_424 = arith.cmpi sge, %get3A_422, %ge3A_423 : vector<16xi32>
      %add3A_425 = arith.constant 2560 : i32
      %add3A_426 = arith.addi %mul3A_5, %add3A_425 : i32
      %lt3A_427 = vector.broadcast %add3A_426 : i32 to vector<16xi32>
      %lt3A_428 = arith.cmpi slt, %get3A_422, %lt3A_427 : vector<16xi32>
      %and3A_429 = arith.andi %ge3A_424, %lt3A_428 : vector<16xi1>
      %jit3A_430 = arith.constant -1 : i32
      %broadcast_in_dim3A_431 = vector.broadcast %jit3A_430 : i32 to vector<16xi32>
      %select_n3A_432 = arith.select %and3A_429, %get3A_419, %broadcast_in_dim3A_431 : vector<16xi1>, vector<16xi32>
      %swap3A_433 = arith.constant 16 : index
      %swap3A_434 = tpu.vector_load %arg9[%swap3A_433] {strides = array<i32>} : memref<64xi32, #tpu.memory_space<vmem>>, vector<16xi32>,
      %swap3A_435 = vector.shape_cast %swap3A_434 : vector<16xi32> to vector<16xi32>
      %swap3A_436 = vector.shape_cast %select_n3A_432 : vector<16xi32> to vector<16xi32>
      tpu.vector_store %arg9[%swap3A_433], %swap3A_436 {strides = array<i32>} : memref<64xi32, #tpu.memory_space<vmem>>, vector<16xi32>,
      %sub3A_437 = vector.broadcast %mul3A_5 : i32 to vector<16xi32>
      %sub3A_438 = arith.subi %get3A_422, %sub3A_437 : vector<16xi32>
      %jit3A_439 = arith.constant -1 : i32
      %broadcast_in_dim3A_440 = vector.broadcast %jit3A_439 : i32 to vector<16xi32>
      %select_n3A_441 = arith.select %and3A_429, %sub3A_438, %broadcast_in_dim3A_440 : vector<16xi1>, vector<16xi32>
      %swap3A_442 = arith.constant 16 : index
      %swap3A_443 = tpu.vector_load %arg13[%swap3A_442] {strides = array<i32>} : memref<64xi32, #tpu.memory_space<vmem>>, vector<16xi32>,
      %swap3A_444 = vector.shape_cast %swap3A_443 : vector<16xi32> to vector<16xi32>
      %swap3A_445 = vector.shape_cast %select_n3A_441 : vector<16xi32> to vector<16xi32>
      tpu.vector_store %arg13[%swap3A_442], %swap3A_445 {strides = array<i32>} : memref<64xi32, #tpu.memory_space<vmem>>, vector<16xi32>,
      %get3A_446 = arith.constant 32 : index
      %get3A_447 = tpu.vector_load %arg9[%get3A_446] {strides = array<i32>} : memref<64xi32, #tpu.memory_space<vmem>>, vector<16xi32>,
      %get3A_448 = vector.shape_cast %get3A_447 : vector<16xi32> to vector<16xi32>
      %get3A_449 = arith.constant 32 : index
      %get3A_450 = tpu.vector_load %arg13[%get3A_449] {strides = array<i32>} : memref<64xi32, #tpu.memory_space<vmem>>, vector<16xi32>,
      %get3A_451 = vector.shape_cast %get3A_450 : vector<16xi32> to vector<16xi32>
      %ge3A_452 = vector.broadcast %mul3A_5 : i32 to vector<16xi32>
      %ge3A_453 = arith.cmpi sge, %get3A_451, %ge3A_452 : vector<16xi32>
      %add3A_454 = arith.constant 2560 : i32
      %add3A_455 = arith.addi %mul3A_5, %add3A_454 : i32
      %lt3A_456 = vector.broadcast %add3A_455 : i32 to vector<16xi32>
      %lt3A_457 = arith.cmpi slt, %get3A_451, %lt3A_456 : vector<16xi32>
      %and3A_458 = arith.andi %ge3A_453, %lt3A_457 : vector<16xi1>
      %jit3A_459 = arith.constant -1 : i32
      %broadcast_in_dim3A_460 = vector.broadcast %jit3A_459 : i32 to vector<16xi32>
      %select_n3A_461 = arith.select %and3A_458, %get3A_448, %broadcast_in_dim3A_460 : vector<16xi1>, vector<16xi32>
      %swap3A_462 = arith.constant 32 : index
      %swap3A_463 = tpu.vector_load %arg9[%swap3A_462] {strides = array<i32>} : memref<64xi32, #tpu.memory_space<vmem>>, vector<16xi32>,
      %swap3A_464 = vector.shape_cast %swap3A_463 : vector<16xi32> to vector<16xi32>
      %swap3A_465 = vector.shape_cast %select_n3A_461 : vector<16xi32> to vector<16xi32>
      tpu.vector_store %arg9[%swap3A_462], %swap3A_465 {strides = array<i32>} : memref<64xi32, #tpu.memory_space<vmem>>, vector<16xi32>,
      %sub3A_466 = vector.broadcast %mul3A_5 : i32 to vector<16xi32>
      %sub3A_467 = arith.subi %get3A_451, %sub3A_466 : vector<16xi32>
      %jit3A_468 = arith.constant -1 : i32
      %broadcast_in_dim3A_469 = vector.broadcast %jit3A_468 : i32 to vector<16xi32>
      %select_n3A_470 = arith.select %and3A_458, %sub3A_467, %broadcast_in_dim3A_469 : vector<16xi1>, vector<16xi32>
      %swap3A_471 = arith.constant 32 : index
      %swap3A_472 = tpu.vector_load %arg13[%swap3A_471] {strides = array<i32>} : memref<64xi32, #tpu.memory_space<vmem>>, vector<16xi32>,
      %swap3A_473 = vector.shape_cast %swap3A_472 : vector<16xi32> to vector<16xi32>
      %swap3A_474 = vector.shape_cast %select_n3A_470 : vector<16xi32> to vector<16xi32>
      tpu.vector_store %arg13[%swap3A_471], %swap3A_474 {strides = array<i32>} : memref<64xi32, #tpu.memory_space<vmem>>, vector<16xi32>,
      %get3A_475 = arith.constant 48 : index
      %get3A_476 = tpu.vector_load %arg9[%get3A_475] {strides = array<i32>} : memref<64xi32, #tpu.memory_space<vmem>>, vector<16xi32>,
      %get3A_477 = vector.shape_cast %get3A_476 : vector<16xi32> to vector<16xi32>
      %get3A_478 = arith.constant 48 : index
      %get3A_479 = tpu.vector_load %arg13[%get3A_478] {strides = array<i32>} : memref<64xi32, #tpu.memory_space<vmem>>, vector<16xi32>,
      %get3A_480 = vector.shape_cast %get3A_479 : vector<16xi32> to vector<16xi32>
      %ge3A_481 = vector.broadcast %mul3A_5 : i32 to vector<16xi32>
      %ge3A_482 = arith.cmpi sge, %get3A_480, %ge3A_481 : vector<16xi32>
      %add3A_483 = arith.constant 2560 : i32
      %add3A_484 = arith.addi %mul3A_5, %add3A_483 : i32
      %lt3A_485 = vector.broadcast %add3A_484 : i32 to vector<16xi32>
      %lt3A_486 = arith.cmpi slt, %get3A_480, %lt3A_485 : vector<16xi32>
      %and3A_487 = arith.andi %ge3A_482, %lt3A_486 : vector<16xi1>
      %jit3A_488 = arith.constant -1 : i32
      %broadcast_in_dim3A_489 = vector.broadcast %jit3A_488 : i32 to vector<16xi32>
      %select_n3A_490 = arith.select %and3A_487, %get3A_477, %broadcast_in_dim3A_489 : vector<16xi1>, vector<16xi32>
      %swap3A_491 = arith.constant 48 : index
      %swap3A_492 = tpu.vector_load %arg9[%swap3A_491] {strides = array<i32>} : memref<64xi32, #tpu.memory_space<vmem>>, vector<16xi32>,
      %swap3A_493 = vector.shape_cast %swap3A_492 : vector<16xi32> to vector<16xi32>
      %swap3A_494 = vector.shape_cast %select_n3A_490 : vector<16xi32> to vector<16xi32>
      tpu.vector_store %arg9[%swap3A_491], %swap3A_494 {strides = array<i32>} : memref<64xi32, #tpu.memory_space<vmem>>, vector<16xi32>,
      %sub3A_495 = vector.broadcast %mul3A_5 : i32 to vector<16xi32>
      %sub3A_496 = arith.subi %get3A_480, %sub3A_495 : vector<16xi32>
      %jit3A_497 = arith.constant -1 : i32
      %broadcast_in_dim3A_498 = vector.broadcast %jit3A_497 : i32 to vector<16xi32>
      %select_n3A_499 = arith.select %and3A_487, %sub3A_496, %broadcast_in_dim3A_498 : vector<16xi1>, vector<16xi32>
      %swap3A_500 = arith.constant 48 : index
      %swap3A_501 = tpu.vector_load %arg13[%swap3A_500] {strides = array<i32>} : memref<64xi32, #tpu.memory_space<vmem>>, vector<16xi32>,
      %swap3A_502 = vector.shape_cast %swap3A_501 : vector<16xi32> to vector<16xi32>
      %swap3A_503 = vector.shape_cast %select_n3A_499 : vector<16xi32> to vector<16xi32>
      tpu.vector_store %arg13[%swap3A_500], %swap3A_503 {strides = array<i32>} : memref<64xi32, #tpu.memory_space<vmem>>, vector<16xi32>,
      %dma_start3A_504 = arith.constant 0 : i32
      %dma_start3A_505 = arith.constant 0 : i32
      %dma_start3A_506 = tpu.memref_slice %arg17[%dma_start3A_504, %dma_start3A_505] : memref<10240x128xf32, #tpu.memory_space<vmem_shared>> -> memref<10240x128xf32, #tpu.memory_space<vmem_shared>>
      %dma_start3A_507 = arith.constant -1 : i32
      tpu.enqueue_indirect_dma source(%dma_start3A_506 : memref<10240x128xf32, #tpu.memory_space<vmem_shared>>) target(%arg15 : memref<64x128xf32, #tpu.memory_space<vmem>>) offsets(%arg9 : memref<64xi32, #tpu.memory_space<vmem>>) offset_filter(%dma_start3A_507) semaphore(%arg27 : memref<!tpu.dma_semaphore, #tpu.memory_space<semaphore_mem>>)
      %dma_wait3A_508 = arith.constant 0 : i32
      %dma_wait3A_509 = arith.constant 0 : i32
      %dma_wait3A_510 = tpu.memref_slice %arg17[%dma_wait3A_508, %dma_wait3A_509] : memref<10240x128xf32, #tpu.memory_space<vmem_shared>> -> memref<10240x128xf32, #tpu.memory_space<vmem_shared>>
      tpu.wait_indirect_dma semaphore(%arg27 : memref<!tpu.dma_semaphore, #tpu.memory_space<semaphore_mem>>) src(%dma_wait3A_510 : memref<10240x128xf32, #tpu.memory_space<vmem_shared>>) dst(%arg15 : memref<64x128xf32, #tpu.memory_space<vmem>>)
      %dma_start3A_511 = arith.constant 0 : i32
      %dma_start3A_512 = arith.constant 0 : i32
      %dma_start3A_513 = tpu.memref_slice %arg18[%dma_start3A_511, %dma_start3A_512] : memref<2560x128xf32, #tpu.memory_space<vmem_shared>> -> memref<2560x128xf32, #tpu.memory_space<vmem_shared>>
      %dma_start3A_514 = arith.constant -1 : i32
      tpu.enqueue_indirect_dma source(%arg15 : memref<64x128xf32, #tpu.memory_space<vmem>>) target(%dma_start3A_513 : memref<2560x128xf32, #tpu.memory_space<vmem_shared>>) offsets(%arg13 : memref<64xi32, #tpu.memory_space<vmem>>) offset_filter(%dma_start3A_514) semaphore(%arg29 : memref<!tpu.dma_semaphore, #tpu.memory_space<semaphore_mem>>) {add = true}
      %mul3A_515 = arith.constant 4 : i32
      %mul3A_516 = arith.muli %mul3A_515, %scan3A_84 : i32
      %add3A_517 = arith.constant 3 : i32
      %add3A_518 = arith.addi %mul3A_516, %add3A_517 : i32
      %ge3A_519 = arith.constant 2 : i32
      %ge3A_520 = arith.cmpi sge, %add3A_518, %ge3A_519 : i32
      %convert_element_type3A_521 = arith.extui %ge3A_520 : i1 to i32
      %cond3A_522 = arith.constant 0 : i32
      %cond3A_523 = arith.cmpi ne, %convert_element_type3A_521, %cond3A_522 : i32
      scf.if %cond3A_523 {
        %dma_wait3A_662 = arith.constant 0 : i32
        %dma_wait3A_663 = arith.constant 0 : i32
        %dma_wait3A_664 = tpu.memref_slice %arg18[%dma_wait3A_662, %dma_wait3A_663] : memref<2560x128xf32, #tpu.memory_space<vmem_shared>> -> memref<2560x128xf32, #tpu.memory_space<vmem_shared>>
        tpu.wait_indirect_dma semaphore(%arg30 : memref<!tpu.dma_semaphore, #tpu.memory_space<semaphore_mem>>) src(%arg16 : memref<64x128xf32, #tpu.memory_space<vmem>>) dst(%dma_wait3A_664 : memref<2560x128xf32, #tpu.memory_space<vmem_shared>>)
      } else {
      }
      %add3A_524 = arith.constant 2 : i32
      %add3A_525 = arith.addi %add3A_518, %add3A_524 : i32
      %lt3A_526 = arith.constant 320 : i32
      %lt3A_527 = arith.cmpi slt, %add3A_525, %lt3A_526 : i32
      %convert_element_type3A_528 = arith.extui %lt3A_527 : i1 to i32
      %cond3A_529 = arith.constant 0 : i32
      %cond3A_530 = arith.cmpi ne, %convert_element_type3A_528, %cond3A_529 : i32
      scf.if %cond3A_530 {
        %add3A_662 = arith.constant 2 : i32
        %add3A_663 = arith.addi %add3A_518, %add3A_662 : i32
        %mul3A_664 = arith.constant 64 : i32
        %mul3A_665 = arith.muli %add3A_663, %mul3A_664 : i32
        %add3A_666 = arith.addi %mul3A_2, %mul3A_665 : i32
        %dma_start3A_667 = tpu.memref_slice %arg3[%add3A_666] : memref<327680xi32, #tpu.memory_space<hbm>> -> memref<64xi32, #tpu.memory_space<hbm>>
        %dma_start3A_668 = tpu.memref_slice %arg3[%add3A_666] : memref<327680xi32, #tpu.memory_space<hbm>> -> memref<64xi32, #tpu.memory_space<hbm>>
        tpu.enqueue_dma source(%dma_start3A_668 : memref<64xi32, #tpu.memory_space<hbm>>) target(%arg8 : memref<64xi32, #tpu.memory_space<vmem>>) target_semaphore(%arg20 : memref<!tpu.dma_semaphore, #tpu.memory_space<semaphore_mem>>)
        %mul3A_669 = arith.constant 64 : i32
        %mul3A_670 = arith.muli %add3A_663, %mul3A_669 : i32
        %add3A_671 = arith.addi %mul3A_2, %mul3A_670 : i32
        %dma_start3A_672 = tpu.memref_slice %arg4[%add3A_671] : memref<327680xi32, #tpu.memory_space<hbm>> -> memref<64xi32, #tpu.memory_space<hbm>>
        %dma_start3A_673 = tpu.memref_slice %arg4[%add3A_671] : memref<327680xi32, #tpu.memory_space<hbm>> -> memref<64xi32, #tpu.memory_space<hbm>>
        tpu.enqueue_dma source(%dma_start3A_673 : memref<64xi32, #tpu.memory_space<hbm>>) target(%arg12 : memref<64xi32, #tpu.memory_space<vmem>>) target_semaphore(%arg24 : memref<!tpu.dma_semaphore, #tpu.memory_space<semaphore_mem>>)
      } else {
      }
      %dma_wait3A_531 = tpu.memref_slice %arg3[%mul3A_2] : memref<327680xi32, #tpu.memory_space<hbm>> -> memref<64xi32, #tpu.memory_space<hbm>>
      %dma_wait3A_532 = tpu.memref_slice %arg3[%mul3A_2] : memref<327680xi32, #tpu.memory_space<hbm>> -> memref<64xi32, #tpu.memory_space<hbm>>
      tpu.wait_dma2 semaphore(%arg22 : memref<!tpu.dma_semaphore, #tpu.memory_space<semaphore_mem>>) src(%dma_wait3A_532 : memref<64xi32, #tpu.memory_space<hbm>>) dst(%arg10 : memref<64xi32, #tpu.memory_space<vmem>>)
      %dma_wait3A_533 = tpu.memref_slice %arg4[%mul3A_2] : memref<327680xi32, #tpu.memory_space<hbm>> -> memref<64xi32, #tpu.memory_space<hbm>>
      %dma_wait3A_534 = tpu.memref_slice %arg4[%mul3A_2] : memref<327680xi32, #tpu.memory_space<hbm>> -> memref<64xi32, #tpu.memory_space<hbm>>
      tpu.wait_dma2 semaphore(%arg26 : memref<!tpu.dma_semaphore, #tpu.memory_space<semaphore_mem>>) src(%dma_wait3A_534 : memref<64xi32, #tpu.memory_space<hbm>>) dst(%arg14 : memref<64xi32, #tpu.memory_space<vmem>>)
      %get3A_535 = arith.constant 0 : index
      %get3A_536 = tpu.vector_load %arg10[%get3A_535] {strides = array<i32>} : memref<64xi32, #tpu.memory_space<vmem>>, vector<16xi32>,
      %get3A_537 = vector.shape_cast %get3A_536 : vector<16xi32> to vector<16xi32>
      %get3A_538 = arith.constant 0 : index
      %get3A_539 = tpu.vector_load %arg14[%get3A_538] {strides = array<i32>} : memref<64xi32, #tpu.memory_space<vmem>>, vector<16xi32>,
      %get3A_540 = vector.shape_cast %get3A_539 : vector<16xi32> to vector<16xi32>
      %ge3A_541 = vector.broadcast %mul3A_5 : i32 to vector<16xi32>
      %ge3A_542 = arith.cmpi sge, %get3A_540, %ge3A_541 : vector<16xi32>
      %add3A_543 = arith.constant 2560 : i32
      %add3A_544 = arith.addi %mul3A_5, %add3A_543 : i32
      %lt3A_545 = vector.broadcast %add3A_544 : i32 to vector<16xi32>
      %lt3A_546 = arith.cmpi slt, %get3A_540, %lt3A_545 : vector<16xi32>
      %and3A_547 = arith.andi %ge3A_542, %lt3A_546 : vector<16xi1>
      %jit3A_548 = arith.constant -1 : i32
      %broadcast_in_dim3A_549 = vector.broadcast %jit3A_548 : i32 to vector<16xi32>
      %select_n3A_550 = arith.select %and3A_547, %get3A_537, %broadcast_in_dim3A_549 : vector<16xi1>, vector<16xi32>
      %swap3A_551 = arith.constant 0 : index
      %swap3A_552 = tpu.vector_load %arg10[%swap3A_551] {strides = array<i32>} : memref<64xi32, #tpu.memory_space<vmem>>, vector<16xi32>,
      %swap3A_553 = vector.shape_cast %swap3A_552 : vector<16xi32> to vector<16xi32>
      %swap3A_554 = vector.shape_cast %select_n3A_550 : vector<16xi32> to vector<16xi32>
      tpu.vector_store %arg10[%swap3A_551], %swap3A_554 {strides = array<i32>} : memref<64xi32, #tpu.memory_space<vmem>>, vector<16xi32>,
      %sub3A_555 = vector.broadcast %mul3A_5 : i32 to vector<16xi32>
      %sub3A_556 = arith.subi %get3A_540, %sub3A_555 : vector<16xi32>
      %jit3A_557 = arith.constant -1 : i32
      %broadcast_in_dim3A_558 = vector.broadcast %jit3A_557 : i32 to vector<16xi32>
      %select_n3A_559 = arith.select %and3A_547, %sub3A_556, %broadcast_in_dim3A_558 : vector<16xi1>, vector<16xi32>
      %swap3A_560 = arith.constant 0 : index
      %swap3A_561 = tpu.vector_load %arg14[%swap3A_560] {strides = array<i32>} : memref<64xi32, #tpu.memory_space<vmem>>, vector<16xi32>,
      %swap3A_562 = vector.shape_cast %swap3A_561 : vector<16xi32> to vector<16xi32>
      %swap3A_563 = vector.shape_cast %select_n3A_559 : vector<16xi32> to vector<16xi32>
      tpu.vector_store %arg14[%swap3A_560], %swap3A_563 {strides = array<i32>} : memref<64xi32, #tpu.memory_space<vmem>>, vector<16xi32>,
      %get3A_564 = arith.constant 16 : index
      %get3A_565 = tpu.vector_load %arg10[%get3A_564] {strides = array<i32>} : memref<64xi32, #tpu.memory_space<vmem>>, vector<16xi32>,
      %get3A_566 = vector.shape_cast %get3A_565 : vector<16xi32> to vector<16xi32>
      %get3A_567 = arith.constant 16 : index
      %get3A_568 = tpu.vector_load %arg14[%get3A_567] {strides = array<i32>} : memref<64xi32, #tpu.memory_space<vmem>>, vector<16xi32>,
      %get3A_569 = vector.shape_cast %get3A_568 : vector<16xi32> to vector<16xi32>
      %ge3A_570 = vector.broadcast %mul3A_5 : i32 to vector<16xi32>
      %ge3A_571 = arith.cmpi sge, %get3A_569, %ge3A_570 : vector<16xi32>
      %add3A_572 = arith.constant 2560 : i32
      %add3A_573 = arith.addi %mul3A_5, %add3A_572 : i32
      %lt3A_574 = vector.broadcast %add3A_573 : i32 to vector<16xi32>
      %lt3A_575 = arith.cmpi slt, %get3A_569, %lt3A_574 : vector<16xi32>
      %and3A_576 = arith.andi %ge3A_571, %lt3A_575 : vector<16xi1>
      %jit3A_577 = arith.constant -1 : i32
      %broadcast_in_dim3A_578 = vector.broadcast %jit3A_577 : i32 to vector<16xi32>
      %select_n3A_579 = arith.select %and3A_576, %get3A_566, %broadcast_in_dim3A_578 : vector<16xi1>, vector<16xi32>
      %swap3A_580 = arith.constant 16 : index
      %swap3A_581 = tpu.vector_load %arg10[%swap3A_580] {strides = array<i32>} : memref<64xi32, #tpu.memory_space<vmem>>, vector<16xi32>,
      %swap3A_582 = vector.shape_cast %swap3A_581 : vector<16xi32> to vector<16xi32>
      %swap3A_583 = vector.shape_cast %select_n3A_579 : vector<16xi32> to vector<16xi32>
      tpu.vector_store %arg10[%swap3A_580], %swap3A_583 {strides = array<i32>} : memref<64xi32, #tpu.memory_space<vmem>>, vector<16xi32>,
      %sub3A_584 = vector.broadcast %mul3A_5 : i32 to vector<16xi32>
      %sub3A_585 = arith.subi %get3A_569, %sub3A_584 : vector<16xi32>
      %jit3A_586 = arith.constant -1 : i32
      %broadcast_in_dim3A_587 = vector.broadcast %jit3A_586 : i32 to vector<16xi32>
      %select_n3A_588 = arith.select %and3A_576, %sub3A_585, %broadcast_in_dim3A_587 : vector<16xi1>, vector<16xi32>
      %swap3A_589 = arith.constant 16 : index
      %swap3A_590 = tpu.vector_load %arg14[%swap3A_589] {strides = array<i32>} : memref<64xi32, #tpu.memory_space<vmem>>, vector<16xi32>,
      %swap3A_591 = vector.shape_cast %swap3A_590 : vector<16xi32> to vector<16xi32>
      %swap3A_592 = vector.shape_cast %select_n3A_588 : vector<16xi32> to vector<16xi32>
      tpu.vector_store %arg14[%swap3A_589], %swap3A_592 {strides = array<i32>} : memref<64xi32, #tpu.memory_space<vmem>>, vector<16xi32>,
      %get3A_593 = arith.constant 32 : index
      %get3A_594 = tpu.vector_load %arg10[%get3A_593] {strides = array<i32>} : memref<64xi32, #tpu.memory_space<vmem>>, vector<16xi32>,
      %get3A_595 = vector.shape_cast %get3A_594 : vector<16xi32> to vector<16xi32>
      %get3A_596 = arith.constant 32 : index
      %get3A_597 = tpu.vector_load %arg14[%get3A_596] {strides = array<i32>} : memref<64xi32, #tpu.memory_space<vmem>>, vector<16xi32>,
      %get3A_598 = vector.shape_cast %get3A_597 : vector<16xi32> to vector<16xi32>
      %ge3A_599 = vector.broadcast %mul3A_5 : i32 to vector<16xi32>
      %ge3A_600 = arith.cmpi sge, %get3A_598, %ge3A_599 : vector<16xi32>
      %add3A_601 = arith.constant 2560 : i32
      %add3A_602 = arith.addi %mul3A_5, %add3A_601 : i32
      %lt3A_603 = vector.broadcast %add3A_602 : i32 to vector<16xi32>
      %lt3A_604 = arith.cmpi slt, %get3A_598, %lt3A_603 : vector<16xi32>
      %and3A_605 = arith.andi %ge3A_600, %lt3A_604 : vector<16xi1>
      %jit3A_606 = arith.constant -1 : i32
      %broadcast_in_dim3A_607 = vector.broadcast %jit3A_606 : i32 to vector<16xi32>
      %select_n3A_608 = arith.select %and3A_605, %get3A_595, %broadcast_in_dim3A_607 : vector<16xi1>, vector<16xi32>
      %swap3A_609 = arith.constant 32 : index
      %swap3A_610 = tpu.vector_load %arg10[%swap3A_609] {strides = array<i32>} : memref<64xi32, #tpu.memory_space<vmem>>, vector<16xi32>,
      %swap3A_611 = vector.shape_cast %swap3A_610 : vector<16xi32> to vector<16xi32>
      %swap3A_612 = vector.shape_cast %select_n3A_608 : vector<16xi32> to vector<16xi32>
      tpu.vector_store %arg10[%swap3A_609], %swap3A_612 {strides = array<i32>} : memref<64xi32, #tpu.memory_space<vmem>>, vector<16xi32>,
      %sub3A_613 = vector.broadcast %mul3A_5 : i32 to vector<16xi32>
      %sub3A_614 = arith.subi %get3A_598, %sub3A_613 : vector<16xi32>
      %jit3A_615 = arith.constant -1 : i32
      %broadcast_in_dim3A_616 = vector.broadcast %jit3A_615 : i32 to vector<16xi32>
      %select_n3A_617 = arith.select %and3A_605, %sub3A_614, %broadcast_in_dim3A_616 : vector<16xi1>, vector<16xi32>
      %swap3A_618 = arith.constant 32 : index
      %swap3A_619 = tpu.vector_load %arg14[%swap3A_618] {strides = array<i32>} : memref<64xi32, #tpu.memory_space<vmem>>, vector<16xi32>,
      %swap3A_620 = vector.shape_cast %swap3A_619 : vector<16xi32> to vector<16xi32>
      %swap3A_621 = vector.shape_cast %select_n3A_617 : vector<16xi32> to vector<16xi32>
      tpu.vector_store %arg14[%swap3A_618], %swap3A_621 {strides = array<i32>} : memref<64xi32, #tpu.memory_space<vmem>>, vector<16xi32>,
      %get3A_622 = arith.constant 48 : index
      %get3A_623 = tpu.vector_load %arg10[%get3A_622] {strides = array<i32>} : memref<64xi32, #tpu.memory_space<vmem>>, vector<16xi32>,
      %get3A_624 = vector.shape_cast %get3A_623 : vector<16xi32> to vector<16xi32>
      %get3A_625 = arith.constant 48 : index
      %get3A_626 = tpu.vector_load %arg14[%get3A_625] {strides = array<i32>} : memref<64xi32, #tpu.memory_space<vmem>>, vector<16xi32>,
      %get3A_627 = vector.shape_cast %get3A_626 : vector<16xi32> to vector<16xi32>
      %ge3A_628 = vector.broadcast %mul3A_5 : i32 to vector<16xi32>
      %ge3A_629 = arith.cmpi sge, %get3A_627, %ge3A_628 : vector<16xi32>
      %add3A_630 = arith.constant 2560 : i32
      %add3A_631 = arith.addi %mul3A_5, %add3A_630 : i32
      %lt3A_632 = vector.broadcast %add3A_631 : i32 to vector<16xi32>
      %lt3A_633 = arith.cmpi slt, %get3A_627, %lt3A_632 : vector<16xi32>
      %and3A_634 = arith.andi %ge3A_629, %lt3A_633 : vector<16xi1>
      %jit3A_635 = arith.constant -1 : i32
      %broadcast_in_dim3A_636 = vector.broadcast %jit3A_635 : i32 to vector<16xi32>
      %select_n3A_637 = arith.select %and3A_634, %get3A_624, %broadcast_in_dim3A_636 : vector<16xi1>, vector<16xi32>
      %swap3A_638 = arith.constant 48 : index
      %swap3A_639 = tpu.vector_load %arg10[%swap3A_638] {strides = array<i32>} : memref<64xi32, #tpu.memory_space<vmem>>, vector<16xi32>,
      %swap3A_640 = vector.shape_cast %swap3A_639 : vector<16xi32> to vector<16xi32>
      %swap3A_641 = vector.shape_cast %select_n3A_637 : vector<16xi32> to vector<16xi32>
      tpu.vector_store %arg10[%swap3A_638], %swap3A_641 {strides = array<i32>} : memref<64xi32, #tpu.memory_space<vmem>>, vector<16xi32>,
      %sub3A_642 = vector.broadcast %mul3A_5 : i32 to vector<16xi32>
      %sub3A_643 = arith.subi %get3A_627, %sub3A_642 : vector<16xi32>
      %jit3A_644 = arith.constant -1 : i32
      %broadcast_in_dim3A_645 = vector.broadcast %jit3A_644 : i32 to vector<16xi32>
      %select_n3A_646 = arith.select %and3A_634, %sub3A_643, %broadcast_in_dim3A_645 : vector<16xi1>, vector<16xi32>
      %swap3A_647 = arith.constant 48 : index
      %swap3A_648 = tpu.vector_load %arg14[%swap3A_647] {strides = array<i32>} : memref<64xi32, #tpu.memory_space<vmem>>, vector<16xi32>,
      %swap3A_649 = vector.shape_cast %swap3A_648 : vector<16xi32> to vector<16xi32>
      %swap3A_650 = vector.shape_cast %select_n3A_646 : vector<16xi32> to vector<16xi32>
      tpu.vector_store %arg14[%swap3A_647], %swap3A_650 {strides = array<i32>} : memref<64xi32, #tpu.memory_space<vmem>>, vector<16xi32>,
      %dma_start3A_651 = arith.constant 0 : i32
      %dma_start3A_652 = arith.constant 0 : i32
      %dma_start3A_653 = tpu.memref_slice %arg17[%dma_start3A_651, %dma_start3A_652] : memref<10240x128xf32, #tpu.memory_space<vmem_shared>> -> memref<10240x128xf32, #tpu.memory_space<vmem_shared>>
      %dma_start3A_654 = arith.constant -1 : i32
      tpu.enqueue_indirect_dma source(%dma_start3A_653 : memref<10240x128xf32, #tpu.memory_space<vmem_shared>>) target(%arg16 : memref<64x128xf32, #tpu.memory_space<vmem>>) offsets(%arg10 : memref<64xi32, #tpu.memory_space<vmem>>) offset_filter(%dma_start3A_654) semaphore(%arg28 : memref<!tpu.dma_semaphore, #tpu.memory_space<semaphore_mem>>)
      %dma_wait3A_655 = arith.constant 0 : i32
      %dma_wait3A_656 = arith.constant 0 : i32
      %dma_wait3A_657 = tpu.memref_slice %arg17[%dma_wait3A_655, %dma_wait3A_656] : memref<10240x128xf32, #tpu.memory_space<vmem_shared>> -> memref<10240x128xf32, #tpu.memory_space<vmem_shared>>
      tpu.wait_indirect_dma semaphore(%arg28 : memref<!tpu.dma_semaphore, #tpu.memory_space<semaphore_mem>>) src(%dma_wait3A_657 : memref<10240x128xf32, #tpu.memory_space<vmem_shared>>) dst(%arg16 : memref<64x128xf32, #tpu.memory_space<vmem>>)
      %dma_start3A_658 = arith.constant 0 : i32
      %dma_start3A_659 = arith.constant 0 : i32
      %dma_start3A_660 = tpu.memref_slice %arg18[%dma_start3A_658, %dma_start3A_659] : memref<2560x128xf32, #tpu.memory_space<vmem_shared>> -> memref<2560x128xf32, #tpu.memory_space<vmem_shared>>
      %dma_start3A_661 = arith.constant -1 : i32
      tpu.enqueue_indirect_dma source(%arg16 : memref<64x128xf32, #tpu.memory_space<vmem>>) target(%dma_start3A_660 : memref<2560x128xf32, #tpu.memory_space<vmem_shared>>) offsets(%arg14 : memref<64xi32, #tpu.memory_space<vmem>>) offset_filter(%dma_start3A_661) semaphore(%arg30 : memref<!tpu.dma_semaphore, #tpu.memory_space<semaphore_mem>>) {add = true}
    }
    %scan3A_29 = arith.constant 80 : i32
    %dma_wait3A = arith.constant 0 : i32
    %dma_wait3A_30 = arith.constant 0 : i32
    %dma_wait3A_31 = tpu.memref_slice %arg18[%dma_wait3A, %dma_wait3A_30] : memref<2560x128xf32, #tpu.memory_space<vmem_shared>> -> memref<2560x128xf32, #tpu.memory_space<vmem_shared>>
    tpu.wait_indirect_dma semaphore(%arg29 : memref<!tpu.dma_semaphore, #tpu.memory_space<semaphore_mem>>) src(%arg15 : memref<64x128xf32, #tpu.memory_space<vmem>>) dst(%dma_wait3A_31 : memref<2560x128xf32, #tpu.memory_space<vmem_shared>>)
    %dma_wait3A_32 = arith.constant 0 : i32
    %dma_wait3A_33 = arith.constant 0 : i32
    %dma_wait3A_34 = tpu.memref_slice %arg18[%dma_wait3A_32, %dma_wait3A_33] : memref<2560x128xf32, #tpu.memory_space<vmem_shared>> -> memref<2560x128xf32, #tpu.memory_space<vmem_shared>>
    tpu.wait_indirect_dma semaphore(%arg30 : memref<!tpu.dma_semaphore, #tpu.memory_space<semaphore_mem>>) src(%arg16 : memref<64x128xf32, #tpu.memory_space<vmem>>) dst(%dma_wait3A_34 : memref<2560x128xf32, #tpu.memory_space<vmem_shared>>)
    %barrier3A_35 = arith.constant 0 : index
    tpu.barrier barrier_id(%barrier3A_35)
    %mul3A_36 = arith.constant 160 : i32
    %mul3A_37 = arith.muli %arg1, %mul3A_36 : i32
    %mul3A_38 = arith.constant 160 : i32
    %mul3A_39 = arith.muli %arg1, %mul3A_38 : i32
    %add3A_40 = arith.addi %mul3A_5, %mul3A_39 : i32
    "tpu.region"() ({
      %run_scoped3A = tpu.sem_alloc : memref<!tpu.dma_semaphore, #tpu.memory_space<semaphore_mem>>
      %dma_start3A_84 = arith.constant 0 : i32
      %dma_start3A_85 = tpu.memref_slice %arg6[%add3A_40, %dma_start3A_84] : memref<10240x128xf32, #tpu.memory_space<hbm>> -> memref<160x128xf32, #tpu.memory_space<hbm>>
      %dma_start3A_86 = arith.constant 0 : i32
      %dma_start3A_87 = tpu.memref_slice %arg18[%mul3A_37, %dma_start3A_86] : memref<2560x128xf32, #tpu.memory_space<vmem_shared>> -> memref<160x128xf32, #tpu.memory_space<vmem_shared>>
      tpu.enqueue_dma source(%dma_start3A_87 : memref<160x128xf32, #tpu.memory_space<vmem_shared>>) target(%dma_start3A_85 : memref<160x128xf32, #tpu.memory_space<hbm>>) target_semaphore(%run_scoped3A : memref<!tpu.dma_semaphore, #tpu.memory_space<semaphore_mem>>)
      %dma_wait3A_88 = arith.constant 0 : i32
      %dma_wait3A_89 = tpu.memref_slice %arg6[%add3A_40, %dma_wait3A_88] : memref<10240x128xf32, #tpu.memory_space<hbm>> -> memref<160x128xf32, #tpu.memory_space<hbm>>
      %dma_wait3A_90 = arith.constant 0 : i32
      %dma_wait3A_91 = tpu.memref_slice %arg18[%mul3A_37, %dma_wait3A_90] : memref<2560x128xf32, #tpu.memory_space<vmem_shared>> -> memref<160x128xf32, #tpu.memory_space<vmem_shared>>
      tpu.wait_dma2 semaphore(%run_scoped3A : memref<!tpu.dma_semaphore, #tpu.memory_space<semaphore_mem>>) src(%dma_wait3A_91 : memref<160x128xf32, #tpu.memory_space<vmem_shared>>) dst(%dma_wait3A_89 : memref<160x128xf32, #tpu.memory_space<hbm>>)
      tpu.yield
    }) : () -> ()
    %add3A_41 = arith.constant 2 : i32
    %add3A_42 = arith.addi %add3A_41, %arg0 : i32
    %mul3A_43 = arith.constant 2560 : i32
    %mul3A_44 = arith.muli %add3A_42, %mul3A_43 : i32
    %mul3A_45 = arith.constant 160 : i32
    %mul3A_46 = arith.muli %arg1, %mul3A_45 : i32
    %mul3A_47 = arith.constant 160 : i32
    %mul3A_48 = arith.muli %arg1, %mul3A_47 : i32
    "tpu.region"() ({
      %run_scoped3A = tpu.sem_alloc : memref<!tpu.dma_semaphore, #tpu.memory_space<semaphore_mem>>
      %dma_start3A_84 = arith.constant 0 : i32
      %dma_start3A_85 = tpu.memref_slice %arg18[%mul3A_48, %dma_start3A_84] : memref<2560x128xf32, #tpu.memory_space<vmem_shared>> -> memref<160x128xf32, #tpu.memory_space<vmem_shared>>
      %dma_start3A_86 = arith.constant 0 : i32
      %dma_start3A_87 = tpu.memref_slice %arg5[%mul3A_46, %dma_start3A_86] : memref<10240x128xf32, #tpu.memory_space<hbm>> -> memref<160x128xf32, #tpu.memory_space<hbm>>
      tpu.enqueue_dma source(%dma_start3A_87 : memref<160x128xf32, #tpu.memory_space<hbm>>) target(%dma_start3A_85 : memref<160x128xf32, #tpu.memory_space<vmem_shared>>) target_semaphore(%run_scoped3A : memref<!tpu.dma_semaphore, #tpu.memory_space<semaphore_mem>>)
      %dma_wait3A_88 = arith.constant 0 : i32
      %dma_wait3A_89 = tpu.memref_slice %arg18[%mul3A_48, %dma_wait3A_88] : memref<2560x128xf32, #tpu.memory_space<vmem_shared>> -> memref<160x128xf32, #tpu.memory_space<vmem_shared>>
      %dma_wait3A_90 = arith.constant 0 : i32
      %dma_wait3A_91 = tpu.memref_slice %arg5[%mul3A_46, %dma_wait3A_90] : memref<10240x128xf32, #tpu.memory_space<hbm>> -> memref<160x128xf32, #tpu.memory_space<hbm>>
      tpu.wait_dma2 semaphore(%run_scoped3A : memref<!tpu.dma_semaphore, #tpu.memory_space<semaphore_mem>>) src(%dma_wait3A_91 : memref<160x128xf32, #tpu.memory_space<hbm>>) dst(%dma_wait3A_89 : memref<160x128xf32, #tpu.memory_space<vmem_shared>>)
      tpu.yield
    }) : () -> ()
    %barrier3A_49 = arith.constant 0 : index
    tpu.barrier barrier_id(%barrier3A_49)
    %add3A_50 = arith.constant 0 : i32
    %add3A_51 = arith.addi %mul3A_2, %add3A_50 : i32
    %dma_start3A_52 = tpu.memref_slice %arg3[%add3A_51] : memref<327680xi32, #tpu.memory_space<hbm>> -> memref<64xi32, #tpu.memory_space<hbm>>
    %dma_start3A_53 = tpu.memref_slice %arg3[%add3A_51] : memref<327680xi32, #tpu.memory_space<hbm>> -> memref<64xi32, #tpu.memory_space<hbm>>
    tpu.enqueue_dma source(%dma_start3A_53 : memref<64xi32, #tpu.memory_space<hbm>>) target(%arg7 : memref<64xi32, #tpu.memory_space<vmem>>) target_semaphore(%arg19 : memref<!tpu.dma_semaphore, #tpu.memory_space<semaphore_mem>>)
    %add3A_54 = arith.constant 0 : i32
    %add3A_55 = arith.addi %mul3A_2, %add3A_54 : i32
    %dma_start3A_56 = tpu.memref_slice %arg4[%add3A_55] : memref<327680xi32, #tpu.memory_space<hbm>> -> memref<64xi32, #tpu.memory_space<hbm>>
    %dma_start3A_57 = tpu.memref_slice %arg4[%add3A_55] : memref<327680xi32, #tpu.memory_space<hbm>> -> memref<64xi32, #tpu.memory_space<hbm>>
    tpu.enqueue_dma source(%dma_start3A_57 : memref<64xi32, #tpu.memory_space<hbm>>) target(%arg11 : memref<64xi32, #tpu.memory_space<vmem>>) target_semaphore(%arg23 : memref<!tpu.dma_semaphore, #tpu.memory_space<semaphore_mem>>)
    %add3A_58 = arith.constant 64 : i32
    %add3A_59 = arith.addi %mul3A_2, %add3A_58 : i32
    %dma_start3A_60 = tpu.memref_slice %arg3[%add3A_59] : memref<327680xi32, #tpu.memory_space<hbm>> -> memref<64xi32, #tpu.memory_space<hbm>>
    %dma_start3A_61 = tpu.memref_slice %arg3[%add3A_59] : memref<327680xi32, #tpu.memory_space<hbm>> -> memref<64xi32, #tpu.memory_space<hbm>>
    tpu.enqueue_dma source(%dma_start3A_61 : memref<64xi32, #tpu.memory_space<hbm>>) target(%arg8 : memref<64xi32, #tpu.memory_space<vmem>>) target_semaphore(%arg20 : memref<!tpu.dma_semaphore, #tpu.memory_space<semaphore_mem>>)
    %add3A_62 = arith.constant 64 : i32
    %add3A_63 = arith.addi %mul3A_2, %add3A_62 : i32
    %dma_start3A_64 = tpu.memref_slice %arg4[%add3A_63] : memref<327680xi32, #tpu.memory_space<hbm>> -> memref<64xi32, #tpu.memory_space<hbm>>
    %dma_start3A_65 = tpu.memref_slice %arg4[%add3A_63] : memref<327680xi32, #tpu.memory_space<hbm>> -> memref<64xi32, #tpu.memory_space<hbm>>
    tpu.enqueue_dma source(%dma_start3A_65 : memref<64xi32, #tpu.memory_space<hbm>>) target(%arg12 : memref<64xi32, #tpu.memory_space<vmem>>) target_semaphore(%arg24 : memref<!tpu.dma_semaphore, #tpu.memory_space<semaphore_mem>>)
    %scan3A_66 = arith.constant 0 : i32
    %scan3A_67 = arith.constant 0 : i32
    %scan3A_68 = arith.constant 80 : i32
    %scan3A_69 = arith.addi %scan3A_67, %scan3A_68 : i32
    %scan3A_70 = arith.constant 1 : i32
    scf.for %scan3A_84 = %scan3A_67 to %scan3A_69 step %scan3A_70  : i32 {
      %mul3A_85 = arith.constant 4 : i32
      %mul3A_86 = arith.muli %mul3A_85, %scan3A_84 : i32
      %add3A_87 = arith.constant 0 : i32
      %add3A_88 = arith.addi %mul3A_86, %add3A_87 : i32
      %ge3A = arith.constant 2 : i32
      %ge3A_89 = arith.cmpi sge, %add3A_88, %ge3A : i32
      %convert_element_type3A = arith.extui %ge3A_89 : i1 to i32
      %cond3A = arith.constant 0 : i32
      %cond3A_90 = arith.cmpi ne, %convert_element_type3A, %cond3A : i32
      scf.if %cond3A_90 {
        %dma_wait3A_662 = arith.constant 0 : i32
        %dma_wait3A_663 = arith.constant 0 : i32
        %dma_wait3A_664 = tpu.memref_slice %arg18[%dma_wait3A_662, %dma_wait3A_663] : memref<2560x128xf32, #tpu.memory_space<vmem_shared>> -> memref<2560x128xf32, #tpu.memory_space<vmem_shared>>
        tpu.wait_indirect_dma semaphore(%arg29 : memref<!tpu.dma_semaphore, #tpu.memory_space<semaphore_mem>>) src(%arg15 : memref<64x128xf32, #tpu.memory_space<vmem>>) dst(%dma_wait3A_664 : memref<2560x128xf32, #tpu.memory_space<vmem_shared>>)
      } else {
      }
      %add3A_91 = arith.constant 2 : i32
      %add3A_92 = arith.addi %add3A_88, %add3A_91 : i32
      %lt3A = arith.constant 320 : i32
      %lt3A_93 = arith.cmpi slt, %add3A_92, %lt3A : i32
      %convert_element_type3A_94 = arith.extui %lt3A_93 : i1 to i32
      %cond3A_95 = arith.constant 0 : i32
      %cond3A_96 = arith.cmpi ne, %convert_element_type3A_94, %cond3A_95 : i32
      scf.if %cond3A_96 {
        %add3A_662 = arith.constant 2 : i32
        %add3A_663 = arith.addi %add3A_88, %add3A_662 : i32
        %mul3A_664 = arith.constant 64 : i32
        %mul3A_665 = arith.muli %add3A_663, %mul3A_664 : i32
        %add3A_666 = arith.addi %mul3A_2, %mul3A_665 : i32
        %dma_start3A_667 = tpu.memref_slice %arg3[%add3A_666] : memref<327680xi32, #tpu.memory_space<hbm>> -> memref<64xi32, #tpu.memory_space<hbm>>
        %dma_start3A_668 = tpu.memref_slice %arg3[%add3A_666] : memref<327680xi32, #tpu.memory_space<hbm>> -> memref<64xi32, #tpu.memory_space<hbm>>
        tpu.enqueue_dma source(%dma_start3A_668 : memref<64xi32, #tpu.memory_space<hbm>>) target(%arg9 : memref<64xi32, #tpu.memory_space<vmem>>) target_semaphore(%arg21 : memref<!tpu.dma_semaphore, #tpu.memory_space<semaphore_mem>>)
        %mul3A_669 = arith.constant 64 : i32
        %mul3A_670 = arith.muli %add3A_663, %mul3A_669 : i32
        %add3A_671 = arith.addi %mul3A_2, %mul3A_670 : i32
        %dma_start3A_672 = tpu.memref_slice %arg4[%add3A_671] : memref<327680xi32, #tpu.memory_space<hbm>> -> memref<64xi32, #tpu.memory_space<hbm>>
        %dma_start3A_673 = tpu.memref_slice %arg4[%add3A_671] : memref<327680xi32, #tpu.memory_space<hbm>> -> memref<64xi32, #tpu.memory_space<hbm>>
        tpu.enqueue_dma source(%dma_start3A_673 : memref<64xi32, #tpu.memory_space<hbm>>) target(%arg13 : memref<64xi32, #tpu.memory_space<vmem>>) target_semaphore(%arg25 : memref<!tpu.dma_semaphore, #tpu.memory_space<semaphore_mem>>)
      } else {
      }
      %dma_wait3A_97 = tpu.memref_slice %arg3[%mul3A_2] : memref<327680xi32, #tpu.memory_space<hbm>> -> memref<64xi32, #tpu.memory_space<hbm>>
      %dma_wait3A_98 = tpu.memref_slice %arg3[%mul3A_2] : memref<327680xi32, #tpu.memory_space<hbm>> -> memref<64xi32, #tpu.memory_space<hbm>>
      tpu.wait_dma2 semaphore(%arg19 : memref<!tpu.dma_semaphore, #tpu.memory_space<semaphore_mem>>) src(%dma_wait3A_98 : memref<64xi32, #tpu.memory_space<hbm>>) dst(%arg7 : memref<64xi32, #tpu.memory_space<vmem>>)
      %dma_wait3A_99 = tpu.memref_slice %arg4[%mul3A_2] : memref<327680xi32, #tpu.memory_space<hbm>> -> memref<64xi32, #tpu.memory_space<hbm>>
      %dma_wait3A_100 = tpu.memref_slice %arg4[%mul3A_2] : memref<327680xi32, #tpu.memory_space<hbm>> -> memref<64xi32, #tpu.memory_space<hbm>>
      tpu.wait_dma2 semaphore(%arg23 : memref<!tpu.dma_semaphore, #tpu.memory_space<semaphore_mem>>) src(%dma_wait3A_100 : memref<64xi32, #tpu.memory_space<hbm>>) dst(%arg11 : memref<64xi32, #tpu.memory_space<vmem>>)
      %get3A = arith.constant 0 : index
      %get3A_101 = tpu.vector_load %arg7[%get3A] {strides = array<i32>} : memref<64xi32, #tpu.memory_space<vmem>>, vector<16xi32>,
      %get3A_102 = vector.shape_cast %get3A_101 : vector<16xi32> to vector<16xi32>
      %get3A_103 = arith.constant 0 : index
      %get3A_104 = tpu.vector_load %arg11[%get3A_103] {strides = array<i32>} : memref<64xi32, #tpu.memory_space<vmem>>, vector<16xi32>,
      %get3A_105 = vector.shape_cast %get3A_104 : vector<16xi32> to vector<16xi32>
      %ge3A_106 = vector.broadcast %mul3A_44 : i32 to vector<16xi32>
      %ge3A_107 = arith.cmpi sge, %get3A_105, %ge3A_106 : vector<16xi32>
      %add3A_108 = arith.constant 2560 : i32
      %add3A_109 = arith.addi %mul3A_44, %add3A_108 : i32
      %lt3A_110 = vector.broadcast %add3A_109 : i32 to vector<16xi32>
      %lt3A_111 = arith.cmpi slt, %get3A_105, %lt3A_110 : vector<16xi32>
      %and3A = arith.andi %ge3A_107, %lt3A_111 : vector<16xi1>
      %jit3A = arith.constant -1 : i32
      %broadcast_in_dim3A = vector.broadcast %jit3A : i32 to vector<16xi32>
      %select_n3A = arith.select %and3A, %get3A_102, %broadcast_in_dim3A : vector<16xi1>, vector<16xi32>
      %swap3A = arith.constant 0 : index
      %swap3A_112 = tpu.vector_load %arg7[%swap3A] {strides = array<i32>} : memref<64xi32, #tpu.memory_space<vmem>>, vector<16xi32>,
      %swap3A_113 = vector.shape_cast %swap3A_112 : vector<16xi32> to vector<16xi32>
      %swap3A_114 = vector.shape_cast %select_n3A : vector<16xi32> to vector<16xi32>
      tpu.vector_store %arg7[%swap3A], %swap3A_114 {strides = array<i32>} : memref<64xi32, #tpu.memory_space<vmem>>, vector<16xi32>,
      %sub3A = vector.broadcast %mul3A_44 : i32 to vector<16xi32>
      %sub3A_115 = arith.subi %get3A_105, %sub3A : vector<16xi32>
      %jit3A_116 = arith.constant -1 : i32
      %broadcast_in_dim3A_117 = vector.broadcast %jit3A_116 : i32 to vector<16xi32>
      %select_n3A_118 = arith.select %and3A, %sub3A_115, %broadcast_in_dim3A_117 : vector<16xi1>, vector<16xi32>
      %swap3A_119 = arith.constant 0 : index
      %swap3A_120 = tpu.vector_load %arg11[%swap3A_119] {strides = array<i32>} : memref<64xi32, #tpu.memory_space<vmem>>, vector<16xi32>,
      %swap3A_121 = vector.shape_cast %swap3A_120 : vector<16xi32> to vector<16xi32>
      %swap3A_122 = vector.shape_cast %select_n3A_118 : vector<16xi32> to vector<16xi32>
      tpu.vector_store %arg11[%swap3A_119], %swap3A_122 {strides = array<i32>} : memref<64xi32, #tpu.memory_space<vmem>>, vector<16xi32>,
      %get3A_123 = arith.constant 16 : index
      %get3A_124 = tpu.vector_load %arg7[%get3A_123] {strides = array<i32>} : memref<64xi32, #tpu.memory_space<vmem>>, vector<16xi32>,
      %get3A_125 = vector.shape_cast %get3A_124 : vector<16xi32> to vector<16xi32>
      %get3A_126 = arith.constant 16 : index
      %get3A_127 = tpu.vector_load %arg11[%get3A_126] {strides = array<i32>} : memref<64xi32, #tpu.memory_space<vmem>>, vector<16xi32>,
      %get3A_128 = vector.shape_cast %get3A_127 : vector<16xi32> to vector<16xi32>
      %ge3A_129 = vector.broadcast %mul3A_44 : i32 to vector<16xi32>
      %ge3A_130 = arith.cmpi sge, %get3A_128, %ge3A_129 : vector<16xi32>
      %add3A_131 = arith.constant 2560 : i32
      %add3A_132 = arith.addi %mul3A_44, %add3A_131 : i32
      %lt3A_133 = vector.broadcast %add3A_132 : i32 to vector<16xi32>
      %lt3A_134 = arith.cmpi slt, %get3A_128, %lt3A_133 : vector<16xi32>
      %and3A_135 = arith.andi %ge3A_130, %lt3A_134 : vector<16xi1>
      %jit3A_136 = arith.constant -1 : i32
      %broadcast_in_dim3A_137 = vector.broadcast %jit3A_136 : i32 to vector<16xi32>
      %select_n3A_138 = arith.select %and3A_135, %get3A_125, %broadcast_in_dim3A_137 : vector<16xi1>, vector<16xi32>
      %swap3A_139 = arith.constant 16 : index
      %swap3A_140 = tpu.vector_load %arg7[%swap3A_139] {strides = array<i32>} : memref<64xi32, #tpu.memory_space<vmem>>, vector<16xi32>,
      %swap3A_141 = vector.shape_cast %swap3A_140 : vector<16xi32> to vector<16xi32>
      %swap3A_142 = vector.shape_cast %select_n3A_138 : vector<16xi32> to vector<16xi32>
      tpu.vector_store %arg7[%swap3A_139], %swap3A_142 {strides = array<i32>} : memref<64xi32, #tpu.memory_space<vmem>>, vector<16xi32>,
      %sub3A_143 = vector.broadcast %mul3A_44 : i32 to vector<16xi32>
      %sub3A_144 = arith.subi %get3A_128, %sub3A_143 : vector<16xi32>
      %jit3A_145 = arith.constant -1 : i32
      %broadcast_in_dim3A_146 = vector.broadcast %jit3A_145 : i32 to vector<16xi32>
      %select_n3A_147 = arith.select %and3A_135, %sub3A_144, %broadcast_in_dim3A_146 : vector<16xi1>, vector<16xi32>
      %swap3A_148 = arith.constant 16 : index
      %swap3A_149 = tpu.vector_load %arg11[%swap3A_148] {strides = array<i32>} : memref<64xi32, #tpu.memory_space<vmem>>, vector<16xi32>,
      %swap3A_150 = vector.shape_cast %swap3A_149 : vector<16xi32> to vector<16xi32>
      %swap3A_151 = vector.shape_cast %select_n3A_147 : vector<16xi32> to vector<16xi32>
      tpu.vector_store %arg11[%swap3A_148], %swap3A_151 {strides = array<i32>} : memref<64xi32, #tpu.memory_space<vmem>>, vector<16xi32>,
      %get3A_152 = arith.constant 32 : index
      %get3A_153 = tpu.vector_load %arg7[%get3A_152] {strides = array<i32>} : memref<64xi32, #tpu.memory_space<vmem>>, vector<16xi32>,
      %get3A_154 = vector.shape_cast %get3A_153 : vector<16xi32> to vector<16xi32>
      %get3A_155 = arith.constant 32 : index
      %get3A_156 = tpu.vector_load %arg11[%get3A_155] {strides = array<i32>} : memref<64xi32, #tpu.memory_space<vmem>>, vector<16xi32>,
      %get3A_157 = vector.shape_cast %get3A_156 : vector<16xi32> to vector<16xi32>
      %ge3A_158 = vector.broadcast %mul3A_44 : i32 to vector<16xi32>
      %ge3A_159 = arith.cmpi sge, %get3A_157, %ge3A_158 : vector<16xi32>
      %add3A_160 = arith.constant 2560 : i32
      %add3A_161 = arith.addi %mul3A_44, %add3A_160 : i32
      %lt3A_162 = vector.broadcast %add3A_161 : i32 to vector<16xi32>
      %lt3A_163 = arith.cmpi slt, %get3A_157, %lt3A_162 : vector<16xi32>
      %and3A_164 = arith.andi %ge3A_159, %lt3A_163 : vector<16xi1>
      %jit3A_165 = arith.constant -1 : i32
      %broadcast_in_dim3A_166 = vector.broadcast %jit3A_165 : i32 to vector<16xi32>
      %select_n3A_167 = arith.select %and3A_164, %get3A_154, %broadcast_in_dim3A_166 : vector<16xi1>, vector<16xi32>
      %swap3A_168 = arith.constant 32 : index
      %swap3A_169 = tpu.vector_load %arg7[%swap3A_168] {strides = array<i32>} : memref<64xi32, #tpu.memory_space<vmem>>, vector<16xi32>,
      %swap3A_170 = vector.shape_cast %swap3A_169 : vector<16xi32> to vector<16xi32>
      %swap3A_171 = vector.shape_cast %select_n3A_167 : vector<16xi32> to vector<16xi32>
      tpu.vector_store %arg7[%swap3A_168], %swap3A_171 {strides = array<i32>} : memref<64xi32, #tpu.memory_space<vmem>>, vector<16xi32>,
      %sub3A_172 = vector.broadcast %mul3A_44 : i32 to vector<16xi32>
      %sub3A_173 = arith.subi %get3A_157, %sub3A_172 : vector<16xi32>
      %jit3A_174 = arith.constant -1 : i32
      %broadcast_in_dim3A_175 = vector.broadcast %jit3A_174 : i32 to vector<16xi32>
      %select_n3A_176 = arith.select %and3A_164, %sub3A_173, %broadcast_in_dim3A_175 : vector<16xi1>, vector<16xi32>
      %swap3A_177 = arith.constant 32 : index
      %swap3A_178 = tpu.vector_load %arg11[%swap3A_177] {strides = array<i32>} : memref<64xi32, #tpu.memory_space<vmem>>, vector<16xi32>,
      %swap3A_179 = vector.shape_cast %swap3A_178 : vector<16xi32> to vector<16xi32>
      %swap3A_180 = vector.shape_cast %select_n3A_176 : vector<16xi32> to vector<16xi32>
      tpu.vector_store %arg11[%swap3A_177], %swap3A_180 {strides = array<i32>} : memref<64xi32, #tpu.memory_space<vmem>>, vector<16xi32>,
      %get3A_181 = arith.constant 48 : index
      %get3A_182 = tpu.vector_load %arg7[%get3A_181] {strides = array<i32>} : memref<64xi32, #tpu.memory_space<vmem>>, vector<16xi32>,
      %get3A_183 = vector.shape_cast %get3A_182 : vector<16xi32> to vector<16xi32>
      %get3A_184 = arith.constant 48 : index
      %get3A_185 = tpu.vector_load %arg11[%get3A_184] {strides = array<i32>} : memref<64xi32, #tpu.memory_space<vmem>>, vector<16xi32>,
      %get3A_186 = vector.shape_cast %get3A_185 : vector<16xi32> to vector<16xi32>
      %ge3A_187 = vector.broadcast %mul3A_44 : i32 to vector<16xi32>
      %ge3A_188 = arith.cmpi sge, %get3A_186, %ge3A_187 : vector<16xi32>
      %add3A_189 = arith.constant 2560 : i32
      %add3A_190 = arith.addi %mul3A_44, %add3A_189 : i32
      %lt3A_191 = vector.broadcast %add3A_190 : i32 to vector<16xi32>
      %lt3A_192 = arith.cmpi slt, %get3A_186, %lt3A_191 : vector<16xi32>
      %and3A_193 = arith.andi %ge3A_188, %lt3A_192 : vector<16xi1>
      %jit3A_194 = arith.constant -1 : i32
      %broadcast_in_dim3A_195 = vector.broadcast %jit3A_194 : i32 to vector<16xi32>
      %select_n3A_196 = arith.select %and3A_193, %get3A_183, %broadcast_in_dim3A_195 : vector<16xi1>, vector<16xi32>
      %swap3A_197 = arith.constant 48 : index
      %swap3A_198 = tpu.vector_load %arg7[%swap3A_197] {strides = array<i32>} : memref<64xi32, #tpu.memory_space<vmem>>, vector<16xi32>,
      %swap3A_199 = vector.shape_cast %swap3A_198 : vector<16xi32> to vector<16xi32>
      %swap3A_200 = vector.shape_cast %select_n3A_196 : vector<16xi32> to vector<16xi32>
      tpu.vector_store %arg7[%swap3A_197], %swap3A_200 {strides = array<i32>} : memref<64xi32, #tpu.memory_space<vmem>>, vector<16xi32>,
      %sub3A_201 = vector.broadcast %mul3A_44 : i32 to vector<16xi32>
      %sub3A_202 = arith.subi %get3A_186, %sub3A_201 : vector<16xi32>
      %jit3A_203 = arith.constant -1 : i32
      %broadcast_in_dim3A_204 = vector.broadcast %jit3A_203 : i32 to vector<16xi32>
      %select_n3A_205 = arith.select %and3A_193, %sub3A_202, %broadcast_in_dim3A_204 : vector<16xi1>, vector<16xi32>
      %swap3A_206 = arith.constant 48 : index
      %swap3A_207 = tpu.vector_load %arg11[%swap3A_206] {strides = array<i32>} : memref<64xi32, #tpu.memory_space<vmem>>, vector<16xi32>,
      %swap3A_208 = vector.shape_cast %swap3A_207 : vector<16xi32> to vector<16xi32>
      %swap3A_209 = vector.shape_cast %select_n3A_205 : vector<16xi32> to vector<16xi32>
      tpu.vector_store %arg11[%swap3A_206], %swap3A_209 {strides = array<i32>} : memref<64xi32, #tpu.memory_space<vmem>>, vector<16xi32>,
      %dma_start3A_210 = arith.constant 0 : i32
      %dma_start3A_211 = arith.constant 0 : i32
      %dma_start3A_212 = tpu.memref_slice %arg17[%dma_start3A_210, %dma_start3A_211] : memref<10240x128xf32, #tpu.memory_space<vmem_shared>> -> memref<10240x128xf32, #tpu.memory_space<vmem_shared>>
      %dma_start3A_213 = arith.constant -1 : i32
      tpu.enqueue_indirect_dma source(%dma_start3A_212 : memref<10240x128xf32, #tpu.memory_space<vmem_shared>>) target(%arg15 : memref<64x128xf32, #tpu.memory_space<vmem>>) offsets(%arg7 : memref<64xi32, #tpu.memory_space<vmem>>) offset_filter(%dma_start3A_213) semaphore(%arg27 : memref<!tpu.dma_semaphore, #tpu.memory_space<semaphore_mem>>)
      %dma_wait3A_214 = arith.constant 0 : i32
      %dma_wait3A_215 = arith.constant 0 : i32
      %dma_wait3A_216 = tpu.memref_slice %arg17[%dma_wait3A_214, %dma_wait3A_215] : memref<10240x128xf32, #tpu.memory_space<vmem_shared>> -> memref<10240x128xf32, #tpu.memory_space<vmem_shared>>
      tpu.wait_indirect_dma semaphore(%arg27 : memref<!tpu.dma_semaphore, #tpu.memory_space<semaphore_mem>>) src(%dma_wait3A_216 : memref<10240x128xf32, #tpu.memory_space<vmem_shared>>) dst(%arg15 : memref<64x128xf32, #tpu.memory_space<vmem>>)
      %dma_start3A_217 = arith.constant 0 : i32
      %dma_start3A_218 = arith.constant 0 : i32
      %dma_start3A_219 = tpu.memref_slice %arg18[%dma_start3A_217, %dma_start3A_218] : memref<2560x128xf32, #tpu.memory_space<vmem_shared>> -> memref<2560x128xf32, #tpu.memory_space<vmem_shared>>
      %dma_start3A_220 = arith.constant -1 : i32
      tpu.enqueue_indirect_dma source(%arg15 : memref<64x128xf32, #tpu.memory_space<vmem>>) target(%dma_start3A_219 : memref<2560x128xf32, #tpu.memory_space<vmem_shared>>) offsets(%arg11 : memref<64xi32, #tpu.memory_space<vmem>>) offset_filter(%dma_start3A_220) semaphore(%arg29 : memref<!tpu.dma_semaphore, #tpu.memory_space<semaphore_mem>>) {add = true}
      %mul3A_221 = arith.constant 4 : i32
      %mul3A_222 = arith.muli %mul3A_221, %scan3A_84 : i32
      %add3A_223 = arith.constant 1 : i32
      %add3A_224 = arith.addi %mul3A_222, %add3A_223 : i32
      %ge3A_225 = arith.constant 2 : i32
      %ge3A_226 = arith.cmpi sge, %add3A_224, %ge3A_225 : i32
      %convert_element_type3A_227 = arith.extui %ge3A_226 : i1 to i32
      %cond3A_228 = arith.constant 0 : i32
      %cond3A_229 = arith.cmpi ne, %convert_element_type3A_227, %cond3A_228 : i32
      scf.if %cond3A_229 {
        %dma_wait3A_662 = arith.constant 0 : i32
        %dma_wait3A_663 = arith.constant 0 : i32
        %dma_wait3A_664 = tpu.memref_slice %arg18[%dma_wait3A_662, %dma_wait3A_663] : memref<2560x128xf32, #tpu.memory_space<vmem_shared>> -> memref<2560x128xf32, #tpu.memory_space<vmem_shared>>
        tpu.wait_indirect_dma semaphore(%arg30 : memref<!tpu.dma_semaphore, #tpu.memory_space<semaphore_mem>>) src(%arg16 : memref<64x128xf32, #tpu.memory_space<vmem>>) dst(%dma_wait3A_664 : memref<2560x128xf32, #tpu.memory_space<vmem_shared>>)
      } else {
      }
      %add3A_230 = arith.constant 2 : i32
      %add3A_231 = arith.addi %add3A_224, %add3A_230 : i32
      %lt3A_232 = arith.constant 320 : i32
      %lt3A_233 = arith.cmpi slt, %add3A_231, %lt3A_232 : i32
      %convert_element_type3A_234 = arith.extui %lt3A_233 : i1 to i32
      %cond3A_235 = arith.constant 0 : i32
      %cond3A_236 = arith.cmpi ne, %convert_element_type3A_234, %cond3A_235 : i32
      scf.if %cond3A_236 {
        %add3A_662 = arith.constant 2 : i32
        %add3A_663 = arith.addi %add3A_224, %add3A_662 : i32
        %mul3A_664 = arith.constant 64 : i32
        %mul3A_665 = arith.muli %add3A_663, %mul3A_664 : i32
        %add3A_666 = arith.addi %mul3A_2, %mul3A_665 : i32
        %dma_start3A_667 = tpu.memref_slice %arg3[%add3A_666] : memref<327680xi32, #tpu.memory_space<hbm>> -> memref<64xi32, #tpu.memory_space<hbm>>
        %dma_start3A_668 = tpu.memref_slice %arg3[%add3A_666] : memref<327680xi32, #tpu.memory_space<hbm>> -> memref<64xi32, #tpu.memory_space<hbm>>
        tpu.enqueue_dma source(%dma_start3A_668 : memref<64xi32, #tpu.memory_space<hbm>>) target(%arg10 : memref<64xi32, #tpu.memory_space<vmem>>) target_semaphore(%arg22 : memref<!tpu.dma_semaphore, #tpu.memory_space<semaphore_mem>>)
        %mul3A_669 = arith.constant 64 : i32
        %mul3A_670 = arith.muli %add3A_663, %mul3A_669 : i32
        %add3A_671 = arith.addi %mul3A_2, %mul3A_670 : i32
        %dma_start3A_672 = tpu.memref_slice %arg4[%add3A_671] : memref<327680xi32, #tpu.memory_space<hbm>> -> memref<64xi32, #tpu.memory_space<hbm>>
        %dma_start3A_673 = tpu.memref_slice %arg4[%add3A_671] : memref<327680xi32, #tpu.memory_space<hbm>> -> memref<64xi32, #tpu.memory_space<hbm>>
        tpu.enqueue_dma source(%dma_start3A_673 : memref<64xi32, #tpu.memory_space<hbm>>) target(%arg14 : memref<64xi32, #tpu.memory_space<vmem>>) target_semaphore(%arg26 : memref<!tpu.dma_semaphore, #tpu.memory_space<semaphore_mem>>)
      } else {
      }
      %dma_wait3A_237 = tpu.memref_slice %arg3[%mul3A_2] : memref<327680xi32, #tpu.memory_space<hbm>> -> memref<64xi32, #tpu.memory_space<hbm>>
      %dma_wait3A_238 = tpu.memref_slice %arg3[%mul3A_2] : memref<327680xi32, #tpu.memory_space<hbm>> -> memref<64xi32, #tpu.memory_space<hbm>>
      tpu.wait_dma2 semaphore(%arg20 : memref<!tpu.dma_semaphore, #tpu.memory_space<semaphore_mem>>) src(%dma_wait3A_238 : memref<64xi32, #tpu.memory_space<hbm>>) dst(%arg8 : memref<64xi32, #tpu.memory_space<vmem>>)
      %dma_wait3A_239 = tpu.memref_slice %arg4[%mul3A_2] : memref<327680xi32, #tpu.memory_space<hbm>> -> memref<64xi32, #tpu.memory_space<hbm>>
      %dma_wait3A_240 = tpu.memref_slice %arg4[%mul3A_2] : memref<327680xi32, #tpu.memory_space<hbm>> -> memref<64xi32, #tpu.memory_space<hbm>>
      tpu.wait_dma2 semaphore(%arg24 : memref<!tpu.dma_semaphore, #tpu.memory_space<semaphore_mem>>) src(%dma_wait3A_240 : memref<64xi32, #tpu.memory_space<hbm>>) dst(%arg12 : memref<64xi32, #tpu.memory_space<vmem>>)
      %get3A_241 = arith.constant 0 : index
      %get3A_242 = tpu.vector_load %arg8[%get3A_241] {strides = array<i32>} : memref<64xi32, #tpu.memory_space<vmem>>, vector<16xi32>,
      %get3A_243 = vector.shape_cast %get3A_242 : vector<16xi32> to vector<16xi32>
      %get3A_244 = arith.constant 0 : index
      %get3A_245 = tpu.vector_load %arg12[%get3A_244] {strides = array<i32>} : memref<64xi32, #tpu.memory_space<vmem>>, vector<16xi32>,
      %get3A_246 = vector.shape_cast %get3A_245 : vector<16xi32> to vector<16xi32>
      %ge3A_247 = vector.broadcast %mul3A_44 : i32 to vector<16xi32>
      %ge3A_248 = arith.cmpi sge, %get3A_246, %ge3A_247 : vector<16xi32>
      %add3A_249 = arith.constant 2560 : i32
      %add3A_250 = arith.addi %mul3A_44, %add3A_249 : i32
      %lt3A_251 = vector.broadcast %add3A_250 : i32 to vector<16xi32>
      %lt3A_252 = arith.cmpi slt, %get3A_246, %lt3A_251 : vector<16xi32>
      %and3A_253 = arith.andi %ge3A_248, %lt3A_252 : vector<16xi1>
      %jit3A_254 = arith.constant -1 : i32
      %broadcast_in_dim3A_255 = vector.broadcast %jit3A_254 : i32 to vector<16xi32>
      %select_n3A_256 = arith.select %and3A_253, %get3A_243, %broadcast_in_dim3A_255 : vector<16xi1>, vector<16xi32>
      %swap3A_257 = arith.constant 0 : index
      %swap3A_258 = tpu.vector_load %arg8[%swap3A_257] {strides = array<i32>} : memref<64xi32, #tpu.memory_space<vmem>>, vector<16xi32>,
      %swap3A_259 = vector.shape_cast %swap3A_258 : vector<16xi32> to vector<16xi32>
      %swap3A_260 = vector.shape_cast %select_n3A_256 : vector<16xi32> to vector<16xi32>
      tpu.vector_store %arg8[%swap3A_257], %swap3A_260 {strides = array<i32>} : memref<64xi32, #tpu.memory_space<vmem>>, vector<16xi32>,
      %sub3A_261 = vector.broadcast %mul3A_44 : i32 to vector<16xi32>
      %sub3A_262 = arith.subi %get3A_246, %sub3A_261 : vector<16xi32>
      %jit3A_263 = arith.constant -1 : i32
      %broadcast_in_dim3A_264 = vector.broadcast %jit3A_263 : i32 to vector<16xi32>
      %select_n3A_265 = arith.select %and3A_253, %sub3A_262, %broadcast_in_dim3A_264 : vector<16xi1>, vector<16xi32>
      %swap3A_266 = arith.constant 0 : index
      %swap3A_267 = tpu.vector_load %arg12[%swap3A_266] {strides = array<i32>} : memref<64xi32, #tpu.memory_space<vmem>>, vector<16xi32>,
      %swap3A_268 = vector.shape_cast %swap3A_267 : vector<16xi32> to vector<16xi32>
      %swap3A_269 = vector.shape_cast %select_n3A_265 : vector<16xi32> to vector<16xi32>
      tpu.vector_store %arg12[%swap3A_266], %swap3A_269 {strides = array<i32>} : memref<64xi32, #tpu.memory_space<vmem>>, vector<16xi32>,
      %get3A_270 = arith.constant 16 : index
      %get3A_271 = tpu.vector_load %arg8[%get3A_270] {strides = array<i32>} : memref<64xi32, #tpu.memory_space<vmem>>, vector<16xi32>,
      %get3A_272 = vector.shape_cast %get3A_271 : vector<16xi32> to vector<16xi32>
      %get3A_273 = arith.constant 16 : index
      %get3A_274 = tpu.vector_load %arg12[%get3A_273] {strides = array<i32>} : memref<64xi32, #tpu.memory_space<vmem>>, vector<16xi32>,
      %get3A_275 = vector.shape_cast %get3A_274 : vector<16xi32> to vector<16xi32>
      %ge3A_276 = vector.broadcast %mul3A_44 : i32 to vector<16xi32>
      %ge3A_277 = arith.cmpi sge, %get3A_275, %ge3A_276 : vector<16xi32>
      %add3A_278 = arith.constant 2560 : i32
      %add3A_279 = arith.addi %mul3A_44, %add3A_278 : i32
      %lt3A_280 = vector.broadcast %add3A_279 : i32 to vector<16xi32>
      %lt3A_281 = arith.cmpi slt, %get3A_275, %lt3A_280 : vector<16xi32>
      %and3A_282 = arith.andi %ge3A_277, %lt3A_281 : vector<16xi1>
      %jit3A_283 = arith.constant -1 : i32
      %broadcast_in_dim3A_284 = vector.broadcast %jit3A_283 : i32 to vector<16xi32>
      %select_n3A_285 = arith.select %and3A_282, %get3A_272, %broadcast_in_dim3A_284 : vector<16xi1>, vector<16xi32>
      %swap3A_286 = arith.constant 16 : index
      %swap3A_287 = tpu.vector_load %arg8[%swap3A_286] {strides = array<i32>} : memref<64xi32, #tpu.memory_space<vmem>>, vector<16xi32>,
      %swap3A_288 = vector.shape_cast %swap3A_287 : vector<16xi32> to vector<16xi32>
      %swap3A_289 = vector.shape_cast %select_n3A_285 : vector<16xi32> to vector<16xi32>
      tpu.vector_store %arg8[%swap3A_286], %swap3A_289 {strides = array<i32>} : memref<64xi32, #tpu.memory_space<vmem>>, vector<16xi32>,
      %sub3A_290 = vector.broadcast %mul3A_44 : i32 to vector<16xi32>
      %sub3A_291 = arith.subi %get3A_275, %sub3A_290 : vector<16xi32>
      %jit3A_292 = arith.constant -1 : i32
      %broadcast_in_dim3A_293 = vector.broadcast %jit3A_292 : i32 to vector<16xi32>
      %select_n3A_294 = arith.select %and3A_282, %sub3A_291, %broadcast_in_dim3A_293 : vector<16xi1>, vector<16xi32>
      %swap3A_295 = arith.constant 16 : index
      %swap3A_296 = tpu.vector_load %arg12[%swap3A_295] {strides = array<i32>} : memref<64xi32, #tpu.memory_space<vmem>>, vector<16xi32>,
      %swap3A_297 = vector.shape_cast %swap3A_296 : vector<16xi32> to vector<16xi32>
      %swap3A_298 = vector.shape_cast %select_n3A_294 : vector<16xi32> to vector<16xi32>
      tpu.vector_store %arg12[%swap3A_295], %swap3A_298 {strides = array<i32>} : memref<64xi32, #tpu.memory_space<vmem>>, vector<16xi32>,
      %get3A_299 = arith.constant 32 : index
      %get3A_300 = tpu.vector_load %arg8[%get3A_299] {strides = array<i32>} : memref<64xi32, #tpu.memory_space<vmem>>, vector<16xi32>,
      %get3A_301 = vector.shape_cast %get3A_300 : vector<16xi32> to vector<16xi32>
      %get3A_302 = arith.constant 32 : index
      %get3A_303 = tpu.vector_load %arg12[%get3A_302] {strides = array<i32>} : memref<64xi32, #tpu.memory_space<vmem>>, vector<16xi32>,
      %get3A_304 = vector.shape_cast %get3A_303 : vector<16xi32> to vector<16xi32>
      %ge3A_305 = vector.broadcast %mul3A_44 : i32 to vector<16xi32>
      %ge3A_306 = arith.cmpi sge, %get3A_304, %ge3A_305 : vector<16xi32>
      %add3A_307 = arith.constant 2560 : i32
      %add3A_308 = arith.addi %mul3A_44, %add3A_307 : i32
      %lt3A_309 = vector.broadcast %add3A_308 : i32 to vector<16xi32>
      %lt3A_310 = arith.cmpi slt, %get3A_304, %lt3A_309 : vector<16xi32>
      %and3A_311 = arith.andi %ge3A_306, %lt3A_310 : vector<16xi1>
      %jit3A_312 = arith.constant -1 : i32
      %broadcast_in_dim3A_313 = vector.broadcast %jit3A_312 : i32 to vector<16xi32>
      %select_n3A_314 = arith.select %and3A_311, %get3A_301, %broadcast_in_dim3A_313 : vector<16xi1>, vector<16xi32>
      %swap3A_315 = arith.constant 32 : index
      %swap3A_316 = tpu.vector_load %arg8[%swap3A_315] {strides = array<i32>} : memref<64xi32, #tpu.memory_space<vmem>>, vector<16xi32>,
      %swap3A_317 = vector.shape_cast %swap3A_316 : vector<16xi32> to vector<16xi32>
      %swap3A_318 = vector.shape_cast %select_n3A_314 : vector<16xi32> to vector<16xi32>
      tpu.vector_store %arg8[%swap3A_315], %swap3A_318 {strides = array<i32>} : memref<64xi32, #tpu.memory_space<vmem>>, vector<16xi32>,
      %sub3A_319 = vector.broadcast %mul3A_44 : i32 to vector<16xi32>
      %sub3A_320 = arith.subi %get3A_304, %sub3A_319 : vector<16xi32>
      %jit3A_321 = arith.constant -1 : i32
      %broadcast_in_dim3A_322 = vector.broadcast %jit3A_321 : i32 to vector<16xi32>
      %select_n3A_323 = arith.select %and3A_311, %sub3A_320, %broadcast_in_dim3A_322 : vector<16xi1>, vector<16xi32>
      %swap3A_324 = arith.constant 32 : index
      %swap3A_325 = tpu.vector_load %arg12[%swap3A_324] {strides = array<i32>} : memref<64xi32, #tpu.memory_space<vmem>>, vector<16xi32>,
      %swap3A_326 = vector.shape_cast %swap3A_325 : vector<16xi32> to vector<16xi32>
      %swap3A_327 = vector.shape_cast %select_n3A_323 : vector<16xi32> to vector<16xi32>
      tpu.vector_store %arg12[%swap3A_324], %swap3A_327 {strides = array<i32>} : memref<64xi32, #tpu.memory_space<vmem>>, vector<16xi32>,
      %get3A_328 = arith.constant 48 : index
      %get3A_329 = tpu.vector_load %arg8[%get3A_328] {strides = array<i32>} : memref<64xi32, #tpu.memory_space<vmem>>, vector<16xi32>,
      %get3A_330 = vector.shape_cast %get3A_329 : vector<16xi32> to vector<16xi32>
      %get3A_331 = arith.constant 48 : index
      %get3A_332 = tpu.vector_load %arg12[%get3A_331] {strides = array<i32>} : memref<64xi32, #tpu.memory_space<vmem>>, vector<16xi32>,
      %get3A_333 = vector.shape_cast %get3A_332 : vector<16xi32> to vector<16xi32>
      %ge3A_334 = vector.broadcast %mul3A_44 : i32 to vector<16xi32>
      %ge3A_335 = arith.cmpi sge, %get3A_333, %ge3A_334 : vector<16xi32>
      %add3A_336 = arith.constant 2560 : i32
      %add3A_337 = arith.addi %mul3A_44, %add3A_336 : i32
      %lt3A_338 = vector.broadcast %add3A_337 : i32 to vector<16xi32>
      %lt3A_339 = arith.cmpi slt, %get3A_333, %lt3A_338 : vector<16xi32>
      %and3A_340 = arith.andi %ge3A_335, %lt3A_339 : vector<16xi1>
      %jit3A_341 = arith.constant -1 : i32
      %broadcast_in_dim3A_342 = vector.broadcast %jit3A_341 : i32 to vector<16xi32>
      %select_n3A_343 = arith.select %and3A_340, %get3A_330, %broadcast_in_dim3A_342 : vector<16xi1>, vector<16xi32>
      %swap3A_344 = arith.constant 48 : index
      %swap3A_345 = tpu.vector_load %arg8[%swap3A_344] {strides = array<i32>} : memref<64xi32, #tpu.memory_space<vmem>>, vector<16xi32>,
      %swap3A_346 = vector.shape_cast %swap3A_345 : vector<16xi32> to vector<16xi32>
      %swap3A_347 = vector.shape_cast %select_n3A_343 : vector<16xi32> to vector<16xi32>
      tpu.vector_store %arg8[%swap3A_344], %swap3A_347 {strides = array<i32>} : memref<64xi32, #tpu.memory_space<vmem>>, vector<16xi32>,
      %sub3A_348 = vector.broadcast %mul3A_44 : i32 to vector<16xi32>
      %sub3A_349 = arith.subi %get3A_333, %sub3A_348 : vector<16xi32>
      %jit3A_350 = arith.constant -1 : i32
      %broadcast_in_dim3A_351 = vector.broadcast %jit3A_350 : i32 to vector<16xi32>
      %select_n3A_352 = arith.select %and3A_340, %sub3A_349, %broadcast_in_dim3A_351 : vector<16xi1>, vector<16xi32>
      %swap3A_353 = arith.constant 48 : index
      %swap3A_354 = tpu.vector_load %arg12[%swap3A_353] {strides = array<i32>} : memref<64xi32, #tpu.memory_space<vmem>>, vector<16xi32>,
      %swap3A_355 = vector.shape_cast %swap3A_354 : vector<16xi32> to vector<16xi32>
      %swap3A_356 = vector.shape_cast %select_n3A_352 : vector<16xi32> to vector<16xi32>
      tpu.vector_store %arg12[%swap3A_353], %swap3A_356 {strides = array<i32>} : memref<64xi32, #tpu.memory_space<vmem>>, vector<16xi32>,
      %dma_start3A_357 = arith.constant 0 : i32
      %dma_start3A_358 = arith.constant 0 : i32
      %dma_start3A_359 = tpu.memref_slice %arg17[%dma_start3A_357, %dma_start3A_358] : memref<10240x128xf32, #tpu.memory_space<vmem_shared>> -> memref<10240x128xf32, #tpu.memory_space<vmem_shared>>
      %dma_start3A_360 = arith.constant -1 : i32
      tpu.enqueue_indirect_dma source(%dma_start3A_359 : memref<10240x128xf32, #tpu.memory_space<vmem_shared>>) target(%arg16 : memref<64x128xf32, #tpu.memory_space<vmem>>) offsets(%arg8 : memref<64xi32, #tpu.memory_space<vmem>>) offset_filter(%dma_start3A_360) semaphore(%arg28 : memref<!tpu.dma_semaphore, #tpu.memory_space<semaphore_mem>>)
      %dma_wait3A_361 = arith.constant 0 : i32
      %dma_wait3A_362 = arith.constant 0 : i32
      %dma_wait3A_363 = tpu.memref_slice %arg17[%dma_wait3A_361, %dma_wait3A_362] : memref<10240x128xf32, #tpu.memory_space<vmem_shared>> -> memref<10240x128xf32, #tpu.memory_space<vmem_shared>>
      tpu.wait_indirect_dma semaphore(%arg28 : memref<!tpu.dma_semaphore, #tpu.memory_space<semaphore_mem>>) src(%dma_wait3A_363 : memref<10240x128xf32, #tpu.memory_space<vmem_shared>>) dst(%arg16 : memref<64x128xf32, #tpu.memory_space<vmem>>)
      %dma_start3A_364 = arith.constant 0 : i32
      %dma_start3A_365 = arith.constant 0 : i32
      %dma_start3A_366 = tpu.memref_slice %arg18[%dma_start3A_364, %dma_start3A_365] : memref<2560x128xf32, #tpu.memory_space<vmem_shared>> -> memref<2560x128xf32, #tpu.memory_space<vmem_shared>>
      %dma_start3A_367 = arith.constant -1 : i32
      tpu.enqueue_indirect_dma source(%arg16 : memref<64x128xf32, #tpu.memory_space<vmem>>) target(%dma_start3A_366 : memref<2560x128xf32, #tpu.memory_space<vmem_shared>>) offsets(%arg12 : memref<64xi32, #tpu.memory_space<vmem>>) offset_filter(%dma_start3A_367) semaphore(%arg30 : memref<!tpu.dma_semaphore, #tpu.memory_space<semaphore_mem>>) {add = true}
      %mul3A_368 = arith.constant 4 : i32
      %mul3A_369 = arith.muli %mul3A_368, %scan3A_84 : i32
      %add3A_370 = arith.constant 2 : i32
      %add3A_371 = arith.addi %mul3A_369, %add3A_370 : i32
      %ge3A_372 = arith.constant 2 : i32
      %ge3A_373 = arith.cmpi sge, %add3A_371, %ge3A_372 : i32
      %convert_element_type3A_374 = arith.extui %ge3A_373 : i1 to i32
      %cond3A_375 = arith.constant 0 : i32
      %cond3A_376 = arith.cmpi ne, %convert_element_type3A_374, %cond3A_375 : i32
      scf.if %cond3A_376 {
        %dma_wait3A_662 = arith.constant 0 : i32
        %dma_wait3A_663 = arith.constant 0 : i32
        %dma_wait3A_664 = tpu.memref_slice %arg18[%dma_wait3A_662, %dma_wait3A_663] : memref<2560x128xf32, #tpu.memory_space<vmem_shared>> -> memref<2560x128xf32, #tpu.memory_space<vmem_shared>>
        tpu.wait_indirect_dma semaphore(%arg29 : memref<!tpu.dma_semaphore, #tpu.memory_space<semaphore_mem>>) src(%arg15 : memref<64x128xf32, #tpu.memory_space<vmem>>) dst(%dma_wait3A_664 : memref<2560x128xf32, #tpu.memory_space<vmem_shared>>)
      } else {
      }
      %add3A_377 = arith.constant 2 : i32
      %add3A_378 = arith.addi %add3A_371, %add3A_377 : i32
      %lt3A_379 = arith.constant 320 : i32
      %lt3A_380 = arith.cmpi slt, %add3A_378, %lt3A_379 : i32
      %convert_element_type3A_381 = arith.extui %lt3A_380 : i1 to i32
      %cond3A_382 = arith.constant 0 : i32
      %cond3A_383 = arith.cmpi ne, %convert_element_type3A_381, %cond3A_382 : i32
      scf.if %cond3A_383 {
        %add3A_662 = arith.constant 2 : i32
        %add3A_663 = arith.addi %add3A_371, %add3A_662 : i32
        %mul3A_664 = arith.constant 64 : i32
        %mul3A_665 = arith.muli %add3A_663, %mul3A_664 : i32
        %add3A_666 = arith.addi %mul3A_2, %mul3A_665 : i32
        %dma_start3A_667 = tpu.memref_slice %arg3[%add3A_666] : memref<327680xi32, #tpu.memory_space<hbm>> -> memref<64xi32, #tpu.memory_space<hbm>>
        %dma_start3A_668 = tpu.memref_slice %arg3[%add3A_666] : memref<327680xi32, #tpu.memory_space<hbm>> -> memref<64xi32, #tpu.memory_space<hbm>>
        tpu.enqueue_dma source(%dma_start3A_668 : memref<64xi32, #tpu.memory_space<hbm>>) target(%arg7 : memref<64xi32, #tpu.memory_space<vmem>>) target_semaphore(%arg19 : memref<!tpu.dma_semaphore, #tpu.memory_space<semaphore_mem>>)
        %mul3A_669 = arith.constant 64 : i32
        %mul3A_670 = arith.muli %add3A_663, %mul3A_669 : i32
        %add3A_671 = arith.addi %mul3A_2, %mul3A_670 : i32
        %dma_start3A_672 = tpu.memref_slice %arg4[%add3A_671] : memref<327680xi32, #tpu.memory_space<hbm>> -> memref<64xi32, #tpu.memory_space<hbm>>
        %dma_start3A_673 = tpu.memref_slice %arg4[%add3A_671] : memref<327680xi32, #tpu.memory_space<hbm>> -> memref<64xi32, #tpu.memory_space<hbm>>
        tpu.enqueue_dma source(%dma_start3A_673 : memref<64xi32, #tpu.memory_space<hbm>>) target(%arg11 : memref<64xi32, #tpu.memory_space<vmem>>) target_semaphore(%arg23 : memref<!tpu.dma_semaphore, #tpu.memory_space<semaphore_mem>>)
      } else {
      }
      %dma_wait3A_384 = tpu.memref_slice %arg3[%mul3A_2] : memref<327680xi32, #tpu.memory_space<hbm>> -> memref<64xi32, #tpu.memory_space<hbm>>
      %dma_wait3A_385 = tpu.memref_slice %arg3[%mul3A_2] : memref<327680xi32, #tpu.memory_space<hbm>> -> memref<64xi32, #tpu.memory_space<hbm>>
      tpu.wait_dma2 semaphore(%arg21 : memref<!tpu.dma_semaphore, #tpu.memory_space<semaphore_mem>>) src(%dma_wait3A_385 : memref<64xi32, #tpu.memory_space<hbm>>) dst(%arg9 : memref<64xi32, #tpu.memory_space<vmem>>)
      %dma_wait3A_386 = tpu.memref_slice %arg4[%mul3A_2] : memref<327680xi32, #tpu.memory_space<hbm>> -> memref<64xi32, #tpu.memory_space<hbm>>
      %dma_wait3A_387 = tpu.memref_slice %arg4[%mul3A_2] : memref<327680xi32, #tpu.memory_space<hbm>> -> memref<64xi32, #tpu.memory_space<hbm>>
      tpu.wait_dma2 semaphore(%arg25 : memref<!tpu.dma_semaphore, #tpu.memory_space<semaphore_mem>>) src(%dma_wait3A_387 : memref<64xi32, #tpu.memory_space<hbm>>) dst(%arg13 : memref<64xi32, #tpu.memory_space<vmem>>)
      %get3A_388 = arith.constant 0 : index
      %get3A_389 = tpu.vector_load %arg9[%get3A_388] {strides = array<i32>} : memref<64xi32, #tpu.memory_space<vmem>>, vector<16xi32>,
      %get3A_390 = vector.shape_cast %get3A_389 : vector<16xi32> to vector<16xi32>
      %get3A_391 = arith.constant 0 : index
      %get3A_392 = tpu.vector_load %arg13[%get3A_391] {strides = array<i32>} : memref<64xi32, #tpu.memory_space<vmem>>, vector<16xi32>,
      %get3A_393 = vector.shape_cast %get3A_392 : vector<16xi32> to vector<16xi32>
      %ge3A_394 = vector.broadcast %mul3A_44 : i32 to vector<16xi32>
      %ge3A_395 = arith.cmpi sge, %get3A_393, %ge3A_394 : vector<16xi32>
      %add3A_396 = arith.constant 2560 : i32
      %add3A_397 = arith.addi %mul3A_44, %add3A_396 : i32
      %lt3A_398 = vector.broadcast %add3A_397 : i32 to vector<16xi32>
      %lt3A_399 = arith.cmpi slt, %get3A_393, %lt3A_398 : vector<16xi32>
      %and3A_400 = arith.andi %ge3A_395, %lt3A_399 : vector<16xi1>
      %jit3A_401 = arith.constant -1 : i32
      %broadcast_in_dim3A_402 = vector.broadcast %jit3A_401 : i32 to vector<16xi32>
      %select_n3A_403 = arith.select %and3A_400, %get3A_390, %broadcast_in_dim3A_402 : vector<16xi1>, vector<16xi32>
      %swap3A_404 = arith.constant 0 : index
      %swap3A_405 = tpu.vector_load %arg9[%swap3A_404] {strides = array<i32>} : memref<64xi32, #tpu.memory_space<vmem>>, vector<16xi32>,
      %swap3A_406 = vector.shape_cast %swap3A_405 : vector<16xi32> to vector<16xi32>
      %swap3A_407 = vector.shape_cast %select_n3A_403 : vector<16xi32> to vector<16xi32>
      tpu.vector_store %arg9[%swap3A_404], %swap3A_407 {strides = array<i32>} : memref<64xi32, #tpu.memory_space<vmem>>, vector<16xi32>,
      %sub3A_408 = vector.broadcast %mul3A_44 : i32 to vector<16xi32>
      %sub3A_409 = arith.subi %get3A_393, %sub3A_408 : vector<16xi32>
      %jit3A_410 = arith.constant -1 : i32
      %broadcast_in_dim3A_411 = vector.broadcast %jit3A_410 : i32 to vector<16xi32>
      %select_n3A_412 = arith.select %and3A_400, %sub3A_409, %broadcast_in_dim3A_411 : vector<16xi1>, vector<16xi32>
      %swap3A_413 = arith.constant 0 : index
      %swap3A_414 = tpu.vector_load %arg13[%swap3A_413] {strides = array<i32>} : memref<64xi32, #tpu.memory_space<vmem>>, vector<16xi32>,
      %swap3A_415 = vector.shape_cast %swap3A_414 : vector<16xi32> to vector<16xi32>
      %swap3A_416 = vector.shape_cast %select_n3A_412 : vector<16xi32> to vector<16xi32>
      tpu.vector_store %arg13[%swap3A_413], %swap3A_416 {strides = array<i32>} : memref<64xi32, #tpu.memory_space<vmem>>, vector<16xi32>,
      %get3A_417 = arith.constant 16 : index
      %get3A_418 = tpu.vector_load %arg9[%get3A_417] {strides = array<i32>} : memref<64xi32, #tpu.memory_space<vmem>>, vector<16xi32>,
      %get3A_419 = vector.shape_cast %get3A_418 : vector<16xi32> to vector<16xi32>
      %get3A_420 = arith.constant 16 : index
      %get3A_421 = tpu.vector_load %arg13[%get3A_420] {strides = array<i32>} : memref<64xi32, #tpu.memory_space<vmem>>, vector<16xi32>,
      %get3A_422 = vector.shape_cast %get3A_421 : vector<16xi32> to vector<16xi32>
      %ge3A_423 = vector.broadcast %mul3A_44 : i32 to vector<16xi32>
      %ge3A_424 = arith.cmpi sge, %get3A_422, %ge3A_423 : vector<16xi32>
      %add3A_425 = arith.constant 2560 : i32
      %add3A_426 = arith.addi %mul3A_44, %add3A_425 : i32
      %lt3A_427 = vector.broadcast %add3A_426 : i32 to vector<16xi32>
      %lt3A_428 = arith.cmpi slt, %get3A_422, %lt3A_427 : vector<16xi32>
      %and3A_429 = arith.andi %ge3A_424, %lt3A_428 : vector<16xi1>
      %jit3A_430 = arith.constant -1 : i32
      %broadcast_in_dim3A_431 = vector.broadcast %jit3A_430 : i32 to vector<16xi32>
      %select_n3A_432 = arith.select %and3A_429, %get3A_419, %broadcast_in_dim3A_431 : vector<16xi1>, vector<16xi32>
      %swap3A_433 = arith.constant 16 : index
      %swap3A_434 = tpu.vector_load %arg9[%swap3A_433] {strides = array<i32>} : memref<64xi32, #tpu.memory_space<vmem>>, vector<16xi32>,
      %swap3A_435 = vector.shape_cast %swap3A_434 : vector<16xi32> to vector<16xi32>
      %swap3A_436 = vector.shape_cast %select_n3A_432 : vector<16xi32> to vector<16xi32>
      tpu.vector_store %arg9[%swap3A_433], %swap3A_436 {strides = array<i32>} : memref<64xi32, #tpu.memory_space<vmem>>, vector<16xi32>,
      %sub3A_437 = vector.broadcast %mul3A_44 : i32 to vector<16xi32>
      %sub3A_438 = arith.subi %get3A_422, %sub3A_437 : vector<16xi32>
      %jit3A_439 = arith.constant -1 : i32
      %broadcast_in_dim3A_440 = vector.broadcast %jit3A_439 : i32 to vector<16xi32>
      %select_n3A_441 = arith.select %and3A_429, %sub3A_438, %broadcast_in_dim3A_440 : vector<16xi1>, vector<16xi32>
      %swap3A_442 = arith.constant 16 : index
      %swap3A_443 = tpu.vector_load %arg13[%swap3A_442] {strides = array<i32>} : memref<64xi32, #tpu.memory_space<vmem>>, vector<16xi32>,
      %swap3A_444 = vector.shape_cast %swap3A_443 : vector<16xi32> to vector<16xi32>
      %swap3A_445 = vector.shape_cast %select_n3A_441 : vector<16xi32> to vector<16xi32>
      tpu.vector_store %arg13[%swap3A_442], %swap3A_445 {strides = array<i32>} : memref<64xi32, #tpu.memory_space<vmem>>, vector<16xi32>,
      %get3A_446 = arith.constant 32 : index
      %get3A_447 = tpu.vector_load %arg9[%get3A_446] {strides = array<i32>} : memref<64xi32, #tpu.memory_space<vmem>>, vector<16xi32>,
      %get3A_448 = vector.shape_cast %get3A_447 : vector<16xi32> to vector<16xi32>
      %get3A_449 = arith.constant 32 : index
      %get3A_450 = tpu.vector_load %arg13[%get3A_449] {strides = array<i32>} : memref<64xi32, #tpu.memory_space<vmem>>, vector<16xi32>,
      %get3A_451 = vector.shape_cast %get3A_450 : vector<16xi32> to vector<16xi32>
      %ge3A_452 = vector.broadcast %mul3A_44 : i32 to vector<16xi32>
      %ge3A_453 = arith.cmpi sge, %get3A_451, %ge3A_452 : vector<16xi32>
      %add3A_454 = arith.constant 2560 : i32
      %add3A_455 = arith.addi %mul3A_44, %add3A_454 : i32
      %lt3A_456 = vector.broadcast %add3A_455 : i32 to vector<16xi32>
      %lt3A_457 = arith.cmpi slt, %get3A_451, %lt3A_456 : vector<16xi32>
      %and3A_458 = arith.andi %ge3A_453, %lt3A_457 : vector<16xi1>
      %jit3A_459 = arith.constant -1 : i32
      %broadcast_in_dim3A_460 = vector.broadcast %jit3A_459 : i32 to vector<16xi32>
      %select_n3A_461 = arith.select %and3A_458, %get3A_448, %broadcast_in_dim3A_460 : vector<16xi1>, vector<16xi32>
      %swap3A_462 = arith.constant 32 : index
      %swap3A_463 = tpu.vector_load %arg9[%swap3A_462] {strides = array<i32>} : memref<64xi32, #tpu.memory_space<vmem>>, vector<16xi32>,
      %swap3A_464 = vector.shape_cast %swap3A_463 : vector<16xi32> to vector<16xi32>
      %swap3A_465 = vector.shape_cast %select_n3A_461 : vector<16xi32> to vector<16xi32>
      tpu.vector_store %arg9[%swap3A_462], %swap3A_465 {strides = array<i32>} : memref<64xi32, #tpu.memory_space<vmem>>, vector<16xi32>,
      %sub3A_466 = vector.broadcast %mul3A_44 : i32 to vector<16xi32>
      %sub3A_467 = arith.subi %get3A_451, %sub3A_466 : vector<16xi32>
      %jit3A_468 = arith.constant -1 : i32
      %broadcast_in_dim3A_469 = vector.broadcast %jit3A_468 : i32 to vector<16xi32>
      %select_n3A_470 = arith.select %and3A_458, %sub3A_467, %broadcast_in_dim3A_469 : vector<16xi1>, vector<16xi32>
      %swap3A_471 = arith.constant 32 : index
      %swap3A_472 = tpu.vector_load %arg13[%swap3A_471] {strides = array<i32>} : memref<64xi32, #tpu.memory_space<vmem>>, vector<16xi32>,
      %swap3A_473 = vector.shape_cast %swap3A_472 : vector<16xi32> to vector<16xi32>
      %swap3A_474 = vector.shape_cast %select_n3A_470 : vector<16xi32> to vector<16xi32>
      tpu.vector_store %arg13[%swap3A_471], %swap3A_474 {strides = array<i32>} : memref<64xi32, #tpu.memory_space<vmem>>, vector<16xi32>,
      %get3A_475 = arith.constant 48 : index
      %get3A_476 = tpu.vector_load %arg9[%get3A_475] {strides = array<i32>} : memref<64xi32, #tpu.memory_space<vmem>>, vector<16xi32>,
      %get3A_477 = vector.shape_cast %get3A_476 : vector<16xi32> to vector<16xi32>
      %get3A_478 = arith.constant 48 : index
      %get3A_479 = tpu.vector_load %arg13[%get3A_478] {strides = array<i32>} : memref<64xi32, #tpu.memory_space<vmem>>, vector<16xi32>,
      %get3A_480 = vector.shape_cast %get3A_479 : vector<16xi32> to vector<16xi32>
      %ge3A_481 = vector.broadcast %mul3A_44 : i32 to vector<16xi32>
      %ge3A_482 = arith.cmpi sge, %get3A_480, %ge3A_481 : vector<16xi32>
      %add3A_483 = arith.constant 2560 : i32
      %add3A_484 = arith.addi %mul3A_44, %add3A_483 : i32
      %lt3A_485 = vector.broadcast %add3A_484 : i32 to vector<16xi32>
      %lt3A_486 = arith.cmpi slt, %get3A_480, %lt3A_485 : vector<16xi32>
      %and3A_487 = arith.andi %ge3A_482, %lt3A_486 : vector<16xi1>
      %jit3A_488 = arith.constant -1 : i32
      %broadcast_in_dim3A_489 = vector.broadcast %jit3A_488 : i32 to vector<16xi32>
      %select_n3A_490 = arith.select %and3A_487, %get3A_477, %broadcast_in_dim3A_489 : vector<16xi1>, vector<16xi32>
      %swap3A_491 = arith.constant 48 : index
      %swap3A_492 = tpu.vector_load %arg9[%swap3A_491] {strides = array<i32>} : memref<64xi32, #tpu.memory_space<vmem>>, vector<16xi32>,
      %swap3A_493 = vector.shape_cast %swap3A_492 : vector<16xi32> to vector<16xi32>
      %swap3A_494 = vector.shape_cast %select_n3A_490 : vector<16xi32> to vector<16xi32>
      tpu.vector_store %arg9[%swap3A_491], %swap3A_494 {strides = array<i32>} : memref<64xi32, #tpu.memory_space<vmem>>, vector<16xi32>,
      %sub3A_495 = vector.broadcast %mul3A_44 : i32 to vector<16xi32>
      %sub3A_496 = arith.subi %get3A_480, %sub3A_495 : vector<16xi32>
      %jit3A_497 = arith.constant -1 : i32
      %broadcast_in_dim3A_498 = vector.broadcast %jit3A_497 : i32 to vector<16xi32>
      %select_n3A_499 = arith.select %and3A_487, %sub3A_496, %broadcast_in_dim3A_498 : vector<16xi1>, vector<16xi32>
      %swap3A_500 = arith.constant 48 : index
      %swap3A_501 = tpu.vector_load %arg13[%swap3A_500] {strides = array<i32>} : memref<64xi32, #tpu.memory_space<vmem>>, vector<16xi32>,
      %swap3A_502 = vector.shape_cast %swap3A_501 : vector<16xi32> to vector<16xi32>
      %swap3A_503 = vector.shape_cast %select_n3A_499 : vector<16xi32> to vector<16xi32>
      tpu.vector_store %arg13[%swap3A_500], %swap3A_503 {strides = array<i32>} : memref<64xi32, #tpu.memory_space<vmem>>, vector<16xi32>,
      %dma_start3A_504 = arith.constant 0 : i32
      %dma_start3A_505 = arith.constant 0 : i32
      %dma_start3A_506 = tpu.memref_slice %arg17[%dma_start3A_504, %dma_start3A_505] : memref<10240x128xf32, #tpu.memory_space<vmem_shared>> -> memref<10240x128xf32, #tpu.memory_space<vmem_shared>>
      %dma_start3A_507 = arith.constant -1 : i32
      tpu.enqueue_indirect_dma source(%dma_start3A_506 : memref<10240x128xf32, #tpu.memory_space<vmem_shared>>) target(%arg15 : memref<64x128xf32, #tpu.memory_space<vmem>>) offsets(%arg9 : memref<64xi32, #tpu.memory_space<vmem>>) offset_filter(%dma_start3A_507) semaphore(%arg27 : memref<!tpu.dma_semaphore, #tpu.memory_space<semaphore_mem>>)
      %dma_wait3A_508 = arith.constant 0 : i32
      %dma_wait3A_509 = arith.constant 0 : i32
      %dma_wait3A_510 = tpu.memref_slice %arg17[%dma_wait3A_508, %dma_wait3A_509] : memref<10240x128xf32, #tpu.memory_space<vmem_shared>> -> memref<10240x128xf32, #tpu.memory_space<vmem_shared>>
      tpu.wait_indirect_dma semaphore(%arg27 : memref<!tpu.dma_semaphore, #tpu.memory_space<semaphore_mem>>) src(%dma_wait3A_510 : memref<10240x128xf32, #tpu.memory_space<vmem_shared>>) dst(%arg15 : memref<64x128xf32, #tpu.memory_space<vmem>>)
      %dma_start3A_511 = arith.constant 0 : i32
      %dma_start3A_512 = arith.constant 0 : i32
      %dma_start3A_513 = tpu.memref_slice %arg18[%dma_start3A_511, %dma_start3A_512] : memref<2560x128xf32, #tpu.memory_space<vmem_shared>> -> memref<2560x128xf32, #tpu.memory_space<vmem_shared>>
      %dma_start3A_514 = arith.constant -1 : i32
      tpu.enqueue_indirect_dma source(%arg15 : memref<64x128xf32, #tpu.memory_space<vmem>>) target(%dma_start3A_513 : memref<2560x128xf32, #tpu.memory_space<vmem_shared>>) offsets(%arg13 : memref<64xi32, #tpu.memory_space<vmem>>) offset_filter(%dma_start3A_514) semaphore(%arg29 : memref<!tpu.dma_semaphore, #tpu.memory_space<semaphore_mem>>) {add = true}
      %mul3A_515 = arith.constant 4 : i32
      %mul3A_516 = arith.muli %mul3A_515, %scan3A_84 : i32
      %add3A_517 = arith.constant 3 : i32
      %add3A_518 = arith.addi %mul3A_516, %add3A_517 : i32
      %ge3A_519 = arith.constant 2 : i32
      %ge3A_520 = arith.cmpi sge, %add3A_518, %ge3A_519 : i32
      %convert_element_type3A_521 = arith.extui %ge3A_520 : i1 to i32
      %cond3A_522 = arith.constant 0 : i32
      %cond3A_523 = arith.cmpi ne, %convert_element_type3A_521, %cond3A_522 : i32
      scf.if %cond3A_523 {
        %dma_wait3A_662 = arith.constant 0 : i32
        %dma_wait3A_663 = arith.constant 0 : i32
        %dma_wait3A_664 = tpu.memref_slice %arg18[%dma_wait3A_662, %dma_wait3A_663] : memref<2560x128xf32, #tpu.memory_space<vmem_shared>> -> memref<2560x128xf32, #tpu.memory_space<vmem_shared>>
        tpu.wait_indirect_dma semaphore(%arg30 : memref<!tpu.dma_semaphore, #tpu.memory_space<semaphore_mem>>) src(%arg16 : memref<64x128xf32, #tpu.memory_space<vmem>>) dst(%dma_wait3A_664 : memref<2560x128xf32, #tpu.memory_space<vmem_shared>>)
      } else {
      }
      %add3A_524 = arith.constant 2 : i32
      %add3A_525 = arith.addi %add3A_518, %add3A_524 : i32
      %lt3A_526 = arith.constant 320 : i32
      %lt3A_527 = arith.cmpi slt, %add3A_525, %lt3A_526 : i32
      %convert_element_type3A_528 = arith.extui %lt3A_527 : i1 to i32
      %cond3A_529 = arith.constant 0 : i32
      %cond3A_530 = arith.cmpi ne, %convert_element_type3A_528, %cond3A_529 : i32
      scf.if %cond3A_530 {
        %add3A_662 = arith.constant 2 : i32
        %add3A_663 = arith.addi %add3A_518, %add3A_662 : i32
        %mul3A_664 = arith.constant 64 : i32
        %mul3A_665 = arith.muli %add3A_663, %mul3A_664 : i32
        %add3A_666 = arith.addi %mul3A_2, %mul3A_665 : i32
        %dma_start3A_667 = tpu.memref_slice %arg3[%add3A_666] : memref<327680xi32, #tpu.memory_space<hbm>> -> memref<64xi32, #tpu.memory_space<hbm>>
        %dma_start3A_668 = tpu.memref_slice %arg3[%add3A_666] : memref<327680xi32, #tpu.memory_space<hbm>> -> memref<64xi32, #tpu.memory_space<hbm>>
        tpu.enqueue_dma source(%dma_start3A_668 : memref<64xi32, #tpu.memory_space<hbm>>) target(%arg8 : memref<64xi32, #tpu.memory_space<vmem>>) target_semaphore(%arg20 : memref<!tpu.dma_semaphore, #tpu.memory_space<semaphore_mem>>)
        %mul3A_669 = arith.constant 64 : i32
        %mul3A_670 = arith.muli %add3A_663, %mul3A_669 : i32
        %add3A_671 = arith.addi %mul3A_2, %mul3A_670 : i32
        %dma_start3A_672 = tpu.memref_slice %arg4[%add3A_671] : memref<327680xi32, #tpu.memory_space<hbm>> -> memref<64xi32, #tpu.memory_space<hbm>>
        %dma_start3A_673 = tpu.memref_slice %arg4[%add3A_671] : memref<327680xi32, #tpu.memory_space<hbm>> -> memref<64xi32, #tpu.memory_space<hbm>>
        tpu.enqueue_dma source(%dma_start3A_673 : memref<64xi32, #tpu.memory_space<hbm>>) target(%arg12 : memref<64xi32, #tpu.memory_space<vmem>>) target_semaphore(%arg24 : memref<!tpu.dma_semaphore, #tpu.memory_space<semaphore_mem>>)
      } else {
      }
      %dma_wait3A_531 = tpu.memref_slice %arg3[%mul3A_2] : memref<327680xi32, #tpu.memory_space<hbm>> -> memref<64xi32, #tpu.memory_space<hbm>>
      %dma_wait3A_532 = tpu.memref_slice %arg3[%mul3A_2] : memref<327680xi32, #tpu.memory_space<hbm>> -> memref<64xi32, #tpu.memory_space<hbm>>
      tpu.wait_dma2 semaphore(%arg22 : memref<!tpu.dma_semaphore, #tpu.memory_space<semaphore_mem>>) src(%dma_wait3A_532 : memref<64xi32, #tpu.memory_space<hbm>>) dst(%arg10 : memref<64xi32, #tpu.memory_space<vmem>>)
      %dma_wait3A_533 = tpu.memref_slice %arg4[%mul3A_2] : memref<327680xi32, #tpu.memory_space<hbm>> -> memref<64xi32, #tpu.memory_space<hbm>>
      %dma_wait3A_534 = tpu.memref_slice %arg4[%mul3A_2] : memref<327680xi32, #tpu.memory_space<hbm>> -> memref<64xi32, #tpu.memory_space<hbm>>
      tpu.wait_dma2 semaphore(%arg26 : memref<!tpu.dma_semaphore, #tpu.memory_space<semaphore_mem>>) src(%dma_wait3A_534 : memref<64xi32, #tpu.memory_space<hbm>>) dst(%arg14 : memref<64xi32, #tpu.memory_space<vmem>>)
      %get3A_535 = arith.constant 0 : index
      %get3A_536 = tpu.vector_load %arg10[%get3A_535] {strides = array<i32>} : memref<64xi32, #tpu.memory_space<vmem>>, vector<16xi32>,
      %get3A_537 = vector.shape_cast %get3A_536 : vector<16xi32> to vector<16xi32>
      %get3A_538 = arith.constant 0 : index
      %get3A_539 = tpu.vector_load %arg14[%get3A_538] {strides = array<i32>} : memref<64xi32, #tpu.memory_space<vmem>>, vector<16xi32>,
      %get3A_540 = vector.shape_cast %get3A_539 : vector<16xi32> to vector<16xi32>
      %ge3A_541 = vector.broadcast %mul3A_44 : i32 to vector<16xi32>
      %ge3A_542 = arith.cmpi sge, %get3A_540, %ge3A_541 : vector<16xi32>
      %add3A_543 = arith.constant 2560 : i32
      %add3A_544 = arith.addi %mul3A_44, %add3A_543 : i32
      %lt3A_545 = vector.broadcast %add3A_544 : i32 to vector<16xi32>
      %lt3A_546 = arith.cmpi slt, %get3A_540, %lt3A_545 : vector<16xi32>
      %and3A_547 = arith.andi %ge3A_542, %lt3A_546 : vector<16xi1>
      %jit3A_548 = arith.constant -1 : i32
      %broadcast_in_dim3A_549 = vector.broadcast %jit3A_548 : i32 to vector<16xi32>
      %select_n3A_550 = arith.select %and3A_547, %get3A_537, %broadcast_in_dim3A_549 : vector<16xi1>, vector<16xi32>
      %swap3A_551 = arith.constant 0 : index
      %swap3A_552 = tpu.vector_load %arg10[%swap3A_551] {strides = array<i32>} : memref<64xi32, #tpu.memory_space<vmem>>, vector<16xi32>,
      %swap3A_553 = vector.shape_cast %swap3A_552 : vector<16xi32> to vector<16xi32>
      %swap3A_554 = vector.shape_cast %select_n3A_550 : vector<16xi32> to vector<16xi32>
      tpu.vector_store %arg10[%swap3A_551], %swap3A_554 {strides = array<i32>} : memref<64xi32, #tpu.memory_space<vmem>>, vector<16xi32>,
      %sub3A_555 = vector.broadcast %mul3A_44 : i32 to vector<16xi32>
      %sub3A_556 = arith.subi %get3A_540, %sub3A_555 : vector<16xi32>
      %jit3A_557 = arith.constant -1 : i32
      %broadcast_in_dim3A_558 = vector.broadcast %jit3A_557 : i32 to vector<16xi32>
      %select_n3A_559 = arith.select %and3A_547, %sub3A_556, %broadcast_in_dim3A_558 : vector<16xi1>, vector<16xi32>
      %swap3A_560 = arith.constant 0 : index
      %swap3A_561 = tpu.vector_load %arg14[%swap3A_560] {strides = array<i32>} : memref<64xi32, #tpu.memory_space<vmem>>, vector<16xi32>,
      %swap3A_562 = vector.shape_cast %swap3A_561 : vector<16xi32> to vector<16xi32>
      %swap3A_563 = vector.shape_cast %select_n3A_559 : vector<16xi32> to vector<16xi32>
      tpu.vector_store %arg14[%swap3A_560], %swap3A_563 {strides = array<i32>} : memref<64xi32, #tpu.memory_space<vmem>>, vector<16xi32>,
      %get3A_564 = arith.constant 16 : index
      %get3A_565 = tpu.vector_load %arg10[%get3A_564] {strides = array<i32>} : memref<64xi32, #tpu.memory_space<vmem>>, vector<16xi32>,
      %get3A_566 = vector.shape_cast %get3A_565 : vector<16xi32> to vector<16xi32>
      %get3A_567 = arith.constant 16 : index
      %get3A_568 = tpu.vector_load %arg14[%get3A_567] {strides = array<i32>} : memref<64xi32, #tpu.memory_space<vmem>>, vector<16xi32>,
      %get3A_569 = vector.shape_cast %get3A_568 : vector<16xi32> to vector<16xi32>
      %ge3A_570 = vector.broadcast %mul3A_44 : i32 to vector<16xi32>
      %ge3A_571 = arith.cmpi sge, %get3A_569, %ge3A_570 : vector<16xi32>
      %add3A_572 = arith.constant 2560 : i32
      %add3A_573 = arith.addi %mul3A_44, %add3A_572 : i32
      %lt3A_574 = vector.broadcast %add3A_573 : i32 to vector<16xi32>
      %lt3A_575 = arith.cmpi slt, %get3A_569, %lt3A_574 : vector<16xi32>
      %and3A_576 = arith.andi %ge3A_571, %lt3A_575 : vector<16xi1>
      %jit3A_577 = arith.constant -1 : i32
      %broadcast_in_dim3A_578 = vector.broadcast %jit3A_577 : i32 to vector<16xi32>
      %select_n3A_579 = arith.select %and3A_576, %get3A_566, %broadcast_in_dim3A_578 : vector<16xi1>, vector<16xi32>
      %swap3A_580 = arith.constant 16 : index
      %swap3A_581 = tpu.vector_load %arg10[%swap3A_580] {strides = array<i32>} : memref<64xi32, #tpu.memory_space<vmem>>, vector<16xi32>,
      %swap3A_582 = vector.shape_cast %swap3A_581 : vector<16xi32> to vector<16xi32>
      %swap3A_583 = vector.shape_cast %select_n3A_579 : vector<16xi32> to vector<16xi32>
      tpu.vector_store %arg10[%swap3A_580], %swap3A_583 {strides = array<i32>} : memref<64xi32, #tpu.memory_space<vmem>>, vector<16xi32>,
      %sub3A_584 = vector.broadcast %mul3A_44 : i32 to vector<16xi32>
      %sub3A_585 = arith.subi %get3A_569, %sub3A_584 : vector<16xi32>
      %jit3A_586 = arith.constant -1 : i32
      %broadcast_in_dim3A_587 = vector.broadcast %jit3A_586 : i32 to vector<16xi32>
      %select_n3A_588 = arith.select %and3A_576, %sub3A_585, %broadcast_in_dim3A_587 : vector<16xi1>, vector<16xi32>
      %swap3A_589 = arith.constant 16 : index
      %swap3A_590 = tpu.vector_load %arg14[%swap3A_589] {strides = array<i32>} : memref<64xi32, #tpu.memory_space<vmem>>, vector<16xi32>,
      %swap3A_591 = vector.shape_cast %swap3A_590 : vector<16xi32> to vector<16xi32>
      %swap3A_592 = vector.shape_cast %select_n3A_588 : vector<16xi32> to vector<16xi32>
      tpu.vector_store %arg14[%swap3A_589], %swap3A_592 {strides = array<i32>} : memref<64xi32, #tpu.memory_space<vmem>>, vector<16xi32>,
      %get3A_593 = arith.constant 32 : index
      %get3A_594 = tpu.vector_load %arg10[%get3A_593] {strides = array<i32>} : memref<64xi32, #tpu.memory_space<vmem>>, vector<16xi32>,
      %get3A_595 = vector.shape_cast %get3A_594 : vector<16xi32> to vector<16xi32>
      %get3A_596 = arith.constant 32 : index
      %get3A_597 = tpu.vector_load %arg14[%get3A_596] {strides = array<i32>} : memref<64xi32, #tpu.memory_space<vmem>>, vector<16xi32>,
      %get3A_598 = vector.shape_cast %get3A_597 : vector<16xi32> to vector<16xi32>
      %ge3A_599 = vector.broadcast %mul3A_44 : i32 to vector<16xi32>
      %ge3A_600 = arith.cmpi sge, %get3A_598, %ge3A_599 : vector<16xi32>
      %add3A_601 = arith.constant 2560 : i32
      %add3A_602 = arith.addi %mul3A_44, %add3A_601 : i32
      %lt3A_603 = vector.broadcast %add3A_602 : i32 to vector<16xi32>
      %lt3A_604 = arith.cmpi slt, %get3A_598, %lt3A_603 : vector<16xi32>
      %and3A_605 = arith.andi %ge3A_600, %lt3A_604 : vector<16xi1>
      %jit3A_606 = arith.constant -1 : i32
      %broadcast_in_dim3A_607 = vector.broadcast %jit3A_606 : i32 to vector<16xi32>
      %select_n3A_608 = arith.select %and3A_605, %get3A_595, %broadcast_in_dim3A_607 : vector<16xi1>, vector<16xi32>
      %swap3A_609 = arith.constant 32 : index
      %swap3A_610 = tpu.vector_load %arg10[%swap3A_609] {strides = array<i32>} : memref<64xi32, #tpu.memory_space<vmem>>, vector<16xi32>,
      %swap3A_611 = vector.shape_cast %swap3A_610 : vector<16xi32> to vector<16xi32>
      %swap3A_612 = vector.shape_cast %select_n3A_608 : vector<16xi32> to vector<16xi32>
      tpu.vector_store %arg10[%swap3A_609], %swap3A_612 {strides = array<i32>} : memref<64xi32, #tpu.memory_space<vmem>>, vector<16xi32>,
      %sub3A_613 = vector.broadcast %mul3A_44 : i32 to vector<16xi32>
      %sub3A_614 = arith.subi %get3A_598, %sub3A_613 : vector<16xi32>
      %jit3A_615 = arith.constant -1 : i32
      %broadcast_in_dim3A_616 = vector.broadcast %jit3A_615 : i32 to vector<16xi32>
      %select_n3A_617 = arith.select %and3A_605, %sub3A_614, %broadcast_in_dim3A_616 : vector<16xi1>, vector<16xi32>
      %swap3A_618 = arith.constant 32 : index
      %swap3A_619 = tpu.vector_load %arg14[%swap3A_618] {strides = array<i32>} : memref<64xi32, #tpu.memory_space<vmem>>, vector<16xi32>,
      %swap3A_620 = vector.shape_cast %swap3A_619 : vector<16xi32> to vector<16xi32>
      %swap3A_621 = vector.shape_cast %select_n3A_617 : vector<16xi32> to vector<16xi32>
      tpu.vector_store %arg14[%swap3A_618], %swap3A_621 {strides = array<i32>} : memref<64xi32, #tpu.memory_space<vmem>>, vector<16xi32>,
      %get3A_622 = arith.constant 48 : index
      %get3A_623 = tpu.vector_load %arg10[%get3A_622] {strides = array<i32>} : memref<64xi32, #tpu.memory_space<vmem>>, vector<16xi32>,
      %get3A_624 = vector.shape_cast %get3A_623 : vector<16xi32> to vector<16xi32>
      %get3A_625 = arith.constant 48 : index
      %get3A_626 = tpu.vector_load %arg14[%get3A_625] {strides = array<i32>} : memref<64xi32, #tpu.memory_space<vmem>>, vector<16xi32>,
      %get3A_627 = vector.shape_cast %get3A_626 : vector<16xi32> to vector<16xi32>
      %ge3A_628 = vector.broadcast %mul3A_44 : i32 to vector<16xi32>
      %ge3A_629 = arith.cmpi sge, %get3A_627, %ge3A_628 : vector<16xi32>
      %add3A_630 = arith.constant 2560 : i32
      %add3A_631 = arith.addi %mul3A_44, %add3A_630 : i32
      %lt3A_632 = vector.broadcast %add3A_631 : i32 to vector<16xi32>
      %lt3A_633 = arith.cmpi slt, %get3A_627, %lt3A_632 : vector<16xi32>
      %and3A_634 = arith.andi %ge3A_629, %lt3A_633 : vector<16xi1>
      %jit3A_635 = arith.constant -1 : i32
      %broadcast_in_dim3A_636 = vector.broadcast %jit3A_635 : i32 to vector<16xi32>
      %select_n3A_637 = arith.select %and3A_634, %get3A_624, %broadcast_in_dim3A_636 : vector<16xi1>, vector<16xi32>
      %swap3A_638 = arith.constant 48 : index
      %swap3A_639 = tpu.vector_load %arg10[%swap3A_638] {strides = array<i32>} : memref<64xi32, #tpu.memory_space<vmem>>, vector<16xi32>,
      %swap3A_640 = vector.shape_cast %swap3A_639 : vector<16xi32> to vector<16xi32>
      %swap3A_641 = vector.shape_cast %select_n3A_637 : vector<16xi32> to vector<16xi32>
      tpu.vector_store %arg10[%swap3A_638], %swap3A_641 {strides = array<i32>} : memref<64xi32, #tpu.memory_space<vmem>>, vector<16xi32>,
      %sub3A_642 = vector.broadcast %mul3A_44 : i32 to vector<16xi32>
      %sub3A_643 = arith.subi %get3A_627, %sub3A_642 : vector<16xi32>
      %jit3A_644 = arith.constant -1 : i32
      %broadcast_in_dim3A_645 = vector.broadcast %jit3A_644 : i32 to vector<16xi32>
      %select_n3A_646 = arith.select %and3A_634, %sub3A_643, %broadcast_in_dim3A_645 : vector<16xi1>, vector<16xi32>
      %swap3A_647 = arith.constant 48 : index
      %swap3A_648 = tpu.vector_load %arg14[%swap3A_647] {strides = array<i32>} : memref<64xi32, #tpu.memory_space<vmem>>, vector<16xi32>,
      %swap3A_649 = vector.shape_cast %swap3A_648 : vector<16xi32> to vector<16xi32>
      %swap3A_650 = vector.shape_cast %select_n3A_646 : vector<16xi32> to vector<16xi32>
      tpu.vector_store %arg14[%swap3A_647], %swap3A_650 {strides = array<i32>} : memref<64xi32, #tpu.memory_space<vmem>>, vector<16xi32>,
      %dma_start3A_651 = arith.constant 0 : i32
      %dma_start3A_652 = arith.constant 0 : i32
      %dma_start3A_653 = tpu.memref_slice %arg17[%dma_start3A_651, %dma_start3A_652] : memref<10240x128xf32, #tpu.memory_space<vmem_shared>> -> memref<10240x128xf32, #tpu.memory_space<vmem_shared>>
      %dma_start3A_654 = arith.constant -1 : i32
      tpu.enqueue_indirect_dma source(%dma_start3A_653 : memref<10240x128xf32, #tpu.memory_space<vmem_shared>>) target(%arg16 : memref<64x128xf32, #tpu.memory_space<vmem>>) offsets(%arg10 : memref<64xi32, #tpu.memory_space<vmem>>) offset_filter(%dma_start3A_654) semaphore(%arg28 : memref<!tpu.dma_semaphore, #tpu.memory_space<semaphore_mem>>)
      %dma_wait3A_655 = arith.constant 0 : i32
      %dma_wait3A_656 = arith.constant 0 : i32
      %dma_wait3A_657 = tpu.memref_slice %arg17[%dma_wait3A_655, %dma_wait3A_656] : memref<10240x128xf32, #tpu.memory_space<vmem_shared>> -> memref<10240x128xf32, #tpu.memory_space<vmem_shared>>
      tpu.wait_indirect_dma semaphore(%arg28 : memref<!tpu.dma_semaphore, #tpu.memory_space<semaphore_mem>>) src(%dma_wait3A_657 : memref<10240x128xf32, #tpu.memory_space<vmem_shared>>) dst(%arg16 : memref<64x128xf32, #tpu.memory_space<vmem>>)
      %dma_start3A_658 = arith.constant 0 : i32
      %dma_start3A_659 = arith.constant 0 : i32
      %dma_start3A_660 = tpu.memref_slice %arg18[%dma_start3A_658, %dma_start3A_659] : memref<2560x128xf32, #tpu.memory_space<vmem_shared>> -> memref<2560x128xf32, #tpu.memory_space<vmem_shared>>
      %dma_start3A_661 = arith.constant -1 : i32
      tpu.enqueue_indirect_dma source(%arg16 : memref<64x128xf32, #tpu.memory_space<vmem>>) target(%dma_start3A_660 : memref<2560x128xf32, #tpu.memory_space<vmem_shared>>) offsets(%arg14 : memref<64xi32, #tpu.memory_space<vmem>>) offset_filter(%dma_start3A_661) semaphore(%arg30 : memref<!tpu.dma_semaphore, #tpu.memory_space<semaphore_mem>>) {add = true}
    }
    %scan3A_71 = arith.constant 80 : i32
    %dma_wait3A_72 = arith.constant 0 : i32
    %dma_wait3A_73 = arith.constant 0 : i32
    %dma_wait3A_74 = tpu.memref_slice %arg18[%dma_wait3A_72, %dma_wait3A_73] : memref<2560x128xf32, #tpu.memory_space<vmem_shared>> -> memref<2560x128xf32, #tpu.memory_space<vmem_shared>>
    tpu.wait_indirect_dma semaphore(%arg29 : memref<!tpu.dma_semaphore, #tpu.memory_space<semaphore_mem>>) src(%arg15 : memref<64x128xf32, #tpu.memory_space<vmem>>) dst(%dma_wait3A_74 : memref<2560x128xf32, #tpu.memory_space<vmem_shared>>)
    %dma_wait3A_75 = arith.constant 0 : i32
    %dma_wait3A_76 = arith.constant 0 : i32
    %dma_wait3A_77 = tpu.memref_slice %arg18[%dma_wait3A_75, %dma_wait3A_76] : memref<2560x128xf32, #tpu.memory_space<vmem_shared>> -> memref<2560x128xf32, #tpu.memory_space<vmem_shared>>
    tpu.wait_indirect_dma semaphore(%arg30 : memref<!tpu.dma_semaphore, #tpu.memory_space<semaphore_mem>>) src(%arg16 : memref<64x128xf32, #tpu.memory_space<vmem>>) dst(%dma_wait3A_77 : memref<2560x128xf32, #tpu.memory_space<vmem_shared>>)
    %barrier3A_78 = arith.constant 0 : index
    tpu.barrier barrier_id(%barrier3A_78)
    %mul3A_79 = arith.constant 160 : i32
    %mul3A_80 = arith.muli %arg1, %mul3A_79 : i32
    %mul3A_81 = arith.constant 160 : i32
    %mul3A_82 = arith.muli %arg1, %mul3A_81 : i32
    %add3A_83 = arith.addi %mul3A_44, %mul3A_82 : i32
    "tpu.region"() ({
      %run_scoped3A = tpu.sem_alloc : memref<!tpu.dma_semaphore, #tpu.memory_space<semaphore_mem>>
      %dma_start3A_84 = arith.constant 0 : i32
      %dma_start3A_85 = tpu.memref_slice %arg6[%add3A_83, %dma_start3A_84] : memref<10240x128xf32, #tpu.memory_space<hbm>> -> memref<160x128xf32, #tpu.memory_space<hbm>>
      %dma_start3A_86 = arith.constant 0 : i32
      %dma_start3A_87 = tpu.memref_slice %arg18[%mul3A_80, %dma_start3A_86] : memref<2560x128xf32, #tpu.memory_space<vmem_shared>> -> memref<160x128xf32, #tpu.memory_space<vmem_shared>>
      tpu.enqueue_dma source(%dma_start3A_87 : memref<160x128xf32, #tpu.memory_space<vmem_shared>>) target(%dma_start3A_85 : memref<160x128xf32, #tpu.memory_space<hbm>>) target_semaphore(%run_scoped3A : memref<!tpu.dma_semaphore, #tpu.memory_space<semaphore_mem>>)
      %dma_wait3A_88 = arith.constant 0 : i32
      %dma_wait3A_89 = tpu.memref_slice %arg6[%add3A_83, %dma_wait3A_88] : memref<10240x128xf32, #tpu.memory_space<hbm>> -> memref<160x128xf32, #tpu.memory_space<hbm>>
      %dma_wait3A_90 = arith.constant 0 : i32
      %dma_wait3A_91 = tpu.memref_slice %arg18[%mul3A_80, %dma_wait3A_90] : memref<2560x128xf32, #tpu.memory_space<vmem_shared>> -> memref<160x128xf32, #tpu.memory_space<vmem_shared>>
      tpu.wait_dma2 semaphore(%run_scoped3A : memref<!tpu.dma_semaphore, #tpu.memory_space<semaphore_mem>>) src(%dma_wait3A_91 : memref<160x128xf32, #tpu.memory_space<vmem_shared>>) dst(%dma_wait3A_89 : memref<160x128xf32, #tpu.memory_space<hbm>>)
      tpu.yield
    }) : () -> ()
    return
  }
}

module attributes {stable_mosaic.version = 14 : i64} {
  func.func @_tc1_body(%arg0: i32, %arg1: memref<640x128xf32, #tpu.memory_space<vmem>>, %arg2: memref<128x128xf32, #tpu.memory_space<vmem>>, %arg3: memref<640x128xf32, #tpu.memory_space<vmem>>, %arg4: memref<640x128xf32, #tpu.memory_space<vmem>>, %arg5: memref<640x128xf32, #tpu.memory_space<vmem>>) attributes {dimension_semantics = [#tpu.dimension_semantics<arbitrary>], iteration_bounds = array<i64: 16>, scalar_prefetch = 0 : i64, scratch_operands = 0 : i64, tpu.core_type = #tpu.core_type<tc>, window_params = [{transform_indices = @transform_0, window_bounds = array<i64: 640, 128>}, {pipeline_mode = #tpu.pipeline_mode<synchronous>, transform_indices = @transform_1, window_bounds = array<i64: 128, 128>}, {transform_indices = @transform_2, window_bounds = array<i64: 640, 128>}, {transform_indices = @transform_3, window_bounds = array<i64: 640, 128>}, {transform_indices = @transform_4, window_bounds = array<i64: 640, 128>}]} {
    %get3A = arith.constant 0 : index
    %get3A_0 = arith.constant 0 : index
    %get3A_1 = vector.load %arg3[%get3A, %get3A_0] : memref<640x128xf32, #tpu.memory_space<vmem>>, vector<640x1xf32>
    %get3A_2 = arith.constant 0 : index
    %get3A_3 = arith.constant 0 : index
    %get3A_4 = vector.load %arg4[%get3A_2, %get3A_3] : memref<640x128xf32, #tpu.memory_space<vmem>>, vector<640x1xf32>
    %add3A = arith.addf %get3A_1, %get3A_4 : vector<640x1xf32>
    %add3A_5 = arith.constant 1.000000e+00 : f32
    %add3A_6 = vector.broadcast %add3A_5 : f32 to vector<640x1xf32>
    %add3A_7 = arith.addf %add3A, %add3A_6 : vector<640x1xf32>
    %rsqrt3A = math.rsqrt %add3A_7 : vector<640x1xf32>
    %get3A_8 = arith.constant 0 : index
    %get3A_9 = arith.constant 0 : index
    %get3A_10 = vector.load %arg1[%get3A_8, %get3A_9] : memref<640x128xf32, #tpu.memory_space<vmem>>, vector<640x128xf32>
    %get3A_11 = arith.constant 0 : index
    %get3A_12 = arith.constant 0 : index
    %get3A_13 = vector.load %arg2[%get3A_11, %get3A_12] : memref<128x128xf32, #tpu.memory_space<vmem>>, vector<128x128xf32>
    %dot_general3A = arith.constant dense<0.000000e+00> : vector<640x128xf32>
    %dot_general3A_14 = tpu.matmul %get3A_10, %get3A_13, %dot_general3A {dimension_numbers = #tpu.dot_dimension_numbers<[1], [0], [0], [1], [0, 0, 1, 1], [], []>, transpose_lhs_hint = false} : vector<640x128xf32>, vector<128x128xf32>, vector<640x128xf32> -> vector<640x128xf32>
    %mul3A = vector.broadcast %rsqrt3A : vector<640x1xf32> to vector<640x128xf32>
    %mul3A_15 = arith.mulf %mul3A, %dot_general3A_14 : vector<640x128xf32>
    %swap3A = arith.constant 0 : index
    %swap3A_16 = arith.constant 0 : index
    %swap3A_17 = vector.load %arg5[%swap3A, %swap3A_16] : memref<640x128xf32, #tpu.memory_space<vmem>>, vector<640x128xf32>
    tpu.vector_store %arg5[%swap3A, %swap3A_16], %mul3A_15 {strides = array<i32>} : memref<640x128xf32, #tpu.memory_space<vmem>>, vector<640x128xf32>,
    return
  }
  func.func @transform_0(%arg0: i32) -> (i32, i32) {
    %c0_i32 = arith.constant 0 : i32
    %c0_i32_0 = arith.constant 0 : i32
    return %arg0, %c0_i32 : i32, i32
  }
  func.func @transform_1(%arg0: i32) -> (i32, i32) {
    %c0_i32 = arith.constant 0 : i32
    %c0_i32_0 = arith.constant 0 : i32
    %c0_i32_1 = arith.constant 0 : i32
    return %c0_i32, %c0_i32_0 : i32, i32
  }
  func.func @transform_2(%arg0: i32) -> (i32, i32) {
    %c0_i32 = arith.constant 0 : i32
    %c0_i32_0 = arith.constant 0 : i32
    return %arg0, %c0_i32 : i32, i32
  }
  func.func @transform_3(%arg0: i32) -> (i32, i32) {
    %c0_i32 = arith.constant 0 : i32
    %c0_i32_0 = arith.constant 0 : i32
    return %arg0, %c0_i32 : i32, i32
  }
  func.func @transform_4(%arg0: i32) -> (i32, i32) {
    %c0_i32 = arith.constant 0 : i32
    %c0_i32_0 = arith.constant 0 : i32
    return %arg0, %c0_i32 : i32, i32
  }
}

module attributes {stable_mosaic.version = 14 : i64} {
  func.func @_tc2_body(%arg0: i32, %arg1: memref<640x128xf32, #tpu.memory_space<vmem>>, %arg2: memref<640x128xf32, #tpu.memory_space<vmem>>, %arg3: memref<640x128xf32, #tpu.memory_space<vmem>>, %arg4: memref<640x128xf32, #tpu.memory_space<vmem>>, %arg5: memref<1x128xf32, #tpu.memory_space<vmem>>, %arg6: memref<128x128xf32, #tpu.memory_space<vmem>>, %arg7: memref<640x128xf32, #tpu.memory_space<vmem>>) attributes {dimension_semantics = [#tpu.dimension_semantics<arbitrary>], iteration_bounds = array<i64: 16>, scalar_prefetch = 0 : i64, scratch_operands = 0 : i64, tpu.core_type = #tpu.core_type<tc>, window_params = [{transform_indices = @transform_0, window_bounds = array<i64: 640, 128>}, {transform_indices = @transform_1, window_bounds = array<i64: 640, 128>}, {transform_indices = @transform_2, window_bounds = array<i64: 640, 128>}, {transform_indices = @transform_3, window_bounds = array<i64: 640, 128>}, {pipeline_mode = #tpu.pipeline_mode<synchronous>, transform_indices = @transform_4, window_bounds = array<i64: 1, 128>}, {pipeline_mode = #tpu.pipeline_mode<synchronous>, transform_indices = @transform_5, window_bounds = array<i64: 128, 128>}, {transform_indices = @transform_6, window_bounds = array<i64: 640, 128>}]} {
    %get3A = arith.constant 0 : index
    %get3A_0 = arith.constant 0 : index
    %get3A_1 = vector.load %arg3[%get3A, %get3A_0] : memref<640x128xf32, #tpu.memory_space<vmem>>, vector<640x1xf32>
    %get3A_2 = arith.constant 0 : index
    %get3A_3 = arith.constant 0 : index
    %get3A_4 = vector.load %arg4[%get3A_2, %get3A_3] : memref<640x128xf32, #tpu.memory_space<vmem>>, vector<640x1xf32>
    %add3A = arith.addf %get3A_1, %get3A_4 : vector<640x1xf32>
    %add3A_5 = arith.constant 1.000000e+00 : f32
    %add3A_6 = vector.broadcast %add3A_5 : f32 to vector<640x1xf32>
    %add3A_7 = arith.addf %add3A, %add3A_6 : vector<640x1xf32>
    %rsqrt3A = math.rsqrt %add3A_7 : vector<640x1xf32>
    %get3A_8 = arith.constant 0 : index
    %get3A_9 = arith.constant 0 : index
    %get3A_10 = vector.load %arg1[%get3A_8, %get3A_9] : memref<640x128xf32, #tpu.memory_space<vmem>>, vector<640x128xf32>
    %get3A_11 = arith.constant 0 : index
    %get3A_12 = arith.constant 0 : index
    %get3A_13 = vector.load %arg2[%get3A_11, %get3A_12] : memref<640x128xf32, #tpu.memory_space<vmem>>, vector<640x128xf32>
    %add3A_14 = arith.addf %get3A_10, %get3A_13 : vector<640x128xf32>
    %mul3A = vector.broadcast %rsqrt3A : vector<640x1xf32> to vector<640x128xf32>
    %mul3A_15 = arith.mulf %mul3A, %add3A_14 : vector<640x128xf32>
    %get3A_16 = arith.constant 0 : index
    %get3A_17 = arith.constant 0 : index
    %get3A_18 = vector.load %arg5[%get3A_16, %get3A_17] : memref<1x128xf32, #tpu.memory_space<vmem>>, vector<1x128xf32>
    %add3A_19 = vector.broadcast %get3A_18 : vector<1x128xf32> to vector<640x128xf32>
    %add3A_20 = arith.addf %mul3A_15, %add3A_19 : vector<640x128xf32>
    %max3A = arith.constant 0.000000e+00 : f32
    %max3A_21 = vector.broadcast %max3A : f32 to vector<640x128xf32>
    %max3A_22 = arith.maximumf %add3A_20, %max3A_21 : vector<640x128xf32>
    %get3A_23 = arith.constant 0 : index
    %get3A_24 = arith.constant 0 : index
    %get3A_25 = vector.load %arg6[%get3A_23, %get3A_24] : memref<128x128xf32, #tpu.memory_space<vmem>>, vector<128x128xf32>
    %dot_general3A = arith.constant dense<0.000000e+00> : vector<640x128xf32>
    %dot_general3A_26 = tpu.matmul %max3A_22, %get3A_25, %dot_general3A {dimension_numbers = #tpu.dot_dimension_numbers<[1], [0], [0], [1], [0, 0, 1, 1], [], []>, transpose_lhs_hint = false} : vector<640x128xf32>, vector<128x128xf32>, vector<640x128xf32> -> vector<640x128xf32>
    %mul3A_27 = vector.broadcast %rsqrt3A : vector<640x1xf32> to vector<640x128xf32>
    %mul3A_28 = arith.mulf %mul3A_27, %dot_general3A_26 : vector<640x128xf32>
    %swap3A = arith.constant 0 : index
    %swap3A_29 = arith.constant 0 : index
    %swap3A_30 = vector.load %arg7[%swap3A, %swap3A_29] : memref<640x128xf32, #tpu.memory_space<vmem>>, vector<640x128xf32>
    tpu.vector_store %arg7[%swap3A, %swap3A_29], %mul3A_28 {strides = array<i32>} : memref<640x128xf32, #tpu.memory_space<vmem>>, vector<640x128xf32>,
    return
  }
  func.func @transform_0(%arg0: i32) -> (i32, i32) {
    %c0_i32 = arith.constant 0 : i32
    %c0_i32_0 = arith.constant 0 : i32
    return %arg0, %c0_i32 : i32, i32
  }
  func.func @transform_1(%arg0: i32) -> (i32, i32) {
    %c0_i32 = arith.constant 0 : i32
    %c0_i32_0 = arith.constant 0 : i32
    return %arg0, %c0_i32 : i32, i32
  }
  func.func @transform_2(%arg0: i32) -> (i32, i32) {
    %c0_i32 = arith.constant 0 : i32
    %c0_i32_0 = arith.constant 0 : i32
    return %arg0, %c0_i32 : i32, i32
  }
  func.func @transform_3(%arg0: i32) -> (i32, i32) {
    %c0_i32 = arith.constant 0 : i32
    %c0_i32_0 = arith.constant 0 : i32
    return %arg0, %c0_i32 : i32, i32
  }
  func.func @transform_4(%arg0: i32) -> (i32, i32) {
    %c0_i32 = arith.constant 0 : i32
    %c0_i32_0 = arith.constant 0 : i32
    %c0_i32_1 = arith.constant 0 : i32
    return %c0_i32, %c0_i32_0 : i32, i32
  }
  func.func @transform_5(%arg0: i32) -> (i32, i32) {
    %c0_i32 = arith.constant 0 : i32
    %c0_i32_0 = arith.constant 0 : i32
    %c0_i32_1 = arith.constant 0 : i32
    return %c0_i32, %c0_i32_0 : i32, i32
  }
  func.func @transform_6(%arg0: i32) -> (i32, i32) {
    %c0_i32 = arith.constant 0 : i32
    %c0_i32_0 = arith.constant 0 : i32
    return %arg0, %c0_i32 : i32, i32
  }
}

module attributes {stable_mosaic.version = 14 : i64} {
  func.func @_tc3_body(%arg0: i32, %arg1: memref<640x128xf32, #tpu.memory_space<vmem>>, %arg2: memref<640x128xf32, #tpu.memory_space<vmem>>, %arg3: memref<640x128xf32, #tpu.memory_space<vmem>>, %arg4: memref<640x128xf32, #tpu.memory_space<vmem>>, %arg5: memref<1x128xf32, #tpu.memory_space<vmem>>, %arg6: memref<128x128xf32, #tpu.memory_space<vmem>>, %arg7: memref<1x128xf32, #tpu.memory_space<vmem>>, %arg8: memref<640x128xf32, #tpu.memory_space<vmem>>, %arg9: memref<128x128xf32, #tpu.memory_space<vmem>>, %arg10: memref<1x128xf32, #tpu.memory_space<vmem>>, %arg11: memref<640x128xf32, #tpu.memory_space<vmem>>) attributes {dimension_semantics = [#tpu.dimension_semantics<arbitrary>], iteration_bounds = array<i64: 16>, scalar_prefetch = 0 : i64, scratch_operands = 0 : i64, tpu.core_type = #tpu.core_type<tc>, window_params = [{transform_indices = @transform_0, window_bounds = array<i64: 640, 128>}, {transform_indices = @transform_1, window_bounds = array<i64: 640, 128>}, {transform_indices = @transform_2, window_bounds = array<i64: 640, 128>}, {transform_indices = @transform_3, window_bounds = array<i64: 640, 128>}, {pipeline_mode = #tpu.pipeline_mode<synchronous>, transform_indices = @transform_4, window_bounds = array<i64: 1, 128>}, {pipeline_mode = #tpu.pipeline_mode<synchronous>, transform_indices = @transform_5, window_bounds = array<i64: 128, 128>}, {pipeline_mode = #tpu.pipeline_mode<synchronous>, transform_indices = @transform_6, window_bounds = array<i64: 1, 128>}, {transform_indices = @transform_7, window_bounds = array<i64: 640, 128>}, {pipeline_mode = #tpu.pipeline_mode<synchronous>, transform_indices = @transform_8, window_bounds = array<i64: 128, 128>}, {pipeline_mode = #tpu.pipeline_mode<synchronous>, transform_indices = @transform_9, window_bounds = array<i64: 1, 128>}, {transform_indices = @transform_10, window_bounds = array<i64: 640, 128>}]} {
    %get3A = arith.constant 0 : index
    %get3A_0 = arith.constant 0 : index
    %get3A_1 = vector.load %arg3[%get3A, %get3A_0] : memref<640x128xf32, #tpu.memory_space<vmem>>, vector<640x1xf32>
    %get3A_2 = arith.constant 0 : index
    %get3A_3 = arith.constant 0 : index
    %get3A_4 = vector.load %arg4[%get3A_2, %get3A_3] : memref<640x128xf32, #tpu.memory_space<vmem>>, vector<640x1xf32>
    %add3A = arith.addf %get3A_1, %get3A_4 : vector<640x1xf32>
    %add3A_5 = arith.constant 1.000000e+00 : f32
    %add3A_6 = vector.broadcast %add3A_5 : f32 to vector<640x1xf32>
    %add3A_7 = arith.addf %add3A, %add3A_6 : vector<640x1xf32>
    %rsqrt3A = math.rsqrt %add3A_7 : vector<640x1xf32>
    %get3A_8 = arith.constant 0 : index
    %get3A_9 = arith.constant 0 : index
    %get3A_10 = vector.load %arg1[%get3A_8, %get3A_9] : memref<640x128xf32, #tpu.memory_space<vmem>>, vector<640x128xf32>
    %get3A_11 = arith.constant 0 : index
    %get3A_12 = arith.constant 0 : index
    %get3A_13 = vector.load %arg2[%get3A_11, %get3A_12] : memref<640x128xf32, #tpu.memory_space<vmem>>, vector<640x128xf32>
    %add3A_14 = arith.addf %get3A_10, %get3A_13 : vector<640x128xf32>
    %mul3A = vector.broadcast %rsqrt3A : vector<640x1xf32> to vector<640x128xf32>
    %mul3A_15 = arith.mulf %mul3A, %add3A_14 : vector<640x128xf32>
    %get3A_16 = arith.constant 0 : index
    %get3A_17 = arith.constant 0 : index
    %get3A_18 = vector.load %arg5[%get3A_16, %get3A_17] : memref<1x128xf32, #tpu.memory_space<vmem>>, vector<1x128xf32>
    %add3A_19 = vector.broadcast %get3A_18 : vector<1x128xf32> to vector<640x128xf32>
    %add3A_20 = arith.addf %mul3A_15, %add3A_19 : vector<640x128xf32>
    %max3A = arith.constant 0.000000e+00 : f32
    %max3A_21 = vector.broadcast %max3A : f32 to vector<640x128xf32>
    %max3A_22 = arith.maximumf %add3A_20, %max3A_21 : vector<640x128xf32>
    %get3A_23 = arith.constant 0 : index
    %get3A_24 = arith.constant 0 : index
    %get3A_25 = vector.load %arg6[%get3A_23, %get3A_24] : memref<128x128xf32, #tpu.memory_space<vmem>>, vector<128x128xf32>
    %dot_general3A = arith.constant dense<0.000000e+00> : vector<640x128xf32>
    %dot_general3A_26 = tpu.matmul %max3A_22, %get3A_25, %dot_general3A {dimension_numbers = #tpu.dot_dimension_numbers<[1], [0], [0], [1], [0, 0, 1, 1], [], []>, transpose_lhs_hint = false} : vector<640x128xf32>, vector<128x128xf32>, vector<640x128xf32> -> vector<640x128xf32>
    %get3A_27 = arith.constant 0 : index
    %get3A_28 = arith.constant 0 : index
    %get3A_29 = vector.load %arg7[%get3A_27, %get3A_28] : memref<1x128xf32, #tpu.memory_space<vmem>>, vector<1x128xf32>
    %add3A_30 = vector.broadcast %get3A_29 : vector<1x128xf32> to vector<640x128xf32>
    %add3A_31 = arith.addf %dot_general3A_26, %add3A_30 : vector<640x128xf32>
    %get3A_32 = arith.constant 0 : index
    %get3A_33 = arith.constant 0 : index
    %get3A_34 = vector.load %arg8[%get3A_32, %get3A_33] : memref<640x128xf32, #tpu.memory_space<vmem>>, vector<640x128xf32>
    %get3A_35 = arith.constant 0 : index
    %get3A_36 = arith.constant 0 : index
    %get3A_37 = vector.load %arg9[%get3A_35, %get3A_36] : memref<128x128xf32, #tpu.memory_space<vmem>>, vector<128x128xf32>
    %dot_general3A_38 = arith.constant dense<0.000000e+00> : vector<640x128xf32>
    %dot_general3A_39 = tpu.matmul %get3A_34, %get3A_37, %dot_general3A_38 {dimension_numbers = #tpu.dot_dimension_numbers<[1], [0], [0], [1], [0, 0, 1, 1], [], []>, transpose_lhs_hint = false} : vector<640x128xf32>, vector<128x128xf32>, vector<640x128xf32> -> vector<640x128xf32>
    %add3A_40 = arith.addf %add3A_31, %dot_general3A_39 : vector<640x128xf32>
    %get3A_41 = arith.constant 0 : index
    %get3A_42 = arith.constant 0 : index
    %get3A_43 = vector.load %arg10[%get3A_41, %get3A_42] : memref<1x128xf32, #tpu.memory_space<vmem>>, vector<1x128xf32>
    %add3A_44 = vector.broadcast %get3A_43 : vector<1x128xf32> to vector<640x128xf32>
    %add3A_45 = arith.addf %add3A_40, %add3A_44 : vector<640x128xf32>
    %swap3A = arith.constant 0 : index
    %swap3A_46 = arith.constant 0 : index
    %swap3A_47 = vector.load %arg11[%swap3A, %swap3A_46] : memref<640x128xf32, #tpu.memory_space<vmem>>, vector<640x128xf32>
    tpu.vector_store %arg11[%swap3A, %swap3A_46], %add3A_45 {strides = array<i32>} : memref<640x128xf32, #tpu.memory_space<vmem>>, vector<640x128xf32>,
    return
  }
  func.func @transform_0(%arg0: i32) -> (i32, i32) {
    %c0_i32 = arith.constant 0 : i32
    %c0_i32_0 = arith.constant 0 : i32
    return %arg0, %c0_i32 : i32, i32
  }
  func.func @transform_1(%arg0: i32) -> (i32, i32) {
    %c0_i32 = arith.constant 0 : i32
    %c0_i32_0 = arith.constant 0 : i32
    return %arg0, %c0_i32 : i32, i32
  }
  func.func @transform_2(%arg0: i32) -> (i32, i32) {
    %c0_i32 = arith.constant 0 : i32
    %c0_i32_0 = arith.constant 0 : i32
    return %arg0, %c0_i32 : i32, i32
  }
  func.func @transform_3(%arg0: i32) -> (i32, i32) {
    %c0_i32 = arith.constant 0 : i32
    %c0_i32_0 = arith.constant 0 : i32
    return %arg0, %c0_i32 : i32, i32
  }
  func.func @transform_4(%arg0: i32) -> (i32, i32) {
    %c0_i32 = arith.constant 0 : i32
    %c0_i32_0 = arith.constant 0 : i32
    %c0_i32_1 = arith.constant 0 : i32
    return %c0_i32, %c0_i32_0 : i32, i32
  }
  func.func @transform_5(%arg0: i32) -> (i32, i32) {
    %c0_i32 = arith.constant 0 : i32
    %c0_i32_0 = arith.constant 0 : i32
    %c0_i32_1 = arith.constant 0 : i32
    return %c0_i32, %c0_i32_0 : i32, i32
  }
  func.func @transform_6(%arg0: i32) -> (i32, i32) {
    %c0_i32 = arith.constant 0 : i32
    %c0_i32_0 = arith.constant 0 : i32
    %c0_i32_1 = arith.constant 0 : i32
    return %c0_i32, %c0_i32_0 : i32, i32
  }
  func.func @transform_7(%arg0: i32) -> (i32, i32) {
    %c0_i32 = arith.constant 0 : i32
    %c0_i32_0 = arith.constant 0 : i32
    return %arg0, %c0_i32 : i32, i32
  }
  func.func @transform_8(%arg0: i32) -> (i32, i32) {
    %c0_i32 = arith.constant 0 : i32
    %c0_i32_0 = arith.constant 0 : i32
    %c0_i32_1 = arith.constant 0 : i32
    return %c0_i32, %c0_i32_0 : i32, i32
  }
  func.func @transform_9(%arg0: i32) -> (i32, i32) {
    %c0_i32 = arith.constant 0 : i32
    %c0_i32_0 = arith.constant 0 : i32
    %c0_i32_1 = arith.constant 0 : i32
    return %c0_i32, %c0_i32_0 : i32, i32
  }
  func.func @transform_10(%arg0: i32) -> (i32, i32) {
    %c0_i32 = arith.constant 0 : i32
    %c0_i32_0 = arith.constant 0 : i32
    return %arg0, %c0_i32 : i32, i32
  }
}

</mosaic_0001>

<sc_bundles>
// kernel: kernel.11.cloned.1.call-start
scs
__scs_entry_jumppad:
0x0: {  	(pc) =	sbr.rel $0x88, $3  }
0x1: {  	(tag) =	ssettag $0x0;
	lr =	simm.s32 $0x1  }
0x2: {  	[smem:$0x3F97] =	sst lr;
	_ =	strace $0xD0000000  }
0x3: {  	_ = 	snop  }
0x4: {  	_ = 	snop  }
0x5: {  	_ = 	snop  }
0x6: {  	_ = 	snop  }
0x7: {  	_ = 	snop  }
__scs_overlays_trampoline_lowered:
0x8: {  	[smem:$0x3FA6] =	sst s0  }
0x9: {  	[smem:$0x3FA7] =	sst s1  }
0xa: {  	[smem:$0x3FA8] =	sst s2  }
0xb: {  	[smem:$0x3FA9] =	sst s3  }
0xc: {  	[smem:$0x3FAA] =	sst s4  }
0xd: {  	[smem:$0x3FAB] =	sst s5  }
0xe: {  	[smem:$0x3FAC] =	sst s6  }
0xf: {  	[smem:$0x3FAD] =	sst s7  }
0x10: {  	[smem:$0x3FAE] =	sst s8  }
0x11: {  	[smem:$0x3FAF] =	sst s9;
	s0 =	simm.s32 @!p0 $0x0  }
0x12: {  	s1 =	sld [smem:$0x3F95];
	s0 =	simm.s32 @p0 $0x1  }
0x13: {  	[smem:$0x3FB0] =	sst s0;
	s0 =	simm.s32 @!p1 $0x0  }
0x14: {  	s2 =	sld [smem:$0x3F94];
	s0 =	simm.s32 @p1 $0x1  }
0x15: {  	[smem:$0x3FB1] =	sst s0;
	s0 =	simm.s32 @!p2 $0x0  }
0x16: {  	s3 =	sld [smem:$0x3FDB];
	s0 =	simm.s32 @p2 $0x1  }
0x17: {  	s4 =	simm.s32 $0x1BF5;
	[smem:$0x3FB3] =	sst s0  }
0x18: {  	s0 =	sld [smem:$0x3F96];
	_ =	swait.ge [sflag:s4], $0x0  }
0x19: {  	s7 =	sld [smem:$0x3F97]  }
0x1a: {  	s8 =	sadd.s32 $0xFFFFE003, lr  }
0x1b: {  	s9 =	sadd.s32 $0xFFFFFEF7, lr;
	s5 =	simm.s32 $0xFFFFFFFF;
	p2 =	slt.u32 s8, $0xFFFFF086  }
0x1c: {  	p1 =	slt.u32 s9, $0xF7A;
	s5 =	simm.s32 @!p2 $0x0  }
0x1d: {  	s5 =	simm.s32 @p1 $0x1;
	p0 =	seq.s32 s7, s2  }
0x1e: {  	s7 =	smul.u32 @!p0 $0xF7A, s2;
	p2 =	seq.s32 @!p0 s5, $0x0  }
0x1f: {  	s9 =	smul.u32 $0xF7A, s1;
	s8 =	simm.s32 @!p0 $0x1BF5;
	p2 =	por !p2, p0  }
0x20: {  	[sflag:s8] =	ssyncset.s32 @!p0 $0xFFFFF086;
	s6 =	sadd.s32 @!p0 s3, s7;
	s7 =	simm.s32 @!p0 $0x108  }
0x21: {  	s3 =	sadd.s32 s3, s9;
	s6 =	sadd.s32 @!p0 $0x88, s6;
	s7 =	simm.s32 @p2 $0x1082  }
0x22: {  	[simem:s7], [sflag:s8] =	dma.local @!p0 [hbm:s6], $0xF7A  }
0x23: {  	s9 =	sor.u32 $0xD0000000, s2;
	s6 =	simm.s32 $0x108;
	_ =	swait.ge @!p0 [sflag:s8], $0x0  }
0x24: {  	s3 =	sadd.s32 $0x88, s3;
	s6 =	simm.s32 @!p1 $0x1082;
	[sflag:s4] =	ssyncset.s32 $0xFFFFF086  }
0x25: {  	[simem:s6], [sflag:s4] =	dma.local [hbm:s3], $0xF7A  }
0x26: {  	[smem:$0x3F97] =	sst s1;
	(tag) =	ssettag s2;
	_ =	strace s9  }
0x27: {  	s1 =	sld [smem:$0x3FA7]  }
0x28: {  	s2 =	sld [smem:$0x3FA8]  }
0x29: {  	s4 =	sld [smem:$0x3FAA]  }
0x2a: {  	p0 =	seq.s32 s5, $0x0;
	s5 =	sld [smem:$0x3FAB]  }
0x2b: {  	s6 =	sld [smem:$0x3FAC]  }
0x2c: {  	s7 =	sld [smem:$0x3FAD]  }
0x2d: {  	s3 =	simm.s32 $0x108;
	s8 =	sld [smem:$0x3FAE]  }
0x2e: {  	s3 =	simm.s32 @!p0 $0x1082;
	s9 =	sld [smem:$0x3FAF]  }
0x2f: {  	lr =	sadd.s32 s0, s3;
	s0 =	sld [smem:$0x3FA6]  }
0x30: {  	s3 =	sld [smem:$0x3FA9]  }
0x31: {  	[smem:$0x3FB2] =	sst s10  }
0x32: {  	s10 =	sld [smem:$0x3FB0];
	_ =	sdelay $0x3  }
0x33: {  	p0 =	seq.s32 s10, $0x1;
	s10 =	sld [smem:$0x3FB2];
	_ =	sdelay $0x3  }
0x34: {  	[smem:$0x3FB2] =	sst s10  }
0x35: {  	s10 =	sld [smem:$0x3FB1];
	_ =	sdelay $0x3  }
0x36: {  	p1 =	seq.s32 s10, $0x1;
	s10 =	sld [smem:$0x3FB2];
	_ =	sdelay $0x3  }
0x37: {  	[smem:$0x3FB2] =	sst s10  }
0x38: {  	s10 =	sld [smem:$0x3FB3]  }
0x39: {  	_ = 	snop;
	(pc) =	sbr.ind lr, $3  }
0x3a: {  	_ = 	snop  }
0x3b: {  	_ = 	snop  }
0x3c: {  	p2 =	seq.s32 s10, $0x1;
	s10 =	sld [smem:$0x3FB2]  }
0x3d: {  	_ =	shalt  }
0x3e: {  	_ =	shalt  }
0x3f: {  	_ =	shalt  }
0x40: {  	_ =	shalt  }
0x41: {  	_ =	shalt  }
0x42: {  	_ =	shalt  }
0x43: {  	_ =	shalt  }
0x44: {  	_ =	shalt  }
0x45: {  	_ =	shalt  }
0x46: {  	_ =	shalt  }
0x47: {  	_ =	shalt  }
0x48: {  	_ =	shalt  }
0x49: {  	_ =	shalt  }
0x4a: {  	_ =	shalt  }
0x4b: {  	_ =	shalt  }
0x4c: {  	_ =	shalt  }
0x4d: {  	_ =	shalt  }
0x4e: {  	_ =	shalt  }
0x4f: {  	_ =	shalt  }
0x50: {  	_ =	shalt  }
0x51: {  	_ =	shalt  }
0x52: {  	_ =	shalt  }
0x53: {  	_ =	shalt  }
0x54: {  	_ =	shalt  }
0x55: {  	_ =	shalt  }
0x56: {  	_ =	shalt  }
0x57: {  	_ =	shalt  }
0x58: {  	_ =	shalt  }
0x59: {  	_ =	shalt  }
0x5a: {  	_ =	shalt  }
0x5b: {  	_ =	shalt  }
0x5c: {  	_ =	shalt  }
0x5d: {  	_ =	shalt  }
0x5e: {  	_ =	shalt  }
0x5f: {  	_ =	shalt  }
0x60: {  	_ =	shalt  }
0x61: {  	_ =	shalt  }
0x62: {  	_ =	shalt  }
0x63: {  	_ =	shalt  }
0x64: {  	_ =	shalt  }
0x65: {  	_ =	shalt  }
0x66: {  	_ =	shalt  }
0x67: {  	_ =	shalt  }
0x68: {  	_ =	shalt  }
0x69: {  	_ =	shalt  }
0x6a: {  	_ =	shalt  }
0x6b: {  	_ =	shalt  }
0x6c: {  	_ =	shalt  }
0x6d: {  	_ =	shalt  }
0x6e: {  	_ =	shalt  }
0x6f: {  	_ =	shalt  }
0x70: {  	_ =	shalt  }
0x71: {  	_ =	shalt  }
0x72: {  	_ =	shalt  }
0x73: {  	_ =	shalt  }
0x74: {  	_ =	shalt  }
0x75: {  	_ =	shalt  }
0x76: {  	_ =	shalt  }
0x77: {  	_ =	shalt  }
0x78: {  	_ =	shalt  }
0x79: {  	_ =	shalt  }
0x7a: {  	_ =	shalt  }
0x7b: {  	_ =	shalt  }
0x7c: {  	_ =	shalt  }
0x7d: {  	_ =	shalt  }
0x7e: {  	_ =	shalt  }
0x7f: {  	_ =	shalt  }
0x80: {  	_ =	shalt  }
0x81: {  	_ =	shalt  }
0x82: {  	_ =	shalt  }
0x83: {  	_ =	shalt  }
0x84: {  	_ =	shalt  }
0x85: {  	_ =	shalt  }
0x86: {  	_ =	shalt  }
0x87: {  	_ =	shalt  }
.Lfunc_end0:
.L_simem_size_0:
called_computation.1_lowered:
.L_overlay_start_0:
0x88: {  	s2 =	sld [smem:$0x3FD9]  }
0x89: {  	s3 =	sld [smem:$0x3FFE];
	_ =	sdelay $0x1  }
0x8a: {  	s1 =	srdreg.scid  }
0x8b: {  	s0 =	sand.u32 $0x1, s1  }
0x8c: {  	s17 =	sshll.u32 s0, $0xA;
	s2 =	sadd.s32 s3, s2  }
0x8d: {  	s2 =	sadd.s32 s2, s17  }
0x8e: {  	[smem:$0x3FBE] =	sst s2  }
0x8f: {  	_ = 	snop  }
0x90: {  	s2 =	sld [smem:$0x3FD0];
	(tm) =	ssettm $0x1  }
0x91: {  	s18 =	sld [smem:$0x3FFB];
	_ =	sdelay $0x3  }
0x92: {  	_ =	strace s18  }
0x93: {  	s3 =	sld [smem:$0x3FFC];
	_ =	sdelay $0x3  }
0x94: {  	_ =	strace s3  }
0x95: {  	s3 =	sld [smem:$0x3FFD];
	_ =	sdelay $0x3  }
0x96: {  	_ =	strace s3  }
0x97: {  	_ =	strace $0x8FFFFFFF  }
0x98: {  	s19 =	sld [smem:$0x3FDB];
	_ =	sdelay $0x1  }
0x99: {  	s4 =	simm.s32 $_scs_section_size  }
0x9a: {  	s5 =	simm.s32 $_size__tile_overlayer_lowered;
	s6 =	simm.s32 $_tile_overlayer_lowered  }
0x9b: {  	s22 =	simm.s32 $0x1BFF;
	s21 =	sshll.u32 s6, $0x1;
	s3 =	sadd.s32 s4, s19  }
0x9c: {  	s7 =	simm.s32 $0x0;
	s20 =	sshll.u32 s5, $0x1;
	s5 =	sadd.s32 s21, s3  }
0x9d: {  	[timem:s7], [sflag:s22] =	dma.local [hbm:s5], s20  }
0x9e: {  	_ =	swait.ge [sflag:s22], s20  }
0x9f: {  	s4 =	ssub.s32 $0x0, s20;
	[sflag:s22] =	ssyncset.done $0x0  }
0xa0: {  	[sflag:s22] =	ssyncadd.s32 s4;
	_ =	sdelay $0x1  }
0xa1: {  	s23 =	simm.s32 $0x1B8B  }
0xa2: {  	_ =	swait.ge [sflag:s23], $0x1  }
0xa3: {  	[sflag:s23] =	ssyncset.done $0x0  }
0xa4: {  	s25 =	simm.s32 $0x1B8E;
	s24 =	sld [smem:$0x3FFE];
	[sflag:s23] =	ssyncadd.s32 $0xFFFFFFFF  }
0xa5: {  	s26 =	simm.s32 $execute0_lowered;
	[smem:$0x3FD2] =	sst s25  }
0xa6: {  	s5 =	sshll.u32 s26, $0x1;
	_ =	strace $0x80000049;
	[dreg:$0x1] =	wrdreg $0xFFFFFFFF  }
0xa7: {  	s28 =	simm.s32 $_size_execute0_lowered;
	s3 =	sadd.s32 s3, s5;
	[dreg:$0x0] =	wrdreg $0x0  }
0xa8: {  	s5 =	sshll.u32 s28, $0x1;
	[dreg:$0x2] =	wrdreg s3  }
0xa9: {  	[dreg:$0x3] =	wrdreg s5  }
0xaa: {  	[dreg:$0x4] =	wrdreg $0xC0  }
0xab: {  	_ =	task [dreg:s7], $0x5FFFF  }
0xac: {  	[dreg:$0x1] =	wrdreg $0xFFFFFFFF  }
0xad: {  	[dreg:$0x0] =	wrdreg $0x60  }
0xae: {  	[dreg:$0x2] =	wrdreg s24  }
0xaf: {  	[dreg:$0x3] =	wrdreg s2  }
0xb0: {  	[dreg:$0x4] =	wrdreg $0x44000  }
0xb1: {  	[dreg:$0x5] =	wrdreg $0x184000  }
0xb2: {  	[dreg:$0x6] =	wrdreg $0x9  }
0xb3: {  	_ =	task.clear_ibuf [dreg:s7], $0x7FFFF;
	_ =	strace $0x90000049  }
0xb4: {  	s29 =	simm.s32 $0x9;
	_ =	strace $0x8000004B  }
0xb5: {  	_ =	swait.ge [sflag:s29], $0x1  }
0xb6: {  	[sflag:s29] =	ssyncadd.s32 $0xFFFFFFFF  }
0xb7: {  	_ =	strace $0x9000004B  }
0xb8: {  	_ =	sfence  }
0xb9: {  	s30 =	sld [smem:$0x0];
	_ =	sdelay $0x2  }
0xba: {  	s31 =	sshll.u32 s1, $0xD;
	s1 =	sshrl.u32 s1, $0x2  }
0xbb: {  	s3 =	sand.u32 $0x4000, s31;
	s1 =	sadd.s32 s1, s30  }
0xbc: {  	s0 =	sor.u32 s3, s0;
	s1 =	sshll.u32 s1, $0x11  }
0xbd: {  	s0 =	sor.u32 s1, s0  }
0xbe: {  	s0 =	sadd.s32 $0x8F2B, s0  }
0xbf: {  	[sflag:s0] =	ssyncadd.remote.s32 $0x1  }
0xc0: {  	_ =	sfence.sel $0xFFFF  }
0xc1: {  	[dreg:$0x0] =	wrdreg $0xFFFFFFFF;
	(pc) =	sbr.abs _section_cstart, $3  }
0xc2: {  	[dreg:$0x1] =	wrdreg $0xFFFFFFFF  }
0xc3: {  	_ =	task.clear_ibuf [dreg:s7], $0x2FFFF;
	_ =	strace $0x9FFFFFFF  }
0xc4: {  	(tm) =	ssettm $0x7FFFFFFF  }
0xc5: {  	_ =	shalt  }
tec
execute0_lowered:
.L_overlay_start_1:
0x0: {  	(tag) =	ssettag $0x1  }
0x1: {  	s0 =	rddreg [dreg:$0x0]  }
0x2: {  	s1 =	rddreg [dreg:$0x1]  }
0x3: {  	s2 =	rddreg [dreg:$0x2];
	s14 =	stileid.u32  }
0x4: {  	s3 =	rddreg [dreg:$0x3];
	s4 =	simm.s32 $0x0;
	s5 =	smul.u32 $0x2800, s14  }
0x5: {  	s7 =	srdreg.scid;
	s28 =	simm.s32 $0x40;
	s6 =	smul.u32 $0xA00, s14  }
0x6: {  	s29 =	simm.s32 $0x400;
	s30 =	simm.s32 $0x9;
	s9 =	smul.u32 $0x50000, s14  }
0x7: {  	s31 =	simm.s32 $0x180;
	[smem:$0x7FF] =	sst s4;
	s13 =	smul.u32 $0x5000, s14  }
0x8: {  	s8 =	sadd.s32 $0x7B200, s0;
	s7 =	sand.u32 $0x1, s7;
	s25 =	smul.u32 $0x14000, s14  }
0x9: {  	s26 =	sshll.u32 s14, $0x6;
	s14 =	smul.u32 $0xA0, s14;
	_ =	strace $0x8000004A  }
0xa: {  	s11 =	ssub.s32 $0x2, s7;
	s15 =	smul.u32 $0xA00, s7;
	s20 =	sor.u32 $0x1C0D, s26  }
0xb: {  	s5 =	sadd.s32 s5, s0;
	s10 =	sadd.s32 s6, s0;
	s0 =	sadd.s32 $0xAD200, s0  }
0xc: {  	s12 =	sshrl.u32 s11, $0x1;
	s9 =	sshrl.u32 s9, $0x2;
	s16 =	sshrl.u32 s25, $0x2  }
0xd: {  	s18 =	sshrl.u32 s13, $0x3;
	s13 =	simm.s32 $0xA;
	[dreg:$0x6] =	wrdreg s20  }
0xe: {  	s11 =	ssub.s32 s11, s12;
	s9 =	sadd.s32 s9, s2;
	s5 =	sadd.s32 $0x53200, s5  }
0xf: {  	s7 =	sadd.s32 s16, s3;
	s17 =	sadd.s32 $0x3200, s10;
	[dreg:$0x5] =	wrdreg s5  }
0x10: {  	s19 =	sadd.s32 s8, s18;
	s21 =	sadd.s32 s1, s18;
	[dreg:$0x7] =	wrdreg s7  }
0x11: {  	s23 =	sadd.s32 s14, s15;
	s12 =	sadd.s32 $0x1400, s15;
	[dreg:$0x8] =	wrdreg s17  }
0x12: {  	s10 =	sadd.s32 $0xA00, s15;
	s16 =	sadd.s32 s6, s1;
	[dreg:$0x9] =	wrdreg s19  }
0x13: {  	[dreg:$0xa] =	wrdreg s21;
	s7 =	sor.u32 $0x8, s18;
	s24 =	sshll.u32 s23, $0x4  }
0x14: {  	s5 =	sadd.s32 s14, s12;
	s19 =	sadd.s32 $0x1E00, s15;
	s25 =	smax.u32 s11, $0x1  }
0x15: {  	s17 =	sadd.s32 s6, s8;
	s26 =	sshrl.u32 s9, $0x3;
	s21 =	simm.s32 $0xD  }
0x16: {  	v0 =	vmov s15;
	s23 =	simm.s32 $0x100;
	s14 =	simm.s32 $0xB;
	s15 =	simm.s32 $0x3  }
0x17: {  	s18 =	simm.s32 $0x7;
	v1 =	vmov s10;
	s9 =	simm.s32 $0x4;
	s10 =	simm.s32 $0x8  }
0x18: {  	s11 =	simm.s32 $0x0;
	s22 =	sadd.s32 s8, s7;
	[dreg:$0xf] =	wrdreg s25  }
0x19: {  	s7 =	sadd.s32 s1, s7;
	s5 =	sshll.u32 s5, $0x4;
	[dreg:$0x10] =	wrdreg s26  }
0x1a: {  	s25 =	simm.s32 $0x1;
	s26 =	simm.s32 $0x5;
	[dreg:$0xb] =	wrdreg s22  }
0x1b: {  	s1 =	simm.s32 $0x2;
	s8 =	simm.s32 $0xC;
	[dreg:$0xc] =	wrdreg s7  }
0x1c: {  	s7 =	sadd.s32 s0, s24;
	s0 =	sadd.s32 s0, s5;
	s22 =	simm.s32 $0x80  }
0x1d: {  	s24 =	simm.s32 $0x300;
	s5 =	simm.s32 $0x6;
	[dreg:$0xd] =	wrdreg s7  }
0x1e: {  	v2 =	vmov s12;
	v3 =	vmov s19;
	[dreg:$0xe] =	wrdreg s0;
	s0 =	simm.s32 $0x380;
	s7 =	simm.s32 $0x2400  }
.LBB2_1:
0x1f: {  	[dreg:$0x11] =	wrdreg s11  }
0x20: {  	s6 =	rddreg [dreg:$0x5]  }
0x21: {  	s19 =	rddreg [dreg:$0x10]  }
0x22: {  	[spmem:s19], [sflag:s20] =	dma.local [hbm:s6], $0x2800  }
0x23: {  	_ =	swait.ge [sflag:s21], $0x2800  }
0x24: {  	s11 =	rddreg [dreg:$0x7]  }
0x25: {  	[sflag:s21] =	ssyncset.done $0x0;
	s19 =	rddreg [dreg:$0x8];
	s12 =	sshrl.u32 s11, $0x3  }
0x26: {  	[sflag:s21] =	ssyncadd.s32 $0xFFFFD800;
	[dreg:$0x12] =	wrdreg s12  }
0x27: {  	[spmem:s12], [sflag:s20] =	dma.local [hbm:s19], $0xA00  }
0x28: {  	_ =	swait.ge [sflag:s21], $0xA00  }
0x29: {  	[sflag:s21] =	ssyncset.done $0x0  }
0x2a: {  	[sflag:s21] =	ssyncadd.s32 $0xFFFFF600  }
0x2b: {  	[bflag:$0x0] =	sbarrier.arrive $0xFFFF  }
0x2c: {  	s21 =	rddreg [dreg:$0x9]  }
0x2d: {  	[tilespmem:s4], [sflag:$0x1] =	stream.linear.gather [hbm4b:s21+s4], $0x40, $0x38;
	[tilespmem:$0x1D400] =	vst v63  }
0x2e: {  	s20 =	simm.s32 $0x200;
	s11 =	rddreg [dreg:$0xa]  }
0x2f: {  	[tilespmem:s20], [sflag:$0x5] =	stream.linear.gather [hbm4b:s11+s4], $0x40, $0x38;
	[tilespmem:$0x1D400] =	vst v63  }
0x30: {  	s12 =	rddreg [dreg:$0xb]  }
0x31: {  	[tilespmem:s22], [sflag:$0x2] =	stream.linear.gather [hbm4b:s12+s4], $0x40, $0x38;
	[tilespmem:$0x1D400] =	vst v63  }
0x32: {  	s6 =	simm.s32 $0x0;
	s19 =	rddreg [dreg:$0xc];
	s21 =	simm.s32 $0x280  }
0x33: {  	[tilespmem:s21], [sflag:$0x6] =	stream.linear.gather [hbm4b:s19+s4], $0x40, $0x38;
	[tilespmem:$0x1D400] =	vst v63  }
.LBB2_2:
0x34: {  	p0 =	seq.s32 s6, $0x0  }
0x35: {  	s12 =	simm.s32 @!p0 $0xB  }
0x36: {  	_ =	swait.ge @!p0 [sflag:s12], $0x2000  }
0x37: {  	s11 =	sadd.s32 s6, s17;
	[sflag:s12] =	ssyncset.done @!p0 $0x0  }
0x38: {  	s19 =	sadd.s32 $0x10, s11;
	[sflag:s12] =	ssyncadd.s32 @!p0 $0xFFFFE000;
	s12 =	sadd.s32 s6, s16  }
0x39: {  	[tilespmem:s23], [sflag:$0x3] =	stream.linear.gather [hbm4b:s19+s4], $0x40, $0x38;
	[tilespmem:$0x1D400] =	vst v63  }
0x3a: {  	s19 =	sadd.s32 $0x10, s12  }
0x3b: {  	[tilespmem:s24], [sflag:$0x7] =	stream.linear.gather [hbm4b:s19+s4], $0x40, $0x38;
	[tilespmem:$0x1D400] =	vst v63  }
0x3c: {  	_ =	swait.ge [sflag:s25], $0x40  }
0x3d: {  	[sflag:s25] =	ssyncset.done $0x0  }
0x3e: {  	[sflag:s25] =	ssyncadd.s32 $0xFFFFFFC0  }
0x3f: {  	_ =	swait.ge [sflag:s26], $0x40  }
0x40: {  	[sflag:s26] =	ssyncset.done $0x0  }
0x41: {  	[sflag:s26] =	ssyncadd.s32 $0xFFFFFFC0  }
0x42: {  	v4 =	vld [tilespmem:$0x200]  }
0x43: {  	v5 =	vld [tilespmem:$0x0]  }
0x44: {  	v6 =	vld [tilespmem:$0x210]  }
0x45: {  	v7 =	vld [tilespmem:$0x220]  }
0x46: {  	v8 =	vld [tilespmem:$0x10]  }
0x47: {  	v10 =	vld [tilespmem:$0x230];
	vm0 =	vge.s32 v4, v0;
	vm1 =	vlt.s32 v4, v1  }
0x48: {  	v9 =	vld [tilespmem:$0x20];
	v4 =	vsub.s32 v4, v0;
	vm0 =	vmand vm0, vm1  }
0x49: {  	vm11 =	vge.s32 v6, v0;
	vm12 =	vlt.s32 v6, v1;
	v5 =	vnsel vm0, $0xFFFFFFFF, v5  }
0x4a: {  	vm13 =	vge.s32 v7, v0;
	v4 =	vnsel vm0, $0xFFFFFFFF, v4;
	vm0 =	vmand vm11, vm12;
	[tilespmem:$0x0] =	vst v5;
	v5 =	vld [tilespmem:$0x30]  }
0x4b: {  	vm2 =	vlt.s32 v7, v1;
	v6 =	vsub.s32 v6, v0;
	[tilespmem:$0x200] =	vst v4;
	v4 =	vnsel vm0, $0xFFFFFFFF, v8  }
0x4c: {  	vm14 =	vge.s32 v10, v0;
	vm1 =	vmand vm13, vm2;
	[tilespmem:$0x10] =	vst v4;
	v4 =	vnsel vm0, $0xFFFFFFFF, v6  }
0x4d: {  	vm15 =	vlt.s32 v10, v1;
	v45 =	vnsel vm1, $0xFFFFFFFF, v9;
	[tilespmem:$0x210] =	vst v4;
	v4 =	vsub.s32 v7, v0  }
0x4e: {  	[tilespmem:$0x20] =	vst v45;
	vm0 =	vmand vm14, vm15;
	v4 =	vnsel vm1, $0xFFFFFFFF, v4  }
0x4f: {  	[tilespmem:$0x220] =	vst v4;
	v4 =	vnsel vm0, $0xFFFFFFFF, v5;
	v5 =	vsub.s32 v10, v0  }
0x50: {  	[tilespmem:$0x30] =	vst v4;
	v4 =	vnsel vm0, $0xFFFFFFFF, v5  }
0x51: {  	[tilespmem:$0x230] =	vst v4;
	(ifvalue) =	ssetifvalue $0xFFFFFFFF  }
0x52: {  	(ifvalue) =	ssetifvalue $0xFFFFFFFF  }
0x53: {  	[tilespmem:s29], [sflag:$0x9] =	stream.indirect.gather [spmem:s2], $0x80, s4, s28, $0x40b8;
	[tilespmem:$0x1D400] =	vst v63  }
0x54: {  	_ =	swait.ge [sflag:s30], $0x2000  }
0x55: {  	[sflag:s30] =	ssyncset.done $0x0  }
0x56: {  	s19 =	simm.s32 @!p0 $0xC;
	[sflag:s30] =	ssyncadd.s32 $0xFFFFE000;
	(ifvalue) =	ssetifvalue $0xFFFFFFFF  }
0x57: {  	[spmem:s3] =	stream.indirect.scatter.add.f32 [tilespmem:s29], [sflag:$0xB], $0x80, s20, s28, $0x40b8;
	[tilespmem:$0x1D400] =	vst v63  }
0x58: {  	_ =	swait.ge @!p0 [sflag:s19], $0x2000  }
0x59: {  	[sflag:s19] =	ssyncset.done @!p0 $0x0  }
0x5a: {  	s11 =	sadd.s32 $0x18, s11;
	[sflag:s19] =	ssyncadd.s32 @!p0 $0xFFFFE000  }
0x5b: {  	[tilespmem:s31], [sflag:$0x4] =	stream.linear.gather [hbm4b:s11+s4], $0x40, $0x38;
	[tilespmem:$0x1D400] =	vst v63  }
0x5c: {  	s20 =	sadd.s32 $0x18, s12  }
0x5d: {  	[tilespmem:s0], [sflag:$0x8] =	stream.linear.gather [hbm4b:s20+s4], $0x40, $0x38;
	[tilespmem:$0x1D400] =	vst v63  }
0x5e: {  	_ =	swait.ge [sflag:s1], $0x40  }
0x5f: {  	[sflag:s1] =	ssyncset.done $0x0  }
0x60: {  	[sflag:s1] =	ssyncadd.s32 $0xFFFFFFC0  }
0x61: {  	_ =	swait.ge [sflag:s5], $0x40  }
0x62: {  	[sflag:s5] =	ssyncset.done $0x0  }
0x63: {  	[sflag:s5] =	ssyncadd.s32 $0xFFFFFFC0  }
0x64: {  	v4 =	vld [tilespmem:$0x280]  }
0x65: {  	v5 =	vld [tilespmem:$0x80]  }
0x66: {  	v46 =	vld [tilespmem:$0x290]  }
0x67: {  	v47 =	vld [tilespmem:$0x2A0]  }
0x68: {  	v48 =	vld [tilespmem:$0x90]  }
0x69: {  	v50 =	vld [tilespmem:$0x2B0];
	vm4 =	vge.s32 v4, v0;
	vm5 =	vlt.s32 v4, v1  }
0x6a: {  	v49 =	vld [tilespmem:$0xA0];
	v4 =	vsub.s32 v4, v0;
	vm0 =	vmand vm4, vm5  }
0x6b: {  	vm6 =	vge.s32 v46, v0;
	vm7 =	vlt.s32 v46, v1;
	v5 =	vnsel vm0, $0xFFFFFFFF, v5  }
0x6c: {  	vm8 =	vge.s32 v47, v0;
	v4 =	vnsel vm0, $0xFFFFFFFF, v4;
	vm0 =	vmand vm6, vm7;
	[tilespmem:$0x80] =	vst v5;
	v5 =	vld [tilespmem:$0xB0]  }
0x6d: {  	vm9 =	vlt.s32 v47, v1;
	v6 =	vsub.s32 v46, v0;
	[tilespmem:$0x280] =	vst v4;
	v4 =	vnsel vm0, $0xFFFFFFFF, v48  }
0x6e: {  	vm10 =	vge.s32 v50, v0;
	vm1 =	vmand vm8, vm9;
	[tilespmem:$0x90] =	vst v4;
	v4 =	vnsel vm0, $0xFFFFFFFF, v6  }
0x6f: {  	vm11 =	vlt.s32 v50, v1;
	v51 =	vnsel vm1, $0xFFFFFFFF, v49;
	[tilespmem:$0x290] =	vst v4;
	v4 =	vsub.s32 v47, v0  }
0x70: {  	[tilespmem:$0xA0] =	vst v51;
	vm0 =	vmand vm10, vm11;
	v4 =	vnsel vm1, $0xFFFFFFFF, v4  }
0x71: {  	[tilespmem:$0x2A0] =	vst v4;
	v4 =	vnsel vm0, $0xFFFFFFFF, v5;
	v5 =	vsub.s32 v50, v0  }
0x72: {  	[tilespmem:$0xB0] =	vst v4;
	v4 =	vnsel vm0, $0xFFFFFFFF, v5  }
0x73: {  	[tilespmem:$0x2B0] =	vst v4;
	(ifvalue) =	ssetifvalue $0xFFFFFFFF  }
0x74: {  	(ifvalue) =	ssetifvalue $0xFFFFFFFF  }
0x75: {  	[tilespmem:s7], [sflag:$0xA] =	stream.indirect.gather [spmem:s2], $0x80, s22, s28, $0x40b8;
	[tilespmem:$0x1D400] =	vst v63  }
0x76: {  	_ =	swait.ge [sflag:s13], $0x2000  }
0x77: {  	[sflag:s13] =	ssyncset.done $0x0  }
0x78: {  	[sflag:s13] =	ssyncadd.s32 $0xFFFFE000;
	(ifvalue) =	ssetifvalue $0xFFFFFFFF  }
0x79: {  	[spmem:s3] =	stream.indirect.scatter.add.f32 [tilespmem:s7], [sflag:$0xC], $0x80, s21, s28, $0x40b8;
	[tilespmem:$0x1D400] =	vst v63  }
0x7a: {  	p0 =	seq.s32 s6, $0x9E0;
	_ =	swait.ge [sflag:s14], $0x2000  }
0x7b: {  	s11 =	sadd.s32 @!p0 s6, s17;
	[sflag:s14] =	ssyncset.done $0x0  }
0x7c: {  	s12 =	simm.s32 @!p0 $0x0;
	s19 =	sadd.s32 @!p0 $0x20, s11;
	[sflag:s14] =	ssyncadd.s32 $0xFFFFE000  }
0x7d: {  	[tilespmem:s12], [sflag:$0x1] =	stream.linear.gather @!p0 [hbm4b:s19+s12], $0x40, $0x38;
	[tilespmem:$0x1D400] =	vst v63  }
0x7e: {  	s19 =	sadd.s32 @!p0 s6, s16  }
0x7f: {  	s21 =	simm.s32 @!p0 $0x200;
	s20 =	sadd.s32 @!p0 $0x20, s19  }
0x80: {  	[tilespmem:s21], [sflag:$0x5] =	stream.linear.gather @!p0 [hbm4b:s20+s12], $0x40, $0x38;
	[tilespmem:$0x1D400] =	vst v63  }
0x81: {  	_ =	swait.ge [sflag:s15], $0x40  }
0x82: {  	[sflag:s15] =	ssyncset.done $0x0  }
0x83: {  	[sflag:s15] =	ssyncadd.s32 $0xFFFFFFC0  }
0x84: {  	_ =	swait.ge [sflag:s18], $0x40  }
0x85: {  	[sflag:s18] =	ssyncset.done $0x0  }
0x86: {  	[sflag:s18] =	ssyncadd.s32 $0xFFFFFFC0  }
0x87: {  	v4 =	vld [tilespmem:$0x300]  }
0x88: {  	v5 =	vld [tilespmem:$0x100]  }
0x89: {  	v52 =	vld [tilespmem:$0x310]  }
0x8a: {  	v53 =	vld [tilespmem:$0x320]  }
0x8b: {  	v54 =	vld [tilespmem:$0x110]  }
0x8c: {  	v56 =	vld [tilespmem:$0x330];
	vm12 =	vge.s32 v4, v0;
	vm13 =	vlt.s32 v4, v1  }
0x8d: {  	v55 =	vld [tilespmem:$0x120];
	v4 =	vsub.s32 v4, v0;
	vm0 =	vmand vm12, vm13  }
0x8e: {  	vm14 =	vge.s32 v52, v0;
	vm15 =	vlt.s32 v52, v1;
	v5 =	vnsel vm0, $0xFFFFFFFF, v5  }
0x8f: {  	vm4 =	vge.s32 v53, v0;
	v4 =	vnsel vm0, $0xFFFFFFFF, v4;
	vm0 =	vmand vm14, vm15;
	[tilespmem:$0x100] =	vst v5;
	v5 =	vld [tilespmem:$0x130]  }
0x90: {  	vm5 =	vlt.s32 v53, v1;
	v6 =	vsub.s32 v52, v0;
	[tilespmem:$0x300] =	vst v4;
	v4 =	vnsel vm0, $0xFFFFFFFF, v54  }
0x91: {  	vm6 =	vge.s32 v56, v0;
	vm1 =	vmand vm4, vm5;
	[tilespmem:$0x110] =	vst v4;
	v4 =	vnsel vm0, $0xFFFFFFFF, v6  }
0x92: {  	vm7 =	vlt.s32 v56, v1;
	v57 =	vnsel vm1, $0xFFFFFFFF, v55;
	[tilespmem:$0x310] =	vst v4;
	v4 =	vsub.s32 v53, v0  }
0x93: {  	[tilespmem:$0x120] =	vst v57;
	vm0 =	vmand vm6, vm7;
	v4 =	vnsel vm1, $0xFFFFFFFF, v4  }
0x94: {  	[tilespmem:$0x320] =	vst v4;
	v4 =	vnsel vm0, $0xFFFFFFFF, v5;
	v5 =	vsub.s32 v56, v0  }
0x95: {  	[tilespmem:$0x130] =	vst v4;
	v4 =	vnsel vm0, $0xFFFFFFFF, v5  }
0x96: {  	[tilespmem:$0x330] =	vst v4;
	(ifvalue) =	ssetifvalue $0xFFFFFFFF  }
0x97: {  	(ifvalue) =	ssetifvalue $0xFFFFFFFF  }
0x98: {  	[tilespmem:s29], [sflag:$0x9] =	stream.indirect.gather [spmem:s2], $0x80, s23, s28, $0x40b8;
	[tilespmem:$0x1D400] =	vst v63  }
0x99: {  	_ =	swait.ge [sflag:s30], $0x2000  }
0x9a: {  	[sflag:s30] =	ssyncset.done $0x0  }
0x9b: {  	[sflag:s30] =	ssyncadd.s32 $0xFFFFE000;
	(ifvalue) =	ssetifvalue $0xFFFFFFFF  }
0x9c: {  	[spmem:s3] =	stream.indirect.scatter.add.f32 [tilespmem:s29], [sflag:$0xB], $0x80, s24, s28, $0x40b8;
	[tilespmem:$0x1D400] =	vst v63  }
0x9d: {  	_ =	swait.ge [sflag:s8], $0x2000  }
0x9e: {  	[sflag:s8] =	ssyncset.done $0x0  }
0x9f: {  	s11 =	sadd.s32 @!p0 $0x28, s11;
	s20 =	simm.s32 @!p0 $0x80;
	[sflag:s8] =	ssyncadd.s32 $0xFFFFE000  }
0xa0: {  	[tilespmem:s20], [sflag:$0x2] =	stream.linear.gather @!p0 [hbm4b:s11+s12], $0x40, $0x38;
	[tilespmem:$0x1D400] =	vst v63  }
0xa1: {  	s11 =	sadd.s32 @!p0 $0x28, s19;
	s19 =	simm.s32 @!p0 $0x280  }
0xa2: {  	[tilespmem:s19], [sflag:$0x6] =	stream.linear.gather @!p0 [hbm4b:s11+s12], $0x40, $0x38;
	[tilespmem:$0x1D400] =	vst v63  }
0xa3: {  	_ =	swait.ge [sflag:s9], $0x40  }
0xa4: {  	[sflag:s9] =	ssyncset.done $0x0  }
0xa5: {  	[sflag:s9] =	ssyncadd.s32 $0xFFFFFFC0  }
0xa6: {  	_ =	swait.ge [sflag:s10], $0x40  }
0xa7: {  	[sflag:s10] =	ssyncset.done $0x0  }
0xa8: {  	[sflag:s10] =	ssyncadd.s32 $0xFFFFFFC0  }
0xa9: {  	v4 =	vld [tilespmem:$0x380]  }
0xaa: {  	v5 =	vld [tilespmem:$0x180]  }
0xab: {  	v58 =	vld [tilespmem:$0x390]  }
0xac: {  	v59 =	vld [tilespmem:$0x3A0]  }
0xad: {  	v60 =	vld [tilespmem:$0x190]  }
0xae: {  	v62 =	vld [tilespmem:$0x3B0];
	vm8 =	vge.s32 v4, v0;
	vm9 =	vlt.s32 v4, v1  }
0xaf: {  	v61 =	vld [tilespmem:$0x1A0];
	v4 =	vsub.s32 v4, v0;
	vm0 =	vmand vm8, vm9  }
0xb0: {  	vm10 =	vge.s32 v58, v0;
	vm11 =	vlt.s32 v58, v1;
	v5 =	vnsel vm0, $0xFFFFFFFF, v5  }
0xb1: {  	vm12 =	vge.s32 v59, v0;
	v4 =	vnsel vm0, $0xFFFFFFFF, v4;
	vm0 =	vmand vm10, vm11;
	[tilespmem:$0x180] =	vst v5;
	v5 =	vld [tilespmem:$0x1B0]  }
0xb2: {  	vm13 =	vlt.s32 v59, v1;
	v6 =	vsub.s32 v58, v0;
	[tilespmem:$0x380] =	vst v4;
	v4 =	vnsel vm0, $0xFFFFFFFF, v60  }
0xb3: {  	vm14 =	vge.s32 v62, v0;
	vm1 =	vmand vm12, vm13;
	[tilespmem:$0x190] =	vst v4;
	v4 =	vnsel vm0, $0xFFFFFFFF, v6  }
0xb4: {  	vm15 =	vlt.s32 v62, v1;
	v63 =	vnsel vm1, $0xFFFFFFFF, v61;
	[tilespmem:$0x390] =	vst v4;
	v4 =	vsub.s32 v59, v0  }
0xb5: {  	[tilespmem:$0x1A0] =	vst v63;
	vm0 =	vmand vm14, vm15;
	v4 =	vnsel vm1, $0xFFFFFFFF, v4  }
0xb6: {  	[tilespmem:$0x3A0] =	vst v4;
	v4 =	vnsel vm0, $0xFFFFFFFF, v5;
	v5 =	vsub.s32 v62, v0  }
0xb7: {  	[tilespmem:$0x1B0] =	vst v4;
	v4 =	vnsel vm0, $0xFFFFFFFF, v5  }
0xb8: {  	s6 =	sadd.s32 $0x20, s6;
	[tilespmem:$0x3B0] =	vst v4;
	(ifvalue) =	ssetifvalue $0xFFFFFFFF  }
0xb9: {  	p0 =	sne.s32 s6, $0xA00;
	(ifvalue) =	ssetifvalue $0xFFFFFFFF  }
0xba: {  	[tilespmem:s7], [sflag:$0xA] =	stream.indirect.gather [spmem:s2], $0x80, s31, s28, $0x40b8;
	[tilespmem:$0x1D400] =	vst v63  }
.Ltmp0:
0xbb: {  	_ = 	snop;
	(pc) =	sbr.rel @p0 .LBB2_2-.Ltmp0, $4  }
0xbc: {  	_ =	swait.ge [sflag:s13], $0x2000  }
0xbd: {  	s21 =	simm.s32 $0x280;
	[sflag:s13] =	ssyncset.done $0x0  }
0xbe: {  	s20 =	simm.s32 $0x200;
	[sflag:s13] =	ssyncadd.s32 $0xFFFFE000;
	(ifvalue) =	ssetifvalue $0xFFFFFFFF  }
0xbf: {  	[spmem:s3] =	stream.indirect.scatter.add.f32 [tilespmem:s7], [sflag:$0xC], $0x80, s0, s28, $0x40b8;
	[tilespmem:$0x1D400] =	vst v63  }
0xc0: {  	_ =	swait.ge [sflag:s14], $0x2000  }
0xc1: {  	[sflag:s14] =	ssyncset.done $0x0  }
0xc2: {  	[sflag:s14] =	ssyncadd.s32 $0xFFFFE000  }
0xc3: {  	_ =	swait.ge [sflag:s8], $0x2000  }
0xc4: {  	[sflag:s8] =	ssyncset.done $0x0  }
0xc5: {  	[sflag:s8] =	ssyncadd.s32 $0xFFFFE000  }
0xc6: {  	[bflag:$0x0] =	sbarrier.arrive $0xFFFF  }
0xc7: {  	s6 =	rddreg [dreg:$0x6]  }
0xc8: {  	s11 =	rddreg [dreg:$0xd]  }
0xc9: {  	s12 =	simm.s32 $0xD;
	s19 =	rddreg [dreg:$0x12]  }
0xca: {  	[hbm:s11], [sflag:s6] =	dma.local [spmem:s19], $0xA00  }
0xcb: {  	_ =	swait.ge [sflag:s12], $0xA00  }
0xcc: {  	[sflag:s12] =	ssyncset.done $0x0  }
0xcd: {  	s11 =	rddreg [dreg:$0x8];
	[sflag:s12] =	ssyncadd.s32 $0xFFFFF600  }
0xce: {  	[spmem:s19], [sflag:s6] =	dma.local [hbm:s11], $0xA00  }
0xcf: {  	_ =	swait.ge [sflag:s12], $0xA00  }
0xd0: {  	[sflag:s12] =	ssyncset.done $0x0  }
0xd1: {  	[sflag:s12] =	ssyncadd.s32 $0xFFFFF600  }
0xd2: {  	[bflag:$0x0] =	sbarrier.arrive $0xFFFF  }
0xd3: {  	s6 =	simm.s32 $0x0;
	s12 =	rddreg [dreg:$0x9]  }
0xd4: {  	[tilespmem:s6], [sflag:$0x1] =	stream.linear.gather [hbm4b:s12+s6], $0x40, $0x38;
	[tilespmem:$0x1D400] =	vst v63  }
0xd5: {  	s19 =	rddreg [dreg:$0xa]  }
0xd6: {  	[tilespmem:s20], [sflag:$0x5] =	stream.linear.gather [hbm4b:s19+s6], $0x40, $0x38;
	[tilespmem:$0x1D400] =	vst v63  }
0xd7: {  	s20 =	rddreg [dreg:$0xb]  }
0xd8: {  	[tilespmem:s22], [sflag:$0x2] =	stream.linear.gather [hbm4b:s20+s6], $0x40, $0x38;
	[tilespmem:$0x1D400] =	vst v63  }
0xd9: {  	s22 =	rddreg [dreg:$0xc]  }
0xda: {  	[tilespmem:s21], [sflag:$0x6] =	stream.linear.gather [hbm4b:s22+s6], $0x40, $0x38;
	[tilespmem:$0x1D400] =	vst v63  }
0xdb: {  	s22 =	simm.s32 $0x280  }
.LBB2_4:
0xdc: {  	p0 =	seq.s32 s6, $0x0  }
0xdd: {  	s12 =	simm.s32 @!p0 $0xB  }
0xde: {  	_ =	swait.ge @!p0 [sflag:s12], $0x2000  }
0xdf: {  	s11 =	sadd.s32 s6, s17;
	[sflag:s12] =	ssyncset.done @!p0 $0x0  }
0xe0: {  	s20 =	sadd.s32 s6, s16;
	s19 =	sadd.s32 $0x10, s11;
	[sflag:s12] =	ssyncadd.s32 @!p0 $0xFFFFE000  }
0xe1: {  	[tilespmem:s23], [sflag:$0x3] =	stream.linear.gather [hbm4b:s19+s4], $0x40, $0x38;
	[tilespmem:$0x1D400] =	vst v63  }
0xe2: {  	s19 =	sadd.s32 $0x10, s20  }
0xe3: {  	[tilespmem:s24], [sflag:$0x7] =	stream.linear.gather [hbm4b:s19+s4], $0x40, $0x38;
	[tilespmem:$0x1D400] =	vst v63  }
0xe4: {  	_ =	swait.ge [sflag:s25], $0x40  }
0xe5: {  	[sflag:s25] =	ssyncset.done $0x0  }
0xe6: {  	[sflag:s25] =	ssyncadd.s32 $0xFFFFFFC0  }
0xe7: {  	_ =	swait.ge [sflag:s26], $0x40  }
0xe8: {  	[sflag:s26] =	ssyncset.done $0x0  }
0xe9: {  	[sflag:s26] =	ssyncadd.s32 $0xFFFFFFC0  }
0xea: {  	v4 =	vld [tilespmem:$0x200]  }
0xeb: {  	v5 =	vld [tilespmem:$0x0]  }
0xec: {  	v6 =	vld [tilespmem:$0x210]  }
0xed: {  	v7 =	vld [tilespmem:$0x220]  }
0xee: {  	v8 =	vld [tilespmem:$0x10]  }
0xef: {  	v10 =	vld [tilespmem:$0x230];
	vm0 =	vge.s32 v4, v2;
	vm1 =	vlt.s32 v4, v3  }
0xf0: {  	v9 =	vld [tilespmem:$0x20];
	v4 =	vsub.s32 v4, v2;
	vm0 =	vmand vm0, vm1  }
0xf1: {  	vm11 =	vge.s32 v6, v2;
	vm12 =	vlt.s32 v6, v3;
	v5 =	vnsel vm0, $0xFFFFFFFF, v5  }
0xf2: {  	vm13 =	vge.s32 v7, v2;
	v4 =	vnsel vm0, $0xFFFFFFFF, v4;
	vm0 =	vmand vm11, vm12;
	[tilespmem:$0x0] =	vst v5;
	v5 =	vld [tilespmem:$0x30]  }
0xf3: {  	vm2 =	vlt.s32 v7, v3;
	v6 =	vsub.s32 v6, v2;
	[tilespmem:$0x200] =	vst v4;
	v4 =	vnsel vm0, $0xFFFFFFFF, v8  }
0xf4: {  	vm14 =	vge.s32 v10, v2;
	vm1 =	vmand vm13, vm2;
	[tilespmem:$0x10] =	vst v4;
	v4 =	vnsel vm0, $0xFFFFFFFF, v6  }
0xf5: {  	vm15 =	vlt.s32 v10, v3;
	v45 =	vnsel vm1, $0xFFFFFFFF, v9;
	[tilespmem:$0x210] =	vst v4;
	v4 =	vsub.s32 v7, v2  }
0xf6: {  	[tilespmem:$0x20] =	vst v45;
	vm0 =	vmand vm14, vm15;
	v4 =	vnsel vm1, $0xFFFFFFFF, v4  }
0xf7: {  	[tilespmem:$0x220] =	vst v4;
	v4 =	vnsel vm0, $0xFFFFFFFF, v5;
	v5 =	vsub.s32 v10, v2  }
0xf8: {  	[tilespmem:$0x30] =	vst v4;
	v4 =	vnsel vm0, $0xFFFFFFFF, v5  }
0xf9: {  	[tilespmem:$0x230] =	vst v4;
	(ifvalue) =	ssetifvalue $0xFFFFFFFF  }
0xfa: {  	(ifvalue) =	ssetifvalue $0xFFFFFFFF  }
0xfb: {  	[tilespmem:s29], [sflag:$0x9] =	stream.indirect.gather [spmem:s2], $0x80, s4, s28, $0x40b8;
	[tilespmem:$0x1D400] =	vst v63  }
0xfc: {  	_ =	swait.ge [sflag:s30], $0x2000  }
0xfd: {  	s21 =	simm.s32 $0x200;
	[sflag:s30] =	ssyncset.done $0x0  }
0xfe: {  	s19 =	simm.s32 @!p0 $0xC;
	[sflag:s30] =	ssyncadd.s32 $0xFFFFE000;
	(ifvalue) =	ssetifvalue $0xFFFFFFFF  }
0xff: {  	[spmem:s3] =	stream.indirect.scatter.add.f32 [tilespmem:s29], [sflag:$0xB], $0x80, s21, s28, $0x40b8;
	[tilespmem:$0x1D400] =	vst v63  }
0x100: {  	_ =	swait.ge @!p0 [sflag:s19], $0x2000  }
0x101: {  	[sflag:s19] =	ssyncset.done @!p0 $0x0  }
0x102: {  	s11 =	sadd.s32 $0x18, s11;
	[sflag:s19] =	ssyncadd.s32 @!p0 $0xFFFFE000  }
0x103: {  	[tilespmem:s31], [sflag:$0x4] =	stream.linear.gather [hbm4b:s11+s4], $0x40, $0x38;
	[tilespmem:$0x1D400] =	vst v63  }
0x104: {  	s20 =	sadd.s32 $0x18, s20  }
0x105: {  	[tilespmem:s0], [sflag:$0x8] =	stream.linear.gather [hbm4b:s20+s4], $0x40, $0x38;
	[tilespmem:$0x1D400] =	vst v63  }
0x106: {  	_ =	swait.ge [sflag:s1], $0x40  }
0x107: {  	[sflag:s1] =	ssyncset.done $0x0  }
0x108: {  	[sflag:s1] =	ssyncadd.s32 $0xFFFFFFC0  }
0x109: {  	_ =	swait.ge [sflag:s5], $0x40  }
0x10a: {  	[sflag:s5] =	ssyncset.done $0x0  }
0x10b: {  	[sflag:s5] =	ssyncadd.s32 $0xFFFFFFC0  }
0x10c: {  	v4 =	vld [tilespmem:$0x280]  }
0x10d: {  	v5 =	vld [tilespmem:$0x80]  }
0x10e: {  	v46 =	vld [tilespmem:$0x290]  }
0x10f: {  	v47 =	vld [tilespmem:$0x2A0]  }
0x110: {  	v48 =	vld [tilespmem:$0x90]  }
0x111: {  	v50 =	vld [tilespmem:$0x2B0];
	vm4 =	vge.s32 v4, v2;
	vm5 =	vlt.s32 v4, v3  }
0x112: {  	v49 =	vld [tilespmem:$0xA0];
	v4 =	vsub.s32 v4, v2;
	vm0 =	vmand vm4, vm5  }
0x113: {  	vm6 =	vge.s32 v46, v2;
	vm7 =	vlt.s32 v46, v3;
	v5 =	vnsel vm0, $0xFFFFFFFF, v5  }
0x114: {  	vm8 =	vge.s32 v47, v2;
	v4 =	vnsel vm0, $0xFFFFFFFF, v4;
	vm0 =	vmand vm6, vm7;
	[tilespmem:$0x80] =	vst v5;
	v5 =	vld [tilespmem:$0xB0]  }
0x115: {  	vm9 =	vlt.s32 v47, v3;
	v6 =	vsub.s32 v46, v2;
	[tilespmem:$0x280] =	vst v4;
	v4 =	vnsel vm0, $0xFFFFFFFF, v48  }
0x116: {  	vm10 =	vge.s32 v50, v2;
	vm1 =	vmand vm8, vm9;
	[tilespmem:$0x90] =	vst v4;
	v4 =	vnsel vm0, $0xFFFFFFFF, v6  }
0x117: {  	vm11 =	vlt.s32 v50, v3;
	v51 =	vnsel vm1, $0xFFFFFFFF, v49;
	[tilespmem:$0x290] =	vst v4;
	v4 =	vsub.s32 v47, v2  }
0x118: {  	[tilespmem:$0xA0] =	vst v51;
	vm0 =	vmand vm10, vm11;
	v4 =	vnsel vm1, $0xFFFFFFFF, v4  }
0x119: {  	[tilespmem:$0x2A0] =	vst v4;
	v4 =	vnsel vm0, $0xFFFFFFFF, v5;
	v5 =	vsub.s32 v50, v2  }
0x11a: {  	[tilespmem:$0xB0] =	vst v4;
	v4 =	vnsel vm0, $0xFFFFFFFF, v5  }
0x11b: {  	[tilespmem:$0x2B0] =	vst v4;
	(ifvalue) =	ssetifvalue $0xFFFFFFFF  }
0x11c: {  	s21 =	simm.s32 $0x80;
	(ifvalue) =	ssetifvalue $0xFFFFFFFF  }
0x11d: {  	[tilespmem:s7], [sflag:$0xA] =	stream.indirect.gather [spmem:s2], $0x80, s21, s28, $0x40b8;
	[tilespmem:$0x1D400] =	vst v63  }
0x11e: {  	_ =	swait.ge [sflag:s13], $0x2000  }
0x11f: {  	[sflag:s13] =	ssyncset.done $0x0  }
0x120: {  	[sflag:s13] =	ssyncadd.s32 $0xFFFFE000;
	(ifvalue) =	ssetifvalue $0xFFFFFFFF  }
0x121: {  	[spmem:s3] =	stream.indirect.scatter.add.f32 [tilespmem:s7], [sflag:$0xC], $0x80, s22, s28, $0x40b8;
	[tilespmem:$0x1D400] =	vst v63  }
0x122: {  	p0 =	seq.s32 s6, $0x9E0;
	_ =	swait.ge [sflag:s14], $0x2000  }
0x123: {  	s11 =	sadd.s32 @!p0 s6, s17;
	[sflag:s14] =	ssyncset.done $0x0  }
0x124: {  	s12 =	simm.s32 @!p0 $0x0;
	s19 =	sadd.s32 @!p0 $0x20, s11;
	[sflag:s14] =	ssyncadd.s32 $0xFFFFE000  }
0x125: {  	[tilespmem:s12], [sflag:$0x1] =	stream.linear.gather @!p0 [hbm4b:s19+s12], $0x40, $0x38;
	[tilespmem:$0x1D400] =	vst v63  }
0x126: {  	s19 =	sadd.s32 @!p0 s6, s16  }
0x127: {  	s21 =	simm.s32 @!p0 $0x200;
	s20 =	sadd.s32 @!p0 $0x20, s19  }
0x128: {  	[tilespmem:s21], [sflag:$0x5] =	stream.linear.gather @!p0 [hbm4b:s20+s12], $0x40, $0x38;
	[tilespmem:$0x1D400] =	vst v63  }
0x129: {  	_ =	swait.ge [sflag:s15], $0x40  }
0x12a: {  	[sflag:s15] =	ssyncset.done $0x0  }
0x12b: {  	[sflag:s15] =	ssyncadd.s32 $0xFFFFFFC0  }
0x12c: {  	_ =	swait.ge [sflag:s18], $0x40  }
0x12d: {  	[sflag:s18] =	ssyncset.done $0x0  }
0x12e: {  	[sflag:s18] =	ssyncadd.s32 $0xFFFFFFC0  }
0x12f: {  	v4 =	vld [tilespmem:$0x300]  }
0x130: {  	v5 =	vld [tilespmem:$0x100]  }
0x131: {  	v52 =	vld [tilespmem:$0x310]  }
0x132: {  	v53 =	vld [tilespmem:$0x320]  }
0x133: {  	v54 =	vld [tilespmem:$0x110]  }
0x134: {  	v56 =	vld [tilespmem:$0x330];
	vm12 =	vge.s32 v4, v2;
	vm13 =	vlt.s32 v4, v3  }
0x135: {  	v55 =	vld [tilespmem:$0x120];
	v4 =	vsub.s32 v4, v2;
	vm0 =	vmand vm12, vm13  }
0x136: {  	vm14 =	vge.s32 v52, v2;
	vm15 =	vlt.s32 v52, v3;
	v5 =	vnsel vm0, $0xFFFFFFFF, v5  }
0x137: {  	vm4 =	vge.s32 v53, v2;
	v4 =	vnsel vm0, $0xFFFFFFFF, v4;
	vm0 =	vmand vm14, vm15;
	[tilespmem:$0x100] =	vst v5;
	v5 =	vld [tilespmem:$0x130]  }
0x138: {  	vm5 =	vlt.s32 v53, v3;
	v6 =	vsub.s32 v52, v2;
	[tilespmem:$0x300] =	vst v4;
	v4 =	vnsel vm0, $0xFFFFFFFF, v54  }
0x139: {  	vm6 =	vge.s32 v56, v2;
	vm1 =	vmand vm4, vm5;
	[tilespmem:$0x110] =	vst v4;
	v4 =	vnsel vm0, $0xFFFFFFFF, v6  }
0x13a: {  	vm7 =	vlt.s32 v56, v3;
	v57 =	vnsel vm1, $0xFFFFFFFF, v55;
	[tilespmem:$0x310] =	vst v4;
	v4 =	vsub.s32 v53, v2  }
0x13b: {  	[tilespmem:$0x120] =	vst v57;
	vm0 =	vmand vm6, vm7;
	v4 =	vnsel vm1, $0xFFFFFFFF, v4  }
0x13c: {  	[tilespmem:$0x320] =	vst v4;
	v4 =	vnsel vm0, $0xFFFFFFFF, v5;
	v5 =	vsub.s32 v56, v2  }
0x13d: {  	[tilespmem:$0x130] =	vst v4;
	v4 =	vnsel vm0, $0xFFFFFFFF, v5  }
0x13e: {  	[tilespmem:$0x330] =	vst v4;
	(ifvalue) =	ssetifvalue $0xFFFFFFFF  }
0x13f: {  	(ifvalue) =	ssetifvalue $0xFFFFFFFF  }
0x140: {  	[tilespmem:s29], [sflag:$0x9] =	stream.indirect.gather [spmem:s2], $0x80, s23, s28, $0x40b8;
	[tilespmem:$0x1D400] =	vst v63  }
0x141: {  	_ =	swait.ge [sflag:s30], $0x2000  }
0x142: {  	[sflag:s30] =	ssyncset.done $0x0  }
0x143: {  	[sflag:s30] =	ssyncadd.s32 $0xFFFFE000;
	(ifvalue) =	ssetifvalue $0xFFFFFFFF  }
0x144: {  	[spmem:s3] =	stream.indirect.scatter.add.f32 [tilespmem:s29], [sflag:$0xB], $0x80, s24, s28, $0x40b8;
	[tilespmem:$0x1D400] =	vst v63  }
0x145: {  	_ =	swait.ge [sflag:s8], $0x2000  }
0x146: {  	[sflag:s8] =	ssyncset.done $0x0  }
0x147: {  	s11 =	sadd.s32 @!p0 $0x28, s11;
	s20 =	simm.s32 @!p0 $0x80;
	[sflag:s8] =	ssyncadd.s32 $0xFFFFE000  }
0x148: {  	[tilespmem:s20], [sflag:$0x2] =	stream.linear.gather @!p0 [hbm4b:s11+s12], $0x40, $0x38;
	[tilespmem:$0x1D400] =	vst v63  }
0x149: {  	s11 =	sadd.s32 @!p0 $0x28, s19;
	s19 =	simm.s32 @!p0 $0x280  }
0x14a: {  	[tilespmem:s19], [sflag:$0x6] =	stream.linear.gather @!p0 [hbm4b:s11+s12], $0x40, $0x38;
	[tilespmem:$0x1D400] =	vst v63  }
0x14b: {  	_ =	swait.ge [sflag:s9], $0x40  }
0x14c: {  	[sflag:s9] =	ssyncset.done $0x0  }
0x14d: {  	[sflag:s9] =	ssyncadd.s32 $0xFFFFFFC0  }
0x14e: {  	_ =	swait.ge [sflag:s10], $0x40  }
0x14f: {  	[sflag:s10] =	ssyncset.done $0x0  }
0x150: {  	[sflag:s10] =	ssyncadd.s32 $0xFFFFFFC0  }
0x151: {  	v4 =	vld [tilespmem:$0x380]  }
0x152: {  	v5 =	vld [tilespmem:$0x180]  }
0x153: {  	v58 =	vld [tilespmem:$0x390]  }
0x154: {  	v59 =	vld [tilespmem:$0x3A0]  }
0x155: {  	v60 =	vld [tilespmem:$0x190]  }
0x156: {  	v62 =	vld [tilespmem:$0x3B0];
	vm8 =	vge.s32 v4, v2;
	vm9 =	vlt.s32 v4, v3  }
0x157: {  	v61 =	vld [tilespmem:$0x1A0];
	v4 =	vsub.s32 v4, v2;
	vm0 =	vmand vm8, vm9  }
0x158: {  	vm10 =	vge.s32 v58, v2;
	vm11 =	vlt.s32 v58, v3;
	v5 =	vnsel vm0, $0xFFFFFFFF, v5  }
0x159: {  	vm12 =	vge.s32 v59, v2;
	v4 =	vnsel vm0, $0xFFFFFFFF, v4;
	vm0 =	vmand vm10, vm11;
	[tilespmem:$0x180] =	vst v5;
	v5 =	vld [tilespmem:$0x1B0]  }
0x15a: {  	vm13 =	vlt.s32 v59, v3;
	v6 =	vsub.s32 v58, v2;
	[tilespmem:$0x380] =	vst v4;
	v4 =	vnsel vm0, $0xFFFFFFFF, v60  }
0x15b: {  	vm14 =	vge.s32 v62, v2;
	vm1 =	vmand vm12, vm13;
	[tilespmem:$0x190] =	vst v4;
	v4 =	vnsel vm0, $0xFFFFFFFF, v6  }
0x15c: {  	vm15 =	vlt.s32 v62, v3;
	v63 =	vnsel vm1, $0xFFFFFFFF, v61;
	[tilespmem:$0x390] =	vst v4;
	v4 =	vsub.s32 v59, v2  }
0x15d: {  	[tilespmem:$0x1A0] =	vst v63;
	vm0 =	vmand vm14, vm15;
	v4 =	vnsel vm1, $0xFFFFFFFF, v4  }
0x15e: {  	[tilespmem:$0x3A0] =	vst v4;
	v4 =	vnsel vm0, $0xFFFFFFFF, v5;
	v5 =	vsub.s32 v62, v2  }
0x15f: {  	[tilespmem:$0x1B0] =	vst v4;
	v4 =	vnsel vm0, $0xFFFFFFFF, v5  }
0x160: {  	s6 =	sadd.s32 $0x20, s6;
	[tilespmem:$0x3B0] =	vst v4;
	(ifvalue) =	ssetifvalue $0xFFFFFFFF  }
0x161: {  	p0 =	sne.s32 s6, $0xA00;
	(ifvalue) =	ssetifvalue $0xFFFFFFFF  }
0x162: {  	[tilespmem:s7], [sflag:$0xA] =	stream.indirect.gather [spmem:s2], $0x80, s31, s28, $0x40b8;
	[tilespmem:$0x1D400] =	vst v63  }
.Ltmp1:
0x163: {  	_ = 	snop;
	(pc) =	sbr.rel @p0 .LBB2_4-.Ltmp1, $4  }
0x164: {  	_ =	swait.ge [sflag:s13], $0x2000  }
0x165: {  	[sflag:s13] =	ssyncset.done $0x0  }
0x166: {  	[sflag:s13] =	ssyncadd.s32 $0xFFFFE000;
	(ifvalue) =	ssetifvalue $0xFFFFFFFF  }
0x167: {  	[spmem:s3] =	stream.indirect.scatter.add.f32 [tilespmem:s7], [sflag:$0xC], $0x80, s0, s28, $0x40b8;
	[tilespmem:$0x1D400] =	vst v63  }
0x168: {  	_ =	swait.ge [sflag:s14], $0x2000  }
0x169: {  	[sflag:s14] =	ssyncset.done $0x0  }
0x16a: {  	[sflag:s14] =	ssyncadd.s32 $0xFFFFE000  }
0x16b: {  	_ =	swait.ge [sflag:s8], $0x2000  }
0x16c: {  	[sflag:s8] =	ssyncset.done $0x0  }
0x16d: {  	[sflag:s8] =	ssyncadd.s32 $0xFFFFE000  }
0x16e: {  	[bflag:$0x0] =	sbarrier.arrive $0xFFFF  }
0x16f: {  	s20 =	rddreg [dreg:$0x6]  }
0x170: {  	s6 =	rddreg [dreg:$0xe]  }
0x171: {  	s21 =	simm.s32 $0xD;
	s11 =	rddreg [dreg:$0x12]  }
0x172: {  	[hbm:s6], [sflag:s20] =	dma.local [spmem:s11], $0xA00  }
0x173: {  	_ =	swait.ge [sflag:s21], $0xA00  }
0x174: {  	s19 =	rddreg [dreg:$0x11]  }
0x175: {  	s22 =	rddreg [dreg:$0xf];
	s11 =	sadd.s32 $0x1, s19  }
0x176: {  	p0 =	sne.s32 s11, s22  }
.Ltmp2:
0x177: {  	_ = 	snop;
	(pc) =	sbr.rel @p0 .LBB2_1-.Ltmp2, $3  }
0x178: {  	_ =	sdelay $0x1  }
0x179: {  	[sflag:s21] =	ssyncset.done $0x0  }
0x17a: {  	[sflag:s21] =	ssyncadd.s32 $0xFFFFF600;
	s22 =	simm.s32 $0x80  }
0x17b: {  	_ =	sfence.sel $0x180000  }
0x17c: {  	[bflag:$0x0] =	sbarrier.arrive $0xFFFF  }
0x17d: {  	_ =	strace $0x9000004A  }
0x17e: {  	s0 =	stileid.u32;
	[bflag:$0x2] =	sbarrier.arrive $0xFFFF  }
0x17f: {  	p0 =	sne.s32 s0, $0x0;
	s0 =	rddreg [dreg:$0x4]  }
0x180: {  	s0 =	sadd.s32 @!p0 $0x100000, s0  }
0x181: {  	[sflag:s0] =	ssyncadd.tile.s32 @!p0 $0x1;
	_ =	shalt  }
.Lfunc_end2:
_tile_overlayer_lowered:
.L_overlay_start_2:
0x182: {  	(tag) =	ssettag $0x2  }
0x183: {  	s0 =	rddreg [dreg:$0x0];
	s2 =	stileid.u32  }
0x184: {  	s1 =	rddreg [dreg:$0x1];
	p0 =	sne.s32 s2, $0x0  }
0x185: {  	s3 =	rddreg [dreg:$0x2];
	[bflag:$0x3] =	sbarrier.arrive $0xFFFF;
	s2 =	simm.s32 @!p0 $0x1C0D  }
0x186: {  	[timem:s3], [sflag:s2] =	dma.local @!p0 [hbm:s0], s1  }
0x187: {  	s0 =	simm.s32 @!p0 $0xD  }
0x188: {  	_ =	swait.ge @!p0 [sflag:s0], s1  }
0x189: {  	s1 =	ssub.s32 @!p0 $0x0, s1;
	[sflag:s0] =	ssyncset.done @!p0 $0x0  }
0x18a: {  	[sflag:s0] =	ssyncadd.s32 @!p0 s1  }
0x18b: {  	[bflag:$0x3] =	sbarrier.arrive $0xFFFF  }
0x18c: {  	_ =	shalt  }

// kernel: kernel.14.cloned.1.call-start
scs
__scs_entry_jumppad:
0x0: {  	(pc) =	sbr.rel $0x88, $3  }
0x1: {  	(tag) =	ssettag $0x0;
	lr =	simm.s32 $0x1  }
0x2: {  	[smem:$0x3F97] =	sst lr;
	_ =	strace $0xD0000000  }
0x3: {  	_ = 	snop  }
0x4: {  	_ = 	snop  }
0x5: {  	_ = 	snop  }
0x6: {  	_ = 	snop  }
0x7: {  	_ = 	snop  }
__scs_overlays_trampoline_lowered:
0x8: {  	[smem:$0x3FA6] =	sst s0  }
0x9: {  	[smem:$0x3FA7] =	sst s1  }
0xa: {  	[smem:$0x3FA8] =	sst s2  }
0xb: {  	[smem:$0x3FA9] =	sst s3  }
0xc: {  	[smem:$0x3FAA] =	sst s4  }
0xd: {  	[smem:$0x3FAB] =	sst s5  }
0xe: {  	[smem:$0x3FAC] =	sst s6  }
0xf: {  	[smem:$0x3FAD] =	sst s7  }
0x10: {  	[smem:$0x3FAE] =	sst s8  }
0x11: {  	[smem:$0x3FAF] =	sst s9;
	s0 =	simm.s32 @!p0 $0x0  }
0x12: {  	s1 =	sld [smem:$0x3F95];
	s0 =	simm.s32 @p0 $0x1  }
0x13: {  	[smem:$0x3FB0] =	sst s0;
	s0 =	simm.s32 @!p1 $0x0  }
0x14: {  	s2 =	sld [smem:$0x3F94];
	s0 =	simm.s32 @p1 $0x1  }
0x15: {  	[smem:$0x3FB1] =	sst s0;
	s0 =	simm.s32 @!p2 $0x0  }
0x16: {  	s3 =	sld [smem:$0x3FDB];
	s0 =	simm.s32 @p2 $0x1  }
0x17: {  	s4 =	simm.s32 $0x1BF5;
	[smem:$0x3FB3] =	sst s0  }
0x18: {  	s0 =	sld [smem:$0x3F96];
	_ =	swait.ge [sflag:s4], $0x0  }
0x19: {  	s7 =	sld [smem:$0x3F97]  }
0x1a: {  	s8 =	sadd.s32 $0xFFFFE003, lr  }
0x1b: {  	s9 =	sadd.s32 $0xFFFFFEF7, lr;
	s5 =	simm.s32 $0xFFFFFFFF;
	p2 =	slt.u32 s8, $0xFFFFF086  }
0x1c: {  	p1 =	slt.u32 s9, $0xF7A;
	s5 =	simm.s32 @!p2 $0x0  }
0x1d: {  	s5 =	simm.s32 @p1 $0x1;
	p0 =	seq.s32 s7, s2  }
0x1e: {  	s7 =	smul.u32 @!p0 $0xF7A, s2;
	p2 =	seq.s32 @!p0 s5, $0x0  }
0x1f: {  	s9 =	smul.u32 $0xF7A, s1;
	s8 =	simm.s32 @!p0 $0x1BF5;
	p2 =	por !p2, p0  }
0x20: {  	[sflag:s8] =	ssyncset.s32 @!p0 $0xFFFFF086;
	s6 =	sadd.s32 @!p0 s3, s7;
	s7 =	simm.s32 @!p0 $0x108  }
0x21: {  	s3 =	sadd.s32 s3, s9;
	s6 =	sadd.s32 @!p0 $0x88, s6;
	s7 =	simm.s32 @p2 $0x1082  }
0x22: {  	[simem:s7], [sflag:s8] =	dma.local @!p0 [hbm:s6], $0xF7A  }
0x23: {  	s9 =	sor.u32 $0xD0000000, s2;
	s6 =	simm.s32 $0x108;
	_ =	swait.ge @!p0 [sflag:s8], $0x0  }
0x24: {  	s3 =	sadd.s32 $0x88, s3;
	s6 =	simm.s32 @!p1 $0x1082;
	[sflag:s4] =	ssyncset.s32 $0xFFFFF086  }
0x25: {  	[simem:s6], [sflag:s4] =	dma.local [hbm:s3], $0xF7A  }
0x26: {  	[smem:$0x3F97] =	sst s1;
	(tag) =	ssettag s2;
	_ =	strace s9  }
0x27: {  	s1 =	sld [smem:$0x3FA7]  }
0x28: {  	s2 =	sld [smem:$0x3FA8]  }
0x29: {  	s4 =	sld [smem:$0x3FAA]  }
0x2a: {  	p0 =	seq.s32 s5, $0x0;
	s5 =	sld [smem:$0x3FAB]  }
0x2b: {  	s6 =	sld [smem:$0x3FAC]  }
0x2c: {  	s7 =	sld [smem:$0x3FAD]  }
0x2d: {  	s3 =	simm.s32 $0x108;
	s8 =	sld [smem:$0x3FAE]  }
0x2e: {  	s3 =	simm.s32 @!p0 $0x1082;
	s9 =	sld [smem:$0x3FAF]  }
0x2f: {  	lr =	sadd.s32 s0, s3;
	s0 =	sld [smem:$0x3FA6]  }
0x30: {  	s3 =	sld [smem:$0x3FA9]  }
0x31: {  	[smem:$0x3FB2] =	sst s10  }
0x32: {  	s10 =	sld [smem:$0x3FB0];
	_ =	sdelay $0x3  }
0x33: {  	p0 =	seq.s32 s10, $0x1;
	s10 =	sld [smem:$0x3FB2];
	_ =	sdelay $0x3  }
0x34: {  	[smem:$0x3FB2] =	sst s10  }
0x35: {  	s10 =	sld [smem:$0x3FB1];
	_ =	sdelay $0x3  }
0x36: {  	p1 =	seq.s32 s10, $0x1;
	s10 =	sld [smem:$0x3FB2];
	_ =	sdelay $0x3  }
0x37: {  	[smem:$0x3FB2] =	sst s10  }
0x38: {  	s10 =	sld [smem:$0x3FB3]  }
0x39: {  	_ = 	snop;
	(pc) =	sbr.ind lr, $3  }
0x3a: {  	_ = 	snop  }
0x3b: {  	_ = 	snop  }
0x3c: {  	p2 =	seq.s32 s10, $0x1;
	s10 =	sld [smem:$0x3FB2]  }
0x3d: {  	_ =	shalt  }
0x3e: {  	_ =	shalt  }
0x3f: {  	_ =	shalt  }
0x40: {  	_ =	shalt  }
0x41: {  	_ =	shalt  }
0x42: {  	_ =	shalt  }
0x43: {  	_ =	shalt  }
0x44: {  	_ =	shalt  }
0x45: {  	_ =	shalt  }
0x46: {  	_ =	shalt  }
0x47: {  	_ =	shalt  }
0x48: {  	_ =	shalt  }
0x49: {  	_ =	shalt  }
0x4a: {  	_ =	shalt  }
0x4b: {  	_ =	shalt  }
0x4c: {  	_ =	shalt  }
0x4d: {  	_ =	shalt  }
0x4e: {  	_ =	shalt  }
0x4f: {  	_ =	shalt  }
0x50: {  	_ =	shalt  }
0x51: {  	_ =	shalt  }
0x52: {  	_ =	shalt  }
0x53: {  	_ =	shalt  }
0x54: {  	_ =	shalt  }
0x55: {  	_ =	shalt  }
0x56: {  	_ =	shalt  }
0x57: {  	_ =	shalt  }
0x58: {  	_ =	shalt  }
0x59: {  	_ =	shalt  }
0x5a: {  	_ =	shalt  }
0x5b: {  	_ =	shalt  }
0x5c: {  	_ =	shalt  }
0x5d: {  	_ =	shalt  }
0x5e: {  	_ =	shalt  }
0x5f: {  	_ =	shalt  }
0x60: {  	_ =	shalt  }
0x61: {  	_ =	shalt  }
0x62: {  	_ =	shalt  }
0x63: {  	_ =	shalt  }
0x64: {  	_ =	shalt  }
0x65: {  	_ =	shalt  }
0x66: {  	_ =	shalt  }
0x67: {  	_ =	shalt  }
0x68: {  	_ =	shalt  }
0x69: {  	_ =	shalt  }
0x6a: {  	_ =	shalt  }
0x6b: {  	_ =	shalt  }
0x6c: {  	_ =	shalt  }
0x6d: {  	_ =	shalt  }
0x6e: {  	_ =	shalt  }
0x6f: {  	_ =	shalt  }
0x70: {  	_ =	shalt  }
0x71: {  	_ =	shalt  }
0x72: {  	_ =	shalt  }
0x73: {  	_ =	shalt  }
0x74: {  	_ =	shalt  }
0x75: {  	_ =	shalt  }
0x76: {  	_ =	shalt  }
0x77: {  	_ =	shalt  }
0x78: {  	_ =	shalt  }
0x79: {  	_ =	shalt  }
0x7a: {  	_ =	shalt  }
0x7b: {  	_ =	shalt  }
0x7c: {  	_ =	shalt  }
0x7d: {  	_ =	shalt  }
0x7e: {  	_ =	shalt  }
0x7f: {  	_ =	shalt  }
0x80: {  	_ =	shalt  }
0x81: {  	_ =	shalt  }
0x82: {  	_ =	shalt  }
0x83: {  	_ =	shalt  }
0x84: {  	_ =	shalt  }
0x85: {  	_ =	shalt  }
0x86: {  	_ =	shalt  }
0x87: {  	_ =	shalt  }
.Lfunc_end0:
.L_simem_size_0:
called_computation.2_lowered:
.L_overlay_start_0:
0x88: {  	s2 =	sld [smem:$0x3FD9]  }
0x89: {  	s3 =	sld [smem:$0x3FFE];
	_ =	sdelay $0x1  }
0x8a: {  	s1 =	srdreg.scid  }
0x8b: {  	s0 =	sand.u32 $0x1, s1  }
0x8c: {  	s17 =	sshll.u32 s0, $0xA;
	s2 =	sadd.s32 s3, s2  }
0x8d: {  	s2 =	sadd.s32 s2, s17  }
0x8e: {  	[smem:$0x3FBE] =	sst s2  }
0x8f: {  	_ = 	snop  }
0x90: {  	s2 =	sld [smem:$0x3FD0];
	(tm) =	ssettm $0x1  }
0x91: {  	s18 =	sld [smem:$0x3FFB];
	_ =	sdelay $0x3  }
0x92: {  	_ =	strace s18  }
0x93: {  	s3 =	sld [smem:$0x3FFC];
	_ =	sdelay $0x3  }
0x94: {  	_ =	strace s3  }
0x95: {  	s3 =	sld [smem:$0x3FFD];
	_ =	sdelay $0x3  }
0x96: {  	_ =	strace s3  }
0x97: {  	_ =	strace $0x8FFFFFFF  }
0x98: {  	s19 =	sld [smem:$0x3FDB];
	_ =	sdelay $0x1  }
0x99: {  	s4 =	simm.s32 $_scs_section_size  }
0x9a: {  	s5 =	simm.s32 $_size__tile_overlayer_lowered;
	s6 =	simm.s32 $_tile_overlayer_lowered  }
0x9b: {  	s22 =	simm.s32 $0x1BFF;
	s21 =	sshll.u32 s6, $0x1;
	s3 =	sadd.s32 s4, s19  }
0x9c: {  	s7 =	simm.s32 $0x0;
	s20 =	sshll.u32 s5, $0x1;
	s5 =	sadd.s32 s21, s3  }
0x9d: {  	[timem:s7], [sflag:s22] =	dma.local [hbm:s5], s20  }
0x9e: {  	_ =	swait.ge [sflag:s22], s20  }
0x9f: {  	s4 =	ssub.s32 $0x0, s20;
	[sflag:s22] =	ssyncset.done $0x0  }
0xa0: {  	[sflag:s22] =	ssyncadd.s32 s4;
	_ =	sdelay $0x1  }
0xa1: {  	s23 =	simm.s32 $0x1B8B  }
0xa2: {  	_ =	swait.ge [sflag:s23], $0x1  }
0xa3: {  	[sflag:s23] =	ssyncset.done $0x0  }
0xa4: {  	s25 =	simm.s32 $0x1B8E;
	s24 =	sld [smem:$0x3FFE];
	[sflag:s23] =	ssyncadd.s32 $0xFFFFFFFF  }
0xa5: {  	s26 =	simm.s32 $execute0_lowered;
	[smem:$0x3FD2] =	sst s25  }
0xa6: {  	s5 =	sshll.u32 s26, $0x1;
	_ =	strace $0x8000004C;
	[dreg:$0x1] =	wrdreg $0xFFFFFFFF  }
0xa7: {  	s28 =	simm.s32 $_size_execute0_lowered;
	s3 =	sadd.s32 s3, s5;
	[dreg:$0x0] =	wrdreg $0x0  }
0xa8: {  	s5 =	sshll.u32 s28, $0x1;
	[dreg:$0x2] =	wrdreg s3  }
0xa9: {  	[dreg:$0x3] =	wrdreg s5  }
0xaa: {  	[dreg:$0x4] =	wrdreg $0xC0  }
0xab: {  	_ =	task [dreg:s7], $0x5FFFF  }
0xac: {  	[dreg:$0x1] =	wrdreg $0xFFFFFFFF  }
0xad: {  	[dreg:$0x0] =	wrdreg $0x60  }
0xae: {  	[dreg:$0x2] =	wrdreg s24  }
0xaf: {  	[dreg:$0x3] =	wrdreg s2  }
0xb0: {  	[dreg:$0x4] =	wrdreg $0x44000  }
0xb1: {  	[dreg:$0x5] =	wrdreg $0x184000  }
0xb2: {  	[dreg:$0x6] =	wrdreg $0x9  }
0xb3: {  	_ =	task.clear_ibuf [dreg:s7], $0x7FFFF;
	_ =	strace $0x9000004C  }
0xb4: {  	s29 =	simm.s32 $0x9;
	_ =	strace $0x8000004E  }
0xb5: {  	_ =	swait.ge [sflag:s29], $0x1  }
0xb6: {  	[sflag:s29] =	ssyncadd.s32 $0xFFFFFFFF  }
0xb7: {  	_ =	strace $0x9000004E  }
0xb8: {  	_ =	sfence  }
0xb9: {  	s30 =	sld [smem:$0x0];
	_ =	sdelay $0x2  }
0xba: {  	s31 =	sshll.u32 s1, $0xD;
	s1 =	sshrl.u32 s1, $0x2  }
0xbb: {  	s3 =	sand.u32 $0x4000, s31;
	s1 =	sadd.s32 s1, s30  }
0xbc: {  	s0 =	sor.u32 s3, s0;
	s1 =	sshll.u32 s1, $0x11  }
0xbd: {  	s0 =	sor.u32 s1, s0  }
0xbe: {  	s0 =	sadd.s32 $0x8F2B, s0  }
0xbf: {  	[sflag:s0] =	ssyncadd.remote.s32 $0x1  }
0xc0: {  	_ =	sfence.sel $0xFFFF  }
0xc1: {  	[dreg:$0x0] =	wrdreg $0xFFFFFFFF;
	(pc) =	sbr.abs _section_cstart, $3  }
0xc2: {  	[dreg:$0x1] =	wrdreg $0xFFFFFFFF  }
0xc3: {  	_ =	task.clear_ibuf [dreg:s7], $0x2FFFF;
	_ =	strace $0x9FFFFFFF  }
0xc4: {  	(tm) =	ssettm $0x7FFFFFFF  }
0xc5: {  	_ =	shalt  }
tec
execute0_lowered:
.L_overlay_start_1:
0x0: {  	(tag) =	ssettag $0x1  }
0x1: {  	s0 =	rddreg [dreg:$0x0]  }
0x2: {  	s1 =	rddreg [dreg:$0x1]  }
0x3: {  	s2 =	rddreg [dreg:$0x2];
	s14 =	stileid.u32  }
0x4: {  	s3 =	rddreg [dreg:$0x3];
	s4 =	simm.s32 $0x0;
	s5 =	smul.u32 $0x2800, s14  }
0x5: {  	s7 =	srdreg.scid;
	s28 =	simm.s32 $0x40;
	s6 =	smul.u32 $0xA00, s14  }
0x6: {  	s29 =	simm.s32 $0x400;
	s30 =	simm.s32 $0x9;
	s9 =	smul.u32 $0x50000, s14  }
0x7: {  	s31 =	simm.s32 $0x180;
	[smem:$0x7FF] =	sst s4;
	s13 =	smul.u32 $0x5000, s14  }
0x8: {  	s8 =	sadd.s32 $0x7B200, s0;
	s7 =	sand.u32 $0x1, s7;
	s25 =	smul.u32 $0x14000, s14  }
0x9: {  	s26 =	sshll.u32 s14, $0x6;
	s14 =	smul.u32 $0xA0, s14;
	_ =	strace $0x8000004D  }
0xa: {  	s11 =	ssub.s32 $0x2, s7;
	s15 =	smul.u32 $0xA00, s7;
	s20 =	sor.u32 $0x1C0D, s26  }
0xb: {  	s5 =	sadd.s32 s5, s0;
	s10 =	sadd.s32 s6, s0;
	s0 =	sadd.s32 $0xAD200, s0  }
0xc: {  	s12 =	sshrl.u32 s11, $0x1;
	s9 =	sshrl.u32 s9, $0x2;
	s16 =	sshrl.u32 s25, $0x2  }
0xd: {  	s18 =	sshrl.u32 s13, $0x3;
	s13 =	simm.s32 $0xA;
	[dreg:$0x6] =	wrdreg s20  }
0xe: {  	s11 =	ssub.s32 s11, s12;
	s9 =	sadd.s32 s9, s2;
	s5 =	sadd.s32 $0x53200, s5  }
0xf: {  	s7 =	sadd.s32 s16, s3;
	s17 =	sadd.s32 $0x3200, s10;
	[dreg:$0x5] =	wrdreg s5  }
0x10: {  	s19 =	sadd.s32 s8, s18;
	s21 =	sadd.s32 s1, s18;
	[dreg:$0x7] =	wrdreg s7  }
0x11: {  	s23 =	sadd.s32 s14, s15;
	s12 =	sadd.s32 $0x1400, s15;
	[dreg:$0x8] =	wrdreg s17  }
0x12: {  	s10 =	sadd.s32 $0xA00, s15;
	s16 =	sadd.s32 s6, s1;
	[dreg:$0x9] =	wrdreg s19  }
0x13: {  	[dreg:$0xa] =	wrdreg s21;
	s7 =	sor.u32 $0x8, s18;
	s24 =	sshll.u32 s23, $0x4  }
0x14: {  	s5 =	sadd.s32 s14, s12;
	s19 =	sadd.s32 $0x1E00, s15;
	s25 =	smax.u32 s11, $0x1  }
0x15: {  	s17 =	sadd.s32 s6, s8;
	s26 =	sshrl.u32 s9, $0x3;
	s21 =	simm.s32 $0xD  }
0x16: {  	v0 =	vmov s15;
	s23 =	simm.s32 $0x100;
	s14 =	simm.s32 $0xB;
	s15 =	simm.s32 $0x3  }
0x17: {  	s18 =	simm.s32 $0x7;
	v1 =	vmov s10;
	s9 =	simm.s32 $0x4;
	s10 =	simm.s32 $0x8  }
0x18: {  	s11 =	simm.s32 $0x0;
	s22 =	sadd.s32 s8, s7;
	[dreg:$0xf] =	wrdreg s25  }
0x19: {  	s7 =	sadd.s32 s1, s7;
	s5 =	sshll.u32 s5, $0x4;
	[dreg:$0x10] =	wrdreg s26  }
0x1a: {  	s25 =	simm.s32 $0x1;
	s26 =	simm.s32 $0x5;
	[dreg:$0xb] =	wrdreg s22  }
0x1b: {  	s1 =	simm.s32 $0x2;
	s8 =	simm.s32 $0xC;
	[dreg:$0xc] =	wrdreg s7  }
0x1c: {  	s7 =	sadd.s32 s0, s24;
	s0 =	sadd.s32 s0, s5;
	s22 =	simm.s32 $0x80  }
0x1d: {  	s24 =	simm.s32 $0x300;
	s5 =	simm.s32 $0x6;
	[dreg:$0xd] =	wrdreg s7  }
0x1e: {  	v2 =	vmov s12;
	v3 =	vmov s19;
	[dreg:$0xe] =	wrdreg s0;
	s0 =	simm.s32 $0x380;
	s7 =	simm.s32 $0x2400  }
.LBB2_1:
0x1f: {  	[dreg:$0x11] =	wrdreg s11  }
0x20: {  	s6 =	rddreg [dreg:$0x5]  }
0x21: {  	s19 =	rddreg [dreg:$0x10]  }
0x22: {  	[spmem:s19], [sflag:s20] =	dma.local [hbm:s6], $0x2800  }
0x23: {  	_ =	swait.ge [sflag:s21], $0x2800  }
0x24: {  	s11 =	rddreg [dreg:$0x7]  }
0x25: {  	[sflag:s21] =	ssyncset.done $0x0;
	s19 =	rddreg [dreg:$0x8];
	s12 =	sshrl.u32 s11, $0x3  }
0x26: {  	[sflag:s21] =	ssyncadd.s32 $0xFFFFD800;
	[dreg:$0x12] =	wrdreg s12  }
0x27: {  	[spmem:s12], [sflag:s20] =	dma.local [hbm:s19], $0xA00  }
0x28: {  	_ =	swait.ge [sflag:s21], $0xA00  }
0x29: {  	[sflag:s21] =	ssyncset.done $0x0  }
0x2a: {  	[sflag:s21] =	ssyncadd.s32 $0xFFFFF600  }
0x2b: {  	[bflag:$0x0] =	sbarrier.arrive $0xFFFF  }
0x2c: {  	s21 =	rddreg [dreg:$0x9]  }
0x2d: {  	[tilespmem:s4], [sflag:$0x1] =	stream.linear.gather [hbm4b:s21+s4], $0x40, $0x38;
	[tilespmem:$0x1D400] =	vst v63  }
0x2e: {  	s20 =	simm.s32 $0x200;
	s11 =	rddreg [dreg:$0xa]  }
0x2f: {  	[tilespmem:s20], [sflag:$0x5] =	stream.linear.gather [hbm4b:s11+s4], $0x40, $0x38;
	[tilespmem:$0x1D400] =	vst v63  }
0x30: {  	s12 =	rddreg [dreg:$0xb]  }
0x31: {  	[tilespmem:s22], [sflag:$0x2] =	stream.linear.gather [hbm4b:s12+s4], $0x40, $0x38;
	[tilespmem:$0x1D400] =	vst v63  }
0x32: {  	s6 =	simm.s32 $0x0;
	s19 =	rddreg [dreg:$0xc];
	s21 =	simm.s32 $0x280  }
0x33: {  	[tilespmem:s21], [sflag:$0x6] =	stream.linear.gather [hbm4b:s19+s4], $0x40, $0x38;
	[tilespmem:$0x1D400] =	vst v63  }
.LBB2_2:
0x34: {  	p0 =	seq.s32 s6, $0x0  }
0x35: {  	s12 =	simm.s32 @!p0 $0xB  }
0x36: {  	_ =	swait.ge @!p0 [sflag:s12], $0x2000  }
0x37: {  	s11 =	sadd.s32 s6, s17;
	[sflag:s12] =	ssyncset.done @!p0 $0x0  }
0x38: {  	s19 =	sadd.s32 $0x10, s11;
	[sflag:s12] =	ssyncadd.s32 @!p0 $0xFFFFE000;
	s12 =	sadd.s32 s6, s16  }
0x39: {  	[tilespmem:s23], [sflag:$0x3] =	stream.linear.gather [hbm4b:s19+s4], $0x40, $0x38;
	[tilespmem:$0x1D400] =	vst v63  }
0x3a: {  	s19 =	sadd.s32 $0x10, s12  }
0x3b: {  	[tilespmem:s24], [sflag:$0x7] =	stream.linear.gather [hbm4b:s19+s4], $0x40, $0x38;
	[tilespmem:$0x1D400] =	vst v63  }
0x3c: {  	_ =	swait.ge [sflag:s25], $0x40  }
0x3d: {  	[sflag:s25] =	ssyncset.done $0x0  }
0x3e: {  	[sflag:s25] =	ssyncadd.s32 $0xFFFFFFC0  }
0x3f: {  	_ =	swait.ge [sflag:s26], $0x40  }
0x40: {  	[sflag:s26] =	ssyncset.done $0x0  }
0x41: {  	[sflag:s26] =	ssyncadd.s32 $0xFFFFFFC0  }
0x42: {  	v4 =	vld [tilespmem:$0x200]  }
0x43: {  	v5 =	vld [tilespmem:$0x0]  }
0x44: {  	v6 =	vld [tilespmem:$0x210]  }
0x45: {  	v7 =	vld [tilespmem:$0x220]  }
0x46: {  	v8 =	vld [tilespmem:$0x10]  }
0x47: {  	v10 =	vld [tilespmem:$0x230];
	vm0 =	vge.s32 v4, v0;
	vm1 =	vlt.s32 v4, v1  }
0x48: {  	v9 =	vld [tilespmem:$0x20];
	v4 =	vsub.s32 v4, v0;
	vm0 =	vmand vm0, vm1  }
0x49: {  	vm11 =	vge.s32 v6, v0;
	vm12 =	vlt.s32 v6, v1;
	v5 =	vnsel vm0, $0xFFFFFFFF, v5  }
0x4a: {  	vm13 =	vge.s32 v7, v0;
	v4 =	vnsel vm0, $0xFFFFFFFF, v4;
	vm0 =	vmand vm11, vm12;
	[tilespmem:$0x0] =	vst v5;
	v5 =	vld [tilespmem:$0x30]  }
0x4b: {  	vm2 =	vlt.s32 v7, v1;
	v6 =	vsub.s32 v6, v0;
	[tilespmem:$0x200] =	vst v4;
	v4 =	vnsel vm0, $0xFFFFFFFF, v8  }
0x4c: {  	vm14 =	vge.s32 v10, v0;
	vm1 =	vmand vm13, vm2;
	[tilespmem:$0x10] =	vst v4;
	v4 =	vnsel vm0, $0xFFFFFFFF, v6  }
0x4d: {  	vm15 =	vlt.s32 v10, v1;
	v45 =	vnsel vm1, $0xFFFFFFFF, v9;
	[tilespmem:$0x210] =	vst v4;
	v4 =	vsub.s32 v7, v0  }
0x4e: {  	[tilespmem:$0x20] =	vst v45;
	vm0 =	vmand vm14, vm15;
	v4 =	vnsel vm1, $0xFFFFFFFF, v4  }
0x4f: {  	[tilespmem:$0x220] =	vst v4;
	v4 =	vnsel vm0, $0xFFFFFFFF, v5;
	v5 =	vsub.s32 v10, v0  }
0x50: {  	[tilespmem:$0x30] =	vst v4;
	v4 =	vnsel vm0, $0xFFFFFFFF, v5  }
0x51: {  	[tilespmem:$0x230] =	vst v4;
	(ifvalue) =	ssetifvalue $0xFFFFFFFF  }
0x52: {  	(ifvalue) =	ssetifvalue $0xFFFFFFFF  }
0x53: {  	[tilespmem:s29], [sflag:$0x9] =	stream.indirect.gather [spmem:s2], $0x80, s4, s28, $0x40b8;
	[tilespmem:$0x1D400] =	vst v63  }
0x54: {  	_ =	swait.ge [sflag:s30], $0x2000  }
0x55: {  	[sflag:s30] =	ssyncset.done $0x0  }
0x56: {  	s19 =	simm.s32 @!p0 $0xC;
	[sflag:s30] =	ssyncadd.s32 $0xFFFFE000;
	(ifvalue) =	ssetifvalue $0xFFFFFFFF  }
0x57: {  	[spmem:s3] =	stream.indirect.scatter.add.f32 [tilespmem:s29], [sflag:$0xB], $0x80, s20, s28, $0x40b8;
	[tilespmem:$0x1D400] =	vst v63  }
0x58: {  	_ =	swait.ge @!p0 [sflag:s19], $0x2000  }
0x59: {  	[sflag:s19] =	ssyncset.done @!p0 $0x0  }
0x5a: {  	s11 =	sadd.s32 $0x18, s11;
	[sflag:s19] =	ssyncadd.s32 @!p0 $0xFFFFE000  }
0x5b: {  	[tilespmem:s31], [sflag:$0x4] =	stream.linear.gather [hbm4b:s11+s4], $0x40, $0x38;
	[tilespmem:$0x1D400] =	vst v63  }
0x5c: {  	s20 =	sadd.s32 $0x18, s12  }
0x5d: {  	[tilespmem:s0], [sflag:$0x8] =	stream.linear.gather [hbm4b:s20+s4], $0x40, $0x38;
	[tilespmem:$0x1D400] =	vst v63  }
0x5e: {  	_ =	swait.ge [sflag:s1], $0x40  }
0x5f: {  	[sflag:s1] =	ssyncset.done $0x0  }
0x60: {  	[sflag:s1] =	ssyncadd.s32 $0xFFFFFFC0  }
0x61: {  	_ =	swait.ge [sflag:s5], $0x40  }
0x62: {  	[sflag:s5] =	ssyncset.done $0x0  }
0x63: {  	[sflag:s5] =	ssyncadd.s32 $0xFFFFFFC0  }
0x64: {  	v4 =	vld [tilespmem:$0x280]  }
0x65: {  	v5 =	vld [tilespmem:$0x80]  }
0x66: {  	v46 =	vld [tilespmem:$0x290]  }
0x67: {  	v47 =	vld [tilespmem:$0x2A0]  }
0x68: {  	v48 =	vld [tilespmem:$0x90]  }
0x69: {  	v50 =	vld [tilespmem:$0x2B0];
	vm4 =	vge.s32 v4, v0;
	vm5 =	vlt.s32 v4, v1  }
0x6a: {  	v49 =	vld [tilespmem:$0xA0];
	v4 =	vsub.s32 v4, v0;
	vm0 =	vmand vm4, vm5  }
0x6b: {  	vm6 =	vge.s32 v46, v0;
	vm7 =	vlt.s32 v46, v1;
	v5 =	vnsel vm0, $0xFFFFFFFF, v5  }
0x6c: {  	vm8 =	vge.s32 v47, v0;
	v4 =	vnsel vm0, $0xFFFFFFFF, v4;
	vm0 =	vmand vm6, vm7;
	[tilespmem:$0x80] =	vst v5;
	v5 =	vld [tilespmem:$0xB0]  }
0x6d: {  	vm9 =	vlt.s32 v47, v1;
	v6 =	vsub.s32 v46, v0;
	[tilespmem:$0x280] =	vst v4;
	v4 =	vnsel vm0, $0xFFFFFFFF, v48  }
0x6e: {  	vm10 =	vge.s32 v50, v0;
	vm1 =	vmand vm8, vm9;
	[tilespmem:$0x90] =	vst v4;
	v4 =	vnsel vm0, $0xFFFFFFFF, v6  }
0x6f: {  	vm11 =	vlt.s32 v50, v1;
	v51 =	vnsel vm1, $0xFFFFFFFF, v49;
	[tilespmem:$0x290] =	vst v4;
	v4 =	vsub.s32 v47, v0  }
0x70: {  	[tilespmem:$0xA0] =	vst v51;
	vm0 =	vmand vm10, vm11;
	v4 =	vnsel vm1, $0xFFFFFFFF, v4  }
0x71: {  	[tilespmem:$0x2A0] =	vst v4;
	v4 =	vnsel vm0, $0xFFFFFFFF, v5;
	v5 =	vsub.s32 v50, v0  }
0x72: {  	[tilespmem:$0xB0] =	vst v4;
	v4 =	vnsel vm0, $0xFFFFFFFF, v5  }
0x73: {  	[tilespmem:$0x2B0] =	vst v4;
	(ifvalue) =	ssetifvalue $0xFFFFFFFF  }
0x74: {  	(ifvalue) =	ssetifvalue $0xFFFFFFFF  }
0x75: {  	[tilespmem:s7], [sflag:$0xA] =	stream.indirect.gather [spmem:s2], $0x80, s22, s28, $0x40b8;
	[tilespmem:$0x1D400] =	vst v63  }
0x76: {  	_ =	swait.ge [sflag:s13], $0x2000  }
0x77: {  	[sflag:s13] =	ssyncset.done $0x0  }
0x78: {  	[sflag:s13] =	ssyncadd.s32 $0xFFFFE000;
	(ifvalue) =	ssetifvalue $0xFFFFFFFF  }
0x79: {  	[spmem:s3] =	stream.indirect.scatter.add.f32 [tilespmem:s7], [sflag:$0xC], $0x80, s21, s28, $0x40b8;
	[tilespmem:$0x1D400] =	vst v63  }
0x7a: {  	p0 =	seq.s32 s6, $0x9E0;
	_ =	swait.ge [sflag:s14], $0x2000  }
0x7b: {  	s11 =	sadd.s32 @!p0 s6, s17;
	[sflag:s14] =	ssyncset.done $0x0  }
0x7c: {  	s12 =	simm.s32 @!p0 $0x0;
	s19 =	sadd.s32 @!p0 $0x20, s11;
	[sflag:s14] =	ssyncadd.s32 $0xFFFFE000  }
0x7d: {  	[tilespmem:s12], [sflag:$0x1] =	stream.linear.gather @!p0 [hbm4b:s19+s12], $0x40, $0x38;
	[tilespmem:$0x1D400] =	vst v63  }
0x7e: {  	s19 =	sadd.s32 @!p0 s6, s16  }
0x7f: {  	s21 =	simm.s32 @!p0 $0x200;
	s20 =	sadd.s32 @!p0 $0x20, s19  }
0x80: {  	[tilespmem:s21], [sflag:$0x5] =	stream.linear.gather @!p0 [hbm4b:s20+s12], $0x40, $0x38;
	[tilespmem:$0x1D400] =	vst v63  }
0x81: {  	_ =	swait.ge [sflag:s15], $0x40  }
0x82: {  	[sflag:s15] =	ssyncset.done $0x0  }
0x83: {  	[sflag:s15] =	ssyncadd.s32 $0xFFFFFFC0  }
0x84: {  	_ =	swait.ge [sflag:s18], $0x40  }
0x85: {  	[sflag:s18] =	ssyncset.done $0x0  }
0x86: {  	[sflag:s18] =	ssyncadd.s32 $0xFFFFFFC0  }
0x87: {  	v4 =	vld [tilespmem:$0x300]  }
0x88: {  	v5 =	vld [tilespmem:$0x100]  }
0x89: {  	v52 =	vld [tilespmem:$0x310]  }
0x8a: {  	v53 =	vld [tilespmem:$0x320]  }
0x8b: {  	v54 =	vld [tilespmem:$0x110]  }
0x8c: {  	v56 =	vld [tilespmem:$0x330];
	vm12 =	vge.s32 v4, v0;
	vm13 =	vlt.s32 v4, v1  }
0x8d: {  	v55 =	vld [tilespmem:$0x120];
	v4 =	vsub.s32 v4, v0;
	vm0 =	vmand vm12, vm13  }
0x8e: {  	vm14 =	vge.s32 v52, v0;
	vm15 =	vlt.s32 v52, v1;
	v5 =	vnsel vm0, $0xFFFFFFFF, v5  }
0x8f: {  	vm4 =	vge.s32 v53, v0;
	v4 =	vnsel vm0, $0xFFFFFFFF, v4;
	vm0 =	vmand vm14, vm15;
	[tilespmem:$0x100] =	vst v5;
	v5 =	vld [tilespmem:$0x130]  }
0x90: {  	vm5 =	vlt.s32 v53, v1;
	v6 =	vsub.s32 v52, v0;
	[tilespmem:$0x300] =	vst v4;
	v4 =	vnsel vm0, $0xFFFFFFFF, v54  }
0x91: {  	vm6 =	vge.s32 v56, v0;
	vm1 =	vmand vm4, vm5;
	[tilespmem:$0x110] =	vst v4;
	v4 =	vnsel vm0, $0xFFFFFFFF, v6  }
0x92: {  	vm7 =	vlt.s32 v56, v1;
	v57 =	vnsel vm1, $0xFFFFFFFF, v55;
	[tilespmem:$0x310] =	vst v4;
	v4 =	vsub.s32 v53, v0  }
0x93: {  	[tilespmem:$0x120] =	vst v57;
	vm0 =	vmand vm6, vm7;
	v4 =	vnsel vm1, $0xFFFFFFFF, v4  }
0x94: {  	[tilespmem:$0x320] =	vst v4;
	v4 =	vnsel vm0, $0xFFFFFFFF, v5;
	v5 =	vsub.s32 v56, v0  }
0x95: {  	[tilespmem:$0x130] =	vst v4;
	v4 =	vnsel vm0, $0xFFFFFFFF, v5  }
0x96: {  	[tilespmem:$0x330] =	vst v4;
	(ifvalue) =	ssetifvalue $0xFFFFFFFF  }
0x97: {  	(ifvalue) =	ssetifvalue $0xFFFFFFFF  }
0x98: {  	[tilespmem:s29], [sflag:$0x9] =	stream.indirect.gather [spmem:s2], $0x80, s23, s28, $0x40b8;
	[tilespmem:$0x1D400] =	vst v63  }
0x99: {  	_ =	swait.ge [sflag:s30], $0x2000  }
0x9a: {  	[sflag:s30] =	ssyncset.done $0x0  }
0x9b: {  	[sflag:s30] =	ssyncadd.s32 $0xFFFFE000;
	(ifvalue) =	ssetifvalue $0xFFFFFFFF  }
0x9c: {  	[spmem:s3] =	stream.indirect.scatter.add.f32 [tilespmem:s29], [sflag:$0xB], $0x80, s24, s28, $0x40b8;
	[tilespmem:$0x1D400] =	vst v63  }
0x9d: {  	_ =	swait.ge [sflag:s8], $0x2000  }
0x9e: {  	[sflag:s8] =	ssyncset.done $0x0  }
0x9f: {  	s11 =	sadd.s32 @!p0 $0x28, s11;
	s20 =	simm.s32 @!p0 $0x80;
	[sflag:s8] =	ssyncadd.s32 $0xFFFFE000  }
0xa0: {  	[tilespmem:s20], [sflag:$0x2] =	stream.linear.gather @!p0 [hbm4b:s11+s12], $0x40, $0x38;
	[tilespmem:$0x1D400] =	vst v63  }
0xa1: {  	s11 =	sadd.s32 @!p0 $0x28, s19;
	s19 =	simm.s32 @!p0 $0x280  }
0xa2: {  	[tilespmem:s19], [sflag:$0x6] =	stream.linear.gather @!p0 [hbm4b:s11+s12], $0x40, $0x38;
	[tilespmem:$0x1D400] =	vst v63  }
0xa3: {  	_ =	swait.ge [sflag:s9], $0x40  }
0xa4: {  	[sflag:s9] =	ssyncset.done $0x0  }
0xa5: {  	[sflag:s9] =	ssyncadd.s32 $0xFFFFFFC0  }
0xa6: {  	_ =	swait.ge [sflag:s10], $0x40  }
0xa7: {  	[sflag:s10] =	ssyncset.done $0x0  }
0xa8: {  	[sflag:s10] =	ssyncadd.s32 $0xFFFFFFC0  }
0xa9: {  	v4 =	vld [tilespmem:$0x380]  }
0xaa: {  	v5 =	vld [tilespmem:$0x180]  }
0xab: {  	v58 =	vld [tilespmem:$0x390]  }
0xac: {  	v59 =	vld [tilespmem:$0x3A0]  }
0xad: {  	v60 =	vld [tilespmem:$0x190]  }
0xae: {  	v62 =	vld [tilespmem:$0x3B0];
	vm8 =	vge.s32 v4, v0;
	vm9 =	vlt.s32 v4, v1  }
0xaf: {  	v61 =	vld [tilespmem:$0x1A0];
	v4 =	vsub.s32 v4, v0;
	vm0 =	vmand vm8, vm9  }
0xb0: {  	vm10 =	vge.s32 v58, v0;
	vm11 =	vlt.s32 v58, v1;
	v5 =	vnsel vm0, $0xFFFFFFFF, v5  }
0xb1: {  	vm12 =	vge.s32 v59, v0;
	v4 =	vnsel vm0, $0xFFFFFFFF, v4;
	vm0 =	vmand vm10, vm11;
	[tilespmem:$0x180] =	vst v5;
	v5 =	vld [tilespmem:$0x1B0]  }
0xb2: {  	vm13 =	vlt.s32 v59, v1;
	v6 =	vsub.s32 v58, v0;
	[tilespmem:$0x380] =	vst v4;
	v4 =	vnsel vm0, $0xFFFFFFFF, v60  }
0xb3: {  	vm14 =	vge.s32 v62, v0;
	vm1 =	vmand vm12, vm13;
	[tilespmem:$0x190] =	vst v4;
	v4 =	vnsel vm0, $0xFFFFFFFF, v6  }
0xb4: {  	vm15 =	vlt.s32 v62, v1;
	v63 =	vnsel vm1, $0xFFFFFFFF, v61;
	[tilespmem:$0x390] =	vst v4;
	v4 =	vsub.s32 v59, v0  }
0xb5: {  	[tilespmem:$0x1A0] =	vst v63;
	vm0 =	vmand vm14, vm15;
	v4 =	vnsel vm1, $0xFFFFFFFF, v4  }
0xb6: {  	[tilespmem:$0x3A0] =	vst v4;
	v4 =	vnsel vm0, $0xFFFFFFFF, v5;
	v5 =	vsub.s32 v62, v0  }
0xb7: {  	[tilespmem:$0x1B0] =	vst v4;
	v4 =	vnsel vm0, $0xFFFFFFFF, v5  }
0xb8: {  	s6 =	sadd.s32 $0x20, s6;
	[tilespmem:$0x3B0] =	vst v4;
	(ifvalue) =	ssetifvalue $0xFFFFFFFF  }
0xb9: {  	p0 =	sne.s32 s6, $0xA00;
	(ifvalue) =	ssetifvalue $0xFFFFFFFF  }
0xba: {  	[tilespmem:s7], [sflag:$0xA] =	stream.indirect.gather [spmem:s2], $0x80, s31, s28, $0x40b8;
	[tilespmem:$0x1D400] =	vst v63  }
.Ltmp0:
0xbb: {  	_ = 	snop;
	(pc) =	sbr.rel @p0 .LBB2_2-.Ltmp0, $4  }
0xbc: {  	_ =	swait.ge [sflag:s13], $0x2000  }
0xbd: {  	s21 =	simm.s32 $0x280;
	[sflag:s13] =	ssyncset.done $0x0  }
0xbe: {  	s20 =	simm.s32 $0x200;
	[sflag:s13] =	ssyncadd.s32 $0xFFFFE000;
	(ifvalue) =	ssetifvalue $0xFFFFFFFF  }
0xbf: {  	[spmem:s3] =	stream.indirect.scatter.add.f32 [tilespmem:s7], [sflag:$0xC], $0x80, s0, s28, $0x40b8;
	[tilespmem:$0x1D400] =	vst v63  }
0xc0: {  	_ =	swait.ge [sflag:s14], $0x2000  }
0xc1: {  	[sflag:s14] =	ssyncset.done $0x0  }
0xc2: {  	[sflag:s14] =	ssyncadd.s32 $0xFFFFE000  }
0xc3: {  	_ =	swait.ge [sflag:s8], $0x2000  }
0xc4: {  	[sflag:s8] =	ssyncset.done $0x0  }
0xc5: {  	[sflag:s8] =	ssyncadd.s32 $0xFFFFE000  }
0xc6: {  	[bflag:$0x0] =	sbarrier.arrive $0xFFFF  }
0xc7: {  	s6 =	rddreg [dreg:$0x6]  }
0xc8: {  	s11 =	rddreg [dreg:$0xd]  }
0xc9: {  	s12 =	simm.s32 $0xD;
	s19 =	rddreg [dreg:$0x12]  }
0xca: {  	[hbm:s11], [sflag:s6] =	dma.local [spmem:s19], $0xA00  }
0xcb: {  	_ =	swait.ge [sflag:s12], $0xA00  }
0xcc: {  	[sflag:s12] =	ssyncset.done $0x0  }
0xcd: {  	s11 =	rddreg [dreg:$0x8];
	[sflag:s12] =	ssyncadd.s32 $0xFFFFF600  }
0xce: {  	[spmem:s19], [sflag:s6] =	dma.local [hbm:s11], $0xA00  }
0xcf: {  	_ =	swait.ge [sflag:s12], $0xA00  }
0xd0: {  	[sflag:s12] =	ssyncset.done $0x0  }
0xd1: {  	[sflag:s12] =	ssyncadd.s32 $0xFFFFF600  }
0xd2: {  	[bflag:$0x0] =	sbarrier.arrive $0xFFFF  }
0xd3: {  	s6 =	simm.s32 $0x0;
	s12 =	rddreg [dreg:$0x9]  }
0xd4: {  	[tilespmem:s6], [sflag:$0x1] =	stream.linear.gather [hbm4b:s12+s6], $0x40, $0x38;
	[tilespmem:$0x1D400] =	vst v63  }
0xd5: {  	s19 =	rddreg [dreg:$0xa]  }
0xd6: {  	[tilespmem:s20], [sflag:$0x5] =	stream.linear.gather [hbm4b:s19+s6], $0x40, $0x38;
	[tilespmem:$0x1D400] =	vst v63  }
0xd7: {  	s20 =	rddreg [dreg:$0xb]  }
0xd8: {  	[tilespmem:s22], [sflag:$0x2] =	stream.linear.gather [hbm4b:s20+s6], $0x40, $0x38;
	[tilespmem:$0x1D400] =	vst v63  }
0xd9: {  	s22 =	rddreg [dreg:$0xc]  }
0xda: {  	[tilespmem:s21], [sflag:$0x6] =	stream.linear.gather [hbm4b:s22+s6], $0x40, $0x38;
	[tilespmem:$0x1D400] =	vst v63  }
0xdb: {  	s22 =	simm.s32 $0x280  }
.LBB2_4:
0xdc: {  	p0 =	seq.s32 s6, $0x0  }
0xdd: {  	s12 =	simm.s32 @!p0 $0xB  }
0xde: {  	_ =	swait.ge @!p0 [sflag:s12], $0x2000  }
0xdf: {  	s11 =	sadd.s32 s6, s17;
	[sflag:s12] =	ssyncset.done @!p0 $0x0  }
0xe0: {  	s20 =	sadd.s32 s6, s16;
	s19 =	sadd.s32 $0x10, s11;
	[sflag:s12] =	ssyncadd.s32 @!p0 $0xFFFFE000  }
0xe1: {  	[tilespmem:s23], [sflag:$0x3] =	stream.linear.gather [hbm4b:s19+s4], $0x40, $0x38;
	[tilespmem:$0x1D400] =	vst v63  }
0xe2: {  	s19 =	sadd.s32 $0x10, s20  }
0xe3: {  	[tilespmem:s24], [sflag:$0x7] =	stream.linear.gather [hbm4b:s19+s4], $0x40, $0x38;
	[tilespmem:$0x1D400] =	vst v63  }
0xe4: {  	_ =	swait.ge [sflag:s25], $0x40  }
0xe5: {  	[sflag:s25] =	ssyncset.done $0x0  }
0xe6: {  	[sflag:s25] =	ssyncadd.s32 $0xFFFFFFC0  }
0xe7: {  	_ =	swait.ge [sflag:s26], $0x40  }
0xe8: {  	[sflag:s26] =	ssyncset.done $0x0  }
0xe9: {  	[sflag:s26] =	ssyncadd.s32 $0xFFFFFFC0  }
0xea: {  	v4 =	vld [tilespmem:$0x200]  }
0xeb: {  	v5 =	vld [tilespmem:$0x0]  }
0xec: {  	v6 =	vld [tilespmem:$0x210]  }
0xed: {  	v7 =	vld [tilespmem:$0x220]  }
0xee: {  	v8 =	vld [tilespmem:$0x10]  }
0xef: {  	v10 =	vld [tilespmem:$0x230];
	vm0 =	vge.s32 v4, v2;
	vm1 =	vlt.s32 v4, v3  }
0xf0: {  	v9 =	vld [tilespmem:$0x20];
	v4 =	vsub.s32 v4, v2;
	vm0 =	vmand vm0, vm1  }
0xf1: {  	vm11 =	vge.s32 v6, v2;
	vm12 =	vlt.s32 v6, v3;
	v5 =	vnsel vm0, $0xFFFFFFFF, v5  }
0xf2: {  	vm13 =	vge.s32 v7, v2;
	v4 =	vnsel vm0, $0xFFFFFFFF, v4;
	vm0 =	vmand vm11, vm12;
	[tilespmem:$0x0] =	vst v5;
	v5 =	vld [tilespmem:$0x30]  }
0xf3: {  	vm2 =	vlt.s32 v7, v3;
	v6 =	vsub.s32 v6, v2;
	[tilespmem:$0x200] =	vst v4;
	v4 =	vnsel vm0, $0xFFFFFFFF, v8  }
0xf4: {  	vm14 =	vge.s32 v10, v2;
	vm1 =	vmand vm13, vm2;
	[tilespmem:$0x10] =	vst v4;
	v4 =	vnsel vm0, $0xFFFFFFFF, v6  }
0xf5: {  	vm15 =	vlt.s32 v10, v3;
	v45 =	vnsel vm1, $0xFFFFFFFF, v9;
	[tilespmem:$0x210] =	vst v4;
	v4 =	vsub.s32 v7, v2  }
0xf6: {  	[tilespmem:$0x20] =	vst v45;
	vm0 =	vmand vm14, vm15;
	v4 =	vnsel vm1, $0xFFFFFFFF, v4  }
0xf7: {  	[tilespmem:$0x220] =	vst v4;
	v4 =	vnsel vm0, $0xFFFFFFFF, v5;
	v5 =	vsub.s32 v10, v2  }
0xf8: {  	[tilespmem:$0x30] =	vst v4;
	v4 =	vnsel vm0, $0xFFFFFFFF, v5  }
0xf9: {  	[tilespmem:$0x230] =	vst v4;
	(ifvalue) =	ssetifvalue $0xFFFFFFFF  }
0xfa: {  	(ifvalue) =	ssetifvalue $0xFFFFFFFF  }
0xfb: {  	[tilespmem:s29], [sflag:$0x9] =	stream.indirect.gather [spmem:s2], $0x80, s4, s28, $0x40b8;
	[tilespmem:$0x1D400] =	vst v63  }
0xfc: {  	_ =	swait.ge [sflag:s30], $0x2000  }
0xfd: {  	s21 =	simm.s32 $0x200;
	[sflag:s30] =	ssyncset.done $0x0  }
0xfe: {  	s19 =	simm.s32 @!p0 $0xC;
	[sflag:s30] =	ssyncadd.s32 $0xFFFFE000;
	(ifvalue) =	ssetifvalue $0xFFFFFFFF  }
0xff: {  	[spmem:s3] =	stream.indirect.scatter.add.f32 [tilespmem:s29], [sflag:$0xB], $0x80, s21, s28, $0x40b8;
	[tilespmem:$0x1D400] =	vst v63  }
0x100: {  	_ =	swait.ge @!p0 [sflag:s19], $0x2000  }
0x101: {  	[sflag:s19] =	ssyncset.done @!p0 $0x0  }
0x102: {  	s11 =	sadd.s32 $0x18, s11;
	[sflag:s19] =	ssyncadd.s32 @!p0 $0xFFFFE000  }
0x103: {  	[tilespmem:s31], [sflag:$0x4] =	stream.linear.gather [hbm4b:s11+s4], $0x40, $0x38;
	[tilespmem:$0x1D400] =	vst v63  }
0x104: {  	s20 =	sadd.s32 $0x18, s20  }
0x105: {  	[tilespmem:s0], [sflag:$0x8] =	stream.linear.gather [hbm4b:s20+s4], $0x40, $0x38;
	[tilespmem:$0x1D400] =	vst v63  }
0x106: {  	_ =	swait.ge [sflag:s1], $0x40  }
0x107: {  	[sflag:s1] =	ssyncset.done $0x0  }
0x108: {  	[sflag:s1] =	ssyncadd.s32 $0xFFFFFFC0  }
0x109: {  	_ =	swait.ge [sflag:s5], $0x40  }
0x10a: {  	[sflag:s5] =	ssyncset.done $0x0  }
0x10b: {  	[sflag:s5] =	ssyncadd.s32 $0xFFFFFFC0  }
0x10c: {  	v4 =	vld [tilespmem:$0x280]  }
0x10d: {  	v5 =	vld [tilespmem:$0x80]  }
0x10e: {  	v46 =	vld [tilespmem:$0x290]  }
0x10f: {  	v47 =	vld [tilespmem:$0x2A0]  }
0x110: {  	v48 =	vld [tilespmem:$0x90]  }
0x111: {  	v50 =	vld [tilespmem:$0x2B0];
	vm4 =	vge.s32 v4, v2;
	vm5 =	vlt.s32 v4, v3  }
0x112: {  	v49 =	vld [tilespmem:$0xA0];
	v4 =	vsub.s32 v4, v2;
	vm0 =	vmand vm4, vm5  }
0x113: {  	vm6 =	vge.s32 v46, v2;
	vm7 =	vlt.s32 v46, v3;
	v5 =	vnsel vm0, $0xFFFFFFFF, v5  }
0x114: {  	vm8 =	vge.s32 v47, v2;
	v4 =	vnsel vm0, $0xFFFFFFFF, v4;
	vm0 =	vmand vm6, vm7;
	[tilespmem:$0x80] =	vst v5;
	v5 =	vld [tilespmem:$0xB0]  }
0x115: {  	vm9 =	vlt.s32 v47, v3;
	v6 =	vsub.s32 v46, v2;
	[tilespmem:$0x280] =	vst v4;
	v4 =	vnsel vm0, $0xFFFFFFFF, v48  }
0x116: {  	vm10 =	vge.s32 v50, v2;
	vm1 =	vmand vm8, vm9;
	[tilespmem:$0x90] =	vst v4;
	v4 =	vnsel vm0, $0xFFFFFFFF, v6  }
0x117: {  	vm11 =	vlt.s32 v50, v3;
	v51 =	vnsel vm1, $0xFFFFFFFF, v49;
	[tilespmem:$0x290] =	vst v4;
	v4 =	vsub.s32 v47, v2  }
0x118: {  	[tilespmem:$0xA0] =	vst v51;
	vm0 =	vmand vm10, vm11;
	v4 =	vnsel vm1, $0xFFFFFFFF, v4  }
0x119: {  	[tilespmem:$0x2A0] =	vst v4;
	v4 =	vnsel vm0, $0xFFFFFFFF, v5;
	v5 =	vsub.s32 v50, v2  }
0x11a: {  	[tilespmem:$0xB0] =	vst v4;
	v4 =	vnsel vm0, $0xFFFFFFFF, v5  }
0x11b: {  	[tilespmem:$0x2B0] =	vst v4;
	(ifvalue) =	ssetifvalue $0xFFFFFFFF  }
0x11c: {  	s21 =	simm.s32 $0x80;
	(ifvalue) =	ssetifvalue $0xFFFFFFFF  }
0x11d: {  	[tilespmem:s7], [sflag:$0xA] =	stream.indirect.gather [spmem:s2], $0x80, s21, s28, $0x40b8;
	[tilespmem:$0x1D400] =	vst v63  }
0x11e: {  	_ =	swait.ge [sflag:s13], $0x2000  }
0x11f: {  	[sflag:s13] =	ssyncset.done $0x0  }
0x120: {  	[sflag:s13] =	ssyncadd.s32 $0xFFFFE000;
	(ifvalue) =	ssetifvalue $0xFFFFFFFF  }
0x121: {  	[spmem:s3] =	stream.indirect.scatter.add.f32 [tilespmem:s7], [sflag:$0xC], $0x80, s22, s28, $0x40b8;
	[tilespmem:$0x1D400] =	vst v63  }
0x122: {  	p0 =	seq.s32 s6, $0x9E0;
	_ =	swait.ge [sflag:s14], $0x2000  }
0x123: {  	s11 =	sadd.s32 @!p0 s6, s17;
	[sflag:s14] =	ssyncset.done $0x0  }
0x124: {  	s12 =	simm.s32 @!p0 $0x0;
	s19 =	sadd.s32 @!p0 $0x20, s11;
	[sflag:s14] =	ssyncadd.s32 $0xFFFFE000  }
0x125: {  	[tilespmem:s12], [sflag:$0x1] =	stream.linear.gather @!p0 [hbm4b:s19+s12], $0x40, $0x38;
	[tilespmem:$0x1D400] =	vst v63  }
0x126: {  	s19 =	sadd.s32 @!p0 s6, s16  }
0x127: {  	s21 =	simm.s32 @!p0 $0x200;
	s20 =	sadd.s32 @!p0 $0x20, s19  }
0x128: {  	[tilespmem:s21], [sflag:$0x5] =	stream.linear.gather @!p0 [hbm4b:s20+s12], $0x40, $0x38;
	[tilespmem:$0x1D400] =	vst v63  }
0x129: {  	_ =	swait.ge [sflag:s15], $0x40  }
0x12a: {  	[sflag:s15] =	ssyncset.done $0x0  }
0x12b: {  	[sflag:s15] =	ssyncadd.s32 $0xFFFFFFC0  }
0x12c: {  	_ =	swait.ge [sflag:s18], $0x40  }
0x12d: {  	[sflag:s18] =	ssyncset.done $0x0  }
0x12e: {  	[sflag:s18] =	ssyncadd.s32 $0xFFFFFFC0  }
0x12f: {  	v4 =	vld [tilespmem:$0x300]  }
0x130: {  	v5 =	vld [tilespmem:$0x100]  }
0x131: {  	v52 =	vld [tilespmem:$0x310]  }
0x132: {  	v53 =	vld [tilespmem:$0x320]  }
0x133: {  	v54 =	vld [tilespmem:$0x110]  }
0x134: {  	v56 =	vld [tilespmem:$0x330];
	vm12 =	vge.s32 v4, v2;
	vm13 =	vlt.s32 v4, v3  }
0x135: {  	v55 =	vld [tilespmem:$0x120];
	v4 =	vsub.s32 v4, v2;
	vm0 =	vmand vm12, vm13  }
0x136: {  	vm14 =	vge.s32 v52, v2;
	vm15 =	vlt.s32 v52, v3;
	v5 =	vnsel vm0, $0xFFFFFFFF, v5  }
0x137: {  	vm4 =	vge.s32 v53, v2;
	v4 =	vnsel vm0, $0xFFFFFFFF, v4;
	vm0 =	vmand vm14, vm15;
	[tilespmem:$0x100] =	vst v5;
	v5 =	vld [tilespmem:$0x130]  }
0x138: {  	vm5 =	vlt.s32 v53, v3;
	v6 =	vsub.s32 v52, v2;
	[tilespmem:$0x300] =	vst v4;
	v4 =	vnsel vm0, $0xFFFFFFFF, v54  }
0x139: {  	vm6 =	vge.s32 v56, v2;
	vm1 =	vmand vm4, vm5;
	[tilespmem:$0x110] =	vst v4;
	v4 =	vnsel vm0, $0xFFFFFFFF, v6  }
0x13a: {  	vm7 =	vlt.s32 v56, v3;
	v57 =	vnsel vm1, $0xFFFFFFFF, v55;
	[tilespmem:$0x310] =	vst v4;
	v4 =	vsub.s32 v53, v2  }
0x13b: {  	[tilespmem:$0x120] =	vst v57;
	vm0 =	vmand vm6, vm7;
	v4 =	vnsel vm1, $0xFFFFFFFF, v4  }
0x13c: {  	[tilespmem:$0x320] =	vst v4;
	v4 =	vnsel vm0, $0xFFFFFFFF, v5;
	v5 =	vsub.s32 v56, v2  }
0x13d: {  	[tilespmem:$0x130] =	vst v4;
	v4 =	vnsel vm0, $0xFFFFFFFF, v5  }
0x13e: {  	[tilespmem:$0x330] =	vst v4;
	(ifvalue) =	ssetifvalue $0xFFFFFFFF  }
0x13f: {  	(ifvalue) =	ssetifvalue $0xFFFFFFFF  }
0x140: {  	[tilespmem:s29], [sflag:$0x9] =	stream.indirect.gather [spmem:s2], $0x80, s23, s28, $0x40b8;
	[tilespmem:$0x1D400] =	vst v63  }
0x141: {  	_ =	swait.ge [sflag:s30], $0x2000  }
0x142: {  	[sflag:s30] =	ssyncset.done $0x0  }
0x143: {  	[sflag:s30] =	ssyncadd.s32 $0xFFFFE000;
	(ifvalue) =	ssetifvalue $0xFFFFFFFF  }
0x144: {  	[spmem:s3] =	stream.indirect.scatter.add.f32 [tilespmem:s29], [sflag:$0xB], $0x80, s24, s28, $0x40b8;
	[tilespmem:$0x1D400] =	vst v63  }
0x145: {  	_ =	swait.ge [sflag:s8], $0x2000  }
0x146: {  	[sflag:s8] =	ssyncset.done $0x0  }
0x147: {  	s11 =	sadd.s32 @!p0 $0x28, s11;
	s20 =	simm.s32 @!p0 $0x80;
	[sflag:s8] =	ssyncadd.s32 $0xFFFFE000  }
0x148: {  	[tilespmem:s20], [sflag:$0x2] =	stream.linear.gather @!p0 [hbm4b:s11+s12], $0x40, $0x38;
	[tilespmem:$0x1D400] =	vst v63  }
0x149: {  	s11 =	sadd.s32 @!p0 $0x28, s19;
	s19 =	simm.s32 @!p0 $0x280  }
0x14a: {  	[tilespmem:s19], [sflag:$0x6] =	stream.linear.gather @!p0 [hbm4b:s11+s12], $0x40, $0x38;
	[tilespmem:$0x1D400] =	vst v63  }
0x14b: {  	_ =	swait.ge [sflag:s9], $0x40  }
0x14c: {  	[sflag:s9] =	ssyncset.done $0x0  }
0x14d: {  	[sflag:s9] =	ssyncadd.s32 $0xFFFFFFC0  }
0x14e: {  	_ =	swait.ge [sflag:s10], $0x40  }
0x14f: {  	[sflag:s10] =	ssyncset.done $0x0  }
0x150: {  	[sflag:s10] =	ssyncadd.s32 $0xFFFFFFC0  }
0x151: {  	v4 =	vld [tilespmem:$0x380]  }
0x152: {  	v5 =	vld [tilespmem:$0x180]  }
0x153: {  	v58 =	vld [tilespmem:$0x390]  }
0x154: {  	v59 =	vld [tilespmem:$0x3A0]  }
0x155: {  	v60 =	vld [tilespmem:$0x190]  }
0x156: {  	v62 =	vld [tilespmem:$0x3B0];
	vm8 =	vge.s32 v4, v2;
	vm9 =	vlt.s32 v4, v3  }
0x157: {  	v61 =	vld [tilespmem:$0x1A0];
	v4 =	vsub.s32 v4, v2;
	vm0 =	vmand vm8, vm9  }
0x158: {  	vm10 =	vge.s32 v58, v2;
	vm11 =	vlt.s32 v58, v3;
	v5 =	vnsel vm0, $0xFFFFFFFF, v5  }
0x159: {  	vm12 =	vge.s32 v59, v2;
	v4 =	vnsel vm0, $0xFFFFFFFF, v4;
	vm0 =	vmand vm10, vm11;
	[tilespmem:$0x180] =	vst v5;
	v5 =	vld [tilespmem:$0x1B0]  }
0x15a: {  	vm13 =	vlt.s32 v59, v3;
	v6 =	vsub.s32 v58, v2;
	[tilespmem:$0x380] =	vst v4;
	v4 =	vnsel vm0, $0xFFFFFFFF, v60  }
0x15b: {  	vm14 =	vge.s32 v62, v2;
	vm1 =	vmand vm12, vm13;
	[tilespmem:$0x190] =	vst v4;
	v4 =	vnsel vm0, $0xFFFFFFFF, v6  }
0x15c: {  	vm15 =	vlt.s32 v62, v3;
	v63 =	vnsel vm1, $0xFFFFFFFF, v61;
	[tilespmem:$0x390] =	vst v4;
	v4 =	vsub.s32 v59, v2  }
0x15d: {  	[tilespmem:$0x1A0] =	vst v63;
	vm0 =	vmand vm14, vm15;
	v4 =	vnsel vm1, $0xFFFFFFFF, v4  }
0x15e: {  	[tilespmem:$0x3A0] =	vst v4;
	v4 =	vnsel vm0, $0xFFFFFFFF, v5;
	v5 =	vsub.s32 v62, v2  }
0x15f: {  	[tilespmem:$0x1B0] =	vst v4;
	v4 =	vnsel vm0, $0xFFFFFFFF, v5  }
0x160: {  	s6 =	sadd.s32 $0x20, s6;
	[tilespmem:$0x3B0] =	vst v4;
	(ifvalue) =	ssetifvalue $0xFFFFFFFF  }
0x161: {  	p0 =	sne.s32 s6, $0xA00;
	(ifvalue) =	ssetifvalue $0xFFFFFFFF  }
0x162: {  	[tilespmem:s7], [sflag:$0xA] =	stream.indirect.gather [spmem:s2], $0x80, s31, s28, $0x40b8;
	[tilespmem:$0x1D400] =	vst v63  }
.Ltmp1:
0x163: {  	_ = 	snop;
	(pc) =	sbr.rel @p0 .LBB2_4-.Ltmp1, $4  }
0x164: {  	_ =	swait.ge [sflag:s13], $0x2000  }
0x165: {  	[sflag:s13] =	ssyncset.done $0x0  }
0x166: {  	[sflag:s13] =	ssyncadd.s32 $0xFFFFE000;
	(ifvalue) =	ssetifvalue $0xFFFFFFFF  }
0x167: {  	[spmem:s3] =	stream.indirect.scatter.add.f32 [tilespmem:s7], [sflag:$0xC], $0x80, s0, s28, $0x40b8;
	[tilespmem:$0x1D400] =	vst v63  }
0x168: {  	_ =	swait.ge [sflag:s14], $0x2000  }
0x169: {  	[sflag:s14] =	ssyncset.done $0x0  }
0x16a: {  	[sflag:s14] =	ssyncadd.s32 $0xFFFFE000  }
0x16b: {  	_ =	swait.ge [sflag:s8], $0x2000  }
0x16c: {  	[sflag:s8] =	ssyncset.done $0x0  }
0x16d: {  	[sflag:s8] =	ssyncadd.s32 $0xFFFFE000  }
0x16e: {  	[bflag:$0x0] =	sbarrier.arrive $0xFFFF  }
0x16f: {  	s20 =	rddreg [dreg:$0x6]  }
0x170: {  	s6 =	rddreg [dreg:$0xe]  }
0x171: {  	s21 =	simm.s32 $0xD;
	s11 =	rddreg [dreg:$0x12]  }
0x172: {  	[hbm:s6], [sflag:s20] =	dma.local [spmem:s11], $0xA00  }
0x173: {  	_ =	swait.ge [sflag:s21], $0xA00  }
0x174: {  	s19 =	rddreg [dreg:$0x11]  }
0x175: {  	s22 =	rddreg [dreg:$0xf];
	s11 =	sadd.s32 $0x1, s19  }
0x176: {  	p0 =	sne.s32 s11, s22  }
.Ltmp2:
0x177: {  	_ = 	snop;
	(pc) =	sbr.rel @p0 .LBB2_1-.Ltmp2, $3  }
0x178: {  	_ =	sdelay $0x1  }
0x179: {  	[sflag:s21] =	ssyncset.done $0x0  }
0x17a: {  	[sflag:s21] =	ssyncadd.s32 $0xFFFFF600;
	s22 =	simm.s32 $0x80  }
0x17b: {  	_ =	sfence.sel $0x180000  }
0x17c: {  	[bflag:$0x0] =	sbarrier.arrive $0xFFFF  }
0x17d: {  	_ =	strace $0x9000004D  }
0x17e: {  	s0 =	stileid.u32;
	[bflag:$0x2] =	sbarrier.arrive $0xFFFF  }
0x17f: {  	p0 =	sne.s32 s0, $0x0;
	s0 =	rddreg [dreg:$0x4]  }
0x180: {  	s0 =	sadd.s32 @!p0 $0x100000, s0  }
0x181: {  	[sflag:s0] =	ssyncadd.tile.s32 @!p0 $0x1;
	_ =	shalt  }
.Lfunc_end2:
_tile_overlayer_lowered:
.L_overlay_start_2:
0x182: {  	(tag) =	ssettag $0x2  }
0x183: {  	s0 =	rddreg [dreg:$0x0];
	s2 =	stileid.u32  }
0x184: {  	s1 =	rddreg [dreg:$0x1];
	p0 =	sne.s32 s2, $0x0  }
0x185: {  	s3 =	rddreg [dreg:$0x2];
	[bflag:$0x3] =	sbarrier.arrive $0xFFFF;
	s2 =	simm.s32 @!p0 $0x1C0D  }
0x186: {  	[timem:s3], [sflag:s2] =	dma.local @!p0 [hbm:s0], s1  }
0x187: {  	s0 =	simm.s32 @!p0 $0xD  }
0x188: {  	_ =	swait.ge @!p0 [sflag:s0], s1  }
0x189: {  	s1 =	ssub.s32 @!p0 $0x0, s1;
	[sflag:s0] =	ssyncset.done @!p0 $0x0  }
0x18a: {  	[sflag:s0] =	ssyncadd.s32 @!p0 s1  }
0x18b: {  	[bflag:$0x3] =	sbarrier.arrive $0xFFFF  }
0x18c: {  	_ =	shalt  }

// kernel: kernel.8.cloned.1.call-start
scs
__scs_entry_jumppad:
0x0: {  	(pc) =	sbr.rel $0x88, $3  }
0x1: {  	(tag) =	ssettag $0x0;
	lr =	simm.s32 $0x1  }
0x2: {  	[smem:$0x3F97] =	sst lr;
	_ =	strace $0xD0000000  }
0x3: {  	_ = 	snop  }
0x4: {  	_ = 	snop  }
0x5: {  	_ = 	snop  }
0x6: {  	_ = 	snop  }
0x7: {  	_ = 	snop  }
__scs_overlays_trampoline_lowered:
0x8: {  	[smem:$0x3FA6] =	sst s0  }
0x9: {  	[smem:$0x3FA7] =	sst s1  }
0xa: {  	[smem:$0x3FA8] =	sst s2  }
0xb: {  	[smem:$0x3FA9] =	sst s3  }
0xc: {  	[smem:$0x3FAA] =	sst s4  }
0xd: {  	[smem:$0x3FAB] =	sst s5  }
0xe: {  	[smem:$0x3FAC] =	sst s6  }
0xf: {  	[smem:$0x3FAD] =	sst s7  }
0x10: {  	[smem:$0x3FAE] =	sst s8  }
0x11: {  	[smem:$0x3FAF] =	sst s9;
	s0 =	simm.s32 @!p0 $0x0  }
0x12: {  	s1 =	sld [smem:$0x3F95];
	s0 =	simm.s32 @p0 $0x1  }
0x13: {  	[smem:$0x3FB0] =	sst s0;
	s0 =	simm.s32 @!p1 $0x0  }
0x14: {  	s2 =	sld [smem:$0x3F94];
	s0 =	simm.s32 @p1 $0x1  }
0x15: {  	[smem:$0x3FB1] =	sst s0;
	s0 =	simm.s32 @!p2 $0x0  }
0x16: {  	s3 =	sld [smem:$0x3FDB];
	s0 =	simm.s32 @p2 $0x1  }
0x17: {  	s4 =	simm.s32 $0x1BF5;
	[smem:$0x3FB3] =	sst s0  }
0x18: {  	s0 =	sld [smem:$0x3F96];
	_ =	swait.ge [sflag:s4], $0x0  }
0x19: {  	s7 =	sld [smem:$0x3F97]  }
0x1a: {  	s8 =	sadd.s32 $0xFFFFE003, lr  }
0x1b: {  	s9 =	sadd.s32 $0xFFFFFEF7, lr;
	s5 =	simm.s32 $0xFFFFFFFF;
	p2 =	slt.u32 s8, $0xFFFFF086  }
0x1c: {  	p1 =	slt.u32 s9, $0xF7A;
	s5 =	simm.s32 @!p2 $0x0  }
0x1d: {  	s5 =	simm.s32 @p1 $0x1;
	p0 =	seq.s32 s7, s2  }
0x1e: {  	s7 =	smul.u32 @!p0 $0xF7A, s2;
	p2 =	seq.s32 @!p0 s5, $0x0  }
0x1f: {  	s9 =	smul.u32 $0xF7A, s1;
	s8 =	simm.s32 @!p0 $0x1BF5;
	p2 =	por !p2, p0  }
0x20: {  	[sflag:s8] =	ssyncset.s32 @!p0 $0xFFFFF086;
	s6 =	sadd.s32 @!p0 s3, s7;
	s7 =	simm.s32 @!p0 $0x108  }
0x21: {  	s3 =	sadd.s32 s3, s9;
	s6 =	sadd.s32 @!p0 $0x88, s6;
	s7 =	simm.s32 @p2 $0x1082  }
0x22: {  	[simem:s7], [sflag:s8] =	dma.local @!p0 [hbm:s6], $0xF7A  }
0x23: {  	s9 =	sor.u32 $0xD0000000, s2;
	s6 =	simm.s32 $0x108;
	_ =	swait.ge @!p0 [sflag:s8], $0x0  }
0x24: {  	s3 =	sadd.s32 $0x88, s3;
	s6 =	simm.s32 @!p1 $0x1082;
	[sflag:s4] =	ssyncset.s32 $0xFFFFF086  }
0x25: {  	[simem:s6], [sflag:s4] =	dma.local [hbm:s3], $0xF7A  }
0x26: {  	[smem:$0x3F97] =	sst s1;
	(tag) =	ssettag s2;
	_ =	strace s9  }
0x27: {  	s1 =	sld [smem:$0x3FA7]  }
0x28: {  	s2 =	sld [smem:$0x3FA8]  }
0x29: {  	s4 =	sld [smem:$0x3FAA]  }
0x2a: {  	p0 =	seq.s32 s5, $0x0;
	s5 =	sld [smem:$0x3FAB]  }
0x2b: {  	s6 =	sld [smem:$0x3FAC]  }
0x2c: {  	s7 =	sld [smem:$0x3FAD]  }
0x2d: {  	s3 =	simm.s32 $0x108;
	s8 =	sld [smem:$0x3FAE]  }
0x2e: {  	s3 =	simm.s32 @!p0 $0x1082;
	s9 =	sld [smem:$0x3FAF]  }
0x2f: {  	lr =	sadd.s32 s0, s3;
	s0 =	sld [smem:$0x3FA6]  }
0x30: {  	s3 =	sld [smem:$0x3FA9]  }
0x31: {  	[smem:$0x3FB2] =	sst s10  }
0x32: {  	s10 =	sld [smem:$0x3FB0];
	_ =	sdelay $0x3  }
0x33: {  	p0 =	seq.s32 s10, $0x1;
	s10 =	sld [smem:$0x3FB2];
	_ =	sdelay $0x3  }
0x34: {  	[smem:$0x3FB2] =	sst s10  }
0x35: {  	s10 =	sld [smem:$0x3FB1];
	_ =	sdelay $0x3  }
0x36: {  	p1 =	seq.s32 s10, $0x1;
	s10 =	sld [smem:$0x3FB2];
	_ =	sdelay $0x3  }
0x37: {  	[smem:$0x3FB2] =	sst s10  }
0x38: {  	s10 =	sld [smem:$0x3FB3]  }
0x39: {  	_ = 	snop;
	(pc) =	sbr.ind lr, $3  }
0x3a: {  	_ = 	snop  }
0x3b: {  	_ = 	snop  }
0x3c: {  	p2 =	seq.s32 s10, $0x1;
	s10 =	sld [smem:$0x3FB2]  }
0x3d: {  	_ =	shalt  }
0x3e: {  	_ =	shalt  }
0x3f: {  	_ =	shalt  }
0x40: {  	_ =	shalt  }
0x41: {  	_ =	shalt  }
0x42: {  	_ =	shalt  }
0x43: {  	_ =	shalt  }
0x44: {  	_ =	shalt  }
0x45: {  	_ =	shalt  }
0x46: {  	_ =	shalt  }
0x47: {  	_ =	shalt  }
0x48: {  	_ =	shalt  }
0x49: {  	_ =	shalt  }
0x4a: {  	_ =	shalt  }
0x4b: {  	_ =	shalt  }
0x4c: {  	_ =	shalt  }
0x4d: {  	_ =	shalt  }
0x4e: {  	_ =	shalt  }
0x4f: {  	_ =	shalt  }
0x50: {  	_ =	shalt  }
0x51: {  	_ =	shalt  }
0x52: {  	_ =	shalt  }
0x53: {  	_ =	shalt  }
0x54: {  	_ =	shalt  }
0x55: {  	_ =	shalt  }
0x56: {  	_ =	shalt  }
0x57: {  	_ =	shalt  }
0x58: {  	_ =	shalt  }
0x59: {  	_ =	shalt  }
0x5a: {  	_ =	shalt  }
0x5b: {  	_ =	shalt  }
0x5c: {  	_ =	shalt  }
0x5d: {  	_ =	shalt  }
0x5e: {  	_ =	shalt  }
0x5f: {  	_ =	shalt  }
0x60: {  	_ =	shalt  }
0x61: {  	_ =	shalt  }
0x62: {  	_ =	shalt  }
0x63: {  	_ =	shalt  }
0x64: {  	_ =	shalt  }
0x65: {  	_ =	shalt  }
0x66: {  	_ =	shalt  }
0x67: {  	_ =	shalt  }
0x68: {  	_ =	shalt  }
0x69: {  	_ =	shalt  }
0x6a: {  	_ =	shalt  }
0x6b: {  	_ =	shalt  }
0x6c: {  	_ =	shalt  }
0x6d: {  	_ =	shalt  }
0x6e: {  	_ =	shalt  }
0x6f: {  	_ =	shalt  }
0x70: {  	_ =	shalt  }
0x71: {  	_ =	shalt  }
0x72: {  	_ =	shalt  }
0x73: {  	_ =	shalt  }
0x74: {  	_ =	shalt  }
0x75: {  	_ =	shalt  }
0x76: {  	_ =	shalt  }
0x77: {  	_ =	shalt  }
0x78: {  	_ =	shalt  }
0x79: {  	_ =	shalt  }
0x7a: {  	_ =	shalt  }
0x7b: {  	_ =	shalt  }
0x7c: {  	_ =	shalt  }
0x7d: {  	_ =	shalt  }
0x7e: {  	_ =	shalt  }
0x7f: {  	_ =	shalt  }
0x80: {  	_ =	shalt  }
0x81: {  	_ =	shalt  }
0x82: {  	_ =	shalt  }
0x83: {  	_ =	shalt  }
0x84: {  	_ =	shalt  }
0x85: {  	_ =	shalt  }
0x86: {  	_ =	shalt  }
0x87: {  	_ =	shalt  }
.Lfunc_end0:
.L_simem_size_0:
called_computation_lowered:
.L_overlay_start_0:
0x88: {  	s2 =	sld [smem:$0x3FD9]  }
0x89: {  	s3 =	sld [smem:$0x3FFE];
	_ =	sdelay $0x1  }
0x8a: {  	s1 =	srdreg.scid  }
0x8b: {  	s0 =	sand.u32 $0x1, s1  }
0x8c: {  	s17 =	sshll.u32 s0, $0xA;
	s2 =	sadd.s32 s3, s2  }
0x8d: {  	s2 =	sadd.s32 s2, s17  }
0x8e: {  	[smem:$0x3FBE] =	sst s2  }
0x8f: {  	_ = 	snop  }
0x90: {  	s2 =	sld [smem:$0x3FD0];
	(tm) =	ssettm $0x1  }
0x91: {  	s18 =	sld [smem:$0x3FFB];
	_ =	sdelay $0x3  }
0x92: {  	_ =	strace s18  }
0x93: {  	s3 =	sld [smem:$0x3FFC];
	_ =	sdelay $0x3  }
0x94: {  	_ =	strace s3  }
0x95: {  	s3 =	sld [smem:$0x3FFD];
	_ =	sdelay $0x3  }
0x96: {  	_ =	strace s3  }
0x97: {  	_ =	strace $0x8FFFFFFF  }
0x98: {  	s19 =	sld [smem:$0x3FDB];
	_ =	sdelay $0x1  }
0x99: {  	s4 =	simm.s32 $_scs_section_size  }
0x9a: {  	s5 =	simm.s32 $_size__tile_overlayer_lowered;
	s6 =	simm.s32 $_tile_overlayer_lowered  }
0x9b: {  	s22 =	simm.s32 $0x1BFF;
	s21 =	sshll.u32 s6, $0x1;
	s3 =	sadd.s32 s4, s19  }
0x9c: {  	s7 =	simm.s32 $0x0;
	s20 =	sshll.u32 s5, $0x1;
	s5 =	sadd.s32 s21, s3  }
0x9d: {  	[timem:s7], [sflag:s22] =	dma.local [hbm:s5], s20  }
0x9e: {  	_ =	swait.ge [sflag:s22], s20  }
0x9f: {  	s4 =	ssub.s32 $0x0, s20;
	[sflag:s22] =	ssyncset.done $0x0  }
0xa0: {  	[sflag:s22] =	ssyncadd.s32 s4;
	_ =	sdelay $0x1  }
0xa1: {  	s23 =	simm.s32 $0x1B8B  }
0xa2: {  	_ =	swait.ge [sflag:s23], $0x1  }
0xa3: {  	[sflag:s23] =	ssyncset.done $0x0  }
0xa4: {  	s25 =	simm.s32 $0x1B8E;
	s24 =	sld [smem:$0x3FFE];
	[sflag:s23] =	ssyncadd.s32 $0xFFFFFFFF  }
0xa5: {  	s26 =	simm.s32 $execute0_lowered;
	[smem:$0x3FD2] =	sst s25  }
0xa6: {  	s5 =	sshll.u32 s26, $0x1;
	_ =	strace $0x80000046;
	[dreg:$0x1] =	wrdreg $0xFFFFFFFF  }
0xa7: {  	s28 =	simm.s32 $_size_execute0_lowered;
	s3 =	sadd.s32 s3, s5;
	[dreg:$0x0] =	wrdreg $0x0  }
0xa8: {  	s5 =	sshll.u32 s28, $0x1;
	[dreg:$0x2] =	wrdreg s3  }
0xa9: {  	[dreg:$0x3] =	wrdreg s5  }
0xaa: {  	[dreg:$0x4] =	wrdreg $0xC0  }
0xab: {  	_ =	task [dreg:s7], $0x5FFFF  }
0xac: {  	[dreg:$0x1] =	wrdreg $0xFFFFFFFF  }
0xad: {  	[dreg:$0x0] =	wrdreg $0x60  }
0xae: {  	[dreg:$0x2] =	wrdreg s2  }
0xaf: {  	[dreg:$0x3] =	wrdreg s24  }
0xb0: {  	[dreg:$0x4] =	wrdreg $0x21000  }
0xb1: {  	[dreg:$0x5] =	wrdreg $0x9  }
0xb2: {  	_ =	task.clear_ibuf [dreg:s7], $0x6FFFF;
	_ =	strace $0x90000046  }
0xb3: {  	s29 =	simm.s32 $0x9;
	_ =	strace $0x80000048  }
0xb4: {  	_ =	swait.ge [sflag:s29], $0x1  }
0xb5: {  	[sflag:s29] =	ssyncadd.s32 $0xFFFFFFFF  }
0xb6: {  	_ =	strace $0x90000048  }
0xb7: {  	_ =	sfence  }
0xb8: {  	s30 =	sld [smem:$0x0];
	_ =	sdelay $0x2  }
0xb9: {  	s31 =	sshll.u32 s1, $0xD;
	s1 =	sshrl.u32 s1, $0x2  }
0xba: {  	s3 =	sand.u32 $0x4000, s31;
	s1 =	sadd.s32 s1, s30  }
0xbb: {  	s0 =	sor.u32 s3, s0;
	s1 =	sshll.u32 s1, $0x11  }
0xbc: {  	s0 =	sor.u32 s1, s0  }
0xbd: {  	s0 =	sadd.s32 $0x8F2B, s0  }
0xbe: {  	[sflag:s0] =	ssyncadd.remote.s32 $0x1  }
0xbf: {  	_ =	sfence.sel $0xFFFF  }
0xc0: {  	[dreg:$0x0] =	wrdreg $0xFFFFFFFF;
	(pc) =	sbr.abs _section_cstart, $3  }
0xc1: {  	[dreg:$0x1] =	wrdreg $0xFFFFFFFF  }
0xc2: {  	_ =	task.clear_ibuf [dreg:s7], $0x2FFFF;
	_ =	strace $0x9FFFFFFF  }
0xc3: {  	(tm) =	ssettm $0x7FFFFFFF  }
tec
execute0_lowered:
.L_overlay_start_1:
0x0: {  	(tag) =	ssettag $0x1  }
0x1: {  	s12 =	rddreg [dreg:$0x0]  }
0x2: {  	s5 =	rddreg [dreg:$0x1]  }
0x3: {  	s2 =	rddreg [dreg:$0x2]  }
0x4: {  	s0 =	rddreg [dreg:$0x3]  }
0x5: {  	s1 =	stileid.u32;
	s4 =	srdreg.scid;
	s3 =	simm.s32 $0x0  }
0x6: {  	s16 =	simm.s32 $0x80;
	s17 =	simm.s32 $0x1;
	s18 =	simm.s32 $0x40  }
0x7: {  	s19 =	simm.s32 $0x2;
	s20 =	simm.s32 $0x3;
	s21 =	simm.s32 $0x4  }
0x8: {  	s22 =	simm.s32 $0x0;
	s6 =	smul.u32 $0x2800, s1;
	s7 =	sand.u32 $0x1, s4  }
0x9: {  	[smem:$0x7FF] =	sst s3;
	s4 =	sadd.s32 $0x2E00, s5;
	s11 =	smul.u32 $0x50000, s1  }
0xa: {  	s23 =	sshll.u32 s1, $0x1;
	s28 =	smul.u32 $0x5000, s1;
	s29 =	sshll.u32 s1, $0x6  }
0xb: {  	s8 =	smul.u32 $0x28000, s7;
	_ =	strace $0x80000047;
	s10 =	ssub.s32 $0x2, s7  }
0xc: {  	s15 =	smul.u32 $0x2800, s7;
	s9 =	sadd.s32 s6, s5;
	s24 =	sshrl.u32 s10, $0x1  }
0xd: {  	s26 =	sshrl.u32 s11, $0x2;
	s6 =	sadd.s32 s6, s8;
	s8 =	sor.u32 s7, s23  }
0xe: {  	s10 =	ssub.s32 s10, s24;
	s14 =	sadd.s32 s26, s2;
	s7 =	sor.u32 $0x1C05, s29  }
0xf: {  	s11 =	sadd.s32 s15, s28;
	s15 =	simm.s32 $0x100;
	s13 =	sadd.s32 s6, s5  }
0x10: {  	s25 =	smul.u32 $0x2800, s8;
	s5 =	sadd.s32 $0x3200, s9;
	s30 =	sor.u32 $0xC0, s11  }
0x11: {  	s11 =	sor.u32 $0x80, s11;
	s10 =	smax.u32 s10, $0x1;
	s9 =	sadd.s32 $0x2B200, s13  }
0x12: {  	s13 =	sshrl.u32 s30, $0x3;
	s31 =	sshrl.u32 s11, $0x3;
	s6 =	sshrl.u32 s25, $0x3  }
0x13: {  	s11 =	sadd.s32 s13, s12;
	s13 =	sshrl.u32 s14, $0x3;
	s6 =	sadd.s32 s12, s6  }
0x14: {  	s14 =	simm.s32 $0x5;
	s12 =	sadd.s32 s31, s12;
	s8 =	sadd.s32 $0x8, s6  }
.LBB2_1:
0x15: {  	[spmem:s13], [sflag:s7] =	dma.local [hbm:s5], $0x2800  }
0x16: {  	_ =	swait.ge [sflag:s14], $0x2800  }
0x17: {  	[sflag:s14] =	ssyncset.done $0x0  }
0x18: {  	[sflag:s14] =	ssyncadd.s32 $0xFFFFD800  }
0x19: {  	[tilespmem:s15], [sflag:$0x5] =	stream.linear.gather [hbm4b:s4+s3], $0x2000, $0x38;
	[tilespmem:$0x16100] =	vst v63  }
0x1a: {  	_ =	swait.ge [sflag:s14], $0x2000  }
0x1b: {  	[sflag:s14] =	ssyncset.done $0x0  }
0x1c: {  	[sflag:s14] =	ssyncadd.s32 $0xFFFFE000  }
0x1d: {  	[bflag:$0x0] =	sbarrier.arrive $0xFFFF  }
0x1e: {  	[tilespmem:s3], [sflag:$0x1] =	stream.linear.gather [hbm4b:s6+s3], $0x40, $0x38;
	[tilespmem:$0x16100] =	vst v63  }
0x1f: {  	_ = 	snop  }
0x20: {  	[tilespmem:s16], [sflag:$0x2] =	stream.linear.gather [hbm4b:s8+s3], $0x40, $0x38;
	[tilespmem:$0x16100] =	vst v63  }
0x21: {  	_ =	swait.ge [sflag:s17], $0x40  }
0x22: {  	[sflag:s17] =	ssyncset.done $0x0  }
0x23: {  	[sflag:s17] =	ssyncadd.s32 $0xFFFFFFC0  }
0x24: {  	[spmem:s2] =	stream.indirect.scatter.add.f32 [tilespmem:s15], [sflag:$0x3], $0x80, s3, s18, $0xb8;
	[tilespmem:$0x16100] =	vst v63  }
0x25: {  	_ =	swait.ge [sflag:s19], $0x40  }
0x26: {  	[sflag:s19] =	ssyncset.done $0x0  }
0x27: {  	[sflag:s19] =	ssyncadd.s32 $0xFFFFFFC0  }
0x28: {  	[spmem:s2] =	stream.indirect.scatter.add.f32 [tilespmem:s15], [sflag:$0x4], $0x80, s16, s18, $0xb8;
	[tilespmem:$0x16100] =	vst v63  }
0x29: {  	_ =	swait.ge [sflag:s20], $0x2000  }
0x2a: {  	[sflag:s20] =	ssyncset.done $0x0  }
0x2b: {  	s23 =	sadd.s32 $0x0, s12;
	[sflag:s20] =	ssyncadd.s32 $0xFFFFE000  }
0x2c: {  	[tilespmem:s3], [sflag:$0x1] =	stream.linear.gather [hbm4b:s23+s3], $0x40, $0x38;
	[tilespmem:$0x16100] =	vst v63  }
0x2d: {  	_ =	swait.ge [sflag:s21], $0x2000  }
0x2e: {  	[sflag:s21] =	ssyncset.done $0x0  }
0x2f: {  	s24 =	sadd.s32 $0x0, s11;
	s23 =	simm.s32 $0x10;
	[sflag:s21] =	ssyncadd.s32 $0xFFFFE000  }
.LBB2_2:
0x30: {  	[tilespmem:s16], [sflag:$0x2] =	stream.linear.gather [hbm4b:s24+s3], $0x40, $0x38;
	[tilespmem:$0x16100] =	vst v63  }
0x31: {  	s24 =	smov.u32 s23  }
0x32: {  	p0 =	sne.s32 s23, $0x4E0;
	s23 =	sadd.s32 $0x10, s23;
	_ =	swait.ge [sflag:s17], $0x40  }
0x33: {  	[sflag:s17] =	ssyncset.done $0x0  }
0x34: {  	[sflag:s17] =	ssyncadd.s32 $0xFFFFFFC0  }
0x35: {  	[spmem:s2] =	stream.indirect.scatter.add.f32 [tilespmem:s15], [sflag:$0x3], $0x80, s3, s18, $0xb8;
	[tilespmem:$0x16100] =	vst v63  }
0x36: {  	_ =	swait.ge [sflag:s19], $0x40  }
0x37: {  	[sflag:s19] =	ssyncset.done $0x0  }
0x38: {  	[sflag:s19] =	ssyncadd.s32 $0xFFFFFFC0  }
0x39: {  	[spmem:s2] =	stream.indirect.scatter.add.f32 [tilespmem:s15], [sflag:$0x4], $0x80, s16, s18, $0xb8;
	[tilespmem:$0x16100] =	vst v63  }
0x3a: {  	_ =	swait.ge [sflag:s20], $0x2000  }
0x3b: {  	[sflag:s20] =	ssyncset.done $0x0  }
.Ltmp0:
0x3c: {  	s25 =	sadd.s32 s24, s12;
	[sflag:s20] =	ssyncadd.s32 $0xFFFFE000;
	(pc) =	sbr.rel @p0 .LBB2_2-.Ltmp0, $4  }
0x3d: {  	[tilespmem:s3], [sflag:$0x1] =	stream.linear.gather [hbm4b:s25+s3], $0x40, $0x38;
	[tilespmem:$0x16100] =	vst v63  }
0x3e: {  	_ =	swait.ge [sflag:s21], $0x2000  }
0x3f: {  	[sflag:s21] =	ssyncset.done $0x0  }
0x40: {  	s24 =	sadd.s32 s24, s11;
	[sflag:s21] =	ssyncadd.s32 $0xFFFFE000  }
0x41: {  	[tilespmem:s16], [sflag:$0x2] =	stream.linear.gather [hbm4b:s24+s3], $0x40, $0x38;
	[tilespmem:$0x16100] =	vst v63  }
0x42: {  	_ =	swait.ge [sflag:s17], $0x40  }
0x43: {  	[sflag:s17] =	ssyncset.done $0x0  }
0x44: {  	[sflag:s17] =	ssyncadd.s32 $0xFFFFFFC0  }
0x45: {  	[spmem:s2] =	stream.indirect.scatter.add.f32 [tilespmem:s15], [sflag:$0x3], $0x80, s3, s18, $0xb8;
	[tilespmem:$0x16100] =	vst v63  }
0x46: {  	_ =	swait.ge [sflag:s19], $0x40  }
0x47: {  	[sflag:s19] =	ssyncset.done $0x0  }
0x48: {  	[sflag:s19] =	ssyncadd.s32 $0xFFFFFFC0  }
0x49: {  	[spmem:s2] =	stream.indirect.scatter.add.f32 [tilespmem:s15], [sflag:$0x4], $0x80, s16, s18, $0xb8;
	[tilespmem:$0x16100] =	vst v63  }
0x4a: {  	_ =	swait.ge [sflag:s20], $0x2000  }
0x4b: {  	[sflag:s20] =	ssyncset.done $0x0  }
0x4c: {  	[sflag:s20] =	ssyncadd.s32 $0xFFFFE000  }
0x4d: {  	_ =	swait.ge [sflag:s21], $0x2000  }
0x4e: {  	s22 =	sadd.s32 $0x1, s22;
	[sflag:s21] =	ssyncset.done $0x0  }
0x4f: {  	p0 =	sne.s32 s22, s10;
	[sflag:s21] =	ssyncadd.s32 $0xFFFFE000  }
.Ltmp1:
0x50: {  	[bflag:$0x0] =	sbarrier.arrive $0xFFFF;
	(pc) =	sbr.rel @p0 .LBB2_1-.Ltmp1, $4  }
0x51: {  	[hbm:s9], [sflag:s7] =	dma.local [spmem:s13], $0x2800  }
0x52: {  	_ =	swait.ge [sflag:s14], $0x2800  }
0x53: {  	[sflag:s14] =	ssyncset.done $0x0  }
0x54: {  	[sflag:s14] =	ssyncadd.s32 $0xFFFFD800  }
0x55: {  	_ =	sfence.sel $0x180000  }
0x56: {  	[bflag:$0x0] =	sbarrier.arrive $0xFFFF  }
0x57: {  	p0 =	sne.s32 s1, $0x0;
	_ =	strace $0x90000047  }
0x58: {  	s0 =	sadd.s32 @!p0 $0x100000, s0;
	[bflag:$0x2] =	sbarrier.arrive $0xFFFF  }
0x59: {  	[sflag:s0] =	ssyncadd.tile.s32 @!p0 $0x1;
	_ =	shalt  }
.Lfunc_end2:
_tile_overlayer_lowered:
.L_overlay_start_2:
0x5a: {  	(tag) =	ssettag $0x2  }
0x5b: {  	s0 =	rddreg [dreg:$0x0];
	s2 =	stileid.u32  }
0x5c: {  	s1 =	rddreg [dreg:$0x1];
	p0 =	sne.s32 s2, $0x0  }
0x5d: {  	s3 =	rddreg [dreg:$0x2];
	[bflag:$0x3] =	sbarrier.arrive $0xFFFF;
	s2 =	simm.s32 @!p0 $0x1C05  }
0x5e: {  	[timem:s3], [sflag:s2] =	dma.local @!p0 [hbm:s0], s1  }
0x5f: {  	s0 =	simm.s32 @!p0 $0x5  }
0x60: {  	_ =	swait.ge @!p0 [sflag:s0], s1  }
0x61: {  	s1 =	ssub.s32 @!p0 $0x0, s1;
	[sflag:s0] =	ssyncset.done @!p0 $0x0  }
0x62: {  	[sflag:s0] =	ssyncadd.s32 @!p0 s1  }
0x63: {  	[bflag:$0x3] =	sbarrier.arrive $0xFFFF  }
0x64: {  	_ =	shalt  }

</sc_bundles>
